<compile_context>
chip_gen: v7x
topology: tpu7x:2x2x1
jax: 0.10.2.dev20260603
libtpu: 0.0.44.dev20260713+nightly
codegen_flags: <defaults>
</compile_context>

<pallas_src>
import functools

import jax
import jax.numpy as jnp
from jax import lax
from jax.experimental import pallas as pl
from jax.experimental.pallas import tpu as pltpu
from jax.experimental.pallas import tpu_sc as plsc

_L = 16
_B = 128
_NC = 2
_NS = 16
_NW = _NC * _NS


def _mlp_body(inp_ref, w1_ref, b1_ref, w2_ref, b2_ref, out_ref):
    h = jnp.dot(inp_ref[...], w1_ref[...], preferred_element_type=jnp.float32)
    h = h + b1_ref[...]
    h = h * jax.nn.sigmoid(h)
    out_ref[...] = (
        jnp.dot(h, w2_ref[...], preferred_element_type=jnp.float32) + b2_ref[...]
    )


def _row_mlp(inp, W1, b1, W2, b2, block_r):
    R, D = inp.shape
    return pl.pallas_call(
        _mlp_body,
        grid=(R // block_r,),
        in_specs=[
            pl.BlockSpec((block_r, D), lambda i: (i, 0)),
            pl.BlockSpec((D, D), lambda i: (0, 0)),
            pl.BlockSpec((1, D), lambda i: (0, 0)),
            pl.BlockSpec((D, 1), lambda i: (0, 0)),
            pl.BlockSpec((1, 1), lambda i: (0, 0)),
        ],
        out_specs=pl.BlockSpec((block_r, 1), lambda i: (i, 0)),
        out_shape=jax.ShapeDtypeStruct((R, 1), jnp.float32),
    )(inp, W1, b1.reshape(1, D), W2, b2.reshape(1, 1))


def _combine_body(loc_ref, vel_ref, vm_ref, px_ref, py_ref, pz_ref, out_ref):
    vm = vm_ref[0]
    for i, pr in enumerate((px_ref, py_ref, pz_ref)):
        out_ref[i, :] = loc_ref[i] + pr[0] + pr[1] + vm * vel_ref[i]


def _combine(locT, velT, vmT, px, py, pz):
    npad = locT.shape[1]
    return pl.pallas_call(
        _combine_body,
        out_shape=jax.ShapeDtypeStruct((3, npad), jnp.float32),
    )(locT, velT, vmT, px, py, pz)


@functools.lru_cache(maxsize=None)
def _make_sc_scatter(epad, npad):
    pw = epad // _NW
    nchunk = pw // _B
    nsub = _B // _L

    mesh = plsc.VectorSubcoreMesh(core_axis_name="c", subcore_axis_name="s")

    assert nchunk >= 4 and nchunk % 4 == 0

    def body(locx_hbm, locy_hbm, locz_hbm, send_hbm, rec2_hbm, pos_hbm,
             zero_hbm, outx_hbm, outy_hbm, outz_hbm,
             locx_v, locy_v, locz_v, send_v, rec2_v, pos_v,
             wxa, wya, wza, wxb, wyb, wzb, wxc, wyc, wzc, wxd, wyd, wzd,
             accx, accy, accz, sema, semb, semc, semd):
        c = lax.axis_index("c")
        s = lax.axis_index("s")
        wid = s * _NC + c
        base = wid * pw

        pltpu.sync_copy(locx_hbm, locx_v)
        pltpu.sync_copy(locy_hbm, locy_v)
        pltpu.sync_copy(locz_hbm, locz_v)
        pltpu.sync_copy(send_hbm.at[pl.ds(base, pw)], send_v)
        pltpu.sync_copy(rec2_hbm.at[pl.ds(wid * nchunk, nchunk)], rec2_v)
        pltpu.sync_copy(pos_hbm.at[pl.ds(base, pw)], pos_v)

        @pl.when(s == 0)
        def _init():
            pltpu.sync_copy(zero_hbm, accx)
            pltpu.sync_copy(zero_hbm, accy)
            pltpu.sync_copy(zero_hbm, accz)

        plsc.subcore_barrier()

        dummy = zero_hbm.at[pl.ds(0, _B)]

        def compute(g, wx, wy, wz):
            o = pl.multiple_of(g * _B, _B)
            for j in range(nsub):
                sv = send_v[pl.ds(o + j * _L, _L)]
                rv = rec2_v[g, pl.ds(j * _L, _L)]
                p = pos_v[pl.ds(o + j * _L, _L)]
                wx[pl.ds(j * _L, _L)] = (plsc.load_gather(locx_v, [sv])
                                         - plsc.load_gather(locx_v, [rv])) * p
                wy[pl.ds(j * _L, _L)] = (plsc.load_gather(locy_v, [sv])
                                         - plsc.load_gather(locy_v, [rv])) * p
                wz[pl.ds(j * _L, _L)] = (plsc.load_gather(locz_v, [sv])
                                         - plsc.load_gather(locz_v, [rv])) * p

        def fire(g, wx, wy, wz, sem):
            idx = rec2_v.at[g]
            pltpu.async_copy(wx, accx.at[idx], sem, add=True)
            pltpu.async_copy(wy, accy.at[idx], sem, add=True)
            pltpu.async_copy(wz, accz.at[idx], sem, add=True)

        def drain(wx, wy, wz, sem):
            pltpu.make_async_copy(dummy, wx, sem).wait()
            pltpu.make_async_copy(dummy, wy, sem).wait()
            pltpu.make_async_copy(dummy, wz, sem).wait()

        bufs = ((wxa, wya, wza, sema), (wxb, wyb, wzb, semb),
                (wxc, wyc, wzc, semc), (wxd, wyd, wzd, semd))
        K = len(bufs)

        for k in range(K):
            wx, wy, wz, sem = bufs[k]
            compute(k, wx, wy, wz)
            fire(k, wx, wy, wz, sem)

        def step(t, carry):
            g0 = t * K + K
            for k in range(K):
                wx, wy, wz, sem = bufs[k]
                drain(wx, wy, wz, sem)
                compute(g0 + k, wx, wy, wz)
                fire(g0 + k, wx, wy, wz, sem)
            return carry

        lax.fori_loop(0, nchunk // K - 1, step, 0)

        for k in range(K):
            wx, wy, wz, sem = bufs[k]
            drain(wx, wy, wz, sem)

        plsc.subcore_barrier()

        @pl.when(s == 0)
        def _writeout():
            o = c * npad
            pltpu.sync_copy(accx, outx_hbm.at[pl.ds(o, npad)])
            pltpu.sync_copy(accy, outy_hbm.at[pl.ds(o, npad)])
            pltpu.sync_copy(accz, outz_hbm.at[pl.ds(o, npad)])

    return pl.kernel(
        body,
        out_type=[jax.ShapeDtypeStruct((_NC * npad,), jnp.float32)] * 3,
        mesh=mesh,
        compiler_params=pltpu.CompilerParams(needs_layout_passes=False),
        scratch_types=[
            pltpu.VMEM((npad,), jnp.float32),
            pltpu.VMEM((npad,), jnp.float32),
            pltpu.VMEM((npad,), jnp.float32),
            pltpu.VMEM((pw,), jnp.int32),
            pltpu.VMEM((nchunk, _B), jnp.int32),
            pltpu.VMEM((pw,), jnp.float32),
            pltpu.VMEM((_B,), jnp.float32),
            pltpu.VMEM((_B,), jnp.float32),
            pltpu.VMEM((_B,), jnp.float32),
            pltpu.VMEM((_B,), jnp.float32),
            pltpu.VMEM((_B,), jnp.float32),
            pltpu.VMEM((_B,), jnp.float32),
            pltpu.VMEM((_B,), jnp.float32),
            pltpu.VMEM((_B,), jnp.float32),
            pltpu.VMEM((_B,), jnp.float32),
            pltpu.VMEM((_B,), jnp.float32),
            pltpu.VMEM((_B,), jnp.float32),
            pltpu.VMEM((_B,), jnp.float32),
            pltpu.VMEM_SHARED((npad,), jnp.float32),
            pltpu.VMEM_SHARED((npad,), jnp.float32),
            pltpu.VMEM_SHARED((npad,), jnp.float32),
            pltpu.SemaphoreType.DMA,
            pltpu.SemaphoreType.DMA,
            pltpu.SemaphoreType.DMA,
            pltpu.SemaphoreType.DMA,
        ],
    )


def kernel(x, vel, loc, mes, adj,
           vel_W1, vel_b1, vel_W2, vel_b2,
           pos_W1, pos_b1, pos_W2, pos_b2):
    N, D = x.shape
    E = mes.shape[0]
    npad = ((N + 127) // 128) * 128
    chunk = 8 * _B * _NW
    epad = ((E + chunk - 1) // chunk) * chunk

    adj32 = adj.astype(jnp.int32)
    pad = epad - E
    send = jnp.pad(adj32[0], (0, pad))
    rec = jnp.concatenate(
        [adj32[1], jnp.arange(pad, dtype=jnp.int32) % jnp.int32(N)])

    pos_msg = _row_mlp(mes, pos_W1, pos_b1, pos_W2, pos_b2, block_r=12800)
    pos_flat = jnp.pad(pos_msg.reshape(E), (0, pad))
    vm = _row_mlp(x, vel_W1, vel_b1, vel_W2, vel_b2, block_r=2000)

    locT = jnp.pad(loc.T, ((0, 0), (0, npad - N)))
    velT = jnp.pad(vel.T, ((0, 0), (0, npad - N)))
    vmT = jnp.pad(vm.T, ((0, 0), (0, npad - N)))
    zero = jnp.zeros((npad,), jnp.float32)

    outx, outy, outz = _make_sc_scatter(epad, npad)(
        locT[0], locT[1], locT[2], send, rec.reshape(epad // _B, _B),
        pos_flat, zero)

    outT = _combine(locT, velT, vmT,
                    outx.reshape(_NC, npad),
                    outy.reshape(_NC, npad),
                    outz.reshape(_NC, npad))
    return outT[:, :N].T

# --- scband reference (transcript-rebuilt; emitter-appended) ---
"""Pipeline reference for scband-pos-mlp-2774548873284 (READ-ONLY COPY).

The authoritative reference and input builder live on the scoring server;
editing this copy changes nothing except your own understanding.
"""

import jax, jax.numpy as jnp
import numpy as np

N = 10000
E = 320000
D = 128


def _two_layer_mlp(h, W1, b1, W2, b2):
    # Linear -> act -> Linear (TwoLayerMLP(num_hidden, num_hidden, num_pos, act_fn))
    return jax.nn.silu(h @ W1 + b1) @ W2 + b2


def setup_inputs(seed: int = 0) -> dict:
    key = jax.random.key(seed)
    ks = jax.random.split(key, 13)
    x = jax.random.normal(ks[0], (N, D), dtype=jnp.float32)
    vel = jax.random.normal(ks[1], (N, 3), dtype=jnp.float32)
    loc = jax.random.normal(ks[2], (N, 3), dtype=jnp.float32)
    mes = jax.random.normal(ks[3], (E, D), dtype=jnp.float32)
    adj = jax.random.randint(ks[4], (2, E), 0, N, dtype=jnp.int64)
    s = 1.0 / np.sqrt(D)
    vel_W1 = jax.random.normal(ks[5], (D, D), dtype=jnp.float32) * s
    vel_b1 = jnp.zeros((D,), dtype=jnp.float32)
    vel_W2 = jax.random.normal(ks[6], (D, 1), dtype=jnp.float32) * s
    vel_b2 = jnp.zeros((1,), dtype=jnp.float32)
    pos_W1 = jax.random.normal(ks[7], (D, D), dtype=jnp.float32) * s
    pos_b1 = jnp.zeros((D,), dtype=jnp.float32)
    pos_W2 = jax.random.normal(ks[8], (D, 1), dtype=jnp.float32) * s
    pos_b2 = jnp.zeros((1,), dtype=jnp.float32)
    return {"x": x, "vel": vel, "loc": loc, "mes": mes, "adj": adj,
            "vel_W1": vel_W1, "vel_b1": vel_b1, "vel_W2": vel_W2, "vel_b2": vel_b2,
            "pos_W1": pos_W1, "pos_b1": pos_b1, "pos_W2": pos_W2, "pos_b2": pos_b2}


def reference(x, vel, loc, mes, adj,
              vel_W1, vel_b1, vel_W2, vel_b2,
              pos_W1, pos_b1, pos_W2, pos_b2):
    send = adj[0]
    rec = adj[1]
    loc_div = loc[send] - loc[rec]              # gather [E,3]
    pos_message = _two_layer_mlp(mes, pos_W1, pos_b1, pos_W2, pos_b2)  # [E,1] (num_pos==1)
    weight_mes = loc_div * pos_message          # [E,3]
    agg_mes = jax.ops.segment_sum(weight_mes, rec, num_segments=N)  # scatter_add dim 0
    loc = loc + agg_mes
    vel_message = _two_layer_mlp(x, vel_W1, vel_b1, vel_W2, vel_b2)  # [N,1]
    loc = loc + vel_message * vel
    return loc

if __name__ == "__main__":
    import jax
    _d = setup_inputs()
    print(jax.jit(kernel)(*tuple(_d.values())))

</pallas_src>

<mosaic_0001>
#map = affine_map<(d0, d1) -> (0)>
#map1 = affine_map<(d0, d1) -> (0, 0)>
module attributes {stable_mosaic.version = 14 : i64} {
  func.func @body(%arg0: i32, %arg1: i32, %arg2: memref<10112xf32, #tpu.memory_space<hbm>>, %arg3: memref<10112xf32, #tpu.memory_space<hbm>>, %arg4: memref<10112xf32, #tpu.memory_space<hbm>>, %arg5: memref<327680xi32, #tpu.memory_space<hbm>>, %arg6: memref<2560x128xi32, #tpu.memory_space<hbm>>, %arg7: memref<327680xf32, #tpu.memory_space<hbm>>, %arg8: memref<10112xf32, #tpu.memory_space<hbm>>, %arg9: memref<20224xf32, #tpu.memory_space<hbm>>, %arg10: memref<20224xf32, #tpu.memory_space<hbm>>, %arg11: memref<20224xf32, #tpu.memory_space<hbm>>, %arg12: memref<10112xf32, #tpu.memory_space<vmem>>, %arg13: memref<10112xf32, #tpu.memory_space<vmem>>, %arg14: memref<10112xf32, #tpu.memory_space<vmem>>, %arg15: memref<10240xi32, #tpu.memory_space<vmem>>, %arg16: memref<80x128xi32, #tpu.memory_space<vmem>>, %arg17: memref<10240xf32, #tpu.memory_space<vmem>>, %arg18: memref<128xf32, #tpu.memory_space<vmem>>, %arg19: memref<128xf32, #tpu.memory_space<vmem>>, %arg20: memref<128xf32, #tpu.memory_space<vmem>>, %arg21: memref<128xf32, #tpu.memory_space<vmem>>, %arg22: memref<128xf32, #tpu.memory_space<vmem>>, %arg23: memref<128xf32, #tpu.memory_space<vmem>>, %arg24: memref<128xf32, #tpu.memory_space<vmem>>, %arg25: memref<128xf32, #tpu.memory_space<vmem>>, %arg26: memref<128xf32, #tpu.memory_space<vmem>>, %arg27: memref<128xf32, #tpu.memory_space<vmem>>, %arg28: memref<128xf32, #tpu.memory_space<vmem>>, %arg29: memref<128xf32, #tpu.memory_space<vmem>>, %arg30: memref<10112xf32, #tpu.memory_space<vmem_shared>>, %arg31: memref<10112xf32, #tpu.memory_space<vmem_shared>>, %arg32: memref<10112xf32, #tpu.memory_space<vmem_shared>>, %arg33: memref<!tpu.dma_semaphore, #tpu.memory_space<semaphore_mem>>, %arg34: memref<!tpu.dma_semaphore, #tpu.memory_space<semaphore_mem>>, %arg35: memref<!tpu.dma_semaphore, #tpu.memory_space<semaphore_mem>>, %arg36: memref<!tpu.dma_semaphore, #tpu.memory_space<semaphore_mem>>) attributes {dimension_semantics = [#tpu.dimension_semantics<core_parallel>, #tpu.dimension_semantics<subcore_parallel>], iteration_bounds = array<i64: 2, 16>, scalar_prefetch = 0 : i64, scratch_operands = 25 : i64, tpu.core_type = #tpu.core_type<sc_vector_subcore>, window_params = [{transform_indices = #map}, {transform_indices = #map}, {transform_indices = #map}, {transform_indices = #map}, {transform_indices = #map1}, {transform_indices = #map}, {transform_indices = #map}, {transform_indices = #map}, {transform_indices = #map}, {transform_indices = #map}]} {
    %mul3A = arith.constant 2 : i32
    %mul3A_0 = arith.muli %arg1, %mul3A : i32
    %add3A = arith.addi %mul3A_0, %arg0 : i32
    %mul3A_1 = arith.constant 10240 : i32
    %mul3A_2 = arith.muli %add3A, %mul3A_1 : i32
    "tpu.region"() ({
      %run_scoped3A = tpu.sem_alloc : memref<!tpu.dma_semaphore, #tpu.memory_space<semaphore_mem>>
      tpu.enqueue_dma source(%arg2 : memref<10112xf32, #tpu.memory_space<hbm>>) target(%arg12 : memref<10112xf32, #tpu.memory_space<vmem>>) target_semaphore(%run_scoped3A : memref<!tpu.dma_semaphore, #tpu.memory_space<semaphore_mem>>)
      tpu.wait_dma2 semaphore(%run_scoped3A : memref<!tpu.dma_semaphore, #tpu.memory_space<semaphore_mem>>) src(%arg2 : memref<10112xf32, #tpu.memory_space<hbm>>) dst(%arg12 : memref<10112xf32, #tpu.memory_space<vmem>>)
      tpu.yield
    }) : () -> ()
    "tpu.region"() ({
      %run_scoped3A = tpu.sem_alloc : memref<!tpu.dma_semaphore, #tpu.memory_space<semaphore_mem>>
      tpu.enqueue_dma source(%arg3 : memref<10112xf32, #tpu.memory_space<hbm>>) target(%arg13 : memref<10112xf32, #tpu.memory_space<vmem>>) target_semaphore(%run_scoped3A : memref<!tpu.dma_semaphore, #tpu.memory_space<semaphore_mem>>)
      tpu.wait_dma2 semaphore(%run_scoped3A : memref<!tpu.dma_semaphore, #tpu.memory_space<semaphore_mem>>) src(%arg3 : memref<10112xf32, #tpu.memory_space<hbm>>) dst(%arg13 : memref<10112xf32, #tpu.memory_space<vmem>>)
      tpu.yield
    }) : () -> ()
    "tpu.region"() ({
      %run_scoped3A = tpu.sem_alloc : memref<!tpu.dma_semaphore, #tpu.memory_space<semaphore_mem>>
      tpu.enqueue_dma source(%arg4 : memref<10112xf32, #tpu.memory_space<hbm>>) target(%arg14 : memref<10112xf32, #tpu.memory_space<vmem>>) target_semaphore(%run_scoped3A : memref<!tpu.dma_semaphore, #tpu.memory_space<semaphore_mem>>)
      tpu.wait_dma2 semaphore(%run_scoped3A : memref<!tpu.dma_semaphore, #tpu.memory_space<semaphore_mem>>) src(%arg4 : memref<10112xf32, #tpu.memory_space<hbm>>) dst(%arg14 : memref<10112xf32, #tpu.memory_space<vmem>>)
      tpu.yield
    }) : () -> ()
    "tpu.region"() ({
      %run_scoped3A = tpu.sem_alloc : memref<!tpu.dma_semaphore, #tpu.memory_space<semaphore_mem>>
      %dma_start3A_1099 = tpu.memref_slice %arg5[%mul3A_2] : memref<327680xi32, #tpu.memory_space<hbm>> -> memref<10240xi32, #tpu.memory_space<hbm>>
      %dma_start3A_1100 = tpu.memref_slice %arg5[%mul3A_2] : memref<327680xi32, #tpu.memory_space<hbm>> -> memref<10240xi32, #tpu.memory_space<hbm>>
      tpu.enqueue_dma source(%dma_start3A_1100 : memref<10240xi32, #tpu.memory_space<hbm>>) target(%arg15 : memref<10240xi32, #tpu.memory_space<vmem>>) target_semaphore(%run_scoped3A : memref<!tpu.dma_semaphore, #tpu.memory_space<semaphore_mem>>)
      %dma_wait3A_1101 = tpu.memref_slice %arg5[%mul3A_2] : memref<327680xi32, #tpu.memory_space<hbm>> -> memref<10240xi32, #tpu.memory_space<hbm>>
      %dma_wait3A_1102 = tpu.memref_slice %arg5[%mul3A_2] : memref<327680xi32, #tpu.memory_space<hbm>> -> memref<10240xi32, #tpu.memory_space<hbm>>
      tpu.wait_dma2 semaphore(%run_scoped3A : memref<!tpu.dma_semaphore, #tpu.memory_space<semaphore_mem>>) src(%dma_wait3A_1102 : memref<10240xi32, #tpu.memory_space<hbm>>) dst(%arg15 : memref<10240xi32, #tpu.memory_space<vmem>>)
      tpu.yield
    }) : () -> ()
    %mul3A_3 = arith.constant 80 : i32
    %mul3A_4 = arith.muli %add3A, %mul3A_3 : i32
    "tpu.region"() ({
      %run_scoped3A = tpu.sem_alloc : memref<!tpu.dma_semaphore, #tpu.memory_space<semaphore_mem>>
      %dma_start3A_1099 = arith.constant 0 : i32
      %dma_start3A_1100 = tpu.memref_slice %arg6[%mul3A_4, %dma_start3A_1099] : memref<2560x128xi32, #tpu.memory_space<hbm>> -> memref<80x128xi32, #tpu.memory_space<hbm>>
      %dma_start3A_1101 = arith.constant 0 : i32
      %dma_start3A_1102 = tpu.memref_slice %arg6[%mul3A_4, %dma_start3A_1101] : memref<2560x128xi32, #tpu.memory_space<hbm>> -> memref<80x128xi32, #tpu.memory_space<hbm>>
      tpu.enqueue_dma source(%dma_start3A_1102 : memref<80x128xi32, #tpu.memory_space<hbm>>) target(%arg16 : memref<80x128xi32, #tpu.memory_space<vmem>>) target_semaphore(%run_scoped3A : memref<!tpu.dma_semaphore, #tpu.memory_space<semaphore_mem>>)
      %dma_wait3A_1103 = arith.constant 0 : i32
      %dma_wait3A_1104 = tpu.memref_slice %arg6[%mul3A_4, %dma_wait3A_1103] : memref<2560x128xi32, #tpu.memory_space<hbm>> -> memref<80x128xi32, #tpu.memory_space<hbm>>
      %dma_wait3A_1105 = arith.constant 0 : i32
      %dma_wait3A_1106 = tpu.memref_slice %arg6[%mul3A_4, %dma_wait3A_1105] : memref<2560x128xi32, #tpu.memory_space<hbm>> -> memref<80x128xi32, #tpu.memory_space<hbm>>
      tpu.wait_dma2 semaphore(%run_scoped3A : memref<!tpu.dma_semaphore, #tpu.memory_space<semaphore_mem>>) src(%dma_wait3A_1106 : memref<80x128xi32, #tpu.memory_space<hbm>>) dst(%arg16 : memref<80x128xi32, #tpu.memory_space<vmem>>)
      tpu.yield
    }) : () -> ()
    "tpu.region"() ({
      %run_scoped3A = tpu.sem_alloc : memref<!tpu.dma_semaphore, #tpu.memory_space<semaphore_mem>>
      %dma_start3A_1099 = tpu.memref_slice %arg7[%mul3A_2] : memref<327680xf32, #tpu.memory_space<hbm>> -> memref<10240xf32, #tpu.memory_space<hbm>>
      %dma_start3A_1100 = tpu.memref_slice %arg7[%mul3A_2] : memref<327680xf32, #tpu.memory_space<hbm>> -> memref<10240xf32, #tpu.memory_space<hbm>>
      tpu.enqueue_dma source(%dma_start3A_1100 : memref<10240xf32, #tpu.memory_space<hbm>>) target(%arg17 : memref<10240xf32, #tpu.memory_space<vmem>>) target_semaphore(%run_scoped3A : memref<!tpu.dma_semaphore, #tpu.memory_space<semaphore_mem>>)
      %dma_wait3A_1101 = tpu.memref_slice %arg7[%mul3A_2] : memref<327680xf32, #tpu.memory_space<hbm>> -> memref<10240xf32, #tpu.memory_space<hbm>>
      %dma_wait3A_1102 = tpu.memref_slice %arg7[%mul3A_2] : memref<327680xf32, #tpu.memory_space<hbm>> -> memref<10240xf32, #tpu.memory_space<hbm>>
      tpu.wait_dma2 semaphore(%run_scoped3A : memref<!tpu.dma_semaphore, #tpu.memory_space<semaphore_mem>>) src(%dma_wait3A_1102 : memref<10240xf32, #tpu.memory_space<hbm>>) dst(%arg17 : memref<10240xf32, #tpu.memory_space<vmem>>)
      tpu.yield
    }) : () -> ()
    %eq3A = arith.constant 0 : i32
    %eq3A_5 = arith.cmpi eq, %arg1, %eq3A : i32
    %convert_element_type3A = arith.extui %eq3A_5 : i1 to i32
    %cond3A = arith.constant 0 : i32
    %cond3A_6 = arith.cmpi ne, %convert_element_type3A, %cond3A : i32
    scf.if %cond3A_6 {
      "tpu.region"() ({
        %run_scoped3A = tpu.sem_alloc : memref<!tpu.dma_semaphore, #tpu.memory_space<semaphore_mem>>
        tpu.enqueue_dma source(%arg8 : memref<10112xf32, #tpu.memory_space<hbm>>) target(%arg30 : memref<10112xf32, #tpu.memory_space<vmem_shared>>) target_semaphore(%run_scoped3A : memref<!tpu.dma_semaphore, #tpu.memory_space<semaphore_mem>>)
        tpu.wait_dma2 semaphore(%run_scoped3A : memref<!tpu.dma_semaphore, #tpu.memory_space<semaphore_mem>>) src(%arg8 : memref<10112xf32, #tpu.memory_space<hbm>>) dst(%arg30 : memref<10112xf32, #tpu.memory_space<vmem_shared>>)
        tpu.yield
      }) : () -> ()
      "tpu.region"() ({
        %run_scoped3A = tpu.sem_alloc : memref<!tpu.dma_semaphore, #tpu.memory_space<semaphore_mem>>
        tpu.enqueue_dma source(%arg8 : memref<10112xf32, #tpu.memory_space<hbm>>) target(%arg31 : memref<10112xf32, #tpu.memory_space<vmem_shared>>) target_semaphore(%run_scoped3A : memref<!tpu.dma_semaphore, #tpu.memory_space<semaphore_mem>>)
        tpu.wait_dma2 semaphore(%run_scoped3A : memref<!tpu.dma_semaphore, #tpu.memory_space<semaphore_mem>>) src(%arg8 : memref<10112xf32, #tpu.memory_space<hbm>>) dst(%arg31 : memref<10112xf32, #tpu.memory_space<vmem_shared>>)
        tpu.yield
      }) : () -> ()
      "tpu.region"() ({
        %run_scoped3A = tpu.sem_alloc : memref<!tpu.dma_semaphore, #tpu.memory_space<semaphore_mem>>
        tpu.enqueue_dma source(%arg8 : memref<10112xf32, #tpu.memory_space<hbm>>) target(%arg32 : memref<10112xf32, #tpu.memory_space<vmem_shared>>) target_semaphore(%run_scoped3A : memref<!tpu.dma_semaphore, #tpu.memory_space<semaphore_mem>>)
        tpu.wait_dma2 semaphore(%run_scoped3A : memref<!tpu.dma_semaphore, #tpu.memory_space<semaphore_mem>>) src(%arg8 : memref<10112xf32, #tpu.memory_space<hbm>>) dst(%arg32 : memref<10112xf32, #tpu.memory_space<vmem_shared>>)
        tpu.yield
      }) : () -> ()
    } else {
    }
    %barrier3A = arith.constant 0 : index
    tpu.barrier barrier_id(%barrier3A)
    %multiple_of3A = arith.constant 0 : i32
    %multiple_of3A_7 = tpu.assume_multiple %multiple_of3A, 128 : i32
    %add3A_8 = arith.constant 0 : i32
    %add3A_9 = arith.addi %multiple_of3A_7, %add3A_8 : i32
    %get3A = arith.index_cast %add3A_9 : i32 to index
    %get3A_10 = tpu.vector_load %arg15[%get3A] {strides = array<i32>} : memref<10240xi32, #tpu.memory_space<vmem>>, vector<16xi32>,
    %get3A_11 = arith.constant 0 : i32
    %get3A_12 = arith.index_cast %get3A_11 : i32 to index
    %get3A_13 = arith.constant 0 : index
    %get3A_14 = tpu.vector_load %arg16[%get3A_12, %get3A_13] {strides = array<i32>} : memref<80x128xi32, #tpu.memory_space<vmem>>, vector<16xi32>,
    %add3A_15 = arith.constant 0 : i32
    %add3A_16 = arith.addi %multiple_of3A_7, %add3A_15 : i32
    %get3A_17 = arith.index_cast %add3A_16 : i32 to index
    %get3A_18 = tpu.vector_load %arg17[%get3A_17] {strides = array<i32>} : memref<10240xf32, #tpu.memory_space<vmem>>, vector<16xf32>,
    %gather3A = tpu.vector_load_idx %arg12[%get3A_10] : memref<10112xf32, #tpu.memory_space<vmem>>[vector<16xi32>], vector<16xf32>,
    %gather3A_19 = tpu.vector_load_idx %arg12[%get3A_14] : memref<10112xf32, #tpu.memory_space<vmem>>[vector<16xi32>], vector<16xf32>,
    %sub3A = arith.subf %gather3A, %gather3A_19 : vector<16xf32>
    %mul3A_20 = arith.mulf %sub3A, %get3A_18 : vector<16xf32>
    %swap3A = arith.constant 0 : index
    %swap3A_21 = tpu.vector_load %arg18[%swap3A] {strides = array<i32>} : memref<128xf32, #tpu.memory_space<vmem>>, vector<16xf32>,
    tpu.vector_store %arg18[%swap3A], %mul3A_20 {strides = array<i32>} : memref<128xf32, #tpu.memory_space<vmem>>, vector<16xf32>,
    %gather3A_22 = tpu.vector_load_idx %arg13[%get3A_10] : memref<10112xf32, #tpu.memory_space<vmem>>[vector<16xi32>], vector<16xf32>,
    %gather3A_23 = tpu.vector_load_idx %arg13[%get3A_14] : memref<10112xf32, #tpu.memory_space<vmem>>[vector<16xi32>], vector<16xf32>,
    %sub3A_24 = arith.subf %gather3A_22, %gather3A_23 : vector<16xf32>
    %mul3A_25 = arith.mulf %sub3A_24, %get3A_18 : vector<16xf32>
    %swap3A_26 = arith.constant 0 : index
    %swap3A_27 = tpu.vector_load %arg19[%swap3A_26] {strides = array<i32>} : memref<128xf32, #tpu.memory_space<vmem>>, vector<16xf32>,
    tpu.vector_store %arg19[%swap3A_26], %mul3A_25 {strides = array<i32>} : memref<128xf32, #tpu.memory_space<vmem>>, vector<16xf32>,
    %gather3A_28 = tpu.vector_load_idx %arg14[%get3A_10] : memref<10112xf32, #tpu.memory_space<vmem>>[vector<16xi32>], vector<16xf32>,
    %gather3A_29 = tpu.vector_load_idx %arg14[%get3A_14] : memref<10112xf32, #tpu.memory_space<vmem>>[vector<16xi32>], vector<16xf32>,
    %sub3A_30 = arith.subf %gather3A_28, %gather3A_29 : vector<16xf32>
    %mul3A_31 = arith.mulf %sub3A_30, %get3A_18 : vector<16xf32>
    %swap3A_32 = arith.constant 0 : index
    %swap3A_33 = tpu.vector_load %arg20[%swap3A_32] {strides = array<i32>} : memref<128xf32, #tpu.memory_space<vmem>>, vector<16xf32>,
    tpu.vector_store %arg20[%swap3A_32], %mul3A_31 {strides = array<i32>} : memref<128xf32, #tpu.memory_space<vmem>>, vector<16xf32>,
    %add3A_34 = arith.constant 16 : i32
    %add3A_35 = arith.addi %multiple_of3A_7, %add3A_34 : i32
    %get3A_36 = arith.index_cast %add3A_35 : i32 to index
    %get3A_37 = tpu.vector_load %arg15[%get3A_36] {strides = array<i32>} : memref<10240xi32, #tpu.memory_space<vmem>>, vector<16xi32>,
    %get3A_38 = arith.constant 0 : i32
    %get3A_39 = arith.index_cast %get3A_38 : i32 to index
    %get3A_40 = arith.constant 16 : index
    %get3A_41 = tpu.vector_load %arg16[%get3A_39, %get3A_40] {strides = array<i32>} : memref<80x128xi32, #tpu.memory_space<vmem>>, vector<16xi32>,
    %add3A_42 = arith.constant 16 : i32
    %add3A_43 = arith.addi %multiple_of3A_7, %add3A_42 : i32
    %get3A_44 = arith.index_cast %add3A_43 : i32 to index
    %get3A_45 = tpu.vector_load %arg17[%get3A_44] {strides = array<i32>} : memref<10240xf32, #tpu.memory_space<vmem>>, vector<16xf32>,
    %gather3A_46 = tpu.vector_load_idx %arg12[%get3A_37] : memref<10112xf32, #tpu.memory_space<vmem>>[vector<16xi32>], vector<16xf32>,
    %gather3A_47 = tpu.vector_load_idx %arg12[%get3A_41] : memref<10112xf32, #tpu.memory_space<vmem>>[vector<16xi32>], vector<16xf32>,
    %sub3A_48 = arith.subf %gather3A_46, %gather3A_47 : vector<16xf32>
    %mul3A_49 = arith.mulf %sub3A_48, %get3A_45 : vector<16xf32>
    %swap3A_50 = arith.constant 16 : index
    %swap3A_51 = tpu.vector_load %arg18[%swap3A_50] {strides = array<i32>} : memref<128xf32, #tpu.memory_space<vmem>>, vector<16xf32>,
    tpu.vector_store %arg18[%swap3A_50], %mul3A_49 {strides = array<i32>} : memref<128xf32, #tpu.memory_space<vmem>>, vector<16xf32>,
    %gather3A_52 = tpu.vector_load_idx %arg13[%get3A_37] : memref<10112xf32, #tpu.memory_space<vmem>>[vector<16xi32>], vector<16xf32>,
    %gather3A_53 = tpu.vector_load_idx %arg13[%get3A_41] : memref<10112xf32, #tpu.memory_space<vmem>>[vector<16xi32>], vector<16xf32>,
    %sub3A_54 = arith.subf %gather3A_52, %gather3A_53 : vector<16xf32>
    %mul3A_55 = arith.mulf %sub3A_54, %get3A_45 : vector<16xf32>
    %swap3A_56 = arith.constant 16 : index
    %swap3A_57 = tpu.vector_load %arg19[%swap3A_56] {strides = array<i32>} : memref<128xf32, #tpu.memory_space<vmem>>, vector<16xf32>,
    tpu.vector_store %arg19[%swap3A_56], %mul3A_55 {strides = array<i32>} : memref<128xf32, #tpu.memory_space<vmem>>, vector<16xf32>,
    %gather3A_58 = tpu.vector_load_idx %arg14[%get3A_37] : memref<10112xf32, #tpu.memory_space<vmem>>[vector<16xi32>], vector<16xf32>,
    %gather3A_59 = tpu.vector_load_idx %arg14[%get3A_41] : memref<10112xf32, #tpu.memory_space<vmem>>[vector<16xi32>], vector<16xf32>,
    %sub3A_60 = arith.subf %gather3A_58, %gather3A_59 : vector<16xf32>
    %mul3A_61 = arith.mulf %sub3A_60, %get3A_45 : vector<16xf32>
    %swap3A_62 = arith.constant 16 : index
    %swap3A_63 = tpu.vector_load %arg20[%swap3A_62] {strides = array<i32>} : memref<128xf32, #tpu.memory_space<vmem>>, vector<16xf32>,
    tpu.vector_store %arg20[%swap3A_62], %mul3A_61 {strides = array<i32>} : memref<128xf32, #tpu.memory_space<vmem>>, vector<16xf32>,
    %add3A_64 = arith.constant 32 : i32
    %add3A_65 = arith.addi %multiple_of3A_7, %add3A_64 : i32
    %get3A_66 = arith.index_cast %add3A_65 : i32 to index
    %get3A_67 = tpu.vector_load %arg15[%get3A_66] {strides = array<i32>} : memref<10240xi32, #tpu.memory_space<vmem>>, vector<16xi32>,
    %get3A_68 = arith.constant 0 : i32
    %get3A_69 = arith.index_cast %get3A_68 : i32 to index
    %get3A_70 = arith.constant 32 : index
    %get3A_71 = tpu.vector_load %arg16[%get3A_69, %get3A_70] {strides = array<i32>} : memref<80x128xi32, #tpu.memory_space<vmem>>, vector<16xi32>,
    %add3A_72 = arith.constant 32 : i32
    %add3A_73 = arith.addi %multiple_of3A_7, %add3A_72 : i32
    %get3A_74 = arith.index_cast %add3A_73 : i32 to index
    %get3A_75 = tpu.vector_load %arg17[%get3A_74] {strides = array<i32>} : memref<10240xf32, #tpu.memory_space<vmem>>, vector<16xf32>,
    %gather3A_76 = tpu.vector_load_idx %arg12[%get3A_67] : memref<10112xf32, #tpu.memory_space<vmem>>[vector<16xi32>], vector<16xf32>,
    %gather3A_77 = tpu.vector_load_idx %arg12[%get3A_71] : memref<10112xf32, #tpu.memory_space<vmem>>[vector<16xi32>], vector<16xf32>,
    %sub3A_78 = arith.subf %gather3A_76, %gather3A_77 : vector<16xf32>
    %mul3A_79 = arith.mulf %sub3A_78, %get3A_75 : vector<16xf32>
    %swap3A_80 = arith.constant 32 : index
    %swap3A_81 = tpu.vector_load %arg18[%swap3A_80] {strides = array<i32>} : memref<128xf32, #tpu.memory_space<vmem>>, vector<16xf32>,
    tpu.vector_store %arg18[%swap3A_80], %mul3A_79 {strides = array<i32>} : memref<128xf32, #tpu.memory_space<vmem>>, vector<16xf32>,
    %gather3A_82 = tpu.vector_load_idx %arg13[%get3A_67] : memref<10112xf32, #tpu.memory_space<vmem>>[vector<16xi32>], vector<16xf32>,
    %gather3A_83 = tpu.vector_load_idx %arg13[%get3A_71] : memref<10112xf32, #tpu.memory_space<vmem>>[vector<16xi32>], vector<16xf32>,
    %sub3A_84 = arith.subf %gather3A_82, %gather3A_83 : vector<16xf32>
    %mul3A_85 = arith.mulf %sub3A_84, %get3A_75 : vector<16xf32>
    %swap3A_86 = arith.constant 32 : index
    %swap3A_87 = tpu.vector_load %arg19[%swap3A_86] {strides = array<i32>} : memref<128xf32, #tpu.memory_space<vmem>>, vector<16xf32>,
    tpu.vector_store %arg19[%swap3A_86], %mul3A_85 {strides = array<i32>} : memref<128xf32, #tpu.memory_space<vmem>>, vector<16xf32>,
    %gather3A_88 = tpu.vector_load_idx %arg14[%get3A_67] : memref<10112xf32, #tpu.memory_space<vmem>>[vector<16xi32>], vector<16xf32>,
    %gather3A_89 = tpu.vector_load_idx %arg14[%get3A_71] : memref<10112xf32, #tpu.memory_space<vmem>>[vector<16xi32>], vector<16xf32>,
    %sub3A_90 = arith.subf %gather3A_88, %gather3A_89 : vector<16xf32>
    %mul3A_91 = arith.mulf %sub3A_90, %get3A_75 : vector<16xf32>
    %swap3A_92 = arith.constant 32 : index
    %swap3A_93 = tpu.vector_load %arg20[%swap3A_92] {strides = array<i32>} : memref<128xf32, #tpu.memory_space<vmem>>, vector<16xf32>,
    tpu.vector_store %arg20[%swap3A_92], %mul3A_91 {strides = array<i32>} : memref<128xf32, #tpu.memory_space<vmem>>, vector<16xf32>,
    %add3A_94 = arith.constant 48 : i32
    %add3A_95 = arith.addi %multiple_of3A_7, %add3A_94 : i32
    %get3A_96 = arith.index_cast %add3A_95 : i32 to index
    %get3A_97 = tpu.vector_load %arg15[%get3A_96] {strides = array<i32>} : memref<10240xi32, #tpu.memory_space<vmem>>, vector<16xi32>,
    %get3A_98 = arith.constant 0 : i32
    %get3A_99 = arith.index_cast %get3A_98 : i32 to index
    %get3A_100 = arith.constant 48 : index
    %get3A_101 = tpu.vector_load %arg16[%get3A_99, %get3A_100] {strides = array<i32>} : memref<80x128xi32, #tpu.memory_space<vmem>>, vector<16xi32>,
    %add3A_102 = arith.constant 48 : i32
    %add3A_103 = arith.addi %multiple_of3A_7, %add3A_102 : i32
    %get3A_104 = arith.index_cast %add3A_103 : i32 to index
    %get3A_105 = tpu.vector_load %arg17[%get3A_104] {strides = array<i32>} : memref<10240xf32, #tpu.memory_space<vmem>>, vector<16xf32>,
    %gather3A_106 = tpu.vector_load_idx %arg12[%get3A_97] : memref<10112xf32, #tpu.memory_space<vmem>>[vector<16xi32>], vector<16xf32>,
    %gather3A_107 = tpu.vector_load_idx %arg12[%get3A_101] : memref<10112xf32, #tpu.memory_space<vmem>>[vector<16xi32>], vector<16xf32>,
    %sub3A_108 = arith.subf %gather3A_106, %gather3A_107 : vector<16xf32>
    %mul3A_109 = arith.mulf %sub3A_108, %get3A_105 : vector<16xf32>
    %swap3A_110 = arith.constant 48 : index
    %swap3A_111 = tpu.vector_load %arg18[%swap3A_110] {strides = array<i32>} : memref<128xf32, #tpu.memory_space<vmem>>, vector<16xf32>,
    tpu.vector_store %arg18[%swap3A_110], %mul3A_109 {strides = array<i32>} : memref<128xf32, #tpu.memory_space<vmem>>, vector<16xf32>,
    %gather3A_112 = tpu.vector_load_idx %arg13[%get3A_97] : memref<10112xf32, #tpu.memory_space<vmem>>[vector<16xi32>], vector<16xf32>,
    %gather3A_113 = tpu.vector_load_idx %arg13[%get3A_101] : memref<10112xf32, #tpu.memory_space<vmem>>[vector<16xi32>], vector<16xf32>,
    %sub3A_114 = arith.subf %gather3A_112, %gather3A_113 : vector<16xf32>
    %mul3A_115 = arith.mulf %sub3A_114, %get3A_105 : vector<16xf32>
    %swap3A_116 = arith.constant 48 : index
    %swap3A_117 = tpu.vector_load %arg19[%swap3A_116] {strides = array<i32>} : memref<128xf32, #tpu.memory_space<vmem>>, vector<16xf32>,
    tpu.vector_store %arg19[%swap3A_116], %mul3A_115 {strides = array<i32>} : memref<128xf32, #tpu.memory_space<vmem>>, vector<16xf32>,
    %gather3A_118 = tpu.vector_load_idx %arg14[%get3A_97] : memref<10112xf32, #tpu.memory_space<vmem>>[vector<16xi32>], vector<16xf32>,
    %gather3A_119 = tpu.vector_load_idx %arg14[%get3A_101] : memref<10112xf32, #tpu.memory_space<vmem>>[vector<16xi32>], vector<16xf32>,
    %sub3A_120 = arith.subf %gather3A_118, %gather3A_119 : vector<16xf32>
    %mul3A_121 = arith.mulf %sub3A_120, %get3A_105 : vector<16xf32>
    %swap3A_122 = arith.constant 48 : index
    %swap3A_123 = tpu.vector_load %arg20[%swap3A_122] {strides = array<i32>} : memref<128xf32, #tpu.memory_space<vmem>>, vector<16xf32>,
    tpu.vector_store %arg20[%swap3A_122], %mul3A_121 {strides = array<i32>} : memref<128xf32, #tpu.memory_space<vmem>>, vector<16xf32>,
    %add3A_124 = arith.constant 64 : i32
    %add3A_125 = arith.addi %multiple_of3A_7, %add3A_124 : i32
    %get3A_126 = arith.index_cast %add3A_125 : i32 to index
    %get3A_127 = tpu.vector_load %arg15[%get3A_126] {strides = array<i32>} : memref<10240xi32, #tpu.memory_space<vmem>>, vector<16xi32>,
    %get3A_128 = arith.constant 0 : i32
    %get3A_129 = arith.index_cast %get3A_128 : i32 to index
    %get3A_130 = arith.constant 64 : index
    %get3A_131 = tpu.vector_load %arg16[%get3A_129, %get3A_130] {strides = array<i32>} : memref<80x128xi32, #tpu.memory_space<vmem>>, vector<16xi32>,
    %add3A_132 = arith.constant 64 : i32
    %add3A_133 = arith.addi %multiple_of3A_7, %add3A_132 : i32
    %get3A_134 = arith.index_cast %add3A_133 : i32 to index
    %get3A_135 = tpu.vector_load %arg17[%get3A_134] {strides = array<i32>} : memref<10240xf32, #tpu.memory_space<vmem>>, vector<16xf32>,
    %gather3A_136 = tpu.vector_load_idx %arg12[%get3A_127] : memref<10112xf32, #tpu.memory_space<vmem>>[vector<16xi32>], vector<16xf32>,
    %gather3A_137 = tpu.vector_load_idx %arg12[%get3A_131] : memref<10112xf32, #tpu.memory_space<vmem>>[vector<16xi32>], vector<16xf32>,
    %sub3A_138 = arith.subf %gather3A_136, %gather3A_137 : vector<16xf32>
    %mul3A_139 = arith.mulf %sub3A_138, %get3A_135 : vector<16xf32>
    %swap3A_140 = arith.constant 64 : index
    %swap3A_141 = tpu.vector_load %arg18[%swap3A_140] {strides = array<i32>} : memref<128xf32, #tpu.memory_space<vmem>>, vector<16xf32>,
    tpu.vector_store %arg18[%swap3A_140], %mul3A_139 {strides = array<i32>} : memref<128xf32, #tpu.memory_space<vmem>>, vector<16xf32>,
    %gather3A_142 = tpu.vector_load_idx %arg13[%get3A_127] : memref<10112xf32, #tpu.memory_space<vmem>>[vector<16xi32>], vector<16xf32>,
    %gather3A_143 = tpu.vector_load_idx %arg13[%get3A_131] : memref<10112xf32, #tpu.memory_space<vmem>>[vector<16xi32>], vector<16xf32>,
    %sub3A_144 = arith.subf %gather3A_142, %gather3A_143 : vector<16xf32>
    %mul3A_145 = arith.mulf %sub3A_144, %get3A_135 : vector<16xf32>
    %swap3A_146 = arith.constant 64 : index
    %swap3A_147 = tpu.vector_load %arg19[%swap3A_146] {strides = array<i32>} : memref<128xf32, #tpu.memory_space<vmem>>, vector<16xf32>,
    tpu.vector_store %arg19[%swap3A_146], %mul3A_145 {strides = array<i32>} : memref<128xf32, #tpu.memory_space<vmem>>, vector<16xf32>,
    %gather3A_148 = tpu.vector_load_idx %arg14[%get3A_127] : memref<10112xf32, #tpu.memory_space<vmem>>[vector<16xi32>], vector<16xf32>,
    %gather3A_149 = tpu.vector_load_idx %arg14[%get3A_131] : memref<10112xf32, #tpu.memory_space<vmem>>[vector<16xi32>], vector<16xf32>,
    %sub3A_150 = arith.subf %gather3A_148, %gather3A_149 : vector<16xf32>
    %mul3A_151 = arith.mulf %sub3A_150, %get3A_135 : vector<16xf32>
    %swap3A_152 = arith.constant 64 : index
    %swap3A_153 = tpu.vector_load %arg20[%swap3A_152] {strides = array<i32>} : memref<128xf32, #tpu.memory_space<vmem>>, vector<16xf32>,
    tpu.vector_store %arg20[%swap3A_152], %mul3A_151 {strides = array<i32>} : memref<128xf32, #tpu.memory_space<vmem>>, vector<16xf32>,
    %add3A_154 = arith.constant 80 : i32
    %add3A_155 = arith.addi %multiple_of3A_7, %add3A_154 : i32
    %get3A_156 = arith.index_cast %add3A_155 : i32 to index
    %get3A_157 = tpu.vector_load %arg15[%get3A_156] {strides = array<i32>} : memref<10240xi32, #tpu.memory_space<vmem>>, vector<16xi32>,
    %get3A_158 = arith.constant 0 : i32
    %get3A_159 = arith.index_cast %get3A_158 : i32 to index
    %get3A_160 = arith.constant 80 : index
    %get3A_161 = tpu.vector_load %arg16[%get3A_159, %get3A_160] {strides = array<i32>} : memref<80x128xi32, #tpu.memory_space<vmem>>, vector<16xi32>,
    %add3A_162 = arith.constant 80 : i32
    %add3A_163 = arith.addi %multiple_of3A_7, %add3A_162 : i32
    %get3A_164 = arith.index_cast %add3A_163 : i32 to index
    %get3A_165 = tpu.vector_load %arg17[%get3A_164] {strides = array<i32>} : memref<10240xf32, #tpu.memory_space<vmem>>, vector<16xf32>,
    %gather3A_166 = tpu.vector_load_idx %arg12[%get3A_157] : memref<10112xf32, #tpu.memory_space<vmem>>[vector<16xi32>], vector<16xf32>,
    %gather3A_167 = tpu.vector_load_idx %arg12[%get3A_161] : memref<10112xf32, #tpu.memory_space<vmem>>[vector<16xi32>], vector<16xf32>,
    %sub3A_168 = arith.subf %gather3A_166, %gather3A_167 : vector<16xf32>
    %mul3A_169 = arith.mulf %sub3A_168, %get3A_165 : vector<16xf32>
    %swap3A_170 = arith.constant 80 : index
    %swap3A_171 = tpu.vector_load %arg18[%swap3A_170] {strides = array<i32>} : memref<128xf32, #tpu.memory_space<vmem>>, vector<16xf32>,
    tpu.vector_store %arg18[%swap3A_170], %mul3A_169 {strides = array<i32>} : memref<128xf32, #tpu.memory_space<vmem>>, vector<16xf32>,
    %gather3A_172 = tpu.vector_load_idx %arg13[%get3A_157] : memref<10112xf32, #tpu.memory_space<vmem>>[vector<16xi32>], vector<16xf32>,
    %gather3A_173 = tpu.vector_load_idx %arg13[%get3A_161] : memref<10112xf32, #tpu.memory_space<vmem>>[vector<16xi32>], vector<16xf32>,
    %sub3A_174 = arith.subf %gather3A_172, %gather3A_173 : vector<16xf32>
    %mul3A_175 = arith.mulf %sub3A_174, %get3A_165 : vector<16xf32>
    %swap3A_176 = arith.constant 80 : index
    %swap3A_177 = tpu.vector_load %arg19[%swap3A_176] {strides = array<i32>} : memref<128xf32, #tpu.memory_space<vmem>>, vector<16xf32>,
    tpu.vector_store %arg19[%swap3A_176], %mul3A_175 {strides = array<i32>} : memref<128xf32, #tpu.memory_space<vmem>>, vector<16xf32>,
    %gather3A_178 = tpu.vector_load_idx %arg14[%get3A_157] : memref<10112xf32, #tpu.memory_space<vmem>>[vector<16xi32>], vector<16xf32>,
    %gather3A_179 = tpu.vector_load_idx %arg14[%get3A_161] : memref<10112xf32, #tpu.memory_space<vmem>>[vector<16xi32>], vector<16xf32>,
    %sub3A_180 = arith.subf %gather3A_178, %gather3A_179 : vector<16xf32>
    %mul3A_181 = arith.mulf %sub3A_180, %get3A_165 : vector<16xf32>
    %swap3A_182 = arith.constant 80 : index
    %swap3A_183 = tpu.vector_load %arg20[%swap3A_182] {strides = array<i32>} : memref<128xf32, #tpu.memory_space<vmem>>, vector<16xf32>,
    tpu.vector_store %arg20[%swap3A_182], %mul3A_181 {strides = array<i32>} : memref<128xf32, #tpu.memory_space<vmem>>, vector<16xf32>,
    %add3A_184 = arith.constant 96 : i32
    %add3A_185 = arith.addi %multiple_of3A_7, %add3A_184 : i32
    %get3A_186 = arith.index_cast %add3A_185 : i32 to index
    %get3A_187 = tpu.vector_load %arg15[%get3A_186] {strides = array<i32>} : memref<10240xi32, #tpu.memory_space<vmem>>, vector<16xi32>,
    %get3A_188 = arith.constant 0 : i32
    %get3A_189 = arith.index_cast %get3A_188 : i32 to index
    %get3A_190 = arith.constant 96 : index
    %get3A_191 = tpu.vector_load %arg16[%get3A_189, %get3A_190] {strides = array<i32>} : memref<80x128xi32, #tpu.memory_space<vmem>>, vector<16xi32>,
    %add3A_192 = arith.constant 96 : i32
    %add3A_193 = arith.addi %multiple_of3A_7, %add3A_192 : i32
    %get3A_194 = arith.index_cast %add3A_193 : i32 to index
    %get3A_195 = tpu.vector_load %arg17[%get3A_194] {strides = array<i32>} : memref<10240xf32, #tpu.memory_space<vmem>>, vector<16xf32>,
    %gather3A_196 = tpu.vector_load_idx %arg12[%get3A_187] : memref<10112xf32, #tpu.memory_space<vmem>>[vector<16xi32>], vector<16xf32>,
    %gather3A_197 = tpu.vector_load_idx %arg12[%get3A_191] : memref<10112xf32, #tpu.memory_space<vmem>>[vector<16xi32>], vector<16xf32>,
    %sub3A_198 = arith.subf %gather3A_196, %gather3A_197 : vector<16xf32>
    %mul3A_199 = arith.mulf %sub3A_198, %get3A_195 : vector<16xf32>
    %swap3A_200 = arith.constant 96 : index
    %swap3A_201 = tpu.vector_load %arg18[%swap3A_200] {strides = array<i32>} : memref<128xf32, #tpu.memory_space<vmem>>, vector<16xf32>,
    tpu.vector_store %arg18[%swap3A_200], %mul3A_199 {strides = array<i32>} : memref<128xf32, #tpu.memory_space<vmem>>, vector<16xf32>,
    %gather3A_202 = tpu.vector_load_idx %arg13[%get3A_187] : memref<10112xf32, #tpu.memory_space<vmem>>[vector<16xi32>], vector<16xf32>,
    %gather3A_203 = tpu.vector_load_idx %arg13[%get3A_191] : memref<10112xf32, #tpu.memory_space<vmem>>[vector<16xi32>], vector<16xf32>,
    %sub3A_204 = arith.subf %gather3A_202, %gather3A_203 : vector<16xf32>
    %mul3A_205 = arith.mulf %sub3A_204, %get3A_195 : vector<16xf32>
    %swap3A_206 = arith.constant 96 : index
    %swap3A_207 = tpu.vector_load %arg19[%swap3A_206] {strides = array<i32>} : memref<128xf32, #tpu.memory_space<vmem>>, vector<16xf32>,
    tpu.vector_store %arg19[%swap3A_206], %mul3A_205 {strides = array<i32>} : memref<128xf32, #tpu.memory_space<vmem>>, vector<16xf32>,
    %gather3A_208 = tpu.vector_load_idx %arg14[%get3A_187] : memref<10112xf32, #tpu.memory_space<vmem>>[vector<16xi32>], vector<16xf32>,
    %gather3A_209 = tpu.vector_load_idx %arg14[%get3A_191] : memref<10112xf32, #tpu.memory_space<vmem>>[vector<16xi32>], vector<16xf32>,
    %sub3A_210 = arith.subf %gather3A_208, %gather3A_209 : vector<16xf32>
    %mul3A_211 = arith.mulf %sub3A_210, %get3A_195 : vector<16xf32>
    %swap3A_212 = arith.constant 96 : index
    %swap3A_213 = tpu.vector_load %arg20[%swap3A_212] {strides = array<i32>} : memref<128xf32, #tpu.memory_space<vmem>>, vector<16xf32>,
    tpu.vector_store %arg20[%swap3A_212], %mul3A_211 {strides = array<i32>} : memref<128xf32, #tpu.memory_space<vmem>>, vector<16xf32>,
    %add3A_214 = arith.constant 112 : i32
    %add3A_215 = arith.addi %multiple_of3A_7, %add3A_214 : i32
    %get3A_216 = arith.index_cast %add3A_215 : i32 to index
    %get3A_217 = tpu.vector_load %arg15[%get3A_216] {strides = array<i32>} : memref<10240xi32, #tpu.memory_space<vmem>>, vector<16xi32>,
    %get3A_218 = arith.constant 0 : i32
    %get3A_219 = arith.index_cast %get3A_218 : i32 to index
    %get3A_220 = arith.constant 112 : index
    %get3A_221 = tpu.vector_load %arg16[%get3A_219, %get3A_220] {strides = array<i32>} : memref<80x128xi32, #tpu.memory_space<vmem>>, vector<16xi32>,
    %add3A_222 = arith.constant 112 : i32
    %add3A_223 = arith.addi %multiple_of3A_7, %add3A_222 : i32
    %get3A_224 = arith.index_cast %add3A_223 : i32 to index
    %get3A_225 = tpu.vector_load %arg17[%get3A_224] {strides = array<i32>} : memref<10240xf32, #tpu.memory_space<vmem>>, vector<16xf32>,
    %gather3A_226 = tpu.vector_load_idx %arg12[%get3A_217] : memref<10112xf32, #tpu.memory_space<vmem>>[vector<16xi32>], vector<16xf32>,
    %gather3A_227 = tpu.vector_load_idx %arg12[%get3A_221] : memref<10112xf32, #tpu.memory_space<vmem>>[vector<16xi32>], vector<16xf32>,
    %sub3A_228 = arith.subf %gather3A_226, %gather3A_227 : vector<16xf32>
    %mul3A_229 = arith.mulf %sub3A_228, %get3A_225 : vector<16xf32>
    %swap3A_230 = arith.constant 112 : index
    %swap3A_231 = tpu.vector_load %arg18[%swap3A_230] {strides = array<i32>} : memref<128xf32, #tpu.memory_space<vmem>>, vector<16xf32>,
    tpu.vector_store %arg18[%swap3A_230], %mul3A_229 {strides = array<i32>} : memref<128xf32, #tpu.memory_space<vmem>>, vector<16xf32>,
    %gather3A_232 = tpu.vector_load_idx %arg13[%get3A_217] : memref<10112xf32, #tpu.memory_space<vmem>>[vector<16xi32>], vector<16xf32>,
    %gather3A_233 = tpu.vector_load_idx %arg13[%get3A_221] : memref<10112xf32, #tpu.memory_space<vmem>>[vector<16xi32>], vector<16xf32>,
    %sub3A_234 = arith.subf %gather3A_232, %gather3A_233 : vector<16xf32>
    %mul3A_235 = arith.mulf %sub3A_234, %get3A_225 : vector<16xf32>
    %swap3A_236 = arith.constant 112 : index
    %swap3A_237 = tpu.vector_load %arg19[%swap3A_236] {strides = array<i32>} : memref<128xf32, #tpu.memory_space<vmem>>, vector<16xf32>,
    tpu.vector_store %arg19[%swap3A_236], %mul3A_235 {strides = array<i32>} : memref<128xf32, #tpu.memory_space<vmem>>, vector<16xf32>,
    %gather3A_238 = tpu.vector_load_idx %arg14[%get3A_217] : memref<10112xf32, #tpu.memory_space<vmem>>[vector<16xi32>], vector<16xf32>,
    %gather3A_239 = tpu.vector_load_idx %arg14[%get3A_221] : memref<10112xf32, #tpu.memory_space<vmem>>[vector<16xi32>], vector<16xf32>,
    %sub3A_240 = arith.subf %gather3A_238, %gather3A_239 : vector<16xf32>
    %mul3A_241 = arith.mulf %sub3A_240, %get3A_225 : vector<16xf32>
    %swap3A_242 = arith.constant 112 : index
    %swap3A_243 = tpu.vector_load %arg20[%swap3A_242] {strides = array<i32>} : memref<128xf32, #tpu.memory_space<vmem>>, vector<16xf32>,
    tpu.vector_store %arg20[%swap3A_242], %mul3A_241 {strides = array<i32>} : memref<128xf32, #tpu.memory_space<vmem>>, vector<16xf32>,
    %dma_start3A = arith.constant 0 : i32
    %dma_start3A_244 = arith.constant 0 : i32
    %dma_start3A_245 = tpu.memref_slice %arg16[%dma_start3A, %dma_start3A_244] : memref<80x128xi32, #tpu.memory_space<vmem>> -> memref<1x128xi32, #tpu.memory_space<vmem>>
    %dma_start3A_246 = tpu.memref_squeeze %dma_start3A_245 : memref<1x128xi32, #tpu.memory_space<vmem>> -> memref<128xi32, #tpu.memory_space<vmem>>
    %dma_start3A_247 = arith.constant 0 : i32
    %dma_start3A_248 = tpu.memref_slice %arg30[%dma_start3A_247] : memref<10112xf32, #tpu.memory_space<vmem_shared>> -> memref<10112xf32, #tpu.memory_space<vmem_shared>>
    tpu.enqueue_indirect_dma source(%arg18 : memref<128xf32, #tpu.memory_space<vmem>>) target(%dma_start3A_248 : memref<10112xf32, #tpu.memory_space<vmem_shared>>) offsets(%dma_start3A_246 : memref<128xi32, #tpu.memory_space<vmem>>) semaphore(%arg33 : memref<!tpu.dma_semaphore, #tpu.memory_space<semaphore_mem>>) {add = true}
    %dma_start3A_249 = arith.constant 0 : i32
    %dma_start3A_250 = arith.constant 0 : i32
    %dma_start3A_251 = tpu.memref_slice %arg16[%dma_start3A_249, %dma_start3A_250] : memref<80x128xi32, #tpu.memory_space<vmem>> -> memref<1x128xi32, #tpu.memory_space<vmem>>
    %dma_start3A_252 = tpu.memref_squeeze %dma_start3A_251 : memref<1x128xi32, #tpu.memory_space<vmem>> -> memref<128xi32, #tpu.memory_space<vmem>>
    %dma_start3A_253 = arith.constant 0 : i32
    %dma_start3A_254 = tpu.memref_slice %arg31[%dma_start3A_253] : memref<10112xf32, #tpu.memory_space<vmem_shared>> -> memref<10112xf32, #tpu.memory_space<vmem_shared>>
    tpu.enqueue_indirect_dma source(%arg19 : memref<128xf32, #tpu.memory_space<vmem>>) target(%dma_start3A_254 : memref<10112xf32, #tpu.memory_space<vmem_shared>>) offsets(%dma_start3A_252 : memref<128xi32, #tpu.memory_space<vmem>>) semaphore(%arg33 : memref<!tpu.dma_semaphore, #tpu.memory_space<semaphore_mem>>) {add = true}
    %dma_start3A_255 = arith.constant 0 : i32
    %dma_start3A_256 = arith.constant 0 : i32
    %dma_start3A_257 = tpu.memref_slice %arg16[%dma_start3A_255, %dma_start3A_256] : memref<80x128xi32, #tpu.memory_space<vmem>> -> memref<1x128xi32, #tpu.memory_space<vmem>>
    %dma_start3A_258 = tpu.memref_squeeze %dma_start3A_257 : memref<1x128xi32, #tpu.memory_space<vmem>> -> memref<128xi32, #tpu.memory_space<vmem>>
    %dma_start3A_259 = arith.constant 0 : i32
    %dma_start3A_260 = tpu.memref_slice %arg32[%dma_start3A_259] : memref<10112xf32, #tpu.memory_space<vmem_shared>> -> memref<10112xf32, #tpu.memory_space<vmem_shared>>
    tpu.enqueue_indirect_dma source(%arg20 : memref<128xf32, #tpu.memory_space<vmem>>) target(%dma_start3A_260 : memref<10112xf32, #tpu.memory_space<vmem_shared>>) offsets(%dma_start3A_258 : memref<128xi32, #tpu.memory_space<vmem>>) semaphore(%arg33 : memref<!tpu.dma_semaphore, #tpu.memory_space<semaphore_mem>>) {add = true}
    %multiple_of3A_261 = arith.constant 128 : i32
    %multiple_of3A_262 = tpu.assume_multiple %multiple_of3A_261, 128 : i32
    %add3A_263 = arith.constant 0 : i32
    %add3A_264 = arith.addi %multiple_of3A_262, %add3A_263 : i32
    %get3A_265 = arith.index_cast %add3A_264 : i32 to index
    %get3A_266 = tpu.vector_load %arg15[%get3A_265] {strides = array<i32>} : memref<10240xi32, #tpu.memory_space<vmem>>, vector<16xi32>,
    %get3A_267 = arith.constant 1 : i32
    %get3A_268 = arith.index_cast %get3A_267 : i32 to index
    %get3A_269 = arith.constant 0 : index
    %get3A_270 = tpu.vector_load %arg16[%get3A_268, %get3A_269] {strides = array<i32>} : memref<80x128xi32, #tpu.memory_space<vmem>>, vector<16xi32>,
    %add3A_271 = arith.constant 0 : i32
    %add3A_272 = arith.addi %multiple_of3A_262, %add3A_271 : i32
    %get3A_273 = arith.index_cast %add3A_272 : i32 to index
    %get3A_274 = tpu.vector_load %arg17[%get3A_273] {strides = array<i32>} : memref<10240xf32, #tpu.memory_space<vmem>>, vector<16xf32>,
    %gather3A_275 = tpu.vector_load_idx %arg12[%get3A_266] : memref<10112xf32, #tpu.memory_space<vmem>>[vector<16xi32>], vector<16xf32>,
    %gather3A_276 = tpu.vector_load_idx %arg12[%get3A_270] : memref<10112xf32, #tpu.memory_space<vmem>>[vector<16xi32>], vector<16xf32>,
    %sub3A_277 = arith.subf %gather3A_275, %gather3A_276 : vector<16xf32>
    %mul3A_278 = arith.mulf %sub3A_277, %get3A_274 : vector<16xf32>
    %swap3A_279 = arith.constant 0 : index
    %swap3A_280 = tpu.vector_load %arg21[%swap3A_279] {strides = array<i32>} : memref<128xf32, #tpu.memory_space<vmem>>, vector<16xf32>,
    tpu.vector_store %arg21[%swap3A_279], %mul3A_278 {strides = array<i32>} : memref<128xf32, #tpu.memory_space<vmem>>, vector<16xf32>,
    %gather3A_281 = tpu.vector_load_idx %arg13[%get3A_266] : memref<10112xf32, #tpu.memory_space<vmem>>[vector<16xi32>], vector<16xf32>,
    %gather3A_282 = tpu.vector_load_idx %arg13[%get3A_270] : memref<10112xf32, #tpu.memory_space<vmem>>[vector<16xi32>], vector<16xf32>,
    %sub3A_283 = arith.subf %gather3A_281, %gather3A_282 : vector<16xf32>
    %mul3A_284 = arith.mulf %sub3A_283, %get3A_274 : vector<16xf32>
    %swap3A_285 = arith.constant 0 : index
    %swap3A_286 = tpu.vector_load %arg22[%swap3A_285] {strides = array<i32>} : memref<128xf32, #tpu.memory_space<vmem>>, vector<16xf32>,
    tpu.vector_store %arg22[%swap3A_285], %mul3A_284 {strides = array<i32>} : memref<128xf32, #tpu.memory_space<vmem>>, vector<16xf32>,
    %gather3A_287 = tpu.vector_load_idx %arg14[%get3A_266] : memref<10112xf32, #tpu.memory_space<vmem>>[vector<16xi32>], vector<16xf32>,
    %gather3A_288 = tpu.vector_load_idx %arg14[%get3A_270] : memref<10112xf32, #tpu.memory_space<vmem>>[vector<16xi32>], vector<16xf32>,
    %sub3A_289 = arith.subf %gather3A_287, %gather3A_288 : vector<16xf32>
    %mul3A_290 = arith.mulf %sub3A_289, %get3A_274 : vector<16xf32>
    %swap3A_291 = arith.constant 0 : index
    %swap3A_292 = tpu.vector_load %arg23[%swap3A_291] {strides = array<i32>} : memref<128xf32, #tpu.memory_space<vmem>>, vector<16xf32>,
    tpu.vector_store %arg23[%swap3A_291], %mul3A_290 {strides = array<i32>} : memref<128xf32, #tpu.memory_space<vmem>>, vector<16xf32>,
    %add3A_293 = arith.constant 16 : i32
    %add3A_294 = arith.addi %multiple_of3A_262, %add3A_293 : i32
    %get3A_295 = arith.index_cast %add3A_294 : i32 to index
    %get3A_296 = tpu.vector_load %arg15[%get3A_295] {strides = array<i32>} : memref<10240xi32, #tpu.memory_space<vmem>>, vector<16xi32>,
    %get3A_297 = arith.constant 1 : i32
    %get3A_298 = arith.index_cast %get3A_297 : i32 to index
    %get3A_299 = arith.constant 16 : index
    %get3A_300 = tpu.vector_load %arg16[%get3A_298, %get3A_299] {strides = array<i32>} : memref<80x128xi32, #tpu.memory_space<vmem>>, vector<16xi32>,
    %add3A_301 = arith.constant 16 : i32
    %add3A_302 = arith.addi %multiple_of3A_262, %add3A_301 : i32
    %get3A_303 = arith.index_cast %add3A_302 : i32 to index
    %get3A_304 = tpu.vector_load %arg17[%get3A_303] {strides = array<i32>} : memref<10240xf32, #tpu.memory_space<vmem>>, vector<16xf32>,
    %gather3A_305 = tpu.vector_load_idx %arg12[%get3A_296] : memref<10112xf32, #tpu.memory_space<vmem>>[vector<16xi32>], vector<16xf32>,
    %gather3A_306 = tpu.vector_load_idx %arg12[%get3A_300] : memref<10112xf32, #tpu.memory_space<vmem>>[vector<16xi32>], vector<16xf32>,
    %sub3A_307 = arith.subf %gather3A_305, %gather3A_306 : vector<16xf32>
    %mul3A_308 = arith.mulf %sub3A_307, %get3A_304 : vector<16xf32>
    %swap3A_309 = arith.constant 16 : index
    %swap3A_310 = tpu.vector_load %arg21[%swap3A_309] {strides = array<i32>} : memref<128xf32, #tpu.memory_space<vmem>>, vector<16xf32>,
    tpu.vector_store %arg21[%swap3A_309], %mul3A_308 {strides = array<i32>} : memref<128xf32, #tpu.memory_space<vmem>>, vector<16xf32>,
    %gather3A_311 = tpu.vector_load_idx %arg13[%get3A_296] : memref<10112xf32, #tpu.memory_space<vmem>>[vector<16xi32>], vector<16xf32>,
    %gather3A_312 = tpu.vector_load_idx %arg13[%get3A_300] : memref<10112xf32, #tpu.memory_space<vmem>>[vector<16xi32>], vector<16xf32>,
    %sub3A_313 = arith.subf %gather3A_311, %gather3A_312 : vector<16xf32>
    %mul3A_314 = arith.mulf %sub3A_313, %get3A_304 : vector<16xf32>
    %swap3A_315 = arith.constant 16 : index
    %swap3A_316 = tpu.vector_load %arg22[%swap3A_315] {strides = array<i32>} : memref<128xf32, #tpu.memory_space<vmem>>, vector<16xf32>,
    tpu.vector_store %arg22[%swap3A_315], %mul3A_314 {strides = array<i32>} : memref<128xf32, #tpu.memory_space<vmem>>, vector<16xf32>,
    %gather3A_317 = tpu.vector_load_idx %arg14[%get3A_296] : memref<10112xf32, #tpu.memory_space<vmem>>[vector<16xi32>], vector<16xf32>,
    %gather3A_318 = tpu.vector_load_idx %arg14[%get3A_300] : memref<10112xf32, #tpu.memory_space<vmem>>[vector<16xi32>], vector<16xf32>,
    %sub3A_319 = arith.subf %gather3A_317, %gather3A_318 : vector<16xf32>
    %mul3A_320 = arith.mulf %sub3A_319, %get3A_304 : vector<16xf32>
    %swap3A_321 = arith.constant 16 : index
    %swap3A_322 = tpu.vector_load %arg23[%swap3A_321] {strides = array<i32>} : memref<128xf32, #tpu.memory_space<vmem>>, vector<16xf32>,
    tpu.vector_store %arg23[%swap3A_321], %mul3A_320 {strides = array<i32>} : memref<128xf32, #tpu.memory_space<vmem>>, vector<16xf32>,
    %add3A_323 = arith.constant 32 : i32
    %add3A_324 = arith.addi %multiple_of3A_262, %add3A_323 : i32
    %get3A_325 = arith.index_cast %add3A_324 : i32 to index
    %get3A_326 = tpu.vector_load %arg15[%get3A_325] {strides = array<i32>} : memref<10240xi32, #tpu.memory_space<vmem>>, vector<16xi32>,
    %get3A_327 = arith.constant 1 : i32
    %get3A_328 = arith.index_cast %get3A_327 : i32 to index
    %get3A_329 = arith.constant 32 : index
    %get3A_330 = tpu.vector_load %arg16[%get3A_328, %get3A_329] {strides = array<i32>} : memref<80x128xi32, #tpu.memory_space<vmem>>, vector<16xi32>,
    %add3A_331 = arith.constant 32 : i32
    %add3A_332 = arith.addi %multiple_of3A_262, %add3A_331 : i32
    %get3A_333 = arith.index_cast %add3A_332 : i32 to index
    %get3A_334 = tpu.vector_load %arg17[%get3A_333] {strides = array<i32>} : memref<10240xf32, #tpu.memory_space<vmem>>, vector<16xf32>,
    %gather3A_335 = tpu.vector_load_idx %arg12[%get3A_326] : memref<10112xf32, #tpu.memory_space<vmem>>[vector<16xi32>], vector<16xf32>,
    %gather3A_336 = tpu.vector_load_idx %arg12[%get3A_330] : memref<10112xf32, #tpu.memory_space<vmem>>[vector<16xi32>], vector<16xf32>,
    %sub3A_337 = arith.subf %gather3A_335, %gather3A_336 : vector<16xf32>
    %mul3A_338 = arith.mulf %sub3A_337, %get3A_334 : vector<16xf32>
    %swap3A_339 = arith.constant 32 : index
    %swap3A_340 = tpu.vector_load %arg21[%swap3A_339] {strides = array<i32>} : memref<128xf32, #tpu.memory_space<vmem>>, vector<16xf32>,
    tpu.vector_store %arg21[%swap3A_339], %mul3A_338 {strides = array<i32>} : memref<128xf32, #tpu.memory_space<vmem>>, vector<16xf32>,
    %gather3A_341 = tpu.vector_load_idx %arg13[%get3A_326] : memref<10112xf32, #tpu.memory_space<vmem>>[vector<16xi32>], vector<16xf32>,
    %gather3A_342 = tpu.vector_load_idx %arg13[%get3A_330] : memref<10112xf32, #tpu.memory_space<vmem>>[vector<16xi32>], vector<16xf32>,
    %sub3A_343 = arith.subf %gather3A_341, %gather3A_342 : vector<16xf32>
    %mul3A_344 = arith.mulf %sub3A_343, %get3A_334 : vector<16xf32>
    %swap3A_345 = arith.constant 32 : index
    %swap3A_346 = tpu.vector_load %arg22[%swap3A_345] {strides = array<i32>} : memref<128xf32, #tpu.memory_space<vmem>>, vector<16xf32>,
    tpu.vector_store %arg22[%swap3A_345], %mul3A_344 {strides = array<i32>} : memref<128xf32, #tpu.memory_space<vmem>>, vector<16xf32>,
    %gather3A_347 = tpu.vector_load_idx %arg14[%get3A_326] : memref<10112xf32, #tpu.memory_space<vmem>>[vector<16xi32>], vector<16xf32>,
    %gather3A_348 = tpu.vector_load_idx %arg14[%get3A_330] : memref<10112xf32, #tpu.memory_space<vmem>>[vector<16xi32>], vector<16xf32>,
    %sub3A_349 = arith.subf %gather3A_347, %gather3A_348 : vector<16xf32>
    %mul3A_350 = arith.mulf %sub3A_349, %get3A_334 : vector<16xf32>
    %swap3A_351 = arith.constant 32 : index
    %swap3A_352 = tpu.vector_load %arg23[%swap3A_351] {strides = array<i32>} : memref<128xf32, #tpu.memory_space<vmem>>, vector<16xf32>,
    tpu.vector_store %arg23[%swap3A_351], %mul3A_350 {strides = array<i32>} : memref<128xf32, #tpu.memory_space<vmem>>, vector<16xf32>,
    %add3A_353 = arith.constant 48 : i32
    %add3A_354 = arith.addi %multiple_of3A_262, %add3A_353 : i32
    %get3A_355 = arith.index_cast %add3A_354 : i32 to index
    %get3A_356 = tpu.vector_load %arg15[%get3A_355] {strides = array<i32>} : memref<10240xi32, #tpu.memory_space<vmem>>, vector<16xi32>,
    %get3A_357 = arith.constant 1 : i32
    %get3A_358 = arith.index_cast %get3A_357 : i32 to index
    %get3A_359 = arith.constant 48 : index
    %get3A_360 = tpu.vector_load %arg16[%get3A_358, %get3A_359] {strides = array<i32>} : memref<80x128xi32, #tpu.memory_space<vmem>>, vector<16xi32>,
    %add3A_361 = arith.constant 48 : i32
    %add3A_362 = arith.addi %multiple_of3A_262, %add3A_361 : i32
    %get3A_363 = arith.index_cast %add3A_362 : i32 to index
    %get3A_364 = tpu.vector_load %arg17[%get3A_363] {strides = array<i32>} : memref<10240xf32, #tpu.memory_space<vmem>>, vector<16xf32>,
    %gather3A_365 = tpu.vector_load_idx %arg12[%get3A_356] : memref<10112xf32, #tpu.memory_space<vmem>>[vector<16xi32>], vector<16xf32>,
    %gather3A_366 = tpu.vector_load_idx %arg12[%get3A_360] : memref<10112xf32, #tpu.memory_space<vmem>>[vector<16xi32>], vector<16xf32>,
    %sub3A_367 = arith.subf %gather3A_365, %gather3A_366 : vector<16xf32>
    %mul3A_368 = arith.mulf %sub3A_367, %get3A_364 : vector<16xf32>
    %swap3A_369 = arith.constant 48 : index
    %swap3A_370 = tpu.vector_load %arg21[%swap3A_369] {strides = array<i32>} : memref<128xf32, #tpu.memory_space<vmem>>, vector<16xf32>,
    tpu.vector_store %arg21[%swap3A_369], %mul3A_368 {strides = array<i32>} : memref<128xf32, #tpu.memory_space<vmem>>, vector<16xf32>,
    %gather3A_371 = tpu.vector_load_idx %arg13[%get3A_356] : memref<10112xf32, #tpu.memory_space<vmem>>[vector<16xi32>], vector<16xf32>,
    %gather3A_372 = tpu.vector_load_idx %arg13[%get3A_360] : memref<10112xf32, #tpu.memory_space<vmem>>[vector<16xi32>], vector<16xf32>,
    %sub3A_373 = arith.subf %gather3A_371, %gather3A_372 : vector<16xf32>
    %mul3A_374 = arith.mulf %sub3A_373, %get3A_364 : vector<16xf32>
    %swap3A_375 = arith.constant 48 : index
    %swap3A_376 = tpu.vector_load %arg22[%swap3A_375] {strides = array<i32>} : memref<128xf32, #tpu.memory_space<vmem>>, vector<16xf32>,
    tpu.vector_store %arg22[%swap3A_375], %mul3A_374 {strides = array<i32>} : memref<128xf32, #tpu.memory_space<vmem>>, vector<16xf32>,
    %gather3A_377 = tpu.vector_load_idx %arg14[%get3A_356] : memref<10112xf32, #tpu.memory_space<vmem>>[vector<16xi32>], vector<16xf32>,
    %gather3A_378 = tpu.vector_load_idx %arg14[%get3A_360] : memref<10112xf32, #tpu.memory_space<vmem>>[vector<16xi32>], vector<16xf32>,
    %sub3A_379 = arith.subf %gather3A_377, %gather3A_378 : vector<16xf32>
    %mul3A_380 = arith.mulf %sub3A_379, %get3A_364 : vector<16xf32>
    %swap3A_381 = arith.constant 48 : index
    %swap3A_382 = tpu.vector_load %arg23[%swap3A_381] {strides = array<i32>} : memref<128xf32, #tpu.memory_space<vmem>>, vector<16xf32>,
    tpu.vector_store %arg23[%swap3A_381], %mul3A_380 {strides = array<i32>} : memref<128xf32, #tpu.memory_space<vmem>>, vector<16xf32>,
    %add3A_383 = arith.constant 64 : i32
    %add3A_384 = arith.addi %multiple_of3A_262, %add3A_383 : i32
    %get3A_385 = arith.index_cast %add3A_384 : i32 to index
    %get3A_386 = tpu.vector_load %arg15[%get3A_385] {strides = array<i32>} : memref<10240xi32, #tpu.memory_space<vmem>>, vector<16xi32>,
    %get3A_387 = arith.constant 1 : i32
    %get3A_388 = arith.index_cast %get3A_387 : i32 to index
    %get3A_389 = arith.constant 64 : index
    %get3A_390 = tpu.vector_load %arg16[%get3A_388, %get3A_389] {strides = array<i32>} : memref<80x128xi32, #tpu.memory_space<vmem>>, vector<16xi32>,
    %add3A_391 = arith.constant 64 : i32
    %add3A_392 = arith.addi %multiple_of3A_262, %add3A_391 : i32
    %get3A_393 = arith.index_cast %add3A_392 : i32 to index
    %get3A_394 = tpu.vector_load %arg17[%get3A_393] {strides = array<i32>} : memref<10240xf32, #tpu.memory_space<vmem>>, vector<16xf32>,
    %gather3A_395 = tpu.vector_load_idx %arg12[%get3A_386] : memref<10112xf32, #tpu.memory_space<vmem>>[vector<16xi32>], vector<16xf32>,
    %gather3A_396 = tpu.vector_load_idx %arg12[%get3A_390] : memref<10112xf32, #tpu.memory_space<vmem>>[vector<16xi32>], vector<16xf32>,
    %sub3A_397 = arith.subf %gather3A_395, %gather3A_396 : vector<16xf32>
    %mul3A_398 = arith.mulf %sub3A_397, %get3A_394 : vector<16xf32>
    %swap3A_399 = arith.constant 64 : index
    %swap3A_400 = tpu.vector_load %arg21[%swap3A_399] {strides = array<i32>} : memref<128xf32, #tpu.memory_space<vmem>>, vector<16xf32>,
    tpu.vector_store %arg21[%swap3A_399], %mul3A_398 {strides = array<i32>} : memref<128xf32, #tpu.memory_space<vmem>>, vector<16xf32>,
    %gather3A_401 = tpu.vector_load_idx %arg13[%get3A_386] : memref<10112xf32, #tpu.memory_space<vmem>>[vector<16xi32>], vector<16xf32>,
    %gather3A_402 = tpu.vector_load_idx %arg13[%get3A_390] : memref<10112xf32, #tpu.memory_space<vmem>>[vector<16xi32>], vector<16xf32>,
    %sub3A_403 = arith.subf %gather3A_401, %gather3A_402 : vector<16xf32>
    %mul3A_404 = arith.mulf %sub3A_403, %get3A_394 : vector<16xf32>
    %swap3A_405 = arith.constant 64 : index
    %swap3A_406 = tpu.vector_load %arg22[%swap3A_405] {strides = array<i32>} : memref<128xf32, #tpu.memory_space<vmem>>, vector<16xf32>,
    tpu.vector_store %arg22[%swap3A_405], %mul3A_404 {strides = array<i32>} : memref<128xf32, #tpu.memory_space<vmem>>, vector<16xf32>,
    %gather3A_407 = tpu.vector_load_idx %arg14[%get3A_386] : memref<10112xf32, #tpu.memory_space<vmem>>[vector<16xi32>], vector<16xf32>,
    %gather3A_408 = tpu.vector_load_idx %arg14[%get3A_390] : memref<10112xf32, #tpu.memory_space<vmem>>[vector<16xi32>], vector<16xf32>,
    %sub3A_409 = arith.subf %gather3A_407, %gather3A_408 : vector<16xf32>
    %mul3A_410 = arith.mulf %sub3A_409, %get3A_394 : vector<16xf32>
    %swap3A_411 = arith.constant 64 : index
    %swap3A_412 = tpu.vector_load %arg23[%swap3A_411] {strides = array<i32>} : memref<128xf32, #tpu.memory_space<vmem>>, vector<16xf32>,
    tpu.vector_store %arg23[%swap3A_411], %mul3A_410 {strides = array<i32>} : memref<128xf32, #tpu.memory_space<vmem>>, vector<16xf32>,
    %add3A_413 = arith.constant 80 : i32
    %add3A_414 = arith.addi %multiple_of3A_262, %add3A_413 : i32
    %get3A_415 = arith.index_cast %add3A_414 : i32 to index
    %get3A_416 = tpu.vector_load %arg15[%get3A_415] {strides = array<i32>} : memref<10240xi32, #tpu.memory_space<vmem>>, vector<16xi32>,
    %get3A_417 = arith.constant 1 : i32
    %get3A_418 = arith.index_cast %get3A_417 : i32 to index
    %get3A_419 = arith.constant 80 : index
    %get3A_420 = tpu.vector_load %arg16[%get3A_418, %get3A_419] {strides = array<i32>} : memref<80x128xi32, #tpu.memory_space<vmem>>, vector<16xi32>,
    %add3A_421 = arith.constant 80 : i32
    %add3A_422 = arith.addi %multiple_of3A_262, %add3A_421 : i32
    %get3A_423 = arith.index_cast %add3A_422 : i32 to index
    %get3A_424 = tpu.vector_load %arg17[%get3A_423] {strides = array<i32>} : memref<10240xf32, #tpu.memory_space<vmem>>, vector<16xf32>,
    %gather3A_425 = tpu.vector_load_idx %arg12[%get3A_416] : memref<10112xf32, #tpu.memory_space<vmem>>[vector<16xi32>], vector<16xf32>,
    %gather3A_426 = tpu.vector_load_idx %arg12[%get3A_420] : memref<10112xf32, #tpu.memory_space<vmem>>[vector<16xi32>], vector<16xf32>,
    %sub3A_427 = arith.subf %gather3A_425, %gather3A_426 : vector<16xf32>
    %mul3A_428 = arith.mulf %sub3A_427, %get3A_424 : vector<16xf32>
    %swap3A_429 = arith.constant 80 : index
    %swap3A_430 = tpu.vector_load %arg21[%swap3A_429] {strides = array<i32>} : memref<128xf32, #tpu.memory_space<vmem>>, vector<16xf32>,
    tpu.vector_store %arg21[%swap3A_429], %mul3A_428 {strides = array<i32>} : memref<128xf32, #tpu.memory_space<vmem>>, vector<16xf32>,
    %gather3A_431 = tpu.vector_load_idx %arg13[%get3A_416] : memref<10112xf32, #tpu.memory_space<vmem>>[vector<16xi32>], vector<16xf32>,
    %gather3A_432 = tpu.vector_load_idx %arg13[%get3A_420] : memref<10112xf32, #tpu.memory_space<vmem>>[vector<16xi32>], vector<16xf32>,
    %sub3A_433 = arith.subf %gather3A_431, %gather3A_432 : vector<16xf32>
    %mul3A_434 = arith.mulf %sub3A_433, %get3A_424 : vector<16xf32>
    %swap3A_435 = arith.constant 80 : index
    %swap3A_436 = tpu.vector_load %arg22[%swap3A_435] {strides = array<i32>} : memref<128xf32, #tpu.memory_space<vmem>>, vector<16xf32>,
    tpu.vector_store %arg22[%swap3A_435], %mul3A_434 {strides = array<i32>} : memref<128xf32, #tpu.memory_space<vmem>>, vector<16xf32>,
    %gather3A_437 = tpu.vector_load_idx %arg14[%get3A_416] : memref<10112xf32, #tpu.memory_space<vmem>>[vector<16xi32>], vector<16xf32>,
    %gather3A_438 = tpu.vector_load_idx %arg14[%get3A_420] : memref<10112xf32, #tpu.memory_space<vmem>>[vector<16xi32>], vector<16xf32>,
    %sub3A_439 = arith.subf %gather3A_437, %gather3A_438 : vector<16xf32>
    %mul3A_440 = arith.mulf %sub3A_439, %get3A_424 : vector<16xf32>
    %swap3A_441 = arith.constant 80 : index
    %swap3A_442 = tpu.vector_load %arg23[%swap3A_441] {strides = array<i32>} : memref<128xf32, #tpu.memory_space<vmem>>, vector<16xf32>,
    tpu.vector_store %arg23[%swap3A_441], %mul3A_440 {strides = array<i32>} : memref<128xf32, #tpu.memory_space<vmem>>, vector<16xf32>,
    %add3A_443 = arith.constant 96 : i32
    %add3A_444 = arith.addi %multiple_of3A_262, %add3A_443 : i32
    %get3A_445 = arith.index_cast %add3A_444 : i32 to index
    %get3A_446 = tpu.vector_load %arg15[%get3A_445] {strides = array<i32>} : memref<10240xi32, #tpu.memory_space<vmem>>, vector<16xi32>,
    %get3A_447 = arith.constant 1 : i32
    %get3A_448 = arith.index_cast %get3A_447 : i32 to index
    %get3A_449 = arith.constant 96 : index
    %get3A_450 = tpu.vector_load %arg16[%get3A_448, %get3A_449] {strides = array<i32>} : memref<80x128xi32, #tpu.memory_space<vmem>>, vector<16xi32>,
    %add3A_451 = arith.constant 96 : i32
    %add3A_452 = arith.addi %multiple_of3A_262, %add3A_451 : i32
    %get3A_453 = arith.index_cast %add3A_452 : i32 to index
    %get3A_454 = tpu.vector_load %arg17[%get3A_453] {strides = array<i32>} : memref<10240xf32, #tpu.memory_space<vmem>>, vector<16xf32>,
    %gather3A_455 = tpu.vector_load_idx %arg12[%get3A_446] : memref<10112xf32, #tpu.memory_space<vmem>>[vector<16xi32>], vector<16xf32>,
    %gather3A_456 = tpu.vector_load_idx %arg12[%get3A_450] : memref<10112xf32, #tpu.memory_space<vmem>>[vector<16xi32>], vector<16xf32>,
    %sub3A_457 = arith.subf %gather3A_455, %gather3A_456 : vector<16xf32>
    %mul3A_458 = arith.mulf %sub3A_457, %get3A_454 : vector<16xf32>
    %swap3A_459 = arith.constant 96 : index
    %swap3A_460 = tpu.vector_load %arg21[%swap3A_459] {strides = array<i32>} : memref<128xf32, #tpu.memory_space<vmem>>, vector<16xf32>,
    tpu.vector_store %arg21[%swap3A_459], %mul3A_458 {strides = array<i32>} : memref<128xf32, #tpu.memory_space<vmem>>, vector<16xf32>,
    %gather3A_461 = tpu.vector_load_idx %arg13[%get3A_446] : memref<10112xf32, #tpu.memory_space<vmem>>[vector<16xi32>], vector<16xf32>,
    %gather3A_462 = tpu.vector_load_idx %arg13[%get3A_450] : memref<10112xf32, #tpu.memory_space<vmem>>[vector<16xi32>], vector<16xf32>,
    %sub3A_463 = arith.subf %gather3A_461, %gather3A_462 : vector<16xf32>
    %mul3A_464 = arith.mulf %sub3A_463, %get3A_454 : vector<16xf32>
    %swap3A_465 = arith.constant 96 : index
    %swap3A_466 = tpu.vector_load %arg22[%swap3A_465] {strides = array<i32>} : memref<128xf32, #tpu.memory_space<vmem>>, vector<16xf32>,
    tpu.vector_store %arg22[%swap3A_465], %mul3A_464 {strides = array<i32>} : memref<128xf32, #tpu.memory_space<vmem>>, vector<16xf32>,
    %gather3A_467 = tpu.vector_load_idx %arg14[%get3A_446] : memref<10112xf32, #tpu.memory_space<vmem>>[vector<16xi32>], vector<16xf32>,
    %gather3A_468 = tpu.vector_load_idx %arg14[%get3A_450] : memref<10112xf32, #tpu.memory_space<vmem>>[vector<16xi32>], vector<16xf32>,
    %sub3A_469 = arith.subf %gather3A_467, %gather3A_468 : vector<16xf32>
    %mul3A_470 = arith.mulf %sub3A_469, %get3A_454 : vector<16xf32>
    %swap3A_471 = arith.constant 96 : index
    %swap3A_472 = tpu.vector_load %arg23[%swap3A_471] {strides = array<i32>} : memref<128xf32, #tpu.memory_space<vmem>>, vector<16xf32>,
    tpu.vector_store %arg23[%swap3A_471], %mul3A_470 {strides = array<i32>} : memref<128xf32, #tpu.memory_space<vmem>>, vector<16xf32>,
    %add3A_473 = arith.constant 112 : i32
    %add3A_474 = arith.addi %multiple_of3A_262, %add3A_473 : i32
    %get3A_475 = arith.index_cast %add3A_474 : i32 to index
    %get3A_476 = tpu.vector_load %arg15[%get3A_475] {strides = array<i32>} : memref<10240xi32, #tpu.memory_space<vmem>>, vector<16xi32>,
    %get3A_477 = arith.constant 1 : i32
    %get3A_478 = arith.index_cast %get3A_477 : i32 to index
    %get3A_479 = arith.constant 112 : index
    %get3A_480 = tpu.vector_load %arg16[%get3A_478, %get3A_479] {strides = array<i32>} : memref<80x128xi32, #tpu.memory_space<vmem>>, vector<16xi32>,
    %add3A_481 = arith.constant 112 : i32
    %add3A_482 = arith.addi %multiple_of3A_262, %add3A_481 : i32
    %get3A_483 = arith.index_cast %add3A_482 : i32 to index
    %get3A_484 = tpu.vector_load %arg17[%get3A_483] {strides = array<i32>} : memref<10240xf32, #tpu.memory_space<vmem>>, vector<16xf32>,
    %gather3A_485 = tpu.vector_load_idx %arg12[%get3A_476] : memref<10112xf32, #tpu.memory_space<vmem>>[vector<16xi32>], vector<16xf32>,
    %gather3A_486 = tpu.vector_load_idx %arg12[%get3A_480] : memref<10112xf32, #tpu.memory_space<vmem>>[vector<16xi32>], vector<16xf32>,
    %sub3A_487 = arith.subf %gather3A_485, %gather3A_486 : vector<16xf32>
    %mul3A_488 = arith.mulf %sub3A_487, %get3A_484 : vector<16xf32>
    %swap3A_489 = arith.constant 112 : index
    %swap3A_490 = tpu.vector_load %arg21[%swap3A_489] {strides = array<i32>} : memref<128xf32, #tpu.memory_space<vmem>>, vector<16xf32>,
    tpu.vector_store %arg21[%swap3A_489], %mul3A_488 {strides = array<i32>} : memref<128xf32, #tpu.memory_space<vmem>>, vector<16xf32>,
    %gather3A_491 = tpu.vector_load_idx %arg13[%get3A_476] : memref<10112xf32, #tpu.memory_space<vmem>>[vector<16xi32>], vector<16xf32>,
    %gather3A_492 = tpu.vector_load_idx %arg13[%get3A_480] : memref<10112xf32, #tpu.memory_space<vmem>>[vector<16xi32>], vector<16xf32>,
    %sub3A_493 = arith.subf %gather3A_491, %gather3A_492 : vector<16xf32>
    %mul3A_494 = arith.mulf %sub3A_493, %get3A_484 : vector<16xf32>
    %swap3A_495 = arith.constant 112 : index
    %swap3A_496 = tpu.vector_load %arg22[%swap3A_495] {strides = array<i32>} : memref<128xf32, #tpu.memory_space<vmem>>, vector<16xf32>,
    tpu.vector_store %arg22[%swap3A_495], %mul3A_494 {strides = array<i32>} : memref<128xf32, #tpu.memory_space<vmem>>, vector<16xf32>,
    %gather3A_497 = tpu.vector_load_idx %arg14[%get3A_476] : memref<10112xf32, #tpu.memory_space<vmem>>[vector<16xi32>], vector<16xf32>,
    %gather3A_498 = tpu.vector_load_idx %arg14[%get3A_480] : memref<10112xf32, #tpu.memory_space<vmem>>[vector<16xi32>], vector<16xf32>,
    %sub3A_499 = arith.subf %gather3A_497, %gather3A_498 : vector<16xf32>
    %mul3A_500 = arith.mulf %sub3A_499, %get3A_484 : vector<16xf32>
    %swap3A_501 = arith.constant 112 : index
    %swap3A_502 = tpu.vector_load %arg23[%swap3A_501] {strides = array<i32>} : memref<128xf32, #tpu.memory_space<vmem>>, vector<16xf32>,
    tpu.vector_store %arg23[%swap3A_501], %mul3A_500 {strides = array<i32>} : memref<128xf32, #tpu.memory_space<vmem>>, vector<16xf32>,
    %dma_start3A_503 = arith.constant 1 : i32
    %dma_start3A_504 = arith.constant 0 : i32
    %dma_start3A_505 = tpu.memref_slice %arg16[%dma_start3A_503, %dma_start3A_504] : memref<80x128xi32, #tpu.memory_space<vmem>> -> memref<1x128xi32, #tpu.memory_space<vmem>>
    %dma_start3A_506 = tpu.memref_squeeze %dma_start3A_505 : memref<1x128xi32, #tpu.memory_space<vmem>> -> memref<128xi32, #tpu.memory_space<vmem>>
    %dma_start3A_507 = arith.constant 0 : i32
    %dma_start3A_508 = tpu.memref_slice %arg30[%dma_start3A_507] : memref<10112xf32, #tpu.memory_space<vmem_shared>> -> memref<10112xf32, #tpu.memory_space<vmem_shared>>
    tpu.enqueue_indirect_dma source(%arg21 : memref<128xf32, #tpu.memory_space<vmem>>) target(%dma_start3A_508 : memref<10112xf32, #tpu.memory_space<vmem_shared>>) offsets(%dma_start3A_506 : memref<128xi32, #tpu.memory_space<vmem>>) semaphore(%arg34 : memref<!tpu.dma_semaphore, #tpu.memory_space<semaphore_mem>>) {add = true}
    %dma_start3A_509 = arith.constant 1 : i32
    %dma_start3A_510 = arith.constant 0 : i32
    %dma_start3A_511 = tpu.memref_slice %arg16[%dma_start3A_509, %dma_start3A_510] : memref<80x128xi32, #tpu.memory_space<vmem>> -> memref<1x128xi32, #tpu.memory_space<vmem>>
    %dma_start3A_512 = tpu.memref_squeeze %dma_start3A_511 : memref<1x128xi32, #tpu.memory_space<vmem>> -> memref<128xi32, #tpu.memory_space<vmem>>
    %dma_start3A_513 = arith.constant 0 : i32
    %dma_start3A_514 = tpu.memref_slice %arg31[%dma_start3A_513] : memref<10112xf32, #tpu.memory_space<vmem_shared>> -> memref<10112xf32, #tpu.memory_space<vmem_shared>>
    tpu.enqueue_indirect_dma source(%arg22 : memref<128xf32, #tpu.memory_space<vmem>>) target(%dma_start3A_514 : memref<10112xf32, #tpu.memory_space<vmem_shared>>) offsets(%dma_start3A_512 : memref<128xi32, #tpu.memory_space<vmem>>) semaphore(%arg34 : memref<!tpu.dma_semaphore, #tpu.memory_space<semaphore_mem>>) {add = true}
    %dma_start3A_515 = arith.constant 1 : i32
    %dma_start3A_516 = arith.constant 0 : i32
    %dma_start3A_517 = tpu.memref_slice %arg16[%dma_start3A_515, %dma_start3A_516] : memref<80x128xi32, #tpu.memory_space<vmem>> -> memref<1x128xi32, #tpu.memory_space<vmem>>
    %dma_start3A_518 = tpu.memref_squeeze %dma_start3A_517 : memref<1x128xi32, #tpu.memory_space<vmem>> -> memref<128xi32, #tpu.memory_space<vmem>>
    %dma_start3A_519 = arith.constant 0 : i32
    %dma_start3A_520 = tpu.memref_slice %arg32[%dma_start3A_519] : memref<10112xf32, #tpu.memory_space<vmem_shared>> -> memref<10112xf32, #tpu.memory_space<vmem_shared>>
    tpu.enqueue_indirect_dma source(%arg23 : memref<128xf32, #tpu.memory_space<vmem>>) target(%dma_start3A_520 : memref<10112xf32, #tpu.memory_space<vmem_shared>>) offsets(%dma_start3A_518 : memref<128xi32, #tpu.memory_space<vmem>>) semaphore(%arg34 : memref<!tpu.dma_semaphore, #tpu.memory_space<semaphore_mem>>) {add = true}
    %multiple_of3A_521 = arith.constant 256 : i32
    %multiple_of3A_522 = tpu.assume_multiple %multiple_of3A_521, 128 : i32
    %add3A_523 = arith.constant 0 : i32
    %add3A_524 = arith.addi %multiple_of3A_522, %add3A_523 : i32
    %get3A_525 = arith.index_cast %add3A_524 : i32 to index
    %get3A_526 = tpu.vector_load %arg15[%get3A_525] {strides = array<i32>} : memref<10240xi32, #tpu.memory_space<vmem>>, vector<16xi32>,
    %get3A_527 = arith.constant 2 : i32
    %get3A_528 = arith.index_cast %get3A_527 : i32 to index
    %get3A_529 = arith.constant 0 : index
    %get3A_530 = tpu.vector_load %arg16[%get3A_528, %get3A_529] {strides = array<i32>} : memref<80x128xi32, #tpu.memory_space<vmem>>, vector<16xi32>,
    %add3A_531 = arith.constant 0 : i32
    %add3A_532 = arith.addi %multiple_of3A_522, %add3A_531 : i32
    %get3A_533 = arith.index_cast %add3A_532 : i32 to index
    %get3A_534 = tpu.vector_load %arg17[%get3A_533] {strides = array<i32>} : memref<10240xf32, #tpu.memory_space<vmem>>, vector<16xf32>,
    %gather3A_535 = tpu.vector_load_idx %arg12[%get3A_526] : memref<10112xf32, #tpu.memory_space<vmem>>[vector<16xi32>], vector<16xf32>,
    %gather3A_536 = tpu.vector_load_idx %arg12[%get3A_530] : memref<10112xf32, #tpu.memory_space<vmem>>[vector<16xi32>], vector<16xf32>,
    %sub3A_537 = arith.subf %gather3A_535, %gather3A_536 : vector<16xf32>
    %mul3A_538 = arith.mulf %sub3A_537, %get3A_534 : vector<16xf32>
    %swap3A_539 = arith.constant 0 : index
    %swap3A_540 = tpu.vector_load %arg24[%swap3A_539] {strides = array<i32>} : memref<128xf32, #tpu.memory_space<vmem>>, vector<16xf32>,
    tpu.vector_store %arg24[%swap3A_539], %mul3A_538 {strides = array<i32>} : memref<128xf32, #tpu.memory_space<vmem>>, vector<16xf32>,
    %gather3A_541 = tpu.vector_load_idx %arg13[%get3A_526] : memref<10112xf32, #tpu.memory_space<vmem>>[vector<16xi32>], vector<16xf32>,
    %gather3A_542 = tpu.vector_load_idx %arg13[%get3A_530] : memref<10112xf32, #tpu.memory_space<vmem>>[vector<16xi32>], vector<16xf32>,
    %sub3A_543 = arith.subf %gather3A_541, %gather3A_542 : vector<16xf32>
    %mul3A_544 = arith.mulf %sub3A_543, %get3A_534 : vector<16xf32>
    %swap3A_545 = arith.constant 0 : index
    %swap3A_546 = tpu.vector_load %arg25[%swap3A_545] {strides = array<i32>} : memref<128xf32, #tpu.memory_space<vmem>>, vector<16xf32>,
    tpu.vector_store %arg25[%swap3A_545], %mul3A_544 {strides = array<i32>} : memref<128xf32, #tpu.memory_space<vmem>>, vector<16xf32>,
    %gather3A_547 = tpu.vector_load_idx %arg14[%get3A_526] : memref<10112xf32, #tpu.memory_space<vmem>>[vector<16xi32>], vector<16xf32>,
    %gather3A_548 = tpu.vector_load_idx %arg14[%get3A_530] : memref<10112xf32, #tpu.memory_space<vmem>>[vector<16xi32>], vector<16xf32>,
    %sub3A_549 = arith.subf %gather3A_547, %gather3A_548 : vector<16xf32>
    %mul3A_550 = arith.mulf %sub3A_549, %get3A_534 : vector<16xf32>
    %swap3A_551 = arith.constant 0 : index
    %swap3A_552 = tpu.vector_load %arg26[%swap3A_551] {strides = array<i32>} : memref<128xf32, #tpu.memory_space<vmem>>, vector<16xf32>,
    tpu.vector_store %arg26[%swap3A_551], %mul3A_550 {strides = array<i32>} : memref<128xf32, #tpu.memory_space<vmem>>, vector<16xf32>,
    %add3A_553 = arith.constant 16 : i32
    %add3A_554 = arith.addi %multiple_of3A_522, %add3A_553 : i32
    %get3A_555 = arith.index_cast %add3A_554 : i32 to index
    %get3A_556 = tpu.vector_load %arg15[%get3A_555] {strides = array<i32>} : memref<10240xi32, #tpu.memory_space<vmem>>, vector<16xi32>,
    %get3A_557 = arith.constant 2 : i32
    %get3A_558 = arith.index_cast %get3A_557 : i32 to index
    %get3A_559 = arith.constant 16 : index
    %get3A_560 = tpu.vector_load %arg16[%get3A_558, %get3A_559] {strides = array<i32>} : memref<80x128xi32, #tpu.memory_space<vmem>>, vector<16xi32>,
    %add3A_561 = arith.constant 16 : i32
    %add3A_562 = arith.addi %multiple_of3A_522, %add3A_561 : i32
    %get3A_563 = arith.index_cast %add3A_562 : i32 to index
    %get3A_564 = tpu.vector_load %arg17[%get3A_563] {strides = array<i32>} : memref<10240xf32, #tpu.memory_space<vmem>>, vector<16xf32>,
    %gather3A_565 = tpu.vector_load_idx %arg12[%get3A_556] : memref<10112xf32, #tpu.memory_space<vmem>>[vector<16xi32>], vector<16xf32>,
    %gather3A_566 = tpu.vector_load_idx %arg12[%get3A_560] : memref<10112xf32, #tpu.memory_space<vmem>>[vector<16xi32>], vector<16xf32>,
    %sub3A_567 = arith.subf %gather3A_565, %gather3A_566 : vector<16xf32>
    %mul3A_568 = arith.mulf %sub3A_567, %get3A_564 : vector<16xf32>
    %swap3A_569 = arith.constant 16 : index
    %swap3A_570 = tpu.vector_load %arg24[%swap3A_569] {strides = array<i32>} : memref<128xf32, #tpu.memory_space<vmem>>, vector<16xf32>,
    tpu.vector_store %arg24[%swap3A_569], %mul3A_568 {strides = array<i32>} : memref<128xf32, #tpu.memory_space<vmem>>, vector<16xf32>,
    %gather3A_571 = tpu.vector_load_idx %arg13[%get3A_556] : memref<10112xf32, #tpu.memory_space<vmem>>[vector<16xi32>], vector<16xf32>,
    %gather3A_572 = tpu.vector_load_idx %arg13[%get3A_560] : memref<10112xf32, #tpu.memory_space<vmem>>[vector<16xi32>], vector<16xf32>,
    %sub3A_573 = arith.subf %gather3A_571, %gather3A_572 : vector<16xf32>
    %mul3A_574 = arith.mulf %sub3A_573, %get3A_564 : vector<16xf32>
    %swap3A_575 = arith.constant 16 : index
    %swap3A_576 = tpu.vector_load %arg25[%swap3A_575] {strides = array<i32>} : memref<128xf32, #tpu.memory_space<vmem>>, vector<16xf32>,
    tpu.vector_store %arg25[%swap3A_575], %mul3A_574 {strides = array<i32>} : memref<128xf32, #tpu.memory_space<vmem>>, vector<16xf32>,
    %gather3A_577 = tpu.vector_load_idx %arg14[%get3A_556] : memref<10112xf32, #tpu.memory_space<vmem>>[vector<16xi32>], vector<16xf32>,
    %gather3A_578 = tpu.vector_load_idx %arg14[%get3A_560] : memref<10112xf32, #tpu.memory_space<vmem>>[vector<16xi32>], vector<16xf32>,
    %sub3A_579 = arith.subf %gather3A_577, %gather3A_578 : vector<16xf32>
    %mul3A_580 = arith.mulf %sub3A_579, %get3A_564 : vector<16xf32>
    %swap3A_581 = arith.constant 16 : index
    %swap3A_582 = tpu.vector_load %arg26[%swap3A_581] {strides = array<i32>} : memref<128xf32, #tpu.memory_space<vmem>>, vector<16xf32>,
    tpu.vector_store %arg26[%swap3A_581], %mul3A_580 {strides = array<i32>} : memref<128xf32, #tpu.memory_space<vmem>>, vector<16xf32>,
    %add3A_583 = arith.constant 32 : i32
    %add3A_584 = arith.addi %multiple_of3A_522, %add3A_583 : i32
    %get3A_585 = arith.index_cast %add3A_584 : i32 to index
    %get3A_586 = tpu.vector_load %arg15[%get3A_585] {strides = array<i32>} : memref<10240xi32, #tpu.memory_space<vmem>>, vector<16xi32>,
    %get3A_587 = arith.constant 2 : i32
    %get3A_588 = arith.index_cast %get3A_587 : i32 to index
    %get3A_589 = arith.constant 32 : index
    %get3A_590 = tpu.vector_load %arg16[%get3A_588, %get3A_589] {strides = array<i32>} : memref<80x128xi32, #tpu.memory_space<vmem>>, vector<16xi32>,
    %add3A_591 = arith.constant 32 : i32
    %add3A_592 = arith.addi %multiple_of3A_522, %add3A_591 : i32
    %get3A_593 = arith.index_cast %add3A_592 : i32 to index
    %get3A_594 = tpu.vector_load %arg17[%get3A_593] {strides = array<i32>} : memref<10240xf32, #tpu.memory_space<vmem>>, vector<16xf32>,
    %gather3A_595 = tpu.vector_load_idx %arg12[%get3A_586] : memref<10112xf32, #tpu.memory_space<vmem>>[vector<16xi32>], vector<16xf32>,
    %gather3A_596 = tpu.vector_load_idx %arg12[%get3A_590] : memref<10112xf32, #tpu.memory_space<vmem>>[vector<16xi32>], vector<16xf32>,
    %sub3A_597 = arith.subf %gather3A_595, %gather3A_596 : vector<16xf32>
    %mul3A_598 = arith.mulf %sub3A_597, %get3A_594 : vector<16xf32>
    %swap3A_599 = arith.constant 32 : index
    %swap3A_600 = tpu.vector_load %arg24[%swap3A_599] {strides = array<i32>} : memref<128xf32, #tpu.memory_space<vmem>>, vector<16xf32>,
    tpu.vector_store %arg24[%swap3A_599], %mul3A_598 {strides = array<i32>} : memref<128xf32, #tpu.memory_space<vmem>>, vector<16xf32>,
    %gather3A_601 = tpu.vector_load_idx %arg13[%get3A_586] : memref<10112xf32, #tpu.memory_space<vmem>>[vector<16xi32>], vector<16xf32>,
    %gather3A_602 = tpu.vector_load_idx %arg13[%get3A_590] : memref<10112xf32, #tpu.memory_space<vmem>>[vector<16xi32>], vector<16xf32>,
    %sub3A_603 = arith.subf %gather3A_601, %gather3A_602 : vector<16xf32>
    %mul3A_604 = arith.mulf %sub3A_603, %get3A_594 : vector<16xf32>
    %swap3A_605 = arith.constant 32 : index
    %swap3A_606 = tpu.vector_load %arg25[%swap3A_605] {strides = array<i32>} : memref<128xf32, #tpu.memory_space<vmem>>, vector<16xf32>,
    tpu.vector_store %arg25[%swap3A_605], %mul3A_604 {strides = array<i32>} : memref<128xf32, #tpu.memory_space<vmem>>, vector<16xf32>,
    %gather3A_607 = tpu.vector_load_idx %arg14[%get3A_586] : memref<10112xf32, #tpu.memory_space<vmem>>[vector<16xi32>], vector<16xf32>,
    %gather3A_608 = tpu.vector_load_idx %arg14[%get3A_590] : memref<10112xf32, #tpu.memory_space<vmem>>[vector<16xi32>], vector<16xf32>,
    %sub3A_609 = arith.subf %gather3A_607, %gather3A_608 : vector<16xf32>
    %mul3A_610 = arith.mulf %sub3A_609, %get3A_594 : vector<16xf32>
    %swap3A_611 = arith.constant 32 : index
    %swap3A_612 = tpu.vector_load %arg26[%swap3A_611] {strides = array<i32>} : memref<128xf32, #tpu.memory_space<vmem>>, vector<16xf32>,
    tpu.vector_store %arg26[%swap3A_611], %mul3A_610 {strides = array<i32>} : memref<128xf32, #tpu.memory_space<vmem>>, vector<16xf32>,
    %add3A_613 = arith.constant 48 : i32
    %add3A_614 = arith.addi %multiple_of3A_522, %add3A_613 : i32
    %get3A_615 = arith.index_cast %add3A_614 : i32 to index
    %get3A_616 = tpu.vector_load %arg15[%get3A_615] {strides = array<i32>} : memref<10240xi32, #tpu.memory_space<vmem>>, vector<16xi32>,
    %get3A_617 = arith.constant 2 : i32
    %get3A_618 = arith.index_cast %get3A_617 : i32 to index
    %get3A_619 = arith.constant 48 : index
    %get3A_620 = tpu.vector_load %arg16[%get3A_618, %get3A_619] {strides = array<i32>} : memref<80x128xi32, #tpu.memory_space<vmem>>, vector<16xi32>,
    %add3A_621 = arith.constant 48 : i32
    %add3A_622 = arith.addi %multiple_of3A_522, %add3A_621 : i32
    %get3A_623 = arith.index_cast %add3A_622 : i32 to index
    %get3A_624 = tpu.vector_load %arg17[%get3A_623] {strides = array<i32>} : memref<10240xf32, #tpu.memory_space<vmem>>, vector<16xf32>,
    %gather3A_625 = tpu.vector_load_idx %arg12[%get3A_616] : memref<10112xf32, #tpu.memory_space<vmem>>[vector<16xi32>], vector<16xf32>,
    %gather3A_626 = tpu.vector_load_idx %arg12[%get3A_620] : memref<10112xf32, #tpu.memory_space<vmem>>[vector<16xi32>], vector<16xf32>,
    %sub3A_627 = arith.subf %gather3A_625, %gather3A_626 : vector<16xf32>
    %mul3A_628 = arith.mulf %sub3A_627, %get3A_624 : vector<16xf32>
    %swap3A_629 = arith.constant 48 : index
    %swap3A_630 = tpu.vector_load %arg24[%swap3A_629] {strides = array<i32>} : memref<128xf32, #tpu.memory_space<vmem>>, vector<16xf32>,
    tpu.vector_store %arg24[%swap3A_629], %mul3A_628 {strides = array<i32>} : memref<128xf32, #tpu.memory_space<vmem>>, vector<16xf32>,
    %gather3A_631 = tpu.vector_load_idx %arg13[%get3A_616] : memref<10112xf32, #tpu.memory_space<vmem>>[vector<16xi32>], vector<16xf32>,
    %gather3A_632 = tpu.vector_load_idx %arg13[%get3A_620] : memref<10112xf32, #tpu.memory_space<vmem>>[vector<16xi32>], vector<16xf32>,
    %sub3A_633 = arith.subf %gather3A_631, %gather3A_632 : vector<16xf32>
    %mul3A_634 = arith.mulf %sub3A_633, %get3A_624 : vector<16xf32>
    %swap3A_635 = arith.constant 48 : index
    %swap3A_636 = tpu.vector_load %arg25[%swap3A_635] {strides = array<i32>} : memref<128xf32, #tpu.memory_space<vmem>>, vector<16xf32>,
    tpu.vector_store %arg25[%swap3A_635], %mul3A_634 {strides = array<i32>} : memref<128xf32, #tpu.memory_space<vmem>>, vector<16xf32>,
    %gather3A_637 = tpu.vector_load_idx %arg14[%get3A_616] : memref<10112xf32, #tpu.memory_space<vmem>>[vector<16xi32>], vector<16xf32>,
    %gather3A_638 = tpu.vector_load_idx %arg14[%get3A_620] : memref<10112xf32, #tpu.memory_space<vmem>>[vector<16xi32>], vector<16xf32>,
    %sub3A_639 = arith.subf %gather3A_637, %gather3A_638 : vector<16xf32>
    %mul3A_640 = arith.mulf %sub3A_639, %get3A_624 : vector<16xf32>
    %swap3A_641 = arith.constant 48 : index
    %swap3A_642 = tpu.vector_load %arg26[%swap3A_641] {strides = array<i32>} : memref<128xf32, #tpu.memory_space<vmem>>, vector<16xf32>,
    tpu.vector_store %arg26[%swap3A_641], %mul3A_640 {strides = array<i32>} : memref<128xf32, #tpu.memory_space<vmem>>, vector<16xf32>,
    %add3A_643 = arith.constant 64 : i32
    %add3A_644 = arith.addi %multiple_of3A_522, %add3A_643 : i32
    %get3A_645 = arith.index_cast %add3A_644 : i32 to index
    %get3A_646 = tpu.vector_load %arg15[%get3A_645] {strides = array<i32>} : memref<10240xi32, #tpu.memory_space<vmem>>, vector<16xi32>,
    %get3A_647 = arith.constant 2 : i32
    %get3A_648 = arith.index_cast %get3A_647 : i32 to index
    %get3A_649 = arith.constant 64 : index
    %get3A_650 = tpu.vector_load %arg16[%get3A_648, %get3A_649] {strides = array<i32>} : memref<80x128xi32, #tpu.memory_space<vmem>>, vector<16xi32>,
    %add3A_651 = arith.constant 64 : i32
    %add3A_652 = arith.addi %multiple_of3A_522, %add3A_651 : i32
    %get3A_653 = arith.index_cast %add3A_652 : i32 to index
    %get3A_654 = tpu.vector_load %arg17[%get3A_653] {strides = array<i32>} : memref<10240xf32, #tpu.memory_space<vmem>>, vector<16xf32>,
    %gather3A_655 = tpu.vector_load_idx %arg12[%get3A_646] : memref<10112xf32, #tpu.memory_space<vmem>>[vector<16xi32>], vector<16xf32>,
    %gather3A_656 = tpu.vector_load_idx %arg12[%get3A_650] : memref<10112xf32, #tpu.memory_space<vmem>>[vector<16xi32>], vector<16xf32>,
    %sub3A_657 = arith.subf %gather3A_655, %gather3A_656 : vector<16xf32>
    %mul3A_658 = arith.mulf %sub3A_657, %get3A_654 : vector<16xf32>
    %swap3A_659 = arith.constant 64 : index
    %swap3A_660 = tpu.vector_load %arg24[%swap3A_659] {strides = array<i32>} : memref<128xf32, #tpu.memory_space<vmem>>, vector<16xf32>,
    tpu.vector_store %arg24[%swap3A_659], %mul3A_658 {strides = array<i32>} : memref<128xf32, #tpu.memory_space<vmem>>, vector<16xf32>,
    %gather3A_661 = tpu.vector_load_idx %arg13[%get3A_646] : memref<10112xf32, #tpu.memory_space<vmem>>[vector<16xi32>], vector<16xf32>,
    %gather3A_662 = tpu.vector_load_idx %arg13[%get3A_650] : memref<10112xf32, #tpu.memory_space<vmem>>[vector<16xi32>], vector<16xf32>,
    %sub3A_663 = arith.subf %gather3A_661, %gather3A_662 : vector<16xf32>
    %mul3A_664 = arith.mulf %sub3A_663, %get3A_654 : vector<16xf32>
    %swap3A_665 = arith.constant 64 : index
    %swap3A_666 = tpu.vector_load %arg25[%swap3A_665] {strides = array<i32>} : memref<128xf32, #tpu.memory_space<vmem>>, vector<16xf32>,
    tpu.vector_store %arg25[%swap3A_665], %mul3A_664 {strides = array<i32>} : memref<128xf32, #tpu.memory_space<vmem>>, vector<16xf32>,
    %gather3A_667 = tpu.vector_load_idx %arg14[%get3A_646] : memref<10112xf32, #tpu.memory_space<vmem>>[vector<16xi32>], vector<16xf32>,
    %gather3A_668 = tpu.vector_load_idx %arg14[%get3A_650] : memref<10112xf32, #tpu.memory_space<vmem>>[vector<16xi32>], vector<16xf32>,
    %sub3A_669 = arith.subf %gather3A_667, %gather3A_668 : vector<16xf32>
    %mul3A_670 = arith.mulf %sub3A_669, %get3A_654 : vector<16xf32>
    %swap3A_671 = arith.constant 64 : index
    %swap3A_672 = tpu.vector_load %arg26[%swap3A_671] {strides = array<i32>} : memref<128xf32, #tpu.memory_space<vmem>>, vector<16xf32>,
    tpu.vector_store %arg26[%swap3A_671], %mul3A_670 {strides = array<i32>} : memref<128xf32, #tpu.memory_space<vmem>>, vector<16xf32>,
    %add3A_673 = arith.constant 80 : i32
    %add3A_674 = arith.addi %multiple_of3A_522, %add3A_673 : i32
    %get3A_675 = arith.index_cast %add3A_674 : i32 to index
    %get3A_676 = tpu.vector_load %arg15[%get3A_675] {strides = array<i32>} : memref<10240xi32, #tpu.memory_space<vmem>>, vector<16xi32>,
    %get3A_677 = arith.constant 2 : i32
    %get3A_678 = arith.index_cast %get3A_677 : i32 to index
    %get3A_679 = arith.constant 80 : index
    %get3A_680 = tpu.vector_load %arg16[%get3A_678, %get3A_679] {strides = array<i32>} : memref<80x128xi32, #tpu.memory_space<vmem>>, vector<16xi32>,
    %add3A_681 = arith.constant 80 : i32
    %add3A_682 = arith.addi %multiple_of3A_522, %add3A_681 : i32
    %get3A_683 = arith.index_cast %add3A_682 : i32 to index
    %get3A_684 = tpu.vector_load %arg17[%get3A_683] {strides = array<i32>} : memref<10240xf32, #tpu.memory_space<vmem>>, vector<16xf32>,
    %gather3A_685 = tpu.vector_load_idx %arg12[%get3A_676] : memref<10112xf32, #tpu.memory_space<vmem>>[vector<16xi32>], vector<16xf32>,
    %gather3A_686 = tpu.vector_load_idx %arg12[%get3A_680] : memref<10112xf32, #tpu.memory_space<vmem>>[vector<16xi32>], vector<16xf32>,
    %sub3A_687 = arith.subf %gather3A_685, %gather3A_686 : vector<16xf32>
    %mul3A_688 = arith.mulf %sub3A_687, %get3A_684 : vector<16xf32>
    %swap3A_689 = arith.constant 80 : index
    %swap3A_690 = tpu.vector_load %arg24[%swap3A_689] {strides = array<i32>} : memref<128xf32, #tpu.memory_space<vmem>>, vector<16xf32>,
    tpu.vector_store %arg24[%swap3A_689], %mul3A_688 {strides = array<i32>} : memref<128xf32, #tpu.memory_space<vmem>>, vector<16xf32>,
    %gather3A_691 = tpu.vector_load_idx %arg13[%get3A_676] : memref<10112xf32, #tpu.memory_space<vmem>>[vector<16xi32>], vector<16xf32>,
    %gather3A_692 = tpu.vector_load_idx %arg13[%get3A_680] : memref<10112xf32, #tpu.memory_space<vmem>>[vector<16xi32>], vector<16xf32>,
    %sub3A_693 = arith.subf %gather3A_691, %gather3A_692 : vector<16xf32>
    %mul3A_694 = arith.mulf %sub3A_693, %get3A_684 : vector<16xf32>
    %swap3A_695 = arith.constant 80 : index
    %swap3A_696 = tpu.vector_load %arg25[%swap3A_695] {strides = array<i32>} : memref<128xf32, #tpu.memory_space<vmem>>, vector<16xf32>,
    tpu.vector_store %arg25[%swap3A_695], %mul3A_694 {strides = array<i32>} : memref<128xf32, #tpu.memory_space<vmem>>, vector<16xf32>,
    %gather3A_697 = tpu.vector_load_idx %arg14[%get3A_676] : memref<10112xf32, #tpu.memory_space<vmem>>[vector<16xi32>], vector<16xf32>,
    %gather3A_698 = tpu.vector_load_idx %arg14[%get3A_680] : memref<10112xf32, #tpu.memory_space<vmem>>[vector<16xi32>], vector<16xf32>,
    %sub3A_699 = arith.subf %gather3A_697, %gather3A_698 : vector<16xf32>
    %mul3A_700 = arith.mulf %sub3A_699, %get3A_684 : vector<16xf32>
    %swap3A_701 = arith.constant 80 : index
    %swap3A_702 = tpu.vector_load %arg26[%swap3A_701] {strides = array<i32>} : memref<128xf32, #tpu.memory_space<vmem>>, vector<16xf32>,
    tpu.vector_store %arg26[%swap3A_701], %mul3A_700 {strides = array<i32>} : memref<128xf32, #tpu.memory_space<vmem>>, vector<16xf32>,
    %add3A_703 = arith.constant 96 : i32
    %add3A_704 = arith.addi %multiple_of3A_522, %add3A_703 : i32
    %get3A_705 = arith.index_cast %add3A_704 : i32 to index
    %get3A_706 = tpu.vector_load %arg15[%get3A_705] {strides = array<i32>} : memref<10240xi32, #tpu.memory_space<vmem>>, vector<16xi32>,
    %get3A_707 = arith.constant 2 : i32
    %get3A_708 = arith.index_cast %get3A_707 : i32 to index
    %get3A_709 = arith.constant 96 : index
    %get3A_710 = tpu.vector_load %arg16[%get3A_708, %get3A_709] {strides = array<i32>} : memref<80x128xi32, #tpu.memory_space<vmem>>, vector<16xi32>,
    %add3A_711 = arith.constant 96 : i32
    %add3A_712 = arith.addi %multiple_of3A_522, %add3A_711 : i32
    %get3A_713 = arith.index_cast %add3A_712 : i32 to index
    %get3A_714 = tpu.vector_load %arg17[%get3A_713] {strides = array<i32>} : memref<10240xf32, #tpu.memory_space<vmem>>, vector<16xf32>,
    %gather3A_715 = tpu.vector_load_idx %arg12[%get3A_706] : memref<10112xf32, #tpu.memory_space<vmem>>[vector<16xi32>], vector<16xf32>,
    %gather3A_716 = tpu.vector_load_idx %arg12[%get3A_710] : memref<10112xf32, #tpu.memory_space<vmem>>[vector<16xi32>], vector<16xf32>,
    %sub3A_717 = arith.subf %gather3A_715, %gather3A_716 : vector<16xf32>
    %mul3A_718 = arith.mulf %sub3A_717, %get3A_714 : vector<16xf32>
    %swap3A_719 = arith.constant 96 : index
    %swap3A_720 = tpu.vector_load %arg24[%swap3A_719] {strides = array<i32>} : memref<128xf32, #tpu.memory_space<vmem>>, vector<16xf32>,
    tpu.vector_store %arg24[%swap3A_719], %mul3A_718 {strides = array<i32>} : memref<128xf32, #tpu.memory_space<vmem>>, vector<16xf32>,
    %gather3A_721 = tpu.vector_load_idx %arg13[%get3A_706] : memref<10112xf32, #tpu.memory_space<vmem>>[vector<16xi32>], vector<16xf32>,
    %gather3A_722 = tpu.vector_load_idx %arg13[%get3A_710] : memref<10112xf32, #tpu.memory_space<vmem>>[vector<16xi32>], vector<16xf32>,
    %sub3A_723 = arith.subf %gather3A_721, %gather3A_722 : vector<16xf32>
    %mul3A_724 = arith.mulf %sub3A_723, %get3A_714 : vector<16xf32>
    %swap3A_725 = arith.constant 96 : index
    %swap3A_726 = tpu.vector_load %arg25[%swap3A_725] {strides = array<i32>} : memref<128xf32, #tpu.memory_space<vmem>>, vector<16xf32>,
    tpu.vector_store %arg25[%swap3A_725], %mul3A_724 {strides = array<i32>} : memref<128xf32, #tpu.memory_space<vmem>>, vector<16xf32>,
    %gather3A_727 = tpu.vector_load_idx %arg14[%get3A_706] : memref<10112xf32, #tpu.memory_space<vmem>>[vector<16xi32>], vector<16xf32>,
    %gather3A_728 = tpu.vector_load_idx %arg14[%get3A_710] : memref<10112xf32, #tpu.memory_space<vmem>>[vector<16xi32>], vector<16xf32>,
    %sub3A_729 = arith.subf %gather3A_727, %gather3A_728 : vector<16xf32>
    %mul3A_730 = arith.mulf %sub3A_729, %get3A_714 : vector<16xf32>
    %swap3A_731 = arith.constant 96 : index
    %swap3A_732 = tpu.vector_load %arg26[%swap3A_731] {strides = array<i32>} : memref<128xf32, #tpu.memory_space<vmem>>, vector<16xf32>,
    tpu.vector_store %arg26[%swap3A_731], %mul3A_730 {strides = array<i32>} : memref<128xf32, #tpu.memory_space<vmem>>, vector<16xf32>,
    %add3A_733 = arith.constant 112 : i32
    %add3A_734 = arith.addi %multiple_of3A_522, %add3A_733 : i32
    %get3A_735 = arith.index_cast %add3A_734 : i32 to index
    %get3A_736 = tpu.vector_load %arg15[%get3A_735] {strides = array<i32>} : memref<10240xi32, #tpu.memory_space<vmem>>, vector<16xi32>,
    %get3A_737 = arith.constant 2 : i32
    %get3A_738 = arith.index_cast %get3A_737 : i32 to index
    %get3A_739 = arith.constant 112 : index
    %get3A_740 = tpu.vector_load %arg16[%get3A_738, %get3A_739] {strides = array<i32>} : memref<80x128xi32, #tpu.memory_space<vmem>>, vector<16xi32>,
    %add3A_741 = arith.constant 112 : i32
    %add3A_742 = arith.addi %multiple_of3A_522, %add3A_741 : i32
    %get3A_743 = arith.index_cast %add3A_742 : i32 to index
    %get3A_744 = tpu.vector_load %arg17[%get3A_743] {strides = array<i32>} : memref<10240xf32, #tpu.memory_space<vmem>>, vector<16xf32>,
    %gather3A_745 = tpu.vector_load_idx %arg12[%get3A_736] : memref<10112xf32, #tpu.memory_space<vmem>>[vector<16xi32>], vector<16xf32>,
    %gather3A_746 = tpu.vector_load_idx %arg12[%get3A_740] : memref<10112xf32, #tpu.memory_space<vmem>>[vector<16xi32>], vector<16xf32>,
    %sub3A_747 = arith.subf %gather3A_745, %gather3A_746 : vector<16xf32>
    %mul3A_748 = arith.mulf %sub3A_747, %get3A_744 : vector<16xf32>
    %swap3A_749 = arith.constant 112 : index
    %swap3A_750 = tpu.vector_load %arg24[%swap3A_749] {strides = array<i32>} : memref<128xf32, #tpu.memory_space<vmem>>, vector<16xf32>,
    tpu.vector_store %arg24[%swap3A_749], %mul3A_748 {strides = array<i32>} : memref<128xf32, #tpu.memory_space<vmem>>, vector<16xf32>,
    %gather3A_751 = tpu.vector_load_idx %arg13[%get3A_736] : memref<10112xf32, #tpu.memory_space<vmem>>[vector<16xi32>], vector<16xf32>,
    %gather3A_752 = tpu.vector_load_idx %arg13[%get3A_740] : memref<10112xf32, #tpu.memory_space<vmem>>[vector<16xi32>], vector<16xf32>,
    %sub3A_753 = arith.subf %gather3A_751, %gather3A_752 : vector<16xf32>
    %mul3A_754 = arith.mulf %sub3A_753, %get3A_744 : vector<16xf32>
    %swap3A_755 = arith.constant 112 : index
    %swap3A_756 = tpu.vector_load %arg25[%swap3A_755] {strides = array<i32>} : memref<128xf32, #tpu.memory_space<vmem>>, vector<16xf32>,
    tpu.vector_store %arg25[%swap3A_755], %mul3A_754 {strides = array<i32>} : memref<128xf32, #tpu.memory_space<vmem>>, vector<16xf32>,
    %gather3A_757 = tpu.vector_load_idx %arg14[%get3A_736] : memref<10112xf32, #tpu.memory_space<vmem>>[vector<16xi32>], vector<16xf32>,
    %gather3A_758 = tpu.vector_load_idx %arg14[%get3A_740] : memref<10112xf32, #tpu.memory_space<vmem>>[vector<16xi32>], vector<16xf32>,
    %sub3A_759 = arith.subf %gather3A_757, %gather3A_758 : vector<16xf32>
    %mul3A_760 = arith.mulf %sub3A_759, %get3A_744 : vector<16xf32>
    %swap3A_761 = arith.constant 112 : index
    %swap3A_762 = tpu.vector_load %arg26[%swap3A_761] {strides = array<i32>} : memref<128xf32, #tpu.memory_space<vmem>>, vector<16xf32>,
    tpu.vector_store %arg26[%swap3A_761], %mul3A_760 {strides = array<i32>} : memref<128xf32, #tpu.memory_space<vmem>>, vector<16xf32>,
    %dma_start3A_763 = arith.constant 2 : i32
    %dma_start3A_764 = arith.constant 0 : i32
    %dma_start3A_765 = tpu.memref_slice %arg16[%dma_start3A_763, %dma_start3A_764] : memref<80x128xi32, #tpu.memory_space<vmem>> -> memref<1x128xi32, #tpu.memory_space<vmem>>
    %dma_start3A_766 = tpu.memref_squeeze %dma_start3A_765 : memref<1x128xi32, #tpu.memory_space<vmem>> -> memref<128xi32, #tpu.memory_space<vmem>>
    %dma_start3A_767 = arith.constant 0 : i32
    %dma_start3A_768 = tpu.memref_slice %arg30[%dma_start3A_767] : memref<10112xf32, #tpu.memory_space<vmem_shared>> -> memref<10112xf32, #tpu.memory_space<vmem_shared>>
    tpu.enqueue_indirect_dma source(%arg24 : memref<128xf32, #tpu.memory_space<vmem>>) target(%dma_start3A_768 : memref<10112xf32, #tpu.memory_space<vmem_shared>>) offsets(%dma_start3A_766 : memref<128xi32, #tpu.memory_space<vmem>>) semaphore(%arg35 : memref<!tpu.dma_semaphore, #tpu.memory_space<semaphore_mem>>) {add = true}
    %dma_start3A_769 = arith.constant 2 : i32
    %dma_start3A_770 = arith.constant 0 : i32
    %dma_start3A_771 = tpu.memref_slice %arg16[%dma_start3A_769, %dma_start3A_770] : memref<80x128xi32, #tpu.memory_space<vmem>> -> memref<1x128xi32, #tpu.memory_space<vmem>>
    %dma_start3A_772 = tpu.memref_squeeze %dma_start3A_771 : memref<1x128xi32, #tpu.memory_space<vmem>> -> memref<128xi32, #tpu.memory_space<vmem>>
    %dma_start3A_773 = arith.constant 0 : i32
    %dma_start3A_774 = tpu.memref_slice %arg31[%dma_start3A_773] : memref<10112xf32, #tpu.memory_space<vmem_shared>> -> memref<10112xf32, #tpu.memory_space<vmem_shared>>
    tpu.enqueue_indirect_dma source(%arg25 : memref<128xf32, #tpu.memory_space<vmem>>) target(%dma_start3A_774 : memref<10112xf32, #tpu.memory_space<vmem_shared>>) offsets(%dma_start3A_772 : memref<128xi32, #tpu.memory_space<vmem>>) semaphore(%arg35 : memref<!tpu.dma_semaphore, #tpu.memory_space<semaphore_mem>>) {add = true}
    %dma_start3A_775 = arith.constant 2 : i32
    %dma_start3A_776 = arith.constant 0 : i32
    %dma_start3A_777 = tpu.memref_slice %arg16[%dma_start3A_775, %dma_start3A_776] : memref<80x128xi32, #tpu.memory_space<vmem>> -> memref<1x128xi32, #tpu.memory_space<vmem>>
    %dma_start3A_778 = tpu.memref_squeeze %dma_start3A_777 : memref<1x128xi32, #tpu.memory_space<vmem>> -> memref<128xi32, #tpu.memory_space<vmem>>
    %dma_start3A_779 = arith.constant 0 : i32
    %dma_start3A_780 = tpu.memref_slice %arg32[%dma_start3A_779] : memref<10112xf32, #tpu.memory_space<vmem_shared>> -> memref<10112xf32, #tpu.memory_space<vmem_shared>>
    tpu.enqueue_indirect_dma source(%arg26 : memref<128xf32, #tpu.memory_space<vmem>>) target(%dma_start3A_780 : memref<10112xf32, #tpu.memory_space<vmem_shared>>) offsets(%dma_start3A_778 : memref<128xi32, #tpu.memory_space<vmem>>) semaphore(%arg35 : memref<!tpu.dma_semaphore, #tpu.memory_space<semaphore_mem>>) {add = true}
    %multiple_of3A_781 = arith.constant 384 : i32
    %multiple_of3A_782 = tpu.assume_multiple %multiple_of3A_781, 128 : i32
    %add3A_783 = arith.constant 0 : i32
    %add3A_784 = arith.addi %multiple_of3A_782, %add3A_783 : i32
    %get3A_785 = arith.index_cast %add3A_784 : i32 to index
    %get3A_786 = tpu.vector_load %arg15[%get3A_785] {strides = array<i32>} : memref<10240xi32, #tpu.memory_space<vmem>>, vector<16xi32>,
    %get3A_787 = arith.constant 3 : i32
    %get3A_788 = arith.index_cast %get3A_787 : i32 to index
    %get3A_789 = arith.constant 0 : index
    %get3A_790 = tpu.vector_load %arg16[%get3A_788, %get3A_789] {strides = array<i32>} : memref<80x128xi32, #tpu.memory_space<vmem>>, vector<16xi32>,
    %add3A_791 = arith.constant 0 : i32
    %add3A_792 = arith.addi %multiple_of3A_782, %add3A_791 : i32
    %get3A_793 = arith.index_cast %add3A_792 : i32 to index
    %get3A_794 = tpu.vector_load %arg17[%get3A_793] {strides = array<i32>} : memref<10240xf32, #tpu.memory_space<vmem>>, vector<16xf32>,
    %gather3A_795 = tpu.vector_load_idx %arg12[%get3A_786] : memref<10112xf32, #tpu.memory_space<vmem>>[vector<16xi32>], vector<16xf32>,
    %gather3A_796 = tpu.vector_load_idx %arg12[%get3A_790] : memref<10112xf32, #tpu.memory_space<vmem>>[vector<16xi32>], vector<16xf32>,
    %sub3A_797 = arith.subf %gather3A_795, %gather3A_796 : vector<16xf32>
    %mul3A_798 = arith.mulf %sub3A_797, %get3A_794 : vector<16xf32>
    %swap3A_799 = arith.constant 0 : index
    %swap3A_800 = tpu.vector_load %arg27[%swap3A_799] {strides = array<i32>} : memref<128xf32, #tpu.memory_space<vmem>>, vector<16xf32>,
    tpu.vector_store %arg27[%swap3A_799], %mul3A_798 {strides = array<i32>} : memref<128xf32, #tpu.memory_space<vmem>>, vector<16xf32>,
    %gather3A_801 = tpu.vector_load_idx %arg13[%get3A_786] : memref<10112xf32, #tpu.memory_space<vmem>>[vector<16xi32>], vector<16xf32>,
    %gather3A_802 = tpu.vector_load_idx %arg13[%get3A_790] : memref<10112xf32, #tpu.memory_space<vmem>>[vector<16xi32>], vector<16xf32>,
    %sub3A_803 = arith.subf %gather3A_801, %gather3A_802 : vector<16xf32>
    %mul3A_804 = arith.mulf %sub3A_803, %get3A_794 : vector<16xf32>
    %swap3A_805 = arith.constant 0 : index
    %swap3A_806 = tpu.vector_load %arg28[%swap3A_805] {strides = array<i32>} : memref<128xf32, #tpu.memory_space<vmem>>, vector<16xf32>,
    tpu.vector_store %arg28[%swap3A_805], %mul3A_804 {strides = array<i32>} : memref<128xf32, #tpu.memory_space<vmem>>, vector<16xf32>,
    %gather3A_807 = tpu.vector_load_idx %arg14[%get3A_786] : memref<10112xf32, #tpu.memory_space<vmem>>[vector<16xi32>], vector<16xf32>,
    %gather3A_808 = tpu.vector_load_idx %arg14[%get3A_790] : memref<10112xf32, #tpu.memory_space<vmem>>[vector<16xi32>], vector<16xf32>,
    %sub3A_809 = arith.subf %gather3A_807, %gather3A_808 : vector<16xf32>
    %mul3A_810 = arith.mulf %sub3A_809, %get3A_794 : vector<16xf32>
    %swap3A_811 = arith.constant 0 : index
    %swap3A_812 = tpu.vector_load %arg29[%swap3A_811] {strides = array<i32>} : memref<128xf32, #tpu.memory_space<vmem>>, vector<16xf32>,
    tpu.vector_store %arg29[%swap3A_811], %mul3A_810 {strides = array<i32>} : memref<128xf32, #tpu.memory_space<vmem>>, vector<16xf32>,
    %add3A_813 = arith.constant 16 : i32
    %add3A_814 = arith.addi %multiple_of3A_782, %add3A_813 : i32
    %get3A_815 = arith.index_cast %add3A_814 : i32 to index
    %get3A_816 = tpu.vector_load %arg15[%get3A_815] {strides = array<i32>} : memref<10240xi32, #tpu.memory_space<vmem>>, vector<16xi32>,
    %get3A_817 = arith.constant 3 : i32
    %get3A_818 = arith.index_cast %get3A_817 : i32 to index
    %get3A_819 = arith.constant 16 : index
    %get3A_820 = tpu.vector_load %arg16[%get3A_818, %get3A_819] {strides = array<i32>} : memref<80x128xi32, #tpu.memory_space<vmem>>, vector<16xi32>,
    %add3A_821 = arith.constant 16 : i32
    %add3A_822 = arith.addi %multiple_of3A_782, %add3A_821 : i32
    %get3A_823 = arith.index_cast %add3A_822 : i32 to index
    %get3A_824 = tpu.vector_load %arg17[%get3A_823] {strides = array<i32>} : memref<10240xf32, #tpu.memory_space<vmem>>, vector<16xf32>,
    %gather3A_825 = tpu.vector_load_idx %arg12[%get3A_816] : memref<10112xf32, #tpu.memory_space<vmem>>[vector<16xi32>], vector<16xf32>,
    %gather3A_826 = tpu.vector_load_idx %arg12[%get3A_820] : memref<10112xf32, #tpu.memory_space<vmem>>[vector<16xi32>], vector<16xf32>,
    %sub3A_827 = arith.subf %gather3A_825, %gather3A_826 : vector<16xf32>
    %mul3A_828 = arith.mulf %sub3A_827, %get3A_824 : vector<16xf32>
    %swap3A_829 = arith.constant 16 : index
    %swap3A_830 = tpu.vector_load %arg27[%swap3A_829] {strides = array<i32>} : memref<128xf32, #tpu.memory_space<vmem>>, vector<16xf32>,
    tpu.vector_store %arg27[%swap3A_829], %mul3A_828 {strides = array<i32>} : memref<128xf32, #tpu.memory_space<vmem>>, vector<16xf32>,
    %gather3A_831 = tpu.vector_load_idx %arg13[%get3A_816] : memref<10112xf32, #tpu.memory_space<vmem>>[vector<16xi32>], vector<16xf32>,
    %gather3A_832 = tpu.vector_load_idx %arg13[%get3A_820] : memref<10112xf32, #tpu.memory_space<vmem>>[vector<16xi32>], vector<16xf32>,
    %sub3A_833 = arith.subf %gather3A_831, %gather3A_832 : vector<16xf32>
    %mul3A_834 = arith.mulf %sub3A_833, %get3A_824 : vector<16xf32>
    %swap3A_835 = arith.constant 16 : index
    %swap3A_836 = tpu.vector_load %arg28[%swap3A_835] {strides = array<i32>} : memref<128xf32, #tpu.memory_space<vmem>>, vector<16xf32>,
    tpu.vector_store %arg28[%swap3A_835], %mul3A_834 {strides = array<i32>} : memref<128xf32, #tpu.memory_space<vmem>>, vector<16xf32>,
    %gather3A_837 = tpu.vector_load_idx %arg14[%get3A_816] : memref<10112xf32, #tpu.memory_space<vmem>>[vector<16xi32>], vector<16xf32>,
    %gather3A_838 = tpu.vector_load_idx %arg14[%get3A_820] : memref<10112xf32, #tpu.memory_space<vmem>>[vector<16xi32>], vector<16xf32>,
    %sub3A_839 = arith.subf %gather3A_837, %gather3A_838 : vector<16xf32>
    %mul3A_840 = arith.mulf %sub3A_839, %get3A_824 : vector<16xf32>
    %swap3A_841 = arith.constant 16 : index
    %swap3A_842 = tpu.vector_load %arg29[%swap3A_841] {strides = array<i32>} : memref<128xf32, #tpu.memory_space<vmem>>, vector<16xf32>,
    tpu.vector_store %arg29[%swap3A_841], %mul3A_840 {strides = array<i32>} : memref<128xf32, #tpu.memory_space<vmem>>, vector<16xf32>,
    %add3A_843 = arith.constant 32 : i32
    %add3A_844 = arith.addi %multiple_of3A_782, %add3A_843 : i32
    %get3A_845 = arith.index_cast %add3A_844 : i32 to index
    %get3A_846 = tpu.vector_load %arg15[%get3A_845] {strides = array<i32>} : memref<10240xi32, #tpu.memory_space<vmem>>, vector<16xi32>,
    %get3A_847 = arith.constant 3 : i32
    %get3A_848 = arith.index_cast %get3A_847 : i32 to index
    %get3A_849 = arith.constant 32 : index
    %get3A_850 = tpu.vector_load %arg16[%get3A_848, %get3A_849] {strides = array<i32>} : memref<80x128xi32, #tpu.memory_space<vmem>>, vector<16xi32>,
    %add3A_851 = arith.constant 32 : i32
    %add3A_852 = arith.addi %multiple_of3A_782, %add3A_851 : i32
    %get3A_853 = arith.index_cast %add3A_852 : i32 to index
    %get3A_854 = tpu.vector_load %arg17[%get3A_853] {strides = array<i32>} : memref<10240xf32, #tpu.memory_space<vmem>>, vector<16xf32>,
    %gather3A_855 = tpu.vector_load_idx %arg12[%get3A_846] : memref<10112xf32, #tpu.memory_space<vmem>>[vector<16xi32>], vector<16xf32>,
    %gather3A_856 = tpu.vector_load_idx %arg12[%get3A_850] : memref<10112xf32, #tpu.memory_space<vmem>>[vector<16xi32>], vector<16xf32>,
    %sub3A_857 = arith.subf %gather3A_855, %gather3A_856 : vector<16xf32>
    %mul3A_858 = arith.mulf %sub3A_857, %get3A_854 : vector<16xf32>
    %swap3A_859 = arith.constant 32 : index
    %swap3A_860 = tpu.vector_load %arg27[%swap3A_859] {strides = array<i32>} : memref<128xf32, #tpu.memory_space<vmem>>, vector<16xf32>,
    tpu.vector_store %arg27[%swap3A_859], %mul3A_858 {strides = array<i32>} : memref<128xf32, #tpu.memory_space<vmem>>, vector<16xf32>,
    %gather3A_861 = tpu.vector_load_idx %arg13[%get3A_846] : memref<10112xf32, #tpu.memory_space<vmem>>[vector<16xi32>], vector<16xf32>,
    %gather3A_862 = tpu.vector_load_idx %arg13[%get3A_850] : memref<10112xf32, #tpu.memory_space<vmem>>[vector<16xi32>], vector<16xf32>,
    %sub3A_863 = arith.subf %gather3A_861, %gather3A_862 : vector<16xf32>
    %mul3A_864 = arith.mulf %sub3A_863, %get3A_854 : vector<16xf32>
    %swap3A_865 = arith.constant 32 : index
    %swap3A_866 = tpu.vector_load %arg28[%swap3A_865] {strides = array<i32>} : memref<128xf32, #tpu.memory_space<vmem>>, vector<16xf32>,
    tpu.vector_store %arg28[%swap3A_865], %mul3A_864 {strides = array<i32>} : memref<128xf32, #tpu.memory_space<vmem>>, vector<16xf32>,
    %gather3A_867 = tpu.vector_load_idx %arg14[%get3A_846] : memref<10112xf32, #tpu.memory_space<vmem>>[vector<16xi32>], vector<16xf32>,
    %gather3A_868 = tpu.vector_load_idx %arg14[%get3A_850] : memref<10112xf32, #tpu.memory_space<vmem>>[vector<16xi32>], vector<16xf32>,
    %sub3A_869 = arith.subf %gather3A_867, %gather3A_868 : vector<16xf32>
    %mul3A_870 = arith.mulf %sub3A_869, %get3A_854 : vector<16xf32>
    %swap3A_871 = arith.constant 32 : index
    %swap3A_872 = tpu.vector_load %arg29[%swap3A_871] {strides = array<i32>} : memref<128xf32, #tpu.memory_space<vmem>>, vector<16xf32>,
    tpu.vector_store %arg29[%swap3A_871], %mul3A_870 {strides = array<i32>} : memref<128xf32, #tpu.memory_space<vmem>>, vector<16xf32>,
    %add3A_873 = arith.constant 48 : i32
    %add3A_874 = arith.addi %multiple_of3A_782, %add3A_873 : i32
    %get3A_875 = arith.index_cast %add3A_874 : i32 to index
    %get3A_876 = tpu.vector_load %arg15[%get3A_875] {strides = array<i32>} : memref<10240xi32, #tpu.memory_space<vmem>>, vector<16xi32>,
    %get3A_877 = arith.constant 3 : i32
    %get3A_878 = arith.index_cast %get3A_877 : i32 to index
    %get3A_879 = arith.constant 48 : index
    %get3A_880 = tpu.vector_load %arg16[%get3A_878, %get3A_879] {strides = array<i32>} : memref<80x128xi32, #tpu.memory_space<vmem>>, vector<16xi32>,
    %add3A_881 = arith.constant 48 : i32
    %add3A_882 = arith.addi %multiple_of3A_782, %add3A_881 : i32
    %get3A_883 = arith.index_cast %add3A_882 : i32 to index
    %get3A_884 = tpu.vector_load %arg17[%get3A_883] {strides = array<i32>} : memref<10240xf32, #tpu.memory_space<vmem>>, vector<16xf32>,
    %gather3A_885 = tpu.vector_load_idx %arg12[%get3A_876] : memref<10112xf32, #tpu.memory_space<vmem>>[vector<16xi32>], vector<16xf32>,
    %gather3A_886 = tpu.vector_load_idx %arg12[%get3A_880] : memref<10112xf32, #tpu.memory_space<vmem>>[vector<16xi32>], vector<16xf32>,
    %sub3A_887 = arith.subf %gather3A_885, %gather3A_886 : vector<16xf32>
    %mul3A_888 = arith.mulf %sub3A_887, %get3A_884 : vector<16xf32>
    %swap3A_889 = arith.constant 48 : index
    %swap3A_890 = tpu.vector_load %arg27[%swap3A_889] {strides = array<i32>} : memref<128xf32, #tpu.memory_space<vmem>>, vector<16xf32>,
    tpu.vector_store %arg27[%swap3A_889], %mul3A_888 {strides = array<i32>} : memref<128xf32, #tpu.memory_space<vmem>>, vector<16xf32>,
    %gather3A_891 = tpu.vector_load_idx %arg13[%get3A_876] : memref<10112xf32, #tpu.memory_space<vmem>>[vector<16xi32>], vector<16xf32>,
    %gather3A_892 = tpu.vector_load_idx %arg13[%get3A_880] : memref<10112xf32, #tpu.memory_space<vmem>>[vector<16xi32>], vector<16xf32>,
    %sub3A_893 = arith.subf %gather3A_891, %gather3A_892 : vector<16xf32>
    %mul3A_894 = arith.mulf %sub3A_893, %get3A_884 : vector<16xf32>
    %swap3A_895 = arith.constant 48 : index
    %swap3A_896 = tpu.vector_load %arg28[%swap3A_895] {strides = array<i32>} : memref<128xf32, #tpu.memory_space<vmem>>, vector<16xf32>,
    tpu.vector_store %arg28[%swap3A_895], %mul3A_894 {strides = array<i32>} : memref<128xf32, #tpu.memory_space<vmem>>, vector<16xf32>,
    %gather3A_897 = tpu.vector_load_idx %arg14[%get3A_876] : memref<10112xf32, #tpu.memory_space<vmem>>[vector<16xi32>], vector<16xf32>,
    %gather3A_898 = tpu.vector_load_idx %arg14[%get3A_880] : memref<10112xf32, #tpu.memory_space<vmem>>[vector<16xi32>], vector<16xf32>,
    %sub3A_899 = arith.subf %gather3A_897, %gather3A_898 : vector<16xf32>
    %mul3A_900 = arith.mulf %sub3A_899, %get3A_884 : vector<16xf32>
    %swap3A_901 = arith.constant 48 : index
    %swap3A_902 = tpu.vector_load %arg29[%swap3A_901] {strides = array<i32>} : memref<128xf32, #tpu.memory_space<vmem>>, vector<16xf32>,
    tpu.vector_store %arg29[%swap3A_901], %mul3A_900 {strides = array<i32>} : memref<128xf32, #tpu.memory_space<vmem>>, vector<16xf32>,
    %add3A_903 = arith.constant 64 : i32
    %add3A_904 = arith.addi %multiple_of3A_782, %add3A_903 : i32
    %get3A_905 = arith.index_cast %add3A_904 : i32 to index
    %get3A_906 = tpu.vector_load %arg15[%get3A_905] {strides = array<i32>} : memref<10240xi32, #tpu.memory_space<vmem>>, vector<16xi32>,
    %get3A_907 = arith.constant 3 : i32
    %get3A_908 = arith.index_cast %get3A_907 : i32 to index
    %get3A_909 = arith.constant 64 : index
    %get3A_910 = tpu.vector_load %arg16[%get3A_908, %get3A_909] {strides = array<i32>} : memref<80x128xi32, #tpu.memory_space<vmem>>, vector<16xi32>,
    %add3A_911 = arith.constant 64 : i32
    %add3A_912 = arith.addi %multiple_of3A_782, %add3A_911 : i32
    %get3A_913 = arith.index_cast %add3A_912 : i32 to index
    %get3A_914 = tpu.vector_load %arg17[%get3A_913] {strides = array<i32>} : memref<10240xf32, #tpu.memory_space<vmem>>, vector<16xf32>,
    %gather3A_915 = tpu.vector_load_idx %arg12[%get3A_906] : memref<10112xf32, #tpu.memory_space<vmem>>[vector<16xi32>], vector<16xf32>,
    %gather3A_916 = tpu.vector_load_idx %arg12[%get3A_910] : memref<10112xf32, #tpu.memory_space<vmem>>[vector<16xi32>], vector<16xf32>,
    %sub3A_917 = arith.subf %gather3A_915, %gather3A_916 : vector<16xf32>
    %mul3A_918 = arith.mulf %sub3A_917, %get3A_914 : vector<16xf32>
    %swap3A_919 = arith.constant 64 : index
    %swap3A_920 = tpu.vector_load %arg27[%swap3A_919] {strides = array<i32>} : memref<128xf32, #tpu.memory_space<vmem>>, vector<16xf32>,
    tpu.vector_store %arg27[%swap3A_919], %mul3A_918 {strides = array<i32>} : memref<128xf32, #tpu.memory_space<vmem>>, vector<16xf32>,
    %gather3A_921 = tpu.vector_load_idx %arg13[%get3A_906] : memref<10112xf32, #tpu.memory_space<vmem>>[vector<16xi32>], vector<16xf32>,
    %gather3A_922 = tpu.vector_load_idx %arg13[%get3A_910] : memref<10112xf32, #tpu.memory_space<vmem>>[vector<16xi32>], vector<16xf32>,
    %sub3A_923 = arith.subf %gather3A_921, %gather3A_922 : vector<16xf32>
    %mul3A_924 = arith.mulf %sub3A_923, %get3A_914 : vector<16xf32>
    %swap3A_925 = arith.constant 64 : index
    %swap3A_926 = tpu.vector_load %arg28[%swap3A_925] {strides = array<i32>} : memref<128xf32, #tpu.memory_space<vmem>>, vector<16xf32>,
    tpu.vector_store %arg28[%swap3A_925], %mul3A_924 {strides = array<i32>} : memref<128xf32, #tpu.memory_space<vmem>>, vector<16xf32>,
    %gather3A_927 = tpu.vector_load_idx %arg14[%get3A_906] : memref<10112xf32, #tpu.memory_space<vmem>>[vector<16xi32>], vector<16xf32>,
    %gather3A_928 = tpu.vector_load_idx %arg14[%get3A_910] : memref<10112xf32, #tpu.memory_space<vmem>>[vector<16xi32>], vector<16xf32>,
    %sub3A_929 = arith.subf %gather3A_927, %gather3A_928 : vector<16xf32>
    %mul3A_930 = arith.mulf %sub3A_929, %get3A_914 : vector<16xf32>
    %swap3A_931 = arith.constant 64 : index
    %swap3A_932 = tpu.vector_load %arg29[%swap3A_931] {strides = array<i32>} : memref<128xf32, #tpu.memory_space<vmem>>, vector<16xf32>,
    tpu.vector_store %arg29[%swap3A_931], %mul3A_930 {strides = array<i32>} : memref<128xf32, #tpu.memory_space<vmem>>, vector<16xf32>,
    %add3A_933 = arith.constant 80 : i32
    %add3A_934 = arith.addi %multiple_of3A_782, %add3A_933 : i32
    %get3A_935 = arith.index_cast %add3A_934 : i32 to index
    %get3A_936 = tpu.vector_load %arg15[%get3A_935] {strides = array<i32>} : memref<10240xi32, #tpu.memory_space<vmem>>, vector<16xi32>,
    %get3A_937 = arith.constant 3 : i32
    %get3A_938 = arith.index_cast %get3A_937 : i32 to index
    %get3A_939 = arith.constant 80 : index
    %get3A_940 = tpu.vector_load %arg16[%get3A_938, %get3A_939] {strides = array<i32>} : memref<80x128xi32, #tpu.memory_space<vmem>>, vector<16xi32>,
    %add3A_941 = arith.constant 80 : i32
    %add3A_942 = arith.addi %multiple_of3A_782, %add3A_941 : i32
    %get3A_943 = arith.index_cast %add3A_942 : i32 to index
    %get3A_944 = tpu.vector_load %arg17[%get3A_943] {strides = array<i32>} : memref<10240xf32, #tpu.memory_space<vmem>>, vector<16xf32>,
    %gather3A_945 = tpu.vector_load_idx %arg12[%get3A_936] : memref<10112xf32, #tpu.memory_space<vmem>>[vector<16xi32>], vector<16xf32>,
    %gather3A_946 = tpu.vector_load_idx %arg12[%get3A_940] : memref<10112xf32, #tpu.memory_space<vmem>>[vector<16xi32>], vector<16xf32>,
    %sub3A_947 = arith.subf %gather3A_945, %gather3A_946 : vector<16xf32>
    %mul3A_948 = arith.mulf %sub3A_947, %get3A_944 : vector<16xf32>
    %swap3A_949 = arith.constant 80 : index
    %swap3A_950 = tpu.vector_load %arg27[%swap3A_949] {strides = array<i32>} : memref<128xf32, #tpu.memory_space<vmem>>, vector<16xf32>,
    tpu.vector_store %arg27[%swap3A_949], %mul3A_948 {strides = array<i32>} : memref<128xf32, #tpu.memory_space<vmem>>, vector<16xf32>,
    %gather3A_951 = tpu.vector_load_idx %arg13[%get3A_936] : memref<10112xf32, #tpu.memory_space<vmem>>[vector<16xi32>], vector<16xf32>,
    %gather3A_952 = tpu.vector_load_idx %arg13[%get3A_940] : memref<10112xf32, #tpu.memory_space<vmem>>[vector<16xi32>], vector<16xf32>,
    %sub3A_953 = arith.subf %gather3A_951, %gather3A_952 : vector<16xf32>
    %mul3A_954 = arith.mulf %sub3A_953, %get3A_944 : vector<16xf32>
    %swap3A_955 = arith.constant 80 : index
    %swap3A_956 = tpu.vector_load %arg28[%swap3A_955] {strides = array<i32>} : memref<128xf32, #tpu.memory_space<vmem>>, vector<16xf32>,
    tpu.vector_store %arg28[%swap3A_955], %mul3A_954 {strides = array<i32>} : memref<128xf32, #tpu.memory_space<vmem>>, vector<16xf32>,
    %gather3A_957 = tpu.vector_load_idx %arg14[%get3A_936] : memref<10112xf32, #tpu.memory_space<vmem>>[vector<16xi32>], vector<16xf32>,
    %gather3A_958 = tpu.vector_load_idx %arg14[%get3A_940] : memref<10112xf32, #tpu.memory_space<vmem>>[vector<16xi32>], vector<16xf32>,
    %sub3A_959 = arith.subf %gather3A_957, %gather3A_958 : vector<16xf32>
    %mul3A_960 = arith.mulf %sub3A_959, %get3A_944 : vector<16xf32>
    %swap3A_961 = arith.constant 80 : index
    %swap3A_962 = tpu.vector_load %arg29[%swap3A_961] {strides = array<i32>} : memref<128xf32, #tpu.memory_space<vmem>>, vector<16xf32>,
    tpu.vector_store %arg29[%swap3A_961], %mul3A_960 {strides = array<i32>} : memref<128xf32, #tpu.memory_space<vmem>>, vector<16xf32>,
    %add3A_963 = arith.constant 96 : i32
    %add3A_964 = arith.addi %multiple_of3A_782, %add3A_963 : i32
    %get3A_965 = arith.index_cast %add3A_964 : i32 to index
    %get3A_966 = tpu.vector_load %arg15[%get3A_965] {strides = array<i32>} : memref<10240xi32, #tpu.memory_space<vmem>>, vector<16xi32>,
    %get3A_967 = arith.constant 3 : i32
    %get3A_968 = arith.index_cast %get3A_967 : i32 to index
    %get3A_969 = arith.constant 96 : index
    %get3A_970 = tpu.vector_load %arg16[%get3A_968, %get3A_969] {strides = array<i32>} : memref<80x128xi32, #tpu.memory_space<vmem>>, vector<16xi32>,
    %add3A_971 = arith.constant 96 : i32
    %add3A_972 = arith.addi %multiple_of3A_782, %add3A_971 : i32
    %get3A_973 = arith.index_cast %add3A_972 : i32 to index
    %get3A_974 = tpu.vector_load %arg17[%get3A_973] {strides = array<i32>} : memref<10240xf32, #tpu.memory_space<vmem>>, vector<16xf32>,
    %gather3A_975 = tpu.vector_load_idx %arg12[%get3A_966] : memref<10112xf32, #tpu.memory_space<vmem>>[vector<16xi32>], vector<16xf32>,
    %gather3A_976 = tpu.vector_load_idx %arg12[%get3A_970] : memref<10112xf32, #tpu.memory_space<vmem>>[vector<16xi32>], vector<16xf32>,
    %sub3A_977 = arith.subf %gather3A_975, %gather3A_976 : vector<16xf32>
    %mul3A_978 = arith.mulf %sub3A_977, %get3A_974 : vector<16xf32>
    %swap3A_979 = arith.constant 96 : index
    %swap3A_980 = tpu.vector_load %arg27[%swap3A_979] {strides = array<i32>} : memref<128xf32, #tpu.memory_space<vmem>>, vector<16xf32>,
    tpu.vector_store %arg27[%swap3A_979], %mul3A_978 {strides = array<i32>} : memref<128xf32, #tpu.memory_space<vmem>>, vector<16xf32>,
    %gather3A_981 = tpu.vector_load_idx %arg13[%get3A_966] : memref<10112xf32, #tpu.memory_space<vmem>>[vector<16xi32>], vector<16xf32>,
    %gather3A_982 = tpu.vector_load_idx %arg13[%get3A_970] : memref<10112xf32, #tpu.memory_space<vmem>>[vector<16xi32>], vector<16xf32>,
    %sub3A_983 = arith.subf %gather3A_981, %gather3A_982 : vector<16xf32>
    %mul3A_984 = arith.mulf %sub3A_983, %get3A_974 : vector<16xf32>
    %swap3A_985 = arith.constant 96 : index
    %swap3A_986 = tpu.vector_load %arg28[%swap3A_985] {strides = array<i32>} : memref<128xf32, #tpu.memory_space<vmem>>, vector<16xf32>,
    tpu.vector_store %arg28[%swap3A_985], %mul3A_984 {strides = array<i32>} : memref<128xf32, #tpu.memory_space<vmem>>, vector<16xf32>,
    %gather3A_987 = tpu.vector_load_idx %arg14[%get3A_966] : memref<10112xf32, #tpu.memory_space<vmem>>[vector<16xi32>], vector<16xf32>,
    %gather3A_988 = tpu.vector_load_idx %arg14[%get3A_970] : memref<10112xf32, #tpu.memory_space<vmem>>[vector<16xi32>], vector<16xf32>,
    %sub3A_989 = arith.subf %gather3A_987, %gather3A_988 : vector<16xf32>
    %mul3A_990 = arith.mulf %sub3A_989, %get3A_974 : vector<16xf32>
    %swap3A_991 = arith.constant 96 : index
    %swap3A_992 = tpu.vector_load %arg29[%swap3A_991] {strides = array<i32>} : memref<128xf32, #tpu.memory_space<vmem>>, vector<16xf32>,
    tpu.vector_store %arg29[%swap3A_991], %mul3A_990 {strides = array<i32>} : memref<128xf32, #tpu.memory_space<vmem>>, vector<16xf32>,
    %add3A_993 = arith.constant 112 : i32
    %add3A_994 = arith.addi %multiple_of3A_782, %add3A_993 : i32
    %get3A_995 = arith.index_cast %add3A_994 : i32 to index
    %get3A_996 = tpu.vector_load %arg15[%get3A_995] {strides = array<i32>} : memref<10240xi32, #tpu.memory_space<vmem>>, vector<16xi32>,
    %get3A_997 = arith.constant 3 : i32
    %get3A_998 = arith.index_cast %get3A_997 : i32 to index
    %get3A_999 = arith.constant 112 : index
    %get3A_1000 = tpu.vector_load %arg16[%get3A_998, %get3A_999] {strides = array<i32>} : memref<80x128xi32, #tpu.memory_space<vmem>>, vector<16xi32>,
    %add3A_1001 = arith.constant 112 : i32
    %add3A_1002 = arith.addi %multiple_of3A_782, %add3A_1001 : i32
    %get3A_1003 = arith.index_cast %add3A_1002 : i32 to index
    %get3A_1004 = tpu.vector_load %arg17[%get3A_1003] {strides = array<i32>} : memref<10240xf32, #tpu.memory_space<vmem>>, vector<16xf32>,
    %gather3A_1005 = tpu.vector_load_idx %arg12[%get3A_996] : memref<10112xf32, #tpu.memory_space<vmem>>[vector<16xi32>], vector<16xf32>,
    %gather3A_1006 = tpu.vector_load_idx %arg12[%get3A_1000] : memref<10112xf32, #tpu.memory_space<vmem>>[vector<16xi32>], vector<16xf32>,
    %sub3A_1007 = arith.subf %gather3A_1005, %gather3A_1006 : vector<16xf32>
    %mul3A_1008 = arith.mulf %sub3A_1007, %get3A_1004 : vector<16xf32>
    %swap3A_1009 = arith.constant 112 : index
    %swap3A_1010 = tpu.vector_load %arg27[%swap3A_1009] {strides = array<i32>} : memref<128xf32, #tpu.memory_space<vmem>>, vector<16xf32>,
    tpu.vector_store %arg27[%swap3A_1009], %mul3A_1008 {strides = array<i32>} : memref<128xf32, #tpu.memory_space<vmem>>, vector<16xf32>,
    %gather3A_1011 = tpu.vector_load_idx %arg13[%get3A_996] : memref<10112xf32, #tpu.memory_space<vmem>>[vector<16xi32>], vector<16xf32>,
    %gather3A_1012 = tpu.vector_load_idx %arg13[%get3A_1000] : memref<10112xf32, #tpu.memory_space<vmem>>[vector<16xi32>], vector<16xf32>,
    %sub3A_1013 = arith.subf %gather3A_1011, %gather3A_1012 : vector<16xf32>
    %mul3A_1014 = arith.mulf %sub3A_1013, %get3A_1004 : vector<16xf32>
    %swap3A_1015 = arith.constant 112 : index
    %swap3A_1016 = tpu.vector_load %arg28[%swap3A_1015] {strides = array<i32>} : memref<128xf32, #tpu.memory_space<vmem>>, vector<16xf32>,
    tpu.vector_store %arg28[%swap3A_1015], %mul3A_1014 {strides = array<i32>} : memref<128xf32, #tpu.memory_space<vmem>>, vector<16xf32>,
    %gather3A_1017 = tpu.vector_load_idx %arg14[%get3A_996] : memref<10112xf32, #tpu.memory_space<vmem>>[vector<16xi32>], vector<16xf32>,
    %gather3A_1018 = tpu.vector_load_idx %arg14[%get3A_1000] : memref<10112xf32, #tpu.memory_space<vmem>>[vector<16xi32>], vector<16xf32>,
    %sub3A_1019 = arith.subf %gather3A_1017, %gather3A_1018 : vector<16xf32>
    %mul3A_1020 = arith.mulf %sub3A_1019, %get3A_1004 : vector<16xf32>
    %swap3A_1021 = arith.constant 112 : index
    %swap3A_1022 = tpu.vector_load %arg29[%swap3A_1021] {strides = array<i32>} : memref<128xf32, #tpu.memory_space<vmem>>, vector<16xf32>,
    tpu.vector_store %arg29[%swap3A_1021], %mul3A_1020 {strides = array<i32>} : memref<128xf32, #tpu.memory_space<vmem>>, vector<16xf32>,
    %dma_start3A_1023 = arith.constant 3 : i32
    %dma_start3A_1024 = arith.constant 0 : i32
    %dma_start3A_1025 = tpu.memref_slice %arg16[%dma_start3A_1023, %dma_start3A_1024] : memref<80x128xi32, #tpu.memory_space<vmem>> -> memref<1x128xi32, #tpu.memory_space<vmem>>
    %dma_start3A_1026 = tpu.memref_squeeze %dma_start3A_1025 : memref<1x128xi32, #tpu.memory_space<vmem>> -> memref<128xi32, #tpu.memory_space<vmem>>
    %dma_start3A_1027 = arith.constant 0 : i32
    %dma_start3A_1028 = tpu.memref_slice %arg30[%dma_start3A_1027] : memref<10112xf32, #tpu.memory_space<vmem_shared>> -> memref<10112xf32, #tpu.memory_space<vmem_shared>>
    tpu.enqueue_indirect_dma source(%arg27 : memref<128xf32, #tpu.memory_space<vmem>>) target(%dma_start3A_1028 : memref<10112xf32, #tpu.memory_space<vmem_shared>>) offsets(%dma_start3A_1026 : memref<128xi32, #tpu.memory_space<vmem>>) semaphore(%arg36 : memref<!tpu.dma_semaphore, #tpu.memory_space<semaphore_mem>>) {add = true}
    %dma_start3A_1029 = arith.constant 3 : i32
    %dma_start3A_1030 = arith.constant 0 : i32
    %dma_start3A_1031 = tpu.memref_slice %arg16[%dma_start3A_1029, %dma_start3A_1030] : memref<80x128xi32, #tpu.memory_space<vmem>> -> memref<1x128xi32, #tpu.memory_space<vmem>>
    %dma_start3A_1032 = tpu.memref_squeeze %dma_start3A_1031 : memref<1x128xi32, #tpu.memory_space<vmem>> -> memref<128xi32, #tpu.memory_space<vmem>>
    %dma_start3A_1033 = arith.constant 0 : i32
    %dma_start3A_1034 = tpu.memref_slice %arg31[%dma_start3A_1033] : memref<10112xf32, #tpu.memory_space<vmem_shared>> -> memref<10112xf32, #tpu.memory_space<vmem_shared>>
    tpu.enqueue_indirect_dma source(%arg28 : memref<128xf32, #tpu.memory_space<vmem>>) target(%dma_start3A_1034 : memref<10112xf32, #tpu.memory_space<vmem_shared>>) offsets(%dma_start3A_1032 : memref<128xi32, #tpu.memory_space<vmem>>) semaphore(%arg36 : memref<!tpu.dma_semaphore, #tpu.memory_space<semaphore_mem>>) {add = true}
    %dma_start3A_1035 = arith.constant 3 : i32
    %dma_start3A_1036 = arith.constant 0 : i32
    %dma_start3A_1037 = tpu.memref_slice %arg16[%dma_start3A_1035, %dma_start3A_1036] : memref<80x128xi32, #tpu.memory_space<vmem>> -> memref<1x128xi32, #tpu.memory_space<vmem>>
    %dma_start3A_1038 = tpu.memref_squeeze %dma_start3A_1037 : memref<1x128xi32, #tpu.memory_space<vmem>> -> memref<128xi32, #tpu.memory_space<vmem>>
    %dma_start3A_1039 = arith.constant 0 : i32
    %dma_start3A_1040 = tpu.memref_slice %arg32[%dma_start3A_1039] : memref<10112xf32, #tpu.memory_space<vmem_shared>> -> memref<10112xf32, #tpu.memory_space<vmem_shared>>
    tpu.enqueue_indirect_dma source(%arg29 : memref<128xf32, #tpu.memory_space<vmem>>) target(%dma_start3A_1040 : memref<10112xf32, #tpu.memory_space<vmem_shared>>) offsets(%dma_start3A_1038 : memref<128xi32, #tpu.memory_space<vmem>>) semaphore(%arg36 : memref<!tpu.dma_semaphore, #tpu.memory_space<semaphore_mem>>) {add = true}
    %scan3A = arith.constant 0 : i32
    %scan3A_1041 = arith.constant 0 : i32
    %scan3A_1042 = arith.constant 19 : i32
    %scan3A_1043 = arith.addi %scan3A_1041, %scan3A_1042 : i32
    %scan3A_1044 = arith.constant 1 : i32
    scf.for %scan3A_1099 = %scan3A_1041 to %scan3A_1043 step %scan3A_1044  : i32 {
      %mul3A_1100 = arith.constant 4 : i32
      %mul3A_1101 = arith.muli %scan3A_1099, %mul3A_1100 : i32
      %add3A_1102 = arith.constant 4 : i32
      %add3A_1103 = arith.addi %mul3A_1101, %add3A_1102 : i32
      %dma_wait3A_1104 = arith.constant 0 : i32
      %dma_wait3A_1105 = tpu.memref_slice %arg8[%dma_wait3A_1104] : memref<10112xf32, #tpu.memory_space<hbm>> -> memref<128xf32, #tpu.memory_space<hbm>>
      %dma_wait3A_1106 = arith.constant 0 : i32
      %dma_wait3A_1107 = tpu.memref_slice %arg8[%dma_wait3A_1106] : memref<10112xf32, #tpu.memory_space<hbm>> -> memref<128xf32, #tpu.memory_space<hbm>>
      tpu.wait_dma2 semaphore(%arg33 : memref<!tpu.dma_semaphore, #tpu.memory_space<semaphore_mem>>) src(%dma_wait3A_1107 : memref<128xf32, #tpu.memory_space<hbm>>) dst(%arg18 : memref<128xf32, #tpu.memory_space<vmem>>)
      %dma_wait3A_1108 = arith.constant 0 : i32
      %dma_wait3A_1109 = tpu.memref_slice %arg8[%dma_wait3A_1108] : memref<10112xf32, #tpu.memory_space<hbm>> -> memref<128xf32, #tpu.memory_space<hbm>>
      %dma_wait3A_1110 = arith.constant 0 : i32
      %dma_wait3A_1111 = tpu.memref_slice %arg8[%dma_wait3A_1110] : memref<10112xf32, #tpu.memory_space<hbm>> -> memref<128xf32, #tpu.memory_space<hbm>>
      tpu.wait_dma2 semaphore(%arg33 : memref<!tpu.dma_semaphore, #tpu.memory_space<semaphore_mem>>) src(%dma_wait3A_1111 : memref<128xf32, #tpu.memory_space<hbm>>) dst(%arg19 : memref<128xf32, #tpu.memory_space<vmem>>)
      %dma_wait3A_1112 = arith.constant 0 : i32
      %dma_wait3A_1113 = tpu.memref_slice %arg8[%dma_wait3A_1112] : memref<10112xf32, #tpu.memory_space<hbm>> -> memref<128xf32, #tpu.memory_space<hbm>>
      %dma_wait3A_1114 = arith.constant 0 : i32
      %dma_wait3A_1115 = tpu.memref_slice %arg8[%dma_wait3A_1114] : memref<10112xf32, #tpu.memory_space<hbm>> -> memref<128xf32, #tpu.memory_space<hbm>>
      tpu.wait_dma2 semaphore(%arg33 : memref<!tpu.dma_semaphore, #tpu.memory_space<semaphore_mem>>) src(%dma_wait3A_1115 : memref<128xf32, #tpu.memory_space<hbm>>) dst(%arg20 : memref<128xf32, #tpu.memory_space<vmem>>)
      %add3A_1116 = arith.constant 0 : i32
      %add3A_1117 = arith.addi %add3A_1103, %add3A_1116 : i32
      %mul3A_1118 = arith.constant 128 : i32
      %mul3A_1119 = arith.muli %add3A_1117, %mul3A_1118 : i32
      %multiple_of3A_1120 = tpu.assume_multiple %mul3A_1119, 128 : i32
      %add3A_1121 = arith.constant 0 : i32
      %add3A_1122 = arith.addi %multiple_of3A_1120, %add3A_1121 : i32
      %get3A_1123 = arith.index_cast %add3A_1122 : i32 to index
      %get3A_1124 = tpu.vector_load %arg15[%get3A_1123] {strides = array<i32>} : memref<10240xi32, #tpu.memory_space<vmem>>, vector<16xi32>,
      %get3A_1125 = arith.index_cast %add3A_1117 : i32 to index
      %get3A_1126 = arith.constant 0 : index
      %get3A_1127 = tpu.vector_load %arg16[%get3A_1125, %get3A_1126] {strides = array<i32>} : memref<80x128xi32, #tpu.memory_space<vmem>>, vector<16xi32>,
      %add3A_1128 = arith.constant 0 : i32
      %add3A_1129 = arith.addi %multiple_of3A_1120, %add3A_1128 : i32
      %get3A_1130 = arith.index_cast %add3A_1129 : i32 to index
      %get3A_1131 = tpu.vector_load %arg17[%get3A_1130] {strides = array<i32>} : memref<10240xf32, #tpu.memory_space<vmem>>, vector<16xf32>,
      %gather3A_1132 = tpu.vector_load_idx %arg12[%get3A_1124] : memref<10112xf32, #tpu.memory_space<vmem>>[vector<16xi32>], vector<16xf32>,
      %gather3A_1133 = tpu.vector_load_idx %arg12[%get3A_1127] : memref<10112xf32, #tpu.memory_space<vmem>>[vector<16xi32>], vector<16xf32>,
      %sub3A_1134 = arith.subf %gather3A_1132, %gather3A_1133 : vector<16xf32>
      %mul3A_1135 = arith.mulf %sub3A_1134, %get3A_1131 : vector<16xf32>
      %swap3A_1136 = arith.constant 0 : index
      %swap3A_1137 = tpu.vector_load %arg18[%swap3A_1136] {strides = array<i32>} : memref<128xf32, #tpu.memory_space<vmem>>, vector<16xf32>,
      tpu.vector_store %arg18[%swap3A_1136], %mul3A_1135 {strides = array<i32>} : memref<128xf32, #tpu.memory_space<vmem>>, vector<16xf32>,
      %gather3A_1138 = tpu.vector_load_idx %arg13[%get3A_1124] : memref<10112xf32, #tpu.memory_space<vmem>>[vector<16xi32>], vector<16xf32>,
      %gather3A_1139 = tpu.vector_load_idx %arg13[%get3A_1127] : memref<10112xf32, #tpu.memory_space<vmem>>[vector<16xi32>], vector<16xf32>,
      %sub3A_1140 = arith.subf %gather3A_1138, %gather3A_1139 : vector<16xf32>
      %mul3A_1141 = arith.mulf %sub3A_1140, %get3A_1131 : vector<16xf32>
      %swap3A_1142 = arith.constant 0 : index
      %swap3A_1143 = tpu.vector_load %arg19[%swap3A_1142] {strides = array<i32>} : memref<128xf32, #tpu.memory_space<vmem>>, vector<16xf32>,
      tpu.vector_store %arg19[%swap3A_1142], %mul3A_1141 {strides = array<i32>} : memref<128xf32, #tpu.memory_space<vmem>>, vector<16xf32>,
      %gather3A_1144 = tpu.vector_load_idx %arg14[%get3A_1124] : memref<10112xf32, #tpu.memory_space<vmem>>[vector<16xi32>], vector<16xf32>,
      %gather3A_1145 = tpu.vector_load_idx %arg14[%get3A_1127] : memref<10112xf32, #tpu.memory_space<vmem>>[vector<16xi32>], vector<16xf32>,
      %sub3A_1146 = arith.subf %gather3A_1144, %gather3A_1145 : vector<16xf32>
      %mul3A_1147 = arith.mulf %sub3A_1146, %get3A_1131 : vector<16xf32>
      %swap3A_1148 = arith.constant 0 : index
      %swap3A_1149 = tpu.vector_load %arg20[%swap3A_1148] {strides = array<i32>} : memref<128xf32, #tpu.memory_space<vmem>>, vector<16xf32>,
      tpu.vector_store %arg20[%swap3A_1148], %mul3A_1147 {strides = array<i32>} : memref<128xf32, #tpu.memory_space<vmem>>, vector<16xf32>,
      %add3A_1150 = arith.constant 16 : i32
      %add3A_1151 = arith.addi %multiple_of3A_1120, %add3A_1150 : i32
      %get3A_1152 = arith.index_cast %add3A_1151 : i32 to index
      %get3A_1153 = tpu.vector_load %arg15[%get3A_1152] {strides = array<i32>} : memref<10240xi32, #tpu.memory_space<vmem>>, vector<16xi32>,
      %get3A_1154 = arith.index_cast %add3A_1117 : i32 to index
      %get3A_1155 = arith.constant 16 : index
      %get3A_1156 = tpu.vector_load %arg16[%get3A_1154, %get3A_1155] {strides = array<i32>} : memref<80x128xi32, #tpu.memory_space<vmem>>, vector<16xi32>,
      %add3A_1157 = arith.constant 16 : i32
      %add3A_1158 = arith.addi %multiple_of3A_1120, %add3A_1157 : i32
      %get3A_1159 = arith.index_cast %add3A_1158 : i32 to index
      %get3A_1160 = tpu.vector_load %arg17[%get3A_1159] {strides = array<i32>} : memref<10240xf32, #tpu.memory_space<vmem>>, vector<16xf32>,
      %gather3A_1161 = tpu.vector_load_idx %arg12[%get3A_1153] : memref<10112xf32, #tpu.memory_space<vmem>>[vector<16xi32>], vector<16xf32>,
      %gather3A_1162 = tpu.vector_load_idx %arg12[%get3A_1156] : memref<10112xf32, #tpu.memory_space<vmem>>[vector<16xi32>], vector<16xf32>,
      %sub3A_1163 = arith.subf %gather3A_1161, %gather3A_1162 : vector<16xf32>
      %mul3A_1164 = arith.mulf %sub3A_1163, %get3A_1160 : vector<16xf32>
      %swap3A_1165 = arith.constant 16 : index
      %swap3A_1166 = tpu.vector_load %arg18[%swap3A_1165] {strides = array<i32>} : memref<128xf32, #tpu.memory_space<vmem>>, vector<16xf32>,
      tpu.vector_store %arg18[%swap3A_1165], %mul3A_1164 {strides = array<i32>} : memref<128xf32, #tpu.memory_space<vmem>>, vector<16xf32>,
      %gather3A_1167 = tpu.vector_load_idx %arg13[%get3A_1153] : memref<10112xf32, #tpu.memory_space<vmem>>[vector<16xi32>], vector<16xf32>,
      %gather3A_1168 = tpu.vector_load_idx %arg13[%get3A_1156] : memref<10112xf32, #tpu.memory_space<vmem>>[vector<16xi32>], vector<16xf32>,
      %sub3A_1169 = arith.subf %gather3A_1167, %gather3A_1168 : vector<16xf32>
      %mul3A_1170 = arith.mulf %sub3A_1169, %get3A_1160 : vector<16xf32>
      %swap3A_1171 = arith.constant 16 : index
      %swap3A_1172 = tpu.vector_load %arg19[%swap3A_1171] {strides = array<i32>} : memref<128xf32, #tpu.memory_space<vmem>>, vector<16xf32>,
      tpu.vector_store %arg19[%swap3A_1171], %mul3A_1170 {strides = array<i32>} : memref<128xf32, #tpu.memory_space<vmem>>, vector<16xf32>,
      %gather3A_1173 = tpu.vector_load_idx %arg14[%get3A_1153] : memref<10112xf32, #tpu.memory_space<vmem>>[vector<16xi32>], vector<16xf32>,
      %gather3A_1174 = tpu.vector_load_idx %arg14[%get3A_1156] : memref<10112xf32, #tpu.memory_space<vmem>>[vector<16xi32>], vector<16xf32>,
      %sub3A_1175 = arith.subf %gather3A_1173, %gather3A_1174 : vector<16xf32>
      %mul3A_1176 = arith.mulf %sub3A_1175, %get3A_1160 : vector<16xf32>
      %swap3A_1177 = arith.constant 16 : index
      %swap3A_1178 = tpu.vector_load %arg20[%swap3A_1177] {strides = array<i32>} : memref<128xf32, #tpu.memory_space<vmem>>, vector<16xf32>,
      tpu.vector_store %arg20[%swap3A_1177], %mul3A_1176 {strides = array<i32>} : memref<128xf32, #tpu.memory_space<vmem>>, vector<16xf32>,
      %add3A_1179 = arith.constant 32 : i32
      %add3A_1180 = arith.addi %multiple_of3A_1120, %add3A_1179 : i32
      %get3A_1181 = arith.index_cast %add3A_1180 : i32 to index
      %get3A_1182 = tpu.vector_load %arg15[%get3A_1181] {strides = array<i32>} : memref<10240xi32, #tpu.memory_space<vmem>>, vector<16xi32>,
      %get3A_1183 = arith.index_cast %add3A_1117 : i32 to index
      %get3A_1184 = arith.constant 32 : index
      %get3A_1185 = tpu.vector_load %arg16[%get3A_1183, %get3A_1184] {strides = array<i32>} : memref<80x128xi32, #tpu.memory_space<vmem>>, vector<16xi32>,
      %add3A_1186 = arith.constant 32 : i32
      %add3A_1187 = arith.addi %multiple_of3A_1120, %add3A_1186 : i32
      %get3A_1188 = arith.index_cast %add3A_1187 : i32 to index
      %get3A_1189 = tpu.vector_load %arg17[%get3A_1188] {strides = array<i32>} : memref<10240xf32, #tpu.memory_space<vmem>>, vector<16xf32>,
      %gather3A_1190 = tpu.vector_load_idx %arg12[%get3A_1182] : memref<10112xf32, #tpu.memory_space<vmem>>[vector<16xi32>], vector<16xf32>,
      %gather3A_1191 = tpu.vector_load_idx %arg12[%get3A_1185] : memref<10112xf32, #tpu.memory_space<vmem>>[vector<16xi32>], vector<16xf32>,
      %sub3A_1192 = arith.subf %gather3A_1190, %gather3A_1191 : vector<16xf32>
      %mul3A_1193 = arith.mulf %sub3A_1192, %get3A_1189 : vector<16xf32>
      %swap3A_1194 = arith.constant 32 : index
      %swap3A_1195 = tpu.vector_load %arg18[%swap3A_1194] {strides = array<i32>} : memref<128xf32, #tpu.memory_space<vmem>>, vector<16xf32>,
      tpu.vector_store %arg18[%swap3A_1194], %mul3A_1193 {strides = array<i32>} : memref<128xf32, #tpu.memory_space<vmem>>, vector<16xf32>,
      %gather3A_1196 = tpu.vector_load_idx %arg13[%get3A_1182] : memref<10112xf32, #tpu.memory_space<vmem>>[vector<16xi32>], vector<16xf32>,
      %gather3A_1197 = tpu.vector_load_idx %arg13[%get3A_1185] : memref<10112xf32, #tpu.memory_space<vmem>>[vector<16xi32>], vector<16xf32>,
      %sub3A_1198 = arith.subf %gather3A_1196, %gather3A_1197 : vector<16xf32>
      %mul3A_1199 = arith.mulf %sub3A_1198, %get3A_1189 : vector<16xf32>
      %swap3A_1200 = arith.constant 32 : index
      %swap3A_1201 = tpu.vector_load %arg19[%swap3A_1200] {strides = array<i32>} : memref<128xf32, #tpu.memory_space<vmem>>, vector<16xf32>,
      tpu.vector_store %arg19[%swap3A_1200], %mul3A_1199 {strides = array<i32>} : memref<128xf32, #tpu.memory_space<vmem>>, vector<16xf32>,
      %gather3A_1202 = tpu.vector_load_idx %arg14[%get3A_1182] : memref<10112xf32, #tpu.memory_space<vmem>>[vector<16xi32>], vector<16xf32>,
      %gather3A_1203 = tpu.vector_load_idx %arg14[%get3A_1185] : memref<10112xf32, #tpu.memory_space<vmem>>[vector<16xi32>], vector<16xf32>,
      %sub3A_1204 = arith.subf %gather3A_1202, %gather3A_1203 : vector<16xf32>
      %mul3A_1205 = arith.mulf %sub3A_1204, %get3A_1189 : vector<16xf32>
      %swap3A_1206 = arith.constant 32 : index
      %swap3A_1207 = tpu.vector_load %arg20[%swap3A_1206] {strides = array<i32>} : memref<128xf32, #tpu.memory_space<vmem>>, vector<16xf32>,
      tpu.vector_store %arg20[%swap3A_1206], %mul3A_1205 {strides = array<i32>} : memref<128xf32, #tpu.memory_space<vmem>>, vector<16xf32>,
      %add3A_1208 = arith.constant 48 : i32
      %add3A_1209 = arith.addi %multiple_of3A_1120, %add3A_1208 : i32
      %get3A_1210 = arith.index_cast %add3A_1209 : i32 to index
      %get3A_1211 = tpu.vector_load %arg15[%get3A_1210] {strides = array<i32>} : memref<10240xi32, #tpu.memory_space<vmem>>, vector<16xi32>,
      %get3A_1212 = arith.index_cast %add3A_1117 : i32 to index
      %get3A_1213 = arith.constant 48 : index
      %get3A_1214 = tpu.vector_load %arg16[%get3A_1212, %get3A_1213] {strides = array<i32>} : memref<80x128xi32, #tpu.memory_space<vmem>>, vector<16xi32>,
      %add3A_1215 = arith.constant 48 : i32
      %add3A_1216 = arith.addi %multiple_of3A_1120, %add3A_1215 : i32
      %get3A_1217 = arith.index_cast %add3A_1216 : i32 to index
      %get3A_1218 = tpu.vector_load %arg17[%get3A_1217] {strides = array<i32>} : memref<10240xf32, #tpu.memory_space<vmem>>, vector<16xf32>,
      %gather3A_1219 = tpu.vector_load_idx %arg12[%get3A_1211] : memref<10112xf32, #tpu.memory_space<vmem>>[vector<16xi32>], vector<16xf32>,
      %gather3A_1220 = tpu.vector_load_idx %arg12[%get3A_1214] : memref<10112xf32, #tpu.memory_space<vmem>>[vector<16xi32>], vector<16xf32>,
      %sub3A_1221 = arith.subf %gather3A_1219, %gather3A_1220 : vector<16xf32>
      %mul3A_1222 = arith.mulf %sub3A_1221, %get3A_1218 : vector<16xf32>
      %swap3A_1223 = arith.constant 48 : index
      %swap3A_1224 = tpu.vector_load %arg18[%swap3A_1223] {strides = array<i32>} : memref<128xf32, #tpu.memory_space<vmem>>, vector<16xf32>,
      tpu.vector_store %arg18[%swap3A_1223], %mul3A_1222 {strides = array<i32>} : memref<128xf32, #tpu.memory_space<vmem>>, vector<16xf32>,
      %gather3A_1225 = tpu.vector_load_idx %arg13[%get3A_1211] : memref<10112xf32, #tpu.memory_space<vmem>>[vector<16xi32>], vector<16xf32>,
      %gather3A_1226 = tpu.vector_load_idx %arg13[%get3A_1214] : memref<10112xf32, #tpu.memory_space<vmem>>[vector<16xi32>], vector<16xf32>,
      %sub3A_1227 = arith.subf %gather3A_1225, %gather3A_1226 : vector<16xf32>
      %mul3A_1228 = arith.mulf %sub3A_1227, %get3A_1218 : vector<16xf32>
      %swap3A_1229 = arith.constant 48 : index
      %swap3A_1230 = tpu.vector_load %arg19[%swap3A_1229] {strides = array<i32>} : memref<128xf32, #tpu.memory_space<vmem>>, vector<16xf32>,
      tpu.vector_store %arg19[%swap3A_1229], %mul3A_1228 {strides = array<i32>} : memref<128xf32, #tpu.memory_space<vmem>>, vector<16xf32>,
      %gather3A_1231 = tpu.vector_load_idx %arg14[%get3A_1211] : memref<10112xf32, #tpu.memory_space<vmem>>[vector<16xi32>], vector<16xf32>,
      %gather3A_1232 = tpu.vector_load_idx %arg14[%get3A_1214] : memref<10112xf32, #tpu.memory_space<vmem>>[vector<16xi32>], vector<16xf32>,
      %sub3A_1233 = arith.subf %gather3A_1231, %gather3A_1232 : vector<16xf32>
      %mul3A_1234 = arith.mulf %sub3A_1233, %get3A_1218 : vector<16xf32>
      %swap3A_1235 = arith.constant 48 : index
      %swap3A_1236 = tpu.vector_load %arg20[%swap3A_1235] {strides = array<i32>} : memref<128xf32, #tpu.memory_space<vmem>>, vector<16xf32>,
      tpu.vector_store %arg20[%swap3A_1235], %mul3A_1234 {strides = array<i32>} : memref<128xf32, #tpu.memory_space<vmem>>, vector<16xf32>,
      %add3A_1237 = arith.constant 64 : i32
      %add3A_1238 = arith.addi %multiple_of3A_1120, %add3A_1237 : i32
      %get3A_1239 = arith.index_cast %add3A_1238 : i32 to index
      %get3A_1240 = tpu.vector_load %arg15[%get3A_1239] {strides = array<i32>} : memref<10240xi32, #tpu.memory_space<vmem>>, vector<16xi32>,
      %get3A_1241 = arith.index_cast %add3A_1117 : i32 to index
      %get3A_1242 = arith.constant 64 : index
      %get3A_1243 = tpu.vector_load %arg16[%get3A_1241, %get3A_1242] {strides = array<i32>} : memref<80x128xi32, #tpu.memory_space<vmem>>, vector<16xi32>,
      %add3A_1244 = arith.constant 64 : i32
      %add3A_1245 = arith.addi %multiple_of3A_1120, %add3A_1244 : i32
      %get3A_1246 = arith.index_cast %add3A_1245 : i32 to index
      %get3A_1247 = tpu.vector_load %arg17[%get3A_1246] {strides = array<i32>} : memref<10240xf32, #tpu.memory_space<vmem>>, vector<16xf32>,
      %gather3A_1248 = tpu.vector_load_idx %arg12[%get3A_1240] : memref<10112xf32, #tpu.memory_space<vmem>>[vector<16xi32>], vector<16xf32>,
      %gather3A_1249 = tpu.vector_load_idx %arg12[%get3A_1243] : memref<10112xf32, #tpu.memory_space<vmem>>[vector<16xi32>], vector<16xf32>,
      %sub3A_1250 = arith.subf %gather3A_1248, %gather3A_1249 : vector<16xf32>
      %mul3A_1251 = arith.mulf %sub3A_1250, %get3A_1247 : vector<16xf32>
      %swap3A_1252 = arith.constant 64 : index
      %swap3A_1253 = tpu.vector_load %arg18[%swap3A_1252] {strides = array<i32>} : memref<128xf32, #tpu.memory_space<vmem>>, vector<16xf32>,
      tpu.vector_store %arg18[%swap3A_1252], %mul3A_1251 {strides = array<i32>} : memref<128xf32, #tpu.memory_space<vmem>>, vector<16xf32>,
      %gather3A_1254 = tpu.vector_load_idx %arg13[%get3A_1240] : memref<10112xf32, #tpu.memory_space<vmem>>[vector<16xi32>], vector<16xf32>,
      %gather3A_1255 = tpu.vector_load_idx %arg13[%get3A_1243] : memref<10112xf32, #tpu.memory_space<vmem>>[vector<16xi32>], vector<16xf32>,
      %sub3A_1256 = arith.subf %gather3A_1254, %gather3A_1255 : vector<16xf32>
      %mul3A_1257 = arith.mulf %sub3A_1256, %get3A_1247 : vector<16xf32>
      %swap3A_1258 = arith.constant 64 : index
      %swap3A_1259 = tpu.vector_load %arg19[%swap3A_1258] {strides = array<i32>} : memref<128xf32, #tpu.memory_space<vmem>>, vector<16xf32>,
      tpu.vector_store %arg19[%swap3A_1258], %mul3A_1257 {strides = array<i32>} : memref<128xf32, #tpu.memory_space<vmem>>, vector<16xf32>,
      %gather3A_1260 = tpu.vector_load_idx %arg14[%get3A_1240] : memref<10112xf32, #tpu.memory_space<vmem>>[vector<16xi32>], vector<16xf32>,
      %gather3A_1261 = tpu.vector_load_idx %arg14[%get3A_1243] : memref<10112xf32, #tpu.memory_space<vmem>>[vector<16xi32>], vector<16xf32>,
      %sub3A_1262 = arith.subf %gather3A_1260, %gather3A_1261 : vector<16xf32>
      %mul3A_1263 = arith.mulf %sub3A_1262, %get3A_1247 : vector<16xf32>
      %swap3A_1264 = arith.constant 64 : index
      %swap3A_1265 = tpu.vector_load %arg20[%swap3A_1264] {strides = array<i32>} : memref<128xf32, #tpu.memory_space<vmem>>, vector<16xf32>,
      tpu.vector_store %arg20[%swap3A_1264], %mul3A_1263 {strides = array<i32>} : memref<128xf32, #tpu.memory_space<vmem>>, vector<16xf32>,
      %add3A_1266 = arith.constant 80 : i32
      %add3A_1267 = arith.addi %multiple_of3A_1120, %add3A_1266 : i32
      %get3A_1268 = arith.index_cast %add3A_1267 : i32 to index
      %get3A_1269 = tpu.vector_load %arg15[%get3A_1268] {strides = array<i32>} : memref<10240xi32, #tpu.memory_space<vmem>>, vector<16xi32>,
      %get3A_1270 = arith.index_cast %add3A_1117 : i32 to index
      %get3A_1271 = arith.constant 80 : index
      %get3A_1272 = tpu.vector_load %arg16[%get3A_1270, %get3A_1271] {strides = array<i32>} : memref<80x128xi32, #tpu.memory_space<vmem>>, vector<16xi32>,
      %add3A_1273 = arith.constant 80 : i32
      %add3A_1274 = arith.addi %multiple_of3A_1120, %add3A_1273 : i32
      %get3A_1275 = arith.index_cast %add3A_1274 : i32 to index
      %get3A_1276 = tpu.vector_load %arg17[%get3A_1275] {strides = array<i32>} : memref<10240xf32, #tpu.memory_space<vmem>>, vector<16xf32>,
      %gather3A_1277 = tpu.vector_load_idx %arg12[%get3A_1269] : memref<10112xf32, #tpu.memory_space<vmem>>[vector<16xi32>], vector<16xf32>,
      %gather3A_1278 = tpu.vector_load_idx %arg12[%get3A_1272] : memref<10112xf32, #tpu.memory_space<vmem>>[vector<16xi32>], vector<16xf32>,
      %sub3A_1279 = arith.subf %gather3A_1277, %gather3A_1278 : vector<16xf32>
      %mul3A_1280 = arith.mulf %sub3A_1279, %get3A_1276 : vector<16xf32>
      %swap3A_1281 = arith.constant 80 : index
      %swap3A_1282 = tpu.vector_load %arg18[%swap3A_1281] {strides = array<i32>} : memref<128xf32, #tpu.memory_space<vmem>>, vector<16xf32>,
      tpu.vector_store %arg18[%swap3A_1281], %mul3A_1280 {strides = array<i32>} : memref<128xf32, #tpu.memory_space<vmem>>, vector<16xf32>,
      %gather3A_1283 = tpu.vector_load_idx %arg13[%get3A_1269] : memref<10112xf32, #tpu.memory_space<vmem>>[vector<16xi32>], vector<16xf32>,
      %gather3A_1284 = tpu.vector_load_idx %arg13[%get3A_1272] : memref<10112xf32, #tpu.memory_space<vmem>>[vector<16xi32>], vector<16xf32>,
      %sub3A_1285 = arith.subf %gather3A_1283, %gather3A_1284 : vector<16xf32>
      %mul3A_1286 = arith.mulf %sub3A_1285, %get3A_1276 : vector<16xf32>
      %swap3A_1287 = arith.constant 80 : index
      %swap3A_1288 = tpu.vector_load %arg19[%swap3A_1287] {strides = array<i32>} : memref<128xf32, #tpu.memory_space<vmem>>, vector<16xf32>,
      tpu.vector_store %arg19[%swap3A_1287], %mul3A_1286 {strides = array<i32>} : memref<128xf32, #tpu.memory_space<vmem>>, vector<16xf32>,
      %gather3A_1289 = tpu.vector_load_idx %arg14[%get3A_1269] : memref<10112xf32, #tpu.memory_space<vmem>>[vector<16xi32>], vector<16xf32>,
      %gather3A_1290 = tpu.vector_load_idx %arg14[%get3A_1272] : memref<10112xf32, #tpu.memory_space<vmem>>[vector<16xi32>], vector<16xf32>,
      %sub3A_1291 = arith.subf %gather3A_1289, %gather3A_1290 : vector<16xf32>
      %mul3A_1292 = arith.mulf %sub3A_1291, %get3A_1276 : vector<16xf32>
      %swap3A_1293 = arith.constant 80 : index
      %swap3A_1294 = tpu.vector_load %arg20[%swap3A_1293] {strides = array<i32>} : memref<128xf32, #tpu.memory_space<vmem>>, vector<16xf32>,
      tpu.vector_store %arg20[%swap3A_1293], %mul3A_1292 {strides = array<i32>} : memref<128xf32, #tpu.memory_space<vmem>>, vector<16xf32>,
      %add3A_1295 = arith.constant 96 : i32
      %add3A_1296 = arith.addi %multiple_of3A_1120, %add3A_1295 : i32
      %get3A_1297 = arith.index_cast %add3A_1296 : i32 to index
      %get3A_1298 = tpu.vector_load %arg15[%get3A_1297] {strides = array<i32>} : memref<10240xi32, #tpu.memory_space<vmem>>, vector<16xi32>,
      %get3A_1299 = arith.index_cast %add3A_1117 : i32 to index
      %get3A_1300 = arith.constant 96 : index
      %get3A_1301 = tpu.vector_load %arg16[%get3A_1299, %get3A_1300] {strides = array<i32>} : memref<80x128xi32, #tpu.memory_space<vmem>>, vector<16xi32>,
      %add3A_1302 = arith.constant 96 : i32
      %add3A_1303 = arith.addi %multiple_of3A_1120, %add3A_1302 : i32
      %get3A_1304 = arith.index_cast %add3A_1303 : i32 to index
      %get3A_1305 = tpu.vector_load %arg17[%get3A_1304] {strides = array<i32>} : memref<10240xf32, #tpu.memory_space<vmem>>, vector<16xf32>,
      %gather3A_1306 = tpu.vector_load_idx %arg12[%get3A_1298] : memref<10112xf32, #tpu.memory_space<vmem>>[vector<16xi32>], vector<16xf32>,
      %gather3A_1307 = tpu.vector_load_idx %arg12[%get3A_1301] : memref<10112xf32, #tpu.memory_space<vmem>>[vector<16xi32>], vector<16xf32>,
      %sub3A_1308 = arith.subf %gather3A_1306, %gather3A_1307 : vector<16xf32>
      %mul3A_1309 = arith.mulf %sub3A_1308, %get3A_1305 : vector<16xf32>
      %swap3A_1310 = arith.constant 96 : index
      %swap3A_1311 = tpu.vector_load %arg18[%swap3A_1310] {strides = array<i32>} : memref<128xf32, #tpu.memory_space<vmem>>, vector<16xf32>,
      tpu.vector_store %arg18[%swap3A_1310], %mul3A_1309 {strides = array<i32>} : memref<128xf32, #tpu.memory_space<vmem>>, vector<16xf32>,
      %gather3A_1312 = tpu.vector_load_idx %arg13[%get3A_1298] : memref<10112xf32, #tpu.memory_space<vmem>>[vector<16xi32>], vector<16xf32>,
      %gather3A_1313 = tpu.vector_load_idx %arg13[%get3A_1301] : memref<10112xf32, #tpu.memory_space<vmem>>[vector<16xi32>], vector<16xf32>,
      %sub3A_1314 = arith.subf %gather3A_1312, %gather3A_1313 : vector<16xf32>
      %mul3A_1315 = arith.mulf %sub3A_1314, %get3A_1305 : vector<16xf32>
      %swap3A_1316 = arith.constant 96 : index
      %swap3A_1317 = tpu.vector_load %arg19[%swap3A_1316] {strides = array<i32>} : memref<128xf32, #tpu.memory_space<vmem>>, vector<16xf32>,
      tpu.vector_store %arg19[%swap3A_1316], %mul3A_1315 {strides = array<i32>} : memref<128xf32, #tpu.memory_space<vmem>>, vector<16xf32>,
      %gather3A_1318 = tpu.vector_load_idx %arg14[%get3A_1298] : memref<10112xf32, #tpu.memory_space<vmem>>[vector<16xi32>], vector<16xf32>,
      %gather3A_1319 = tpu.vector_load_idx %arg14[%get3A_1301] : memref<10112xf32, #tpu.memory_space<vmem>>[vector<16xi32>], vector<16xf32>,
      %sub3A_1320 = arith.subf %gather3A_1318, %gather3A_1319 : vector<16xf32>
      %mul3A_1321 = arith.mulf %sub3A_1320, %get3A_1305 : vector<16xf32>
      %swap3A_1322 = arith.constant 96 : index
      %swap3A_1323 = tpu.vector_load %arg20[%swap3A_1322] {strides = array<i32>} : memref<128xf32, #tpu.memory_space<vmem>>, vector<16xf32>,
      tpu.vector_store %arg20[%swap3A_1322], %mul3A_1321 {strides = array<i32>} : memref<128xf32, #tpu.memory_space<vmem>>, vector<16xf32>,
      %add3A_1324 = arith.constant 112 : i32
      %add3A_1325 = arith.addi %multiple_of3A_1120, %add3A_1324 : i32
      %get3A_1326 = arith.index_cast %add3A_1325 : i32 to index
      %get3A_1327 = tpu.vector_load %arg15[%get3A_1326] {strides = array<i32>} : memref<10240xi32, #tpu.memory_space<vmem>>, vector<16xi32>,
      %get3A_1328 = arith.index_cast %add3A_1117 : i32 to index
      %get3A_1329 = arith.constant 112 : index
      %get3A_1330 = tpu.vector_load %arg16[%get3A_1328, %get3A_1329] {strides = array<i32>} : memref<80x128xi32, #tpu.memory_space<vmem>>, vector<16xi32>,
      %add3A_1331 = arith.constant 112 : i32
      %add3A_1332 = arith.addi %multiple_of3A_1120, %add3A_1331 : i32
      %get3A_1333 = arith.index_cast %add3A_1332 : i32 to index
      %get3A_1334 = tpu.vector_load %arg17[%get3A_1333] {strides = array<i32>} : memref<10240xf32, #tpu.memory_space<vmem>>, vector<16xf32>,
      %gather3A_1335 = tpu.vector_load_idx %arg12[%get3A_1327] : memref<10112xf32, #tpu.memory_space<vmem>>[vector<16xi32>], vector<16xf32>,
      %gather3A_1336 = tpu.vector_load_idx %arg12[%get3A_1330] : memref<10112xf32, #tpu.memory_space<vmem>>[vector<16xi32>], vector<16xf32>,
      %sub3A_1337 = arith.subf %gather3A_1335, %gather3A_1336 : vector<16xf32>
      %mul3A_1338 = arith.mulf %sub3A_1337, %get3A_1334 : vector<16xf32>
      %swap3A_1339 = arith.constant 112 : index
      %swap3A_1340 = tpu.vector_load %arg18[%swap3A_1339] {strides = array<i32>} : memref<128xf32, #tpu.memory_space<vmem>>, vector<16xf32>,
      tpu.vector_store %arg18[%swap3A_1339], %mul3A_1338 {strides = array<i32>} : memref<128xf32, #tpu.memory_space<vmem>>, vector<16xf32>,
      %gather3A_1341 = tpu.vector_load_idx %arg13[%get3A_1327] : memref<10112xf32, #tpu.memory_space<vmem>>[vector<16xi32>], vector<16xf32>,
      %gather3A_1342 = tpu.vector_load_idx %arg13[%get3A_1330] : memref<10112xf32, #tpu.memory_space<vmem>>[vector<16xi32>], vector<16xf32>,
      %sub3A_1343 = arith.subf %gather3A_1341, %gather3A_1342 : vector<16xf32>
      %mul3A_1344 = arith.mulf %sub3A_1343, %get3A_1334 : vector<16xf32>
      %swap3A_1345 = arith.constant 112 : index
      %swap3A_1346 = tpu.vector_load %arg19[%swap3A_1345] {strides = array<i32>} : memref<128xf32, #tpu.memory_space<vmem>>, vector<16xf32>,
      tpu.vector_store %arg19[%swap3A_1345], %mul3A_1344 {strides = array<i32>} : memref<128xf32, #tpu.memory_space<vmem>>, vector<16xf32>,
      %gather3A_1347 = tpu.vector_load_idx %arg14[%get3A_1327] : memref<10112xf32, #tpu.memory_space<vmem>>[vector<16xi32>], vector<16xf32>,
      %gather3A_1348 = tpu.vector_load_idx %arg14[%get3A_1330] : memref<10112xf32, #tpu.memory_space<vmem>>[vector<16xi32>], vector<16xf32>,
      %sub3A_1349 = arith.subf %gather3A_1347, %gather3A_1348 : vector<16xf32>
      %mul3A_1350 = arith.mulf %sub3A_1349, %get3A_1334 : vector<16xf32>
      %swap3A_1351 = arith.constant 112 : index
      %swap3A_1352 = tpu.vector_load %arg20[%swap3A_1351] {strides = array<i32>} : memref<128xf32, #tpu.memory_space<vmem>>, vector<16xf32>,
      tpu.vector_store %arg20[%swap3A_1351], %mul3A_1350 {strides = array<i32>} : memref<128xf32, #tpu.memory_space<vmem>>, vector<16xf32>,
      %add3A_1353 = arith.constant 0 : i32
      %add3A_1354 = arith.addi %add3A_1103, %add3A_1353 : i32
      %dma_start3A_1355 = arith.constant 0 : i32
      %dma_start3A_1356 = tpu.memref_slice %arg16[%add3A_1354, %dma_start3A_1355] : memref<80x128xi32, #tpu.memory_space<vmem>> -> memref<1x128xi32, #tpu.memory_space<vmem>>
      %dma_start3A_1357 = tpu.memref_squeeze %dma_start3A_1356 : memref<1x128xi32, #tpu.memory_space<vmem>> -> memref<128xi32, #tpu.memory_space<vmem>>
      %dma_start3A_1358 = arith.constant 0 : i32
      %dma_start3A_1359 = tpu.memref_slice %arg30[%dma_start3A_1358] : memref<10112xf32, #tpu.memory_space<vmem_shared>> -> memref<10112xf32, #tpu.memory_space<vmem_shared>>
      tpu.enqueue_indirect_dma source(%arg18 : memref<128xf32, #tpu.memory_space<vmem>>) target(%dma_start3A_1359 : memref<10112xf32, #tpu.memory_space<vmem_shared>>) offsets(%dma_start3A_1357 : memref<128xi32, #tpu.memory_space<vmem>>) semaphore(%arg33 : memref<!tpu.dma_semaphore, #tpu.memory_space<semaphore_mem>>) {add = true}
      %dma_start3A_1360 = arith.constant 0 : i32
      %dma_start3A_1361 = tpu.memref_slice %arg16[%add3A_1354, %dma_start3A_1360] : memref<80x128xi32, #tpu.memory_space<vmem>> -> memref<1x128xi32, #tpu.memory_space<vmem>>
      %dma_start3A_1362 = tpu.memref_squeeze %dma_start3A_1361 : memref<1x128xi32, #tpu.memory_space<vmem>> -> memref<128xi32, #tpu.memory_space<vmem>>
      %dma_start3A_1363 = arith.constant 0 : i32
      %dma_start3A_1364 = tpu.memref_slice %arg31[%dma_start3A_1363] : memref<10112xf32, #tpu.memory_space<vmem_shared>> -> memref<10112xf32, #tpu.memory_space<vmem_shared>>
      tpu.enqueue_indirect_dma source(%arg19 : memref<128xf32, #tpu.memory_space<vmem>>) target(%dma_start3A_1364 : memref<10112xf32, #tpu.memory_space<vmem_shared>>) offsets(%dma_start3A_1362 : memref<128xi32, #tpu.memory_space<vmem>>) semaphore(%arg33 : memref<!tpu.dma_semaphore, #tpu.memory_space<semaphore_mem>>) {add = true}
      %dma_start3A_1365 = arith.constant 0 : i32
      %dma_start3A_1366 = tpu.memref_slice %arg16[%add3A_1354, %dma_start3A_1365] : memref<80x128xi32, #tpu.memory_space<vmem>> -> memref<1x128xi32, #tpu.memory_space<vmem>>
      %dma_start3A_1367 = tpu.memref_squeeze %dma_start3A_1366 : memref<1x128xi32, #tpu.memory_space<vmem>> -> memref<128xi32, #tpu.memory_space<vmem>>
      %dma_start3A_1368 = arith.constant 0 : i32
      %dma_start3A_1369 = tpu.memref_slice %arg32[%dma_start3A_1368] : memref<10112xf32, #tpu.memory_space<vmem_shared>> -> memref<10112xf32, #tpu.memory_space<vmem_shared>>
      tpu.enqueue_indirect_dma source(%arg20 : memref<128xf32, #tpu.memory_space<vmem>>) target(%dma_start3A_1369 : memref<10112xf32, #tpu.memory_space<vmem_shared>>) offsets(%dma_start3A_1367 : memref<128xi32, #tpu.memory_space<vmem>>) semaphore(%arg33 : memref<!tpu.dma_semaphore, #tpu.memory_space<semaphore_mem>>) {add = true}
      %dma_wait3A_1370 = arith.constant 0 : i32
      %dma_wait3A_1371 = tpu.memref_slice %arg8[%dma_wait3A_1370] : memref<10112xf32, #tpu.memory_space<hbm>> -> memref<128xf32, #tpu.memory_space<hbm>>
      %dma_wait3A_1372 = arith.constant 0 : i32
      %dma_wait3A_1373 = tpu.memref_slice %arg8[%dma_wait3A_1372] : memref<10112xf32, #tpu.memory_space<hbm>> -> memref<128xf32, #tpu.memory_space<hbm>>
      tpu.wait_dma2 semaphore(%arg34 : memref<!tpu.dma_semaphore, #tpu.memory_space<semaphore_mem>>) src(%dma_wait3A_1373 : memref<128xf32, #tpu.memory_space<hbm>>) dst(%arg21 : memref<128xf32, #tpu.memory_space<vmem>>)
      %dma_wait3A_1374 = arith.constant 0 : i32
      %dma_wait3A_1375 = tpu.memref_slice %arg8[%dma_wait3A_1374] : memref<10112xf32, #tpu.memory_space<hbm>> -> memref<128xf32, #tpu.memory_space<hbm>>
      %dma_wait3A_1376 = arith.constant 0 : i32
      %dma_wait3A_1377 = tpu.memref_slice %arg8[%dma_wait3A_1376] : memref<10112xf32, #tpu.memory_space<hbm>> -> memref<128xf32, #tpu.memory_space<hbm>>
      tpu.wait_dma2 semaphore(%arg34 : memref<!tpu.dma_semaphore, #tpu.memory_space<semaphore_mem>>) src(%dma_wait3A_1377 : memref<128xf32, #tpu.memory_space<hbm>>) dst(%arg22 : memref<128xf32, #tpu.memory_space<vmem>>)
      %dma_wait3A_1378 = arith.constant 0 : i32
      %dma_wait3A_1379 = tpu.memref_slice %arg8[%dma_wait3A_1378] : memref<10112xf32, #tpu.memory_space<hbm>> -> memref<128xf32, #tpu.memory_space<hbm>>
      %dma_wait3A_1380 = arith.constant 0 : i32
      %dma_wait3A_1381 = tpu.memref_slice %arg8[%dma_wait3A_1380] : memref<10112xf32, #tpu.memory_space<hbm>> -> memref<128xf32, #tpu.memory_space<hbm>>
      tpu.wait_dma2 semaphore(%arg34 : memref<!tpu.dma_semaphore, #tpu.memory_space<semaphore_mem>>) src(%dma_wait3A_1381 : memref<128xf32, #tpu.memory_space<hbm>>) dst(%arg23 : memref<128xf32, #tpu.memory_space<vmem>>)
      %add3A_1382 = arith.constant 1 : i32
      %add3A_1383 = arith.addi %add3A_1103, %add3A_1382 : i32
      %mul3A_1384 = arith.constant 128 : i32
      %mul3A_1385 = arith.muli %add3A_1383, %mul3A_1384 : i32
      %multiple_of3A_1386 = tpu.assume_multiple %mul3A_1385, 128 : i32
      %add3A_1387 = arith.constant 0 : i32
      %add3A_1388 = arith.addi %multiple_of3A_1386, %add3A_1387 : i32
      %get3A_1389 = arith.index_cast %add3A_1388 : i32 to index
      %get3A_1390 = tpu.vector_load %arg15[%get3A_1389] {strides = array<i32>} : memref<10240xi32, #tpu.memory_space<vmem>>, vector<16xi32>,
      %get3A_1391 = arith.index_cast %add3A_1383 : i32 to index
      %get3A_1392 = arith.constant 0 : index
      %get3A_1393 = tpu.vector_load %arg16[%get3A_1391, %get3A_1392] {strides = array<i32>} : memref<80x128xi32, #tpu.memory_space<vmem>>, vector<16xi32>,
      %add3A_1394 = arith.constant 0 : i32
      %add3A_1395 = arith.addi %multiple_of3A_1386, %add3A_1394 : i32
      %get3A_1396 = arith.index_cast %add3A_1395 : i32 to index
      %get3A_1397 = tpu.vector_load %arg17[%get3A_1396] {strides = array<i32>} : memref<10240xf32, #tpu.memory_space<vmem>>, vector<16xf32>,
      %gather3A_1398 = tpu.vector_load_idx %arg12[%get3A_1390] : memref<10112xf32, #tpu.memory_space<vmem>>[vector<16xi32>], vector<16xf32>,
      %gather3A_1399 = tpu.vector_load_idx %arg12[%get3A_1393] : memref<10112xf32, #tpu.memory_space<vmem>>[vector<16xi32>], vector<16xf32>,
      %sub3A_1400 = arith.subf %gather3A_1398, %gather3A_1399 : vector<16xf32>
      %mul3A_1401 = arith.mulf %sub3A_1400, %get3A_1397 : vector<16xf32>
      %swap3A_1402 = arith.constant 0 : index
      %swap3A_1403 = tpu.vector_load %arg21[%swap3A_1402] {strides = array<i32>} : memref<128xf32, #tpu.memory_space<vmem>>, vector<16xf32>,
      tpu.vector_store %arg21[%swap3A_1402], %mul3A_1401 {strides = array<i32>} : memref<128xf32, #tpu.memory_space<vmem>>, vector<16xf32>,
      %gather3A_1404 = tpu.vector_load_idx %arg13[%get3A_1390] : memref<10112xf32, #tpu.memory_space<vmem>>[vector<16xi32>], vector<16xf32>,
      %gather3A_1405 = tpu.vector_load_idx %arg13[%get3A_1393] : memref<10112xf32, #tpu.memory_space<vmem>>[vector<16xi32>], vector<16xf32>,
      %sub3A_1406 = arith.subf %gather3A_1404, %gather3A_1405 : vector<16xf32>
      %mul3A_1407 = arith.mulf %sub3A_1406, %get3A_1397 : vector<16xf32>
      %swap3A_1408 = arith.constant 0 : index
      %swap3A_1409 = tpu.vector_load %arg22[%swap3A_1408] {strides = array<i32>} : memref<128xf32, #tpu.memory_space<vmem>>, vector<16xf32>,
      tpu.vector_store %arg22[%swap3A_1408], %mul3A_1407 {strides = array<i32>} : memref<128xf32, #tpu.memory_space<vmem>>, vector<16xf32>,
      %gather3A_1410 = tpu.vector_load_idx %arg14[%get3A_1390] : memref<10112xf32, #tpu.memory_space<vmem>>[vector<16xi32>], vector<16xf32>,
      %gather3A_1411 = tpu.vector_load_idx %arg14[%get3A_1393] : memref<10112xf32, #tpu.memory_space<vmem>>[vector<16xi32>], vector<16xf32>,
      %sub3A_1412 = arith.subf %gather3A_1410, %gather3A_1411 : vector<16xf32>
      %mul3A_1413 = arith.mulf %sub3A_1412, %get3A_1397 : vector<16xf32>
      %swap3A_1414 = arith.constant 0 : index
      %swap3A_1415 = tpu.vector_load %arg23[%swap3A_1414] {strides = array<i32>} : memref<128xf32, #tpu.memory_space<vmem>>, vector<16xf32>,
      tpu.vector_store %arg23[%swap3A_1414], %mul3A_1413 {strides = array<i32>} : memref<128xf32, #tpu.memory_space<vmem>>, vector<16xf32>,
      %add3A_1416 = arith.constant 16 : i32
      %add3A_1417 = arith.addi %multiple_of3A_1386, %add3A_1416 : i32
      %get3A_1418 = arith.index_cast %add3A_1417 : i32 to index
      %get3A_1419 = tpu.vector_load %arg15[%get3A_1418] {strides = array<i32>} : memref<10240xi32, #tpu.memory_space<vmem>>, vector<16xi32>,
      %get3A_1420 = arith.index_cast %add3A_1383 : i32 to index
      %get3A_1421 = arith.constant 16 : index
      %get3A_1422 = tpu.vector_load %arg16[%get3A_1420, %get3A_1421] {strides = array<i32>} : memref<80x128xi32, #tpu.memory_space<vmem>>, vector<16xi32>,
      %add3A_1423 = arith.constant 16 : i32
      %add3A_1424 = arith.addi %multiple_of3A_1386, %add3A_1423 : i32
      %get3A_1425 = arith.index_cast %add3A_1424 : i32 to index
      %get3A_1426 = tpu.vector_load %arg17[%get3A_1425] {strides = array<i32>} : memref<10240xf32, #tpu.memory_space<vmem>>, vector<16xf32>,
      %gather3A_1427 = tpu.vector_load_idx %arg12[%get3A_1419] : memref<10112xf32, #tpu.memory_space<vmem>>[vector<16xi32>], vector<16xf32>,
      %gather3A_1428 = tpu.vector_load_idx %arg12[%get3A_1422] : memref<10112xf32, #tpu.memory_space<vmem>>[vector<16xi32>], vector<16xf32>,
      %sub3A_1429 = arith.subf %gather3A_1427, %gather3A_1428 : vector<16xf32>
      %mul3A_1430 = arith.mulf %sub3A_1429, %get3A_1426 : vector<16xf32>
      %swap3A_1431 = arith.constant 16 : index
      %swap3A_1432 = tpu.vector_load %arg21[%swap3A_1431] {strides = array<i32>} : memref<128xf32, #tpu.memory_space<vmem>>, vector<16xf32>,
      tpu.vector_store %arg21[%swap3A_1431], %mul3A_1430 {strides = array<i32>} : memref<128xf32, #tpu.memory_space<vmem>>, vector<16xf32>,
      %gather3A_1433 = tpu.vector_load_idx %arg13[%get3A_1419] : memref<10112xf32, #tpu.memory_space<vmem>>[vector<16xi32>], vector<16xf32>,
      %gather3A_1434 = tpu.vector_load_idx %arg13[%get3A_1422] : memref<10112xf32, #tpu.memory_space<vmem>>[vector<16xi32>], vector<16xf32>,
      %sub3A_1435 = arith.subf %gather3A_1433, %gather3A_1434 : vector<16xf32>
      %mul3A_1436 = arith.mulf %sub3A_1435, %get3A_1426 : vector<16xf32>
      %swap3A_1437 = arith.constant 16 : index
      %swap3A_1438 = tpu.vector_load %arg22[%swap3A_1437] {strides = array<i32>} : memref<128xf32, #tpu.memory_space<vmem>>, vector<16xf32>,
      tpu.vector_store %arg22[%swap3A_1437], %mul3A_1436 {strides = array<i32>} : memref<128xf32, #tpu.memory_space<vmem>>, vector<16xf32>,
      %gather3A_1439 = tpu.vector_load_idx %arg14[%get3A_1419] : memref<10112xf32, #tpu.memory_space<vmem>>[vector<16xi32>], vector<16xf32>,
      %gather3A_1440 = tpu.vector_load_idx %arg14[%get3A_1422] : memref<10112xf32, #tpu.memory_space<vmem>>[vector<16xi32>], vector<16xf32>,
      %sub3A_1441 = arith.subf %gather3A_1439, %gather3A_1440 : vector<16xf32>
      %mul3A_1442 = arith.mulf %sub3A_1441, %get3A_1426 : vector<16xf32>
      %swap3A_1443 = arith.constant 16 : index
      %swap3A_1444 = tpu.vector_load %arg23[%swap3A_1443] {strides = array<i32>} : memref<128xf32, #tpu.memory_space<vmem>>, vector<16xf32>,
      tpu.vector_store %arg23[%swap3A_1443], %mul3A_1442 {strides = array<i32>} : memref<128xf32, #tpu.memory_space<vmem>>, vector<16xf32>,
      %add3A_1445 = arith.constant 32 : i32
      %add3A_1446 = arith.addi %multiple_of3A_1386, %add3A_1445 : i32
      %get3A_1447 = arith.index_cast %add3A_1446 : i32 to index
      %get3A_1448 = tpu.vector_load %arg15[%get3A_1447] {strides = array<i32>} : memref<10240xi32, #tpu.memory_space<vmem>>, vector<16xi32>,
      %get3A_1449 = arith.index_cast %add3A_1383 : i32 to index
      %get3A_1450 = arith.constant 32 : index
      %get3A_1451 = tpu.vector_load %arg16[%get3A_1449, %get3A_1450] {strides = array<i32>} : memref<80x128xi32, #tpu.memory_space<vmem>>, vector<16xi32>,
      %add3A_1452 = arith.constant 32 : i32
      %add3A_1453 = arith.addi %multiple_of3A_1386, %add3A_1452 : i32
      %get3A_1454 = arith.index_cast %add3A_1453 : i32 to index
      %get3A_1455 = tpu.vector_load %arg17[%get3A_1454] {strides = array<i32>} : memref<10240xf32, #tpu.memory_space<vmem>>, vector<16xf32>,
      %gather3A_1456 = tpu.vector_load_idx %arg12[%get3A_1448] : memref<10112xf32, #tpu.memory_space<vmem>>[vector<16xi32>], vector<16xf32>,
      %gather3A_1457 = tpu.vector_load_idx %arg12[%get3A_1451] : memref<10112xf32, #tpu.memory_space<vmem>>[vector<16xi32>], vector<16xf32>,
      %sub3A_1458 = arith.subf %gather3A_1456, %gather3A_1457 : vector<16xf32>
      %mul3A_1459 = arith.mulf %sub3A_1458, %get3A_1455 : vector<16xf32>
      %swap3A_1460 = arith.constant 32 : index
      %swap3A_1461 = tpu.vector_load %arg21[%swap3A_1460] {strides = array<i32>} : memref<128xf32, #tpu.memory_space<vmem>>, vector<16xf32>,
      tpu.vector_store %arg21[%swap3A_1460], %mul3A_1459 {strides = array<i32>} : memref<128xf32, #tpu.memory_space<vmem>>, vector<16xf32>,
      %gather3A_1462 = tpu.vector_load_idx %arg13[%get3A_1448] : memref<10112xf32, #tpu.memory_space<vmem>>[vector<16xi32>], vector<16xf32>,
      %gather3A_1463 = tpu.vector_load_idx %arg13[%get3A_1451] : memref<10112xf32, #tpu.memory_space<vmem>>[vector<16xi32>], vector<16xf32>,
      %sub3A_1464 = arith.subf %gather3A_1462, %gather3A_1463 : vector<16xf32>
      %mul3A_1465 = arith.mulf %sub3A_1464, %get3A_1455 : vector<16xf32>
      %swap3A_1466 = arith.constant 32 : index
      %swap3A_1467 = tpu.vector_load %arg22[%swap3A_1466] {strides = array<i32>} : memref<128xf32, #tpu.memory_space<vmem>>, vector<16xf32>,
      tpu.vector_store %arg22[%swap3A_1466], %mul3A_1465 {strides = array<i32>} : memref<128xf32, #tpu.memory_space<vmem>>, vector<16xf32>,
      %gather3A_1468 = tpu.vector_load_idx %arg14[%get3A_1448] : memref<10112xf32, #tpu.memory_space<vmem>>[vector<16xi32>], vector<16xf32>,
      %gather3A_1469 = tpu.vector_load_idx %arg14[%get3A_1451] : memref<10112xf32, #tpu.memory_space<vmem>>[vector<16xi32>], vector<16xf32>,
      %sub3A_1470 = arith.subf %gather3A_1468, %gather3A_1469 : vector<16xf32>
      %mul3A_1471 = arith.mulf %sub3A_1470, %get3A_1455 : vector<16xf32>
      %swap3A_1472 = arith.constant 32 : index
      %swap3A_1473 = tpu.vector_load %arg23[%swap3A_1472] {strides = array<i32>} : memref<128xf32, #tpu.memory_space<vmem>>, vector<16xf32>,
      tpu.vector_store %arg23[%swap3A_1472], %mul3A_1471 {strides = array<i32>} : memref<128xf32, #tpu.memory_space<vmem>>, vector<16xf32>,
      %add3A_1474 = arith.constant 48 : i32
      %add3A_1475 = arith.addi %multiple_of3A_1386, %add3A_1474 : i32
      %get3A_1476 = arith.index_cast %add3A_1475 : i32 to index
      %get3A_1477 = tpu.vector_load %arg15[%get3A_1476] {strides = array<i32>} : memref<10240xi32, #tpu.memory_space<vmem>>, vector<16xi32>,
      %get3A_1478 = arith.index_cast %add3A_1383 : i32 to index
      %get3A_1479 = arith.constant 48 : index
      %get3A_1480 = tpu.vector_load %arg16[%get3A_1478, %get3A_1479] {strides = array<i32>} : memref<80x128xi32, #tpu.memory_space<vmem>>, vector<16xi32>,
      %add3A_1481 = arith.constant 48 : i32
      %add3A_1482 = arith.addi %multiple_of3A_1386, %add3A_1481 : i32
      %get3A_1483 = arith.index_cast %add3A_1482 : i32 to index
      %get3A_1484 = tpu.vector_load %arg17[%get3A_1483] {strides = array<i32>} : memref<10240xf32, #tpu.memory_space<vmem>>, vector<16xf32>,
      %gather3A_1485 = tpu.vector_load_idx %arg12[%get3A_1477] : memref<10112xf32, #tpu.memory_space<vmem>>[vector<16xi32>], vector<16xf32>,
      %gather3A_1486 = tpu.vector_load_idx %arg12[%get3A_1480] : memref<10112xf32, #tpu.memory_space<vmem>>[vector<16xi32>], vector<16xf32>,
      %sub3A_1487 = arith.subf %gather3A_1485, %gather3A_1486 : vector<16xf32>
      %mul3A_1488 = arith.mulf %sub3A_1487, %get3A_1484 : vector<16xf32>
      %swap3A_1489 = arith.constant 48 : index
      %swap3A_1490 = tpu.vector_load %arg21[%swap3A_1489] {strides = array<i32>} : memref<128xf32, #tpu.memory_space<vmem>>, vector<16xf32>,
      tpu.vector_store %arg21[%swap3A_1489], %mul3A_1488 {strides = array<i32>} : memref<128xf32, #tpu.memory_space<vmem>>, vector<16xf32>,
      %gather3A_1491 = tpu.vector_load_idx %arg13[%get3A_1477] : memref<10112xf32, #tpu.memory_space<vmem>>[vector<16xi32>], vector<16xf32>,
      %gather3A_1492 = tpu.vector_load_idx %arg13[%get3A_1480] : memref<10112xf32, #tpu.memory_space<vmem>>[vector<16xi32>], vector<16xf32>,
      %sub3A_1493 = arith.subf %gather3A_1491, %gather3A_1492 : vector<16xf32>
      %mul3A_1494 = arith.mulf %sub3A_1493, %get3A_1484 : vector<16xf32>
      %swap3A_1495 = arith.constant 48 : index
      %swap3A_1496 = tpu.vector_load %arg22[%swap3A_1495] {strides = array<i32>} : memref<128xf32, #tpu.memory_space<vmem>>, vector<16xf32>,
      tpu.vector_store %arg22[%swap3A_1495], %mul3A_1494 {strides = array<i32>} : memref<128xf32, #tpu.memory_space<vmem>>, vector<16xf32>,
      %gather3A_1497 = tpu.vector_load_idx %arg14[%get3A_1477] : memref<10112xf32, #tpu.memory_space<vmem>>[vector<16xi32>], vector<16xf32>,
      %gather3A_1498 = tpu.vector_load_idx %arg14[%get3A_1480] : memref<10112xf32, #tpu.memory_space<vmem>>[vector<16xi32>], vector<16xf32>,
      %sub3A_1499 = arith.subf %gather3A_1497, %gather3A_1498 : vector<16xf32>
      %mul3A_1500 = arith.mulf %sub3A_1499, %get3A_1484 : vector<16xf32>
      %swap3A_1501 = arith.constant 48 : index
      %swap3A_1502 = tpu.vector_load %arg23[%swap3A_1501] {strides = array<i32>} : memref<128xf32, #tpu.memory_space<vmem>>, vector<16xf32>,
      tpu.vector_store %arg23[%swap3A_1501], %mul3A_1500 {strides = array<i32>} : memref<128xf32, #tpu.memory_space<vmem>>, vector<16xf32>,
      %add3A_1503 = arith.constant 64 : i32
      %add3A_1504 = arith.addi %multiple_of3A_1386, %add3A_1503 : i32
      %get3A_1505 = arith.index_cast %add3A_1504 : i32 to index
      %get3A_1506 = tpu.vector_load %arg15[%get3A_1505] {strides = array<i32>} : memref<10240xi32, #tpu.memory_space<vmem>>, vector<16xi32>,
      %get3A_1507 = arith.index_cast %add3A_1383 : i32 to index
      %get3A_1508 = arith.constant 64 : index
      %get3A_1509 = tpu.vector_load %arg16[%get3A_1507, %get3A_1508] {strides = array<i32>} : memref<80x128xi32, #tpu.memory_space<vmem>>, vector<16xi32>,
      %add3A_1510 = arith.constant 64 : i32
      %add3A_1511 = arith.addi %multiple_of3A_1386, %add3A_1510 : i32
      %get3A_1512 = arith.index_cast %add3A_1511 : i32 to index
      %get3A_1513 = tpu.vector_load %arg17[%get3A_1512] {strides = array<i32>} : memref<10240xf32, #tpu.memory_space<vmem>>, vector<16xf32>,
      %gather3A_1514 = tpu.vector_load_idx %arg12[%get3A_1506] : memref<10112xf32, #tpu.memory_space<vmem>>[vector<16xi32>], vector<16xf32>,
      %gather3A_1515 = tpu.vector_load_idx %arg12[%get3A_1509] : memref<10112xf32, #tpu.memory_space<vmem>>[vector<16xi32>], vector<16xf32>,
      %sub3A_1516 = arith.subf %gather3A_1514, %gather3A_1515 : vector<16xf32>
      %mul3A_1517 = arith.mulf %sub3A_1516, %get3A_1513 : vector<16xf32>
      %swap3A_1518 = arith.constant 64 : index
      %swap3A_1519 = tpu.vector_load %arg21[%swap3A_1518] {strides = array<i32>} : memref<128xf32, #tpu.memory_space<vmem>>, vector<16xf32>,
      tpu.vector_store %arg21[%swap3A_1518], %mul3A_1517 {strides = array<i32>} : memref<128xf32, #tpu.memory_space<vmem>>, vector<16xf32>,
      %gather3A_1520 = tpu.vector_load_idx %arg13[%get3A_1506] : memref<10112xf32, #tpu.memory_space<vmem>>[vector<16xi32>], vector<16xf32>,
      %gather3A_1521 = tpu.vector_load_idx %arg13[%get3A_1509] : memref<10112xf32, #tpu.memory_space<vmem>>[vector<16xi32>], vector<16xf32>,
      %sub3A_1522 = arith.subf %gather3A_1520, %gather3A_1521 : vector<16xf32>
      %mul3A_1523 = arith.mulf %sub3A_1522, %get3A_1513 : vector<16xf32>
      %swap3A_1524 = arith.constant 64 : index
      %swap3A_1525 = tpu.vector_load %arg22[%swap3A_1524] {strides = array<i32>} : memref<128xf32, #tpu.memory_space<vmem>>, vector<16xf32>,
      tpu.vector_store %arg22[%swap3A_1524], %mul3A_1523 {strides = array<i32>} : memref<128xf32, #tpu.memory_space<vmem>>, vector<16xf32>,
      %gather3A_1526 = tpu.vector_load_idx %arg14[%get3A_1506] : memref<10112xf32, #tpu.memory_space<vmem>>[vector<16xi32>], vector<16xf32>,
      %gather3A_1527 = tpu.vector_load_idx %arg14[%get3A_1509] : memref<10112xf32, #tpu.memory_space<vmem>>[vector<16xi32>], vector<16xf32>,
      %sub3A_1528 = arith.subf %gather3A_1526, %gather3A_1527 : vector<16xf32>
      %mul3A_1529 = arith.mulf %sub3A_1528, %get3A_1513 : vector<16xf32>
      %swap3A_1530 = arith.constant 64 : index
      %swap3A_1531 = tpu.vector_load %arg23[%swap3A_1530] {strides = array<i32>} : memref<128xf32, #tpu.memory_space<vmem>>, vector<16xf32>,
      tpu.vector_store %arg23[%swap3A_1530], %mul3A_1529 {strides = array<i32>} : memref<128xf32, #tpu.memory_space<vmem>>, vector<16xf32>,
      %add3A_1532 = arith.constant 80 : i32
      %add3A_1533 = arith.addi %multiple_of3A_1386, %add3A_1532 : i32
      %get3A_1534 = arith.index_cast %add3A_1533 : i32 to index
      %get3A_1535 = tpu.vector_load %arg15[%get3A_1534] {strides = array<i32>} : memref<10240xi32, #tpu.memory_space<vmem>>, vector<16xi32>,
      %get3A_1536 = arith.index_cast %add3A_1383 : i32 to index
      %get3A_1537 = arith.constant 80 : index
      %get3A_1538 = tpu.vector_load %arg16[%get3A_1536, %get3A_1537] {strides = array<i32>} : memref<80x128xi32, #tpu.memory_space<vmem>>, vector<16xi32>,
      %add3A_1539 = arith.constant 80 : i32
      %add3A_1540 = arith.addi %multiple_of3A_1386, %add3A_1539 : i32
      %get3A_1541 = arith.index_cast %add3A_1540 : i32 to index
      %get3A_1542 = tpu.vector_load %arg17[%get3A_1541] {strides = array<i32>} : memref<10240xf32, #tpu.memory_space<vmem>>, vector<16xf32>,
      %gather3A_1543 = tpu.vector_load_idx %arg12[%get3A_1535] : memref<10112xf32, #tpu.memory_space<vmem>>[vector<16xi32>], vector<16xf32>,
      %gather3A_1544 = tpu.vector_load_idx %arg12[%get3A_1538] : memref<10112xf32, #tpu.memory_space<vmem>>[vector<16xi32>], vector<16xf32>,
      %sub3A_1545 = arith.subf %gather3A_1543, %gather3A_1544 : vector<16xf32>
      %mul3A_1546 = arith.mulf %sub3A_1545, %get3A_1542 : vector<16xf32>
      %swap3A_1547 = arith.constant 80 : index
      %swap3A_1548 = tpu.vector_load %arg21[%swap3A_1547] {strides = array<i32>} : memref<128xf32, #tpu.memory_space<vmem>>, vector<16xf32>,
      tpu.vector_store %arg21[%swap3A_1547], %mul3A_1546 {strides = array<i32>} : memref<128xf32, #tpu.memory_space<vmem>>, vector<16xf32>,
      %gather3A_1549 = tpu.vector_load_idx %arg13[%get3A_1535] : memref<10112xf32, #tpu.memory_space<vmem>>[vector<16xi32>], vector<16xf32>,
      %gather3A_1550 = tpu.vector_load_idx %arg13[%get3A_1538] : memref<10112xf32, #tpu.memory_space<vmem>>[vector<16xi32>], vector<16xf32>,
      %sub3A_1551 = arith.subf %gather3A_1549, %gather3A_1550 : vector<16xf32>
      %mul3A_1552 = arith.mulf %sub3A_1551, %get3A_1542 : vector<16xf32>
      %swap3A_1553 = arith.constant 80 : index
      %swap3A_1554 = tpu.vector_load %arg22[%swap3A_1553] {strides = array<i32>} : memref<128xf32, #tpu.memory_space<vmem>>, vector<16xf32>,
      tpu.vector_store %arg22[%swap3A_1553], %mul3A_1552 {strides = array<i32>} : memref<128xf32, #tpu.memory_space<vmem>>, vector<16xf32>,
      %gather3A_1555 = tpu.vector_load_idx %arg14[%get3A_1535] : memref<10112xf32, #tpu.memory_space<vmem>>[vector<16xi32>], vector<16xf32>,
      %gather3A_1556 = tpu.vector_load_idx %arg14[%get3A_1538] : memref<10112xf32, #tpu.memory_space<vmem>>[vector<16xi32>], vector<16xf32>,
      %sub3A_1557 = arith.subf %gather3A_1555, %gather3A_1556 : vector<16xf32>
      %mul3A_1558 = arith.mulf %sub3A_1557, %get3A_1542 : vector<16xf32>
      %swap3A_1559 = arith.constant 80 : index
      %swap3A_1560 = tpu.vector_load %arg23[%swap3A_1559] {strides = array<i32>} : memref<128xf32, #tpu.memory_space<vmem>>, vector<16xf32>,
      tpu.vector_store %arg23[%swap3A_1559], %mul3A_1558 {strides = array<i32>} : memref<128xf32, #tpu.memory_space<vmem>>, vector<16xf32>,
      %add3A_1561 = arith.constant 96 : i32
      %add3A_1562 = arith.addi %multiple_of3A_1386, %add3A_1561 : i32
      %get3A_1563 = arith.index_cast %add3A_1562 : i32 to index
      %get3A_1564 = tpu.vector_load %arg15[%get3A_1563] {strides = array<i32>} : memref<10240xi32, #tpu.memory_space<vmem>>, vector<16xi32>,
      %get3A_1565 = arith.index_cast %add3A_1383 : i32 to index
      %get3A_1566 = arith.constant 96 : index
      %get3A_1567 = tpu.vector_load %arg16[%get3A_1565, %get3A_1566] {strides = array<i32>} : memref<80x128xi32, #tpu.memory_space<vmem>>, vector<16xi32>,
      %add3A_1568 = arith.constant 96 : i32
      %add3A_1569 = arith.addi %multiple_of3A_1386, %add3A_1568 : i32
      %get3A_1570 = arith.index_cast %add3A_1569 : i32 to index
      %get3A_1571 = tpu.vector_load %arg17[%get3A_1570] {strides = array<i32>} : memref<10240xf32, #tpu.memory_space<vmem>>, vector<16xf32>,
      %gather3A_1572 = tpu.vector_load_idx %arg12[%get3A_1564] : memref<10112xf32, #tpu.memory_space<vmem>>[vector<16xi32>], vector<16xf32>,
      %gather3A_1573 = tpu.vector_load_idx %arg12[%get3A_1567] : memref<10112xf32, #tpu.memory_space<vmem>>[vector<16xi32>], vector<16xf32>,
      %sub3A_1574 = arith.subf %gather3A_1572, %gather3A_1573 : vector<16xf32>
      %mul3A_1575 = arith.mulf %sub3A_1574, %get3A_1571 : vector<16xf32>
      %swap3A_1576 = arith.constant 96 : index
      %swap3A_1577 = tpu.vector_load %arg21[%swap3A_1576] {strides = array<i32>} : memref<128xf32, #tpu.memory_space<vmem>>, vector<16xf32>,
      tpu.vector_store %arg21[%swap3A_1576], %mul3A_1575 {strides = array<i32>} : memref<128xf32, #tpu.memory_space<vmem>>, vector<16xf32>,
      %gather3A_1578 = tpu.vector_load_idx %arg13[%get3A_1564] : memref<10112xf32, #tpu.memory_space<vmem>>[vector<16xi32>], vector<16xf32>,
      %gather3A_1579 = tpu.vector_load_idx %arg13[%get3A_1567] : memref<10112xf32, #tpu.memory_space<vmem>>[vector<16xi32>], vector<16xf32>,
      %sub3A_1580 = arith.subf %gather3A_1578, %gather3A_1579 : vector<16xf32>
      %mul3A_1581 = arith.mulf %sub3A_1580, %get3A_1571 : vector<16xf32>
      %swap3A_1582 = arith.constant 96 : index
      %swap3A_1583 = tpu.vector_load %arg22[%swap3A_1582] {strides = array<i32>} : memref<128xf32, #tpu.memory_space<vmem>>, vector<16xf32>,
      tpu.vector_store %arg22[%swap3A_1582], %mul3A_1581 {strides = array<i32>} : memref<128xf32, #tpu.memory_space<vmem>>, vector<16xf32>,
      %gather3A_1584 = tpu.vector_load_idx %arg14[%get3A_1564] : memref<10112xf32, #tpu.memory_space<vmem>>[vector<16xi32>], vector<16xf32>,
      %gather3A_1585 = tpu.vector_load_idx %arg14[%get3A_1567] : memref<10112xf32, #tpu.memory_space<vmem>>[vector<16xi32>], vector<16xf32>,
      %sub3A_1586 = arith.subf %gather3A_1584, %gather3A_1585 : vector<16xf32>
      %mul3A_1587 = arith.mulf %sub3A_1586, %get3A_1571 : vector<16xf32>
      %swap3A_1588 = arith.constant 96 : index
      %swap3A_1589 = tpu.vector_load %arg23[%swap3A_1588] {strides = array<i32>} : memref<128xf32, #tpu.memory_space<vmem>>, vector<16xf32>,
      tpu.vector_store %arg23[%swap3A_1588], %mul3A_1587 {strides = array<i32>} : memref<128xf32, #tpu.memory_space<vmem>>, vector<16xf32>,
      %add3A_1590 = arith.constant 112 : i32
      %add3A_1591 = arith.addi %multiple_of3A_1386, %add3A_1590 : i32
      %get3A_1592 = arith.index_cast %add3A_1591 : i32 to index
      %get3A_1593 = tpu.vector_load %arg15[%get3A_1592] {strides = array<i32>} : memref<10240xi32, #tpu.memory_space<vmem>>, vector<16xi32>,
      %get3A_1594 = arith.index_cast %add3A_1383 : i32 to index
      %get3A_1595 = arith.constant 112 : index
      %get3A_1596 = tpu.vector_load %arg16[%get3A_1594, %get3A_1595] {strides = array<i32>} : memref<80x128xi32, #tpu.memory_space<vmem>>, vector<16xi32>,
      %add3A_1597 = arith.constant 112 : i32
      %add3A_1598 = arith.addi %multiple_of3A_1386, %add3A_1597 : i32
      %get3A_1599 = arith.index_cast %add3A_1598 : i32 to index
      %get3A_1600 = tpu.vector_load %arg17[%get3A_1599] {strides = array<i32>} : memref<10240xf32, #tpu.memory_space<vmem>>, vector<16xf32>,
      %gather3A_1601 = tpu.vector_load_idx %arg12[%get3A_1593] : memref<10112xf32, #tpu.memory_space<vmem>>[vector<16xi32>], vector<16xf32>,
      %gather3A_1602 = tpu.vector_load_idx %arg12[%get3A_1596] : memref<10112xf32, #tpu.memory_space<vmem>>[vector<16xi32>], vector<16xf32>,
      %sub3A_1603 = arith.subf %gather3A_1601, %gather3A_1602 : vector<16xf32>
      %mul3A_1604 = arith.mulf %sub3A_1603, %get3A_1600 : vector<16xf32>
      %swap3A_1605 = arith.constant 112 : index
      %swap3A_1606 = tpu.vector_load %arg21[%swap3A_1605] {strides = array<i32>} : memref<128xf32, #tpu.memory_space<vmem>>, vector<16xf32>,
      tpu.vector_store %arg21[%swap3A_1605], %mul3A_1604 {strides = array<i32>} : memref<128xf32, #tpu.memory_space<vmem>>, vector<16xf32>,
      %gather3A_1607 = tpu.vector_load_idx %arg13[%get3A_1593] : memref<10112xf32, #tpu.memory_space<vmem>>[vector<16xi32>], vector<16xf32>,
      %gather3A_1608 = tpu.vector_load_idx %arg13[%get3A_1596] : memref<10112xf32, #tpu.memory_space<vmem>>[vector<16xi32>], vector<16xf32>,
      %sub3A_1609 = arith.subf %gather3A_1607, %gather3A_1608 : vector<16xf32>
      %mul3A_1610 = arith.mulf %sub3A_1609, %get3A_1600 : vector<16xf32>
      %swap3A_1611 = arith.constant 112 : index
      %swap3A_1612 = tpu.vector_load %arg22[%swap3A_1611] {strides = array<i32>} : memref<128xf32, #tpu.memory_space<vmem>>, vector<16xf32>,
      tpu.vector_store %arg22[%swap3A_1611], %mul3A_1610 {strides = array<i32>} : memref<128xf32, #tpu.memory_space<vmem>>, vector<16xf32>,
      %gather3A_1613 = tpu.vector_load_idx %arg14[%get3A_1593] : memref<10112xf32, #tpu.memory_space<vmem>>[vector<16xi32>], vector<16xf32>,
      %gather3A_1614 = tpu.vector_load_idx %arg14[%get3A_1596] : memref<10112xf32, #tpu.memory_space<vmem>>[vector<16xi32>], vector<16xf32>,
      %sub3A_1615 = arith.subf %gather3A_1613, %gather3A_1614 : vector<16xf32>
      %mul3A_1616 = arith.mulf %sub3A_1615, %get3A_1600 : vector<16xf32>
      %swap3A_1617 = arith.constant 112 : index
      %swap3A_1618 = tpu.vector_load %arg23[%swap3A_1617] {strides = array<i32>} : memref<128xf32, #tpu.memory_space<vmem>>, vector<16xf32>,
      tpu.vector_store %arg23[%swap3A_1617], %mul3A_1616 {strides = array<i32>} : memref<128xf32, #tpu.memory_space<vmem>>, vector<16xf32>,
      %add3A_1619 = arith.constant 1 : i32
      %add3A_1620 = arith.addi %add3A_1103, %add3A_1619 : i32
      %dma_start3A_1621 = arith.constant 0 : i32
      %dma_start3A_1622 = tpu.memref_slice %arg16[%add3A_1620, %dma_start3A_1621] : memref<80x128xi32, #tpu.memory_space<vmem>> -> memref<1x128xi32, #tpu.memory_space<vmem>>
      %dma_start3A_1623 = tpu.memref_squeeze %dma_start3A_1622 : memref<1x128xi32, #tpu.memory_space<vmem>> -> memref<128xi32, #tpu.memory_space<vmem>>
      %dma_start3A_1624 = arith.constant 0 : i32
      %dma_start3A_1625 = tpu.memref_slice %arg30[%dma_start3A_1624] : memref<10112xf32, #tpu.memory_space<vmem_shared>> -> memref<10112xf32, #tpu.memory_space<vmem_shared>>
      tpu.enqueue_indirect_dma source(%arg21 : memref<128xf32, #tpu.memory_space<vmem>>) target(%dma_start3A_1625 : memref<10112xf32, #tpu.memory_space<vmem_shared>>) offsets(%dma_start3A_1623 : memref<128xi32, #tpu.memory_space<vmem>>) semaphore(%arg34 : memref<!tpu.dma_semaphore, #tpu.memory_space<semaphore_mem>>) {add = true}
      %dma_start3A_1626 = arith.constant 0 : i32
      %dma_start3A_1627 = tpu.memref_slice %arg16[%add3A_1620, %dma_start3A_1626] : memref<80x128xi32, #tpu.memory_space<vmem>> -> memref<1x128xi32, #tpu.memory_space<vmem>>
      %dma_start3A_1628 = tpu.memref_squeeze %dma_start3A_1627 : memref<1x128xi32, #tpu.memory_space<vmem>> -> memref<128xi32, #tpu.memory_space<vmem>>
      %dma_start3A_1629 = arith.constant 0 : i32
      %dma_start3A_1630 = tpu.memref_slice %arg31[%dma_start3A_1629] : memref<10112xf32, #tpu.memory_space<vmem_shared>> -> memref<10112xf32, #tpu.memory_space<vmem_shared>>
      tpu.enqueue_indirect_dma source(%arg22 : memref<128xf32, #tpu.memory_space<vmem>>) target(%dma_start3A_1630 : memref<10112xf32, #tpu.memory_space<vmem_shared>>) offsets(%dma_start3A_1628 : memref<128xi32, #tpu.memory_space<vmem>>) semaphore(%arg34 : memref<!tpu.dma_semaphore, #tpu.memory_space<semaphore_mem>>) {add = true}
      %dma_start3A_1631 = arith.constant 0 : i32
      %dma_start3A_1632 = tpu.memref_slice %arg16[%add3A_1620, %dma_start3A_1631] : memref<80x128xi32, #tpu.memory_space<vmem>> -> memref<1x128xi32, #tpu.memory_space<vmem>>
      %dma_start3A_1633 = tpu.memref_squeeze %dma_start3A_1632 : memref<1x128xi32, #tpu.memory_space<vmem>> -> memref<128xi32, #tpu.memory_space<vmem>>
      %dma_start3A_1634 = arith.constant 0 : i32
      %dma_start3A_1635 = tpu.memref_slice %arg32[%dma_start3A_1634] : memref<10112xf32, #tpu.memory_space<vmem_shared>> -> memref<10112xf32, #tpu.memory_space<vmem_shared>>
      tpu.enqueue_indirect_dma source(%arg23 : memref<128xf32, #tpu.memory_space<vmem>>) target(%dma_start3A_1635 : memref<10112xf32, #tpu.memory_space<vmem_shared>>) offsets(%dma_start3A_1633 : memref<128xi32, #tpu.memory_space<vmem>>) semaphore(%arg34 : memref<!tpu.dma_semaphore, #tpu.memory_space<semaphore_mem>>) {add = true}
      %dma_wait3A_1636 = arith.constant 0 : i32
      %dma_wait3A_1637 = tpu.memref_slice %arg8[%dma_wait3A_1636] : memref<10112xf32, #tpu.memory_space<hbm>> -> memref<128xf32, #tpu.memory_space<hbm>>
      %dma_wait3A_1638 = arith.constant 0 : i32
      %dma_wait3A_1639 = tpu.memref_slice %arg8[%dma_wait3A_1638] : memref<10112xf32, #tpu.memory_space<hbm>> -> memref<128xf32, #tpu.memory_space<hbm>>
      tpu.wait_dma2 semaphore(%arg35 : memref<!tpu.dma_semaphore, #tpu.memory_space<semaphore_mem>>) src(%dma_wait3A_1639 : memref<128xf32, #tpu.memory_space<hbm>>) dst(%arg24 : memref<128xf32, #tpu.memory_space<vmem>>)
      %dma_wait3A_1640 = arith.constant 0 : i32
      %dma_wait3A_1641 = tpu.memref_slice %arg8[%dma_wait3A_1640] : memref<10112xf32, #tpu.memory_space<hbm>> -> memref<128xf32, #tpu.memory_space<hbm>>
      %dma_wait3A_1642 = arith.constant 0 : i32
      %dma_wait3A_1643 = tpu.memref_slice %arg8[%dma_wait3A_1642] : memref<10112xf32, #tpu.memory_space<hbm>> -> memref<128xf32, #tpu.memory_space<hbm>>
      tpu.wait_dma2 semaphore(%arg35 : memref<!tpu.dma_semaphore, #tpu.memory_space<semaphore_mem>>) src(%dma_wait3A_1643 : memref<128xf32, #tpu.memory_space<hbm>>) dst(%arg25 : memref<128xf32, #tpu.memory_space<vmem>>)
      %dma_wait3A_1644 = arith.constant 0 : i32
      %dma_wait3A_1645 = tpu.memref_slice %arg8[%dma_wait3A_1644] : memref<10112xf32, #tpu.memory_space<hbm>> -> memref<128xf32, #tpu.memory_space<hbm>>
      %dma_wait3A_1646 = arith.constant 0 : i32
      %dma_wait3A_1647 = tpu.memref_slice %arg8[%dma_wait3A_1646] : memref<10112xf32, #tpu.memory_space<hbm>> -> memref<128xf32, #tpu.memory_space<hbm>>
      tpu.wait_dma2 semaphore(%arg35 : memref<!tpu.dma_semaphore, #tpu.memory_space<semaphore_mem>>) src(%dma_wait3A_1647 : memref<128xf32, #tpu.memory_space<hbm>>) dst(%arg26 : memref<128xf32, #tpu.memory_space<vmem>>)
      %add3A_1648 = arith.constant 2 : i32
      %add3A_1649 = arith.addi %add3A_1103, %add3A_1648 : i32
      %mul3A_1650 = arith.constant 128 : i32
      %mul3A_1651 = arith.muli %add3A_1649, %mul3A_1650 : i32
      %multiple_of3A_1652 = tpu.assume_multiple %mul3A_1651, 128 : i32
      %add3A_1653 = arith.constant 0 : i32
      %add3A_1654 = arith.addi %multiple_of3A_1652, %add3A_1653 : i32
      %get3A_1655 = arith.index_cast %add3A_1654 : i32 to index
      %get3A_1656 = tpu.vector_load %arg15[%get3A_1655] {strides = array<i32>} : memref<10240xi32, #tpu.memory_space<vmem>>, vector<16xi32>,
      %get3A_1657 = arith.index_cast %add3A_1649 : i32 to index
      %get3A_1658 = arith.constant 0 : index
      %get3A_1659 = tpu.vector_load %arg16[%get3A_1657, %get3A_1658] {strides = array<i32>} : memref<80x128xi32, #tpu.memory_space<vmem>>, vector<16xi32>,
      %add3A_1660 = arith.constant 0 : i32
      %add3A_1661 = arith.addi %multiple_of3A_1652, %add3A_1660 : i32
      %get3A_1662 = arith.index_cast %add3A_1661 : i32 to index
      %get3A_1663 = tpu.vector_load %arg17[%get3A_1662] {strides = array<i32>} : memref<10240xf32, #tpu.memory_space<vmem>>, vector<16xf32>,
      %gather3A_1664 = tpu.vector_load_idx %arg12[%get3A_1656] : memref<10112xf32, #tpu.memory_space<vmem>>[vector<16xi32>], vector<16xf32>,
      %gather3A_1665 = tpu.vector_load_idx %arg12[%get3A_1659] : memref<10112xf32, #tpu.memory_space<vmem>>[vector<16xi32>], vector<16xf32>,
      %sub3A_1666 = arith.subf %gather3A_1664, %gather3A_1665 : vector<16xf32>
      %mul3A_1667 = arith.mulf %sub3A_1666, %get3A_1663 : vector<16xf32>
      %swap3A_1668 = arith.constant 0 : index
      %swap3A_1669 = tpu.vector_load %arg24[%swap3A_1668] {strides = array<i32>} : memref<128xf32, #tpu.memory_space<vmem>>, vector<16xf32>,
      tpu.vector_store %arg24[%swap3A_1668], %mul3A_1667 {strides = array<i32>} : memref<128xf32, #tpu.memory_space<vmem>>, vector<16xf32>,
      %gather3A_1670 = tpu.vector_load_idx %arg13[%get3A_1656] : memref<10112xf32, #tpu.memory_space<vmem>>[vector<16xi32>], vector<16xf32>,
      %gather3A_1671 = tpu.vector_load_idx %arg13[%get3A_1659] : memref<10112xf32, #tpu.memory_space<vmem>>[vector<16xi32>], vector<16xf32>,
      %sub3A_1672 = arith.subf %gather3A_1670, %gather3A_1671 : vector<16xf32>
      %mul3A_1673 = arith.mulf %sub3A_1672, %get3A_1663 : vector<16xf32>
      %swap3A_1674 = arith.constant 0 : index
      %swap3A_1675 = tpu.vector_load %arg25[%swap3A_1674] {strides = array<i32>} : memref<128xf32, #tpu.memory_space<vmem>>, vector<16xf32>,
      tpu.vector_store %arg25[%swap3A_1674], %mul3A_1673 {strides = array<i32>} : memref<128xf32, #tpu.memory_space<vmem>>, vector<16xf32>,
      %gather3A_1676 = tpu.vector_load_idx %arg14[%get3A_1656] : memref<10112xf32, #tpu.memory_space<vmem>>[vector<16xi32>], vector<16xf32>,
      %gather3A_1677 = tpu.vector_load_idx %arg14[%get3A_1659] : memref<10112xf32, #tpu.memory_space<vmem>>[vector<16xi32>], vector<16xf32>,
      %sub3A_1678 = arith.subf %gather3A_1676, %gather3A_1677 : vector<16xf32>
      %mul3A_1679 = arith.mulf %sub3A_1678, %get3A_1663 : vector<16xf32>
      %swap3A_1680 = arith.constant 0 : index
      %swap3A_1681 = tpu.vector_load %arg26[%swap3A_1680] {strides = array<i32>} : memref<128xf32, #tpu.memory_space<vmem>>, vector<16xf32>,
      tpu.vector_store %arg26[%swap3A_1680], %mul3A_1679 {strides = array<i32>} : memref<128xf32, #tpu.memory_space<vmem>>, vector<16xf32>,
      %add3A_1682 = arith.constant 16 : i32
      %add3A_1683 = arith.addi %multiple_of3A_1652, %add3A_1682 : i32
      %get3A_1684 = arith.index_cast %add3A_1683 : i32 to index
      %get3A_1685 = tpu.vector_load %arg15[%get3A_1684] {strides = array<i32>} : memref<10240xi32, #tpu.memory_space<vmem>>, vector<16xi32>,
      %get3A_1686 = arith.index_cast %add3A_1649 : i32 to index
      %get3A_1687 = arith.constant 16 : index
      %get3A_1688 = tpu.vector_load %arg16[%get3A_1686, %get3A_1687] {strides = array<i32>} : memref<80x128xi32, #tpu.memory_space<vmem>>, vector<16xi32>,
      %add3A_1689 = arith.constant 16 : i32
      %add3A_1690 = arith.addi %multiple_of3A_1652, %add3A_1689 : i32
      %get3A_1691 = arith.index_cast %add3A_1690 : i32 to index
      %get3A_1692 = tpu.vector_load %arg17[%get3A_1691] {strides = array<i32>} : memref<10240xf32, #tpu.memory_space<vmem>>, vector<16xf32>,
      %gather3A_1693 = tpu.vector_load_idx %arg12[%get3A_1685] : memref<10112xf32, #tpu.memory_space<vmem>>[vector<16xi32>], vector<16xf32>,
      %gather3A_1694 = tpu.vector_load_idx %arg12[%get3A_1688] : memref<10112xf32, #tpu.memory_space<vmem>>[vector<16xi32>], vector<16xf32>,
      %sub3A_1695 = arith.subf %gather3A_1693, %gather3A_1694 : vector<16xf32>
      %mul3A_1696 = arith.mulf %sub3A_1695, %get3A_1692 : vector<16xf32>
      %swap3A_1697 = arith.constant 16 : index
      %swap3A_1698 = tpu.vector_load %arg24[%swap3A_1697] {strides = array<i32>} : memref<128xf32, #tpu.memory_space<vmem>>, vector<16xf32>,
      tpu.vector_store %arg24[%swap3A_1697], %mul3A_1696 {strides = array<i32>} : memref<128xf32, #tpu.memory_space<vmem>>, vector<16xf32>,
      %gather3A_1699 = tpu.vector_load_idx %arg13[%get3A_1685] : memref<10112xf32, #tpu.memory_space<vmem>>[vector<16xi32>], vector<16xf32>,
      %gather3A_1700 = tpu.vector_load_idx %arg13[%get3A_1688] : memref<10112xf32, #tpu.memory_space<vmem>>[vector<16xi32>], vector<16xf32>,
      %sub3A_1701 = arith.subf %gather3A_1699, %gather3A_1700 : vector<16xf32>
      %mul3A_1702 = arith.mulf %sub3A_1701, %get3A_1692 : vector<16xf32>
      %swap3A_1703 = arith.constant 16 : index
      %swap3A_1704 = tpu.vector_load %arg25[%swap3A_1703] {strides = array<i32>} : memref<128xf32, #tpu.memory_space<vmem>>, vector<16xf32>,
      tpu.vector_store %arg25[%swap3A_1703], %mul3A_1702 {strides = array<i32>} : memref<128xf32, #tpu.memory_space<vmem>>, vector<16xf32>,
      %gather3A_1705 = tpu.vector_load_idx %arg14[%get3A_1685] : memref<10112xf32, #tpu.memory_space<vmem>>[vector<16xi32>], vector<16xf32>,
      %gather3A_1706 = tpu.vector_load_idx %arg14[%get3A_1688] : memref<10112xf32, #tpu.memory_space<vmem>>[vector<16xi32>], vector<16xf32>,
      %sub3A_1707 = arith.subf %gather3A_1705, %gather3A_1706 : vector<16xf32>
      %mul3A_1708 = arith.mulf %sub3A_1707, %get3A_1692 : vector<16xf32>
      %swap3A_1709 = arith.constant 16 : index
      %swap3A_1710 = tpu.vector_load %arg26[%swap3A_1709] {strides = array<i32>} : memref<128xf32, #tpu.memory_space<vmem>>, vector<16xf32>,
      tpu.vector_store %arg26[%swap3A_1709], %mul3A_1708 {strides = array<i32>} : memref<128xf32, #tpu.memory_space<vmem>>, vector<16xf32>,
      %add3A_1711 = arith.constant 32 : i32
      %add3A_1712 = arith.addi %multiple_of3A_1652, %add3A_1711 : i32
      %get3A_1713 = arith.index_cast %add3A_1712 : i32 to index
      %get3A_1714 = tpu.vector_load %arg15[%get3A_1713] {strides = array<i32>} : memref<10240xi32, #tpu.memory_space<vmem>>, vector<16xi32>,
      %get3A_1715 = arith.index_cast %add3A_1649 : i32 to index
      %get3A_1716 = arith.constant 32 : index
      %get3A_1717 = tpu.vector_load %arg16[%get3A_1715, %get3A_1716] {strides = array<i32>} : memref<80x128xi32, #tpu.memory_space<vmem>>, vector<16xi32>,
      %add3A_1718 = arith.constant 32 : i32
      %add3A_1719 = arith.addi %multiple_of3A_1652, %add3A_1718 : i32
      %get3A_1720 = arith.index_cast %add3A_1719 : i32 to index
      %get3A_1721 = tpu.vector_load %arg17[%get3A_1720] {strides = array<i32>} : memref<10240xf32, #tpu.memory_space<vmem>>, vector<16xf32>,
      %gather3A_1722 = tpu.vector_load_idx %arg12[%get3A_1714] : memref<10112xf32, #tpu.memory_space<vmem>>[vector<16xi32>], vector<16xf32>,
      %gather3A_1723 = tpu.vector_load_idx %arg12[%get3A_1717] : memref<10112xf32, #tpu.memory_space<vmem>>[vector<16xi32>], vector<16xf32>,
      %sub3A_1724 = arith.subf %gather3A_1722, %gather3A_1723 : vector<16xf32>
      %mul3A_1725 = arith.mulf %sub3A_1724, %get3A_1721 : vector<16xf32>
      %swap3A_1726 = arith.constant 32 : index
      %swap3A_1727 = tpu.vector_load %arg24[%swap3A_1726] {strides = array<i32>} : memref<128xf32, #tpu.memory_space<vmem>>, vector<16xf32>,
      tpu.vector_store %arg24[%swap3A_1726], %mul3A_1725 {strides = array<i32>} : memref<128xf32, #tpu.memory_space<vmem>>, vector<16xf32>,
      %gather3A_1728 = tpu.vector_load_idx %arg13[%get3A_1714] : memref<10112xf32, #tpu.memory_space<vmem>>[vector<16xi32>], vector<16xf32>,
      %gather3A_1729 = tpu.vector_load_idx %arg13[%get3A_1717] : memref<10112xf32, #tpu.memory_space<vmem>>[vector<16xi32>], vector<16xf32>,
      %sub3A_1730 = arith.subf %gather3A_1728, %gather3A_1729 : vector<16xf32>
      %mul3A_1731 = arith.mulf %sub3A_1730, %get3A_1721 : vector<16xf32>
      %swap3A_1732 = arith.constant 32 : index
      %swap3A_1733 = tpu.vector_load %arg25[%swap3A_1732] {strides = array<i32>} : memref<128xf32, #tpu.memory_space<vmem>>, vector<16xf32>,
      tpu.vector_store %arg25[%swap3A_1732], %mul3A_1731 {strides = array<i32>} : memref<128xf32, #tpu.memory_space<vmem>>, vector<16xf32>,
      %gather3A_1734 = tpu.vector_load_idx %arg14[%get3A_1714] : memref<10112xf32, #tpu.memory_space<vmem>>[vector<16xi32>], vector<16xf32>,
      %gather3A_1735 = tpu.vector_load_idx %arg14[%get3A_1717] : memref<10112xf32, #tpu.memory_space<vmem>>[vector<16xi32>], vector<16xf32>,
      %sub3A_1736 = arith.subf %gather3A_1734, %gather3A_1735 : vector<16xf32>
      %mul3A_1737 = arith.mulf %sub3A_1736, %get3A_1721 : vector<16xf32>
      %swap3A_1738 = arith.constant 32 : index
      %swap3A_1739 = tpu.vector_load %arg26[%swap3A_1738] {strides = array<i32>} : memref<128xf32, #tpu.memory_space<vmem>>, vector<16xf32>,
      tpu.vector_store %arg26[%swap3A_1738], %mul3A_1737 {strides = array<i32>} : memref<128xf32, #tpu.memory_space<vmem>>, vector<16xf32>,
      %add3A_1740 = arith.constant 48 : i32
      %add3A_1741 = arith.addi %multiple_of3A_1652, %add3A_1740 : i32
      %get3A_1742 = arith.index_cast %add3A_1741 : i32 to index
      %get3A_1743 = tpu.vector_load %arg15[%get3A_1742] {strides = array<i32>} : memref<10240xi32, #tpu.memory_space<vmem>>, vector<16xi32>,
      %get3A_1744 = arith.index_cast %add3A_1649 : i32 to index
      %get3A_1745 = arith.constant 48 : index
      %get3A_1746 = tpu.vector_load %arg16[%get3A_1744, %get3A_1745] {strides = array<i32>} : memref<80x128xi32, #tpu.memory_space<vmem>>, vector<16xi32>,
      %add3A_1747 = arith.constant 48 : i32
      %add3A_1748 = arith.addi %multiple_of3A_1652, %add3A_1747 : i32
      %get3A_1749 = arith.index_cast %add3A_1748 : i32 to index
      %get3A_1750 = tpu.vector_load %arg17[%get3A_1749] {strides = array<i32>} : memref<10240xf32, #tpu.memory_space<vmem>>, vector<16xf32>,
      %gather3A_1751 = tpu.vector_load_idx %arg12[%get3A_1743] : memref<10112xf32, #tpu.memory_space<vmem>>[vector<16xi32>], vector<16xf32>,
      %gather3A_1752 = tpu.vector_load_idx %arg12[%get3A_1746] : memref<10112xf32, #tpu.memory_space<vmem>>[vector<16xi32>], vector<16xf32>,
      %sub3A_1753 = arith.subf %gather3A_1751, %gather3A_1752 : vector<16xf32>
      %mul3A_1754 = arith.mulf %sub3A_1753, %get3A_1750 : vector<16xf32>
      %swap3A_1755 = arith.constant 48 : index
      %swap3A_1756 = tpu.vector_load %arg24[%swap3A_1755] {strides = array<i32>} : memref<128xf32, #tpu.memory_space<vmem>>, vector<16xf32>,
      tpu.vector_store %arg24[%swap3A_1755], %mul3A_1754 {strides = array<i32>} : memref<128xf32, #tpu.memory_space<vmem>>, vector<16xf32>,
      %gather3A_1757 = tpu.vector_load_idx %arg13[%get3A_1743] : memref<10112xf32, #tpu.memory_space<vmem>>[vector<16xi32>], vector<16xf32>,
      %gather3A_1758 = tpu.vector_load_idx %arg13[%get3A_1746] : memref<10112xf32, #tpu.memory_space<vmem>>[vector<16xi32>], vector<16xf32>,
      %sub3A_1759 = arith.subf %gather3A_1757, %gather3A_1758 : vector<16xf32>
      %mul3A_1760 = arith.mulf %sub3A_1759, %get3A_1750 : vector<16xf32>
      %swap3A_1761 = arith.constant 48 : index
      %swap3A_1762 = tpu.vector_load %arg25[%swap3A_1761] {strides = array<i32>} : memref<128xf32, #tpu.memory_space<vmem>>, vector<16xf32>,
      tpu.vector_store %arg25[%swap3A_1761], %mul3A_1760 {strides = array<i32>} : memref<128xf32, #tpu.memory_space<vmem>>, vector<16xf32>,
      %gather3A_1763 = tpu.vector_load_idx %arg14[%get3A_1743] : memref<10112xf32, #tpu.memory_space<vmem>>[vector<16xi32>], vector<16xf32>,
      %gather3A_1764 = tpu.vector_load_idx %arg14[%get3A_1746] : memref<10112xf32, #tpu.memory_space<vmem>>[vector<16xi32>], vector<16xf32>,
      %sub3A_1765 = arith.subf %gather3A_1763, %gather3A_1764 : vector<16xf32>
      %mul3A_1766 = arith.mulf %sub3A_1765, %get3A_1750 : vector<16xf32>
      %swap3A_1767 = arith.constant 48 : index
      %swap3A_1768 = tpu.vector_load %arg26[%swap3A_1767] {strides = array<i32>} : memref<128xf32, #tpu.memory_space<vmem>>, vector<16xf32>,
      tpu.vector_store %arg26[%swap3A_1767], %mul3A_1766 {strides = array<i32>} : memref<128xf32, #tpu.memory_space<vmem>>, vector<16xf32>,
      %add3A_1769 = arith.constant 64 : i32
      %add3A_1770 = arith.addi %multiple_of3A_1652, %add3A_1769 : i32
      %get3A_1771 = arith.index_cast %add3A_1770 : i32 to index
      %get3A_1772 = tpu.vector_load %arg15[%get3A_1771] {strides = array<i32>} : memref<10240xi32, #tpu.memory_space<vmem>>, vector<16xi32>,
      %get3A_1773 = arith.index_cast %add3A_1649 : i32 to index
      %get3A_1774 = arith.constant 64 : index
      %get3A_1775 = tpu.vector_load %arg16[%get3A_1773, %get3A_1774] {strides = array<i32>} : memref<80x128xi32, #tpu.memory_space<vmem>>, vector<16xi32>,
      %add3A_1776 = arith.constant 64 : i32
      %add3A_1777 = arith.addi %multiple_of3A_1652, %add3A_1776 : i32
      %get3A_1778 = arith.index_cast %add3A_1777 : i32 to index
      %get3A_1779 = tpu.vector_load %arg17[%get3A_1778] {strides = array<i32>} : memref<10240xf32, #tpu.memory_space<vmem>>, vector<16xf32>,
      %gather3A_1780 = tpu.vector_load_idx %arg12[%get3A_1772] : memref<10112xf32, #tpu.memory_space<vmem>>[vector<16xi32>], vector<16xf32>,
      %gather3A_1781 = tpu.vector_load_idx %arg12[%get3A_1775] : memref<10112xf32, #tpu.memory_space<vmem>>[vector<16xi32>], vector<16xf32>,
      %sub3A_1782 = arith.subf %gather3A_1780, %gather3A_1781 : vector<16xf32>
      %mul3A_1783 = arith.mulf %sub3A_1782, %get3A_1779 : vector<16xf32>
      %swap3A_1784 = arith.constant 64 : index
      %swap3A_1785 = tpu.vector_load %arg24[%swap3A_1784] {strides = array<i32>} : memref<128xf32, #tpu.memory_space<vmem>>, vector<16xf32>,
      tpu.vector_store %arg24[%swap3A_1784], %mul3A_1783 {strides = array<i32>} : memref<128xf32, #tpu.memory_space<vmem>>, vector<16xf32>,
      %gather3A_1786 = tpu.vector_load_idx %arg13[%get3A_1772] : memref<10112xf32, #tpu.memory_space<vmem>>[vector<16xi32>], vector<16xf32>,
      %gather3A_1787 = tpu.vector_load_idx %arg13[%get3A_1775] : memref<10112xf32, #tpu.memory_space<vmem>>[vector<16xi32>], vector<16xf32>,
      %sub3A_1788 = arith.subf %gather3A_1786, %gather3A_1787 : vector<16xf32>
      %mul3A_1789 = arith.mulf %sub3A_1788, %get3A_1779 : vector<16xf32>
      %swap3A_1790 = arith.constant 64 : index
      %swap3A_1791 = tpu.vector_load %arg25[%swap3A_1790] {strides = array<i32>} : memref<128xf32, #tpu.memory_space<vmem>>, vector<16xf32>,
      tpu.vector_store %arg25[%swap3A_1790], %mul3A_1789 {strides = array<i32>} : memref<128xf32, #tpu.memory_space<vmem>>, vector<16xf32>,
      %gather3A_1792 = tpu.vector_load_idx %arg14[%get3A_1772] : memref<10112xf32, #tpu.memory_space<vmem>>[vector<16xi32>], vector<16xf32>,
      %gather3A_1793 = tpu.vector_load_idx %arg14[%get3A_1775] : memref<10112xf32, #tpu.memory_space<vmem>>[vector<16xi32>], vector<16xf32>,
      %sub3A_1794 = arith.subf %gather3A_1792, %gather3A_1793 : vector<16xf32>
      %mul3A_1795 = arith.mulf %sub3A_1794, %get3A_1779 : vector<16xf32>
      %swap3A_1796 = arith.constant 64 : index
      %swap3A_1797 = tpu.vector_load %arg26[%swap3A_1796] {strides = array<i32>} : memref<128xf32, #tpu.memory_space<vmem>>, vector<16xf32>,
      tpu.vector_store %arg26[%swap3A_1796], %mul3A_1795 {strides = array<i32>} : memref<128xf32, #tpu.memory_space<vmem>>, vector<16xf32>,
      %add3A_1798 = arith.constant 80 : i32
      %add3A_1799 = arith.addi %multiple_of3A_1652, %add3A_1798 : i32
      %get3A_1800 = arith.index_cast %add3A_1799 : i32 to index
      %get3A_1801 = tpu.vector_load %arg15[%get3A_1800] {strides = array<i32>} : memref<10240xi32, #tpu.memory_space<vmem>>, vector<16xi32>,
      %get3A_1802 = arith.index_cast %add3A_1649 : i32 to index
      %get3A_1803 = arith.constant 80 : index
      %get3A_1804 = tpu.vector_load %arg16[%get3A_1802, %get3A_1803] {strides = array<i32>} : memref<80x128xi32, #tpu.memory_space<vmem>>, vector<16xi32>,
      %add3A_1805 = arith.constant 80 : i32
      %add3A_1806 = arith.addi %multiple_of3A_1652, %add3A_1805 : i32
      %get3A_1807 = arith.index_cast %add3A_1806 : i32 to index
      %get3A_1808 = tpu.vector_load %arg17[%get3A_1807] {strides = array<i32>} : memref<10240xf32, #tpu.memory_space<vmem>>, vector<16xf32>,
      %gather3A_1809 = tpu.vector_load_idx %arg12[%get3A_1801] : memref<10112xf32, #tpu.memory_space<vmem>>[vector<16xi32>], vector<16xf32>,
      %gather3A_1810 = tpu.vector_load_idx %arg12[%get3A_1804] : memref<10112xf32, #tpu.memory_space<vmem>>[vector<16xi32>], vector<16xf32>,
      %sub3A_1811 = arith.subf %gather3A_1809, %gather3A_1810 : vector<16xf32>
      %mul3A_1812 = arith.mulf %sub3A_1811, %get3A_1808 : vector<16xf32>
      %swap3A_1813 = arith.constant 80 : index
      %swap3A_1814 = tpu.vector_load %arg24[%swap3A_1813] {strides = array<i32>} : memref<128xf32, #tpu.memory_space<vmem>>, vector<16xf32>,
      tpu.vector_store %arg24[%swap3A_1813], %mul3A_1812 {strides = array<i32>} : memref<128xf32, #tpu.memory_space<vmem>>, vector<16xf32>,
      %gather3A_1815 = tpu.vector_load_idx %arg13[%get3A_1801] : memref<10112xf32, #tpu.memory_space<vmem>>[vector<16xi32>], vector<16xf32>,
      %gather3A_1816 = tpu.vector_load_idx %arg13[%get3A_1804] : memref<10112xf32, #tpu.memory_space<vmem>>[vector<16xi32>], vector<16xf32>,
      %sub3A_1817 = arith.subf %gather3A_1815, %gather3A_1816 : vector<16xf32>
      %mul3A_1818 = arith.mulf %sub3A_1817, %get3A_1808 : vector<16xf32>
      %swap3A_1819 = arith.constant 80 : index
      %swap3A_1820 = tpu.vector_load %arg25[%swap3A_1819] {strides = array<i32>} : memref<128xf32, #tpu.memory_space<vmem>>, vector<16xf32>,
      tpu.vector_store %arg25[%swap3A_1819], %mul3A_1818 {strides = array<i32>} : memref<128xf32, #tpu.memory_space<vmem>>, vector<16xf32>,
      %gather3A_1821 = tpu.vector_load_idx %arg14[%get3A_1801] : memref<10112xf32, #tpu.memory_space<vmem>>[vector<16xi32>], vector<16xf32>,
      %gather3A_1822 = tpu.vector_load_idx %arg14[%get3A_1804] : memref<10112xf32, #tpu.memory_space<vmem>>[vector<16xi32>], vector<16xf32>,
      %sub3A_1823 = arith.subf %gather3A_1821, %gather3A_1822 : vector<16xf32>
      %mul3A_1824 = arith.mulf %sub3A_1823, %get3A_1808 : vector<16xf32>
      %swap3A_1825 = arith.constant 80 : index
      %swap3A_1826 = tpu.vector_load %arg26[%swap3A_1825] {strides = array<i32>} : memref<128xf32, #tpu.memory_space<vmem>>, vector<16xf32>,
      tpu.vector_store %arg26[%swap3A_1825], %mul3A_1824 {strides = array<i32>} : memref<128xf32, #tpu.memory_space<vmem>>, vector<16xf32>,
      %add3A_1827 = arith.constant 96 : i32
      %add3A_1828 = arith.addi %multiple_of3A_1652, %add3A_1827 : i32
      %get3A_1829 = arith.index_cast %add3A_1828 : i32 to index
      %get3A_1830 = tpu.vector_load %arg15[%get3A_1829] {strides = array<i32>} : memref<10240xi32, #tpu.memory_space<vmem>>, vector<16xi32>,
      %get3A_1831 = arith.index_cast %add3A_1649 : i32 to index
      %get3A_1832 = arith.constant 96 : index
      %get3A_1833 = tpu.vector_load %arg16[%get3A_1831, %get3A_1832] {strides = array<i32>} : memref<80x128xi32, #tpu.memory_space<vmem>>, vector<16xi32>,
      %add3A_1834 = arith.constant 96 : i32
      %add3A_1835 = arith.addi %multiple_of3A_1652, %add3A_1834 : i32
      %get3A_1836 = arith.index_cast %add3A_1835 : i32 to index
      %get3A_1837 = tpu.vector_load %arg17[%get3A_1836] {strides = array<i32>} : memref<10240xf32, #tpu.memory_space<vmem>>, vector<16xf32>,
      %gather3A_1838 = tpu.vector_load_idx %arg12[%get3A_1830] : memref<10112xf32, #tpu.memory_space<vmem>>[vector<16xi32>], vector<16xf32>,
      %gather3A_1839 = tpu.vector_load_idx %arg12[%get3A_1833] : memref<10112xf32, #tpu.memory_space<vmem>>[vector<16xi32>], vector<16xf32>,
      %sub3A_1840 = arith.subf %gather3A_1838, %gather3A_1839 : vector<16xf32>
      %mul3A_1841 = arith.mulf %sub3A_1840, %get3A_1837 : vector<16xf32>
      %swap3A_1842 = arith.constant 96 : index
      %swap3A_1843 = tpu.vector_load %arg24[%swap3A_1842] {strides = array<i32>} : memref<128xf32, #tpu.memory_space<vmem>>, vector<16xf32>,
      tpu.vector_store %arg24[%swap3A_1842], %mul3A_1841 {strides = array<i32>} : memref<128xf32, #tpu.memory_space<vmem>>, vector<16xf32>,
      %gather3A_1844 = tpu.vector_load_idx %arg13[%get3A_1830] : memref<10112xf32, #tpu.memory_space<vmem>>[vector<16xi32>], vector<16xf32>,
      %gather3A_1845 = tpu.vector_load_idx %arg13[%get3A_1833] : memref<10112xf32, #tpu.memory_space<vmem>>[vector<16xi32>], vector<16xf32>,
      %sub3A_1846 = arith.subf %gather3A_1844, %gather3A_1845 : vector<16xf32>
      %mul3A_1847 = arith.mulf %sub3A_1846, %get3A_1837 : vector<16xf32>
      %swap3A_1848 = arith.constant 96 : index
      %swap3A_1849 = tpu.vector_load %arg25[%swap3A_1848] {strides = array<i32>} : memref<128xf32, #tpu.memory_space<vmem>>, vector<16xf32>,
      tpu.vector_store %arg25[%swap3A_1848], %mul3A_1847 {strides = array<i32>} : memref<128xf32, #tpu.memory_space<vmem>>, vector<16xf32>,
      %gather3A_1850 = tpu.vector_load_idx %arg14[%get3A_1830] : memref<10112xf32, #tpu.memory_space<vmem>>[vector<16xi32>], vector<16xf32>,
      %gather3A_1851 = tpu.vector_load_idx %arg14[%get3A_1833] : memref<10112xf32, #tpu.memory_space<vmem>>[vector<16xi32>], vector<16xf32>,
      %sub3A_1852 = arith.subf %gather3A_1850, %gather3A_1851 : vector<16xf32>
      %mul3A_1853 = arith.mulf %sub3A_1852, %get3A_1837 : vector<16xf32>
      %swap3A_1854 = arith.constant 96 : index
      %swap3A_1855 = tpu.vector_load %arg26[%swap3A_1854] {strides = array<i32>} : memref<128xf32, #tpu.memory_space<vmem>>, vector<16xf32>,
      tpu.vector_store %arg26[%swap3A_1854], %mul3A_1853 {strides = array<i32>} : memref<128xf32, #tpu.memory_space<vmem>>, vector<16xf32>,
      %add3A_1856 = arith.constant 112 : i32
      %add3A_1857 = arith.addi %multiple_of3A_1652, %add3A_1856 : i32
      %get3A_1858 = arith.index_cast %add3A_1857 : i32 to index
      %get3A_1859 = tpu.vector_load %arg15[%get3A_1858] {strides = array<i32>} : memref<10240xi32, #tpu.memory_space<vmem>>, vector<16xi32>,
      %get3A_1860 = arith.index_cast %add3A_1649 : i32 to index
      %get3A_1861 = arith.constant 112 : index
      %get3A_1862 = tpu.vector_load %arg16[%get3A_1860, %get3A_1861] {strides = array<i32>} : memref<80x128xi32, #tpu.memory_space<vmem>>, vector<16xi32>,
      %add3A_1863 = arith.constant 112 : i32
      %add3A_1864 = arith.addi %multiple_of3A_1652, %add3A_1863 : i32
      %get3A_1865 = arith.index_cast %add3A_1864 : i32 to index
      %get3A_1866 = tpu.vector_load %arg17[%get3A_1865] {strides = array<i32>} : memref<10240xf32, #tpu.memory_space<vmem>>, vector<16xf32>,
      %gather3A_1867 = tpu.vector_load_idx %arg12[%get3A_1859] : memref<10112xf32, #tpu.memory_space<vmem>>[vector<16xi32>], vector<16xf32>,
      %gather3A_1868 = tpu.vector_load_idx %arg12[%get3A_1862] : memref<10112xf32, #tpu.memory_space<vmem>>[vector<16xi32>], vector<16xf32>,
      %sub3A_1869 = arith.subf %gather3A_1867, %gather3A_1868 : vector<16xf32>
      %mul3A_1870 = arith.mulf %sub3A_1869, %get3A_1866 : vector<16xf32>
      %swap3A_1871 = arith.constant 112 : index
      %swap3A_1872 = tpu.vector_load %arg24[%swap3A_1871] {strides = array<i32>} : memref<128xf32, #tpu.memory_space<vmem>>, vector<16xf32>,
      tpu.vector_store %arg24[%swap3A_1871], %mul3A_1870 {strides = array<i32>} : memref<128xf32, #tpu.memory_space<vmem>>, vector<16xf32>,
      %gather3A_1873 = tpu.vector_load_idx %arg13[%get3A_1859] : memref<10112xf32, #tpu.memory_space<vmem>>[vector<16xi32>], vector<16xf32>,
      %gather3A_1874 = tpu.vector_load_idx %arg13[%get3A_1862] : memref<10112xf32, #tpu.memory_space<vmem>>[vector<16xi32>], vector<16xf32>,
      %sub3A_1875 = arith.subf %gather3A_1873, %gather3A_1874 : vector<16xf32>
      %mul3A_1876 = arith.mulf %sub3A_1875, %get3A_1866 : vector<16xf32>
      %swap3A_1877 = arith.constant 112 : index
      %swap3A_1878 = tpu.vector_load %arg25[%swap3A_1877] {strides = array<i32>} : memref<128xf32, #tpu.memory_space<vmem>>, vector<16xf32>,
      tpu.vector_store %arg25[%swap3A_1877], %mul3A_1876 {strides = array<i32>} : memref<128xf32, #tpu.memory_space<vmem>>, vector<16xf32>,
      %gather3A_1879 = tpu.vector_load_idx %arg14[%get3A_1859] : memref<10112xf32, #tpu.memory_space<vmem>>[vector<16xi32>], vector<16xf32>,
      %gather3A_1880 = tpu.vector_load_idx %arg14[%get3A_1862] : memref<10112xf32, #tpu.memory_space<vmem>>[vector<16xi32>], vector<16xf32>,
      %sub3A_1881 = arith.subf %gather3A_1879, %gather3A_1880 : vector<16xf32>
      %mul3A_1882 = arith.mulf %sub3A_1881, %get3A_1866 : vector<16xf32>
      %swap3A_1883 = arith.constant 112 : index
      %swap3A_1884 = tpu.vector_load %arg26[%swap3A_1883] {strides = array<i32>} : memref<128xf32, #tpu.memory_space<vmem>>, vector<16xf32>,
      tpu.vector_store %arg26[%swap3A_1883], %mul3A_1882 {strides = array<i32>} : memref<128xf32, #tpu.memory_space<vmem>>, vector<16xf32>,
      %add3A_1885 = arith.constant 2 : i32
      %add3A_1886 = arith.addi %add3A_1103, %add3A_1885 : i32
      %dma_start3A_1887 = arith.constant 0 : i32
      %dma_start3A_1888 = tpu.memref_slice %arg16[%add3A_1886, %dma_start3A_1887] : memref<80x128xi32, #tpu.memory_space<vmem>> -> memref<1x128xi32, #tpu.memory_space<vmem>>
      %dma_start3A_1889 = tpu.memref_squeeze %dma_start3A_1888 : memref<1x128xi32, #tpu.memory_space<vmem>> -> memref<128xi32, #tpu.memory_space<vmem>>
      %dma_start3A_1890 = arith.constant 0 : i32
      %dma_start3A_1891 = tpu.memref_slice %arg30[%dma_start3A_1890] : memref<10112xf32, #tpu.memory_space<vmem_shared>> -> memref<10112xf32, #tpu.memory_space<vmem_shared>>
      tpu.enqueue_indirect_dma source(%arg24 : memref<128xf32, #tpu.memory_space<vmem>>) target(%dma_start3A_1891 : memref<10112xf32, #tpu.memory_space<vmem_shared>>) offsets(%dma_start3A_1889 : memref<128xi32, #tpu.memory_space<vmem>>) semaphore(%arg35 : memref<!tpu.dma_semaphore, #tpu.memory_space<semaphore_mem>>) {add = true}
      %dma_start3A_1892 = arith.constant 0 : i32
      %dma_start3A_1893 = tpu.memref_slice %arg16[%add3A_1886, %dma_start3A_1892] : memref<80x128xi32, #tpu.memory_space<vmem>> -> memref<1x128xi32, #tpu.memory_space<vmem>>
      %dma_start3A_1894 = tpu.memref_squeeze %dma_start3A_1893 : memref<1x128xi32, #tpu.memory_space<vmem>> -> memref<128xi32, #tpu.memory_space<vmem>>
      %dma_start3A_1895 = arith.constant 0 : i32
      %dma_start3A_1896 = tpu.memref_slice %arg31[%dma_start3A_1895] : memref<10112xf32, #tpu.memory_space<vmem_shared>> -> memref<10112xf32, #tpu.memory_space<vmem_shared>>
      tpu.enqueue_indirect_dma source(%arg25 : memref<128xf32, #tpu.memory_space<vmem>>) target(%dma_start3A_1896 : memref<10112xf32, #tpu.memory_space<vmem_shared>>) offsets(%dma_start3A_1894 : memref<128xi32, #tpu.memory_space<vmem>>) semaphore(%arg35 : memref<!tpu.dma_semaphore, #tpu.memory_space<semaphore_mem>>) {add = true}
      %dma_start3A_1897 = arith.constant 0 : i32
      %dma_start3A_1898 = tpu.memref_slice %arg16[%add3A_1886, %dma_start3A_1897] : memref<80x128xi32, #tpu.memory_space<vmem>> -> memref<1x128xi32, #tpu.memory_space<vmem>>
      %dma_start3A_1899 = tpu.memref_squeeze %dma_start3A_1898 : memref<1x128xi32, #tpu.memory_space<vmem>> -> memref<128xi32, #tpu.memory_space<vmem>>
      %dma_start3A_1900 = arith.constant 0 : i32
      %dma_start3A_1901 = tpu.memref_slice %arg32[%dma_start3A_1900] : memref<10112xf32, #tpu.memory_space<vmem_shared>> -> memref<10112xf32, #tpu.memory_space<vmem_shared>>
      tpu.enqueue_indirect_dma source(%arg26 : memref<128xf32, #tpu.memory_space<vmem>>) target(%dma_start3A_1901 : memref<10112xf32, #tpu.memory_space<vmem_shared>>) offsets(%dma_start3A_1899 : memref<128xi32, #tpu.memory_space<vmem>>) semaphore(%arg35 : memref<!tpu.dma_semaphore, #tpu.memory_space<semaphore_mem>>) {add = true}
      %dma_wait3A_1902 = arith.constant 0 : i32
      %dma_wait3A_1903 = tpu.memref_slice %arg8[%dma_wait3A_1902] : memref<10112xf32, #tpu.memory_space<hbm>> -> memref<128xf32, #tpu.memory_space<hbm>>
      %dma_wait3A_1904 = arith.constant 0 : i32
      %dma_wait3A_1905 = tpu.memref_slice %arg8[%dma_wait3A_1904] : memref<10112xf32, #tpu.memory_space<hbm>> -> memref<128xf32, #tpu.memory_space<hbm>>
      tpu.wait_dma2 semaphore(%arg36 : memref<!tpu.dma_semaphore, #tpu.memory_space<semaphore_mem>>) src(%dma_wait3A_1905 : memref<128xf32, #tpu.memory_space<hbm>>) dst(%arg27 : memref<128xf32, #tpu.memory_space<vmem>>)
      %dma_wait3A_1906 = arith.constant 0 : i32
      %dma_wait3A_1907 = tpu.memref_slice %arg8[%dma_wait3A_1906] : memref<10112xf32, #tpu.memory_space<hbm>> -> memref<128xf32, #tpu.memory_space<hbm>>
      %dma_wait3A_1908 = arith.constant 0 : i32
      %dma_wait3A_1909 = tpu.memref_slice %arg8[%dma_wait3A_1908] : memref<10112xf32, #tpu.memory_space<hbm>> -> memref<128xf32, #tpu.memory_space<hbm>>
      tpu.wait_dma2 semaphore(%arg36 : memref<!tpu.dma_semaphore, #tpu.memory_space<semaphore_mem>>) src(%dma_wait3A_1909 : memref<128xf32, #tpu.memory_space<hbm>>) dst(%arg28 : memref<128xf32, #tpu.memory_space<vmem>>)
      %dma_wait3A_1910 = arith.constant 0 : i32
      %dma_wait3A_1911 = tpu.memref_slice %arg8[%dma_wait3A_1910] : memref<10112xf32, #tpu.memory_space<hbm>> -> memref<128xf32, #tpu.memory_space<hbm>>
      %dma_wait3A_1912 = arith.constant 0 : i32
      %dma_wait3A_1913 = tpu.memref_slice %arg8[%dma_wait3A_1912] : memref<10112xf32, #tpu.memory_space<hbm>> -> memref<128xf32, #tpu.memory_space<hbm>>
      tpu.wait_dma2 semaphore(%arg36 : memref<!tpu.dma_semaphore, #tpu.memory_space<semaphore_mem>>) src(%dma_wait3A_1913 : memref<128xf32, #tpu.memory_space<hbm>>) dst(%arg29 : memref<128xf32, #tpu.memory_space<vmem>>)
      %add3A_1914 = arith.constant 3 : i32
      %add3A_1915 = arith.addi %add3A_1103, %add3A_1914 : i32
      %mul3A_1916 = arith.constant 128 : i32
      %mul3A_1917 = arith.muli %add3A_1915, %mul3A_1916 : i32
      %multiple_of3A_1918 = tpu.assume_multiple %mul3A_1917, 128 : i32
      %add3A_1919 = arith.constant 0 : i32
      %add3A_1920 = arith.addi %multiple_of3A_1918, %add3A_1919 : i32
      %get3A_1921 = arith.index_cast %add3A_1920 : i32 to index
      %get3A_1922 = tpu.vector_load %arg15[%get3A_1921] {strides = array<i32>} : memref<10240xi32, #tpu.memory_space<vmem>>, vector<16xi32>,
      %get3A_1923 = arith.index_cast %add3A_1915 : i32 to index
      %get3A_1924 = arith.constant 0 : index
      %get3A_1925 = tpu.vector_load %arg16[%get3A_1923, %get3A_1924] {strides = array<i32>} : memref<80x128xi32, #tpu.memory_space<vmem>>, vector<16xi32>,
      %add3A_1926 = arith.constant 0 : i32
      %add3A_1927 = arith.addi %multiple_of3A_1918, %add3A_1926 : i32
      %get3A_1928 = arith.index_cast %add3A_1927 : i32 to index
      %get3A_1929 = tpu.vector_load %arg17[%get3A_1928] {strides = array<i32>} : memref<10240xf32, #tpu.memory_space<vmem>>, vector<16xf32>,
      %gather3A_1930 = tpu.vector_load_idx %arg12[%get3A_1922] : memref<10112xf32, #tpu.memory_space<vmem>>[vector<16xi32>], vector<16xf32>,
      %gather3A_1931 = tpu.vector_load_idx %arg12[%get3A_1925] : memref<10112xf32, #tpu.memory_space<vmem>>[vector<16xi32>], vector<16xf32>,
      %sub3A_1932 = arith.subf %gather3A_1930, %gather3A_1931 : vector<16xf32>
      %mul3A_1933 = arith.mulf %sub3A_1932, %get3A_1929 : vector<16xf32>
      %swap3A_1934 = arith.constant 0 : index
      %swap3A_1935 = tpu.vector_load %arg27[%swap3A_1934] {strides = array<i32>} : memref<128xf32, #tpu.memory_space<vmem>>, vector<16xf32>,
      tpu.vector_store %arg27[%swap3A_1934], %mul3A_1933 {strides = array<i32>} : memref<128xf32, #tpu.memory_space<vmem>>, vector<16xf32>,
      %gather3A_1936 = tpu.vector_load_idx %arg13[%get3A_1922] : memref<10112xf32, #tpu.memory_space<vmem>>[vector<16xi32>], vector<16xf32>,
      %gather3A_1937 = tpu.vector_load_idx %arg13[%get3A_1925] : memref<10112xf32, #tpu.memory_space<vmem>>[vector<16xi32>], vector<16xf32>,
      %sub3A_1938 = arith.subf %gather3A_1936, %gather3A_1937 : vector<16xf32>
      %mul3A_1939 = arith.mulf %sub3A_1938, %get3A_1929 : vector<16xf32>
      %swap3A_1940 = arith.constant 0 : index
      %swap3A_1941 = tpu.vector_load %arg28[%swap3A_1940] {strides = array<i32>} : memref<128xf32, #tpu.memory_space<vmem>>, vector<16xf32>,
      tpu.vector_store %arg28[%swap3A_1940], %mul3A_1939 {strides = array<i32>} : memref<128xf32, #tpu.memory_space<vmem>>, vector<16xf32>,
      %gather3A_1942 = tpu.vector_load_idx %arg14[%get3A_1922] : memref<10112xf32, #tpu.memory_space<vmem>>[vector<16xi32>], vector<16xf32>,
      %gather3A_1943 = tpu.vector_load_idx %arg14[%get3A_1925] : memref<10112xf32, #tpu.memory_space<vmem>>[vector<16xi32>], vector<16xf32>,
      %sub3A_1944 = arith.subf %gather3A_1942, %gather3A_1943 : vector<16xf32>
      %mul3A_1945 = arith.mulf %sub3A_1944, %get3A_1929 : vector<16xf32>
      %swap3A_1946 = arith.constant 0 : index
      %swap3A_1947 = tpu.vector_load %arg29[%swap3A_1946] {strides = array<i32>} : memref<128xf32, #tpu.memory_space<vmem>>, vector<16xf32>,
      tpu.vector_store %arg29[%swap3A_1946], %mul3A_1945 {strides = array<i32>} : memref<128xf32, #tpu.memory_space<vmem>>, vector<16xf32>,
      %add3A_1948 = arith.constant 16 : i32
      %add3A_1949 = arith.addi %multiple_of3A_1918, %add3A_1948 : i32
      %get3A_1950 = arith.index_cast %add3A_1949 : i32 to index
      %get3A_1951 = tpu.vector_load %arg15[%get3A_1950] {strides = array<i32>} : memref<10240xi32, #tpu.memory_space<vmem>>, vector<16xi32>,
      %get3A_1952 = arith.index_cast %add3A_1915 : i32 to index
      %get3A_1953 = arith.constant 16 : index
      %get3A_1954 = tpu.vector_load %arg16[%get3A_1952, %get3A_1953] {strides = array<i32>} : memref<80x128xi32, #tpu.memory_space<vmem>>, vector<16xi32>,
      %add3A_1955 = arith.constant 16 : i32
      %add3A_1956 = arith.addi %multiple_of3A_1918, %add3A_1955 : i32
      %get3A_1957 = arith.index_cast %add3A_1956 : i32 to index
      %get3A_1958 = tpu.vector_load %arg17[%get3A_1957] {strides = array<i32>} : memref<10240xf32, #tpu.memory_space<vmem>>, vector<16xf32>,
      %gather3A_1959 = tpu.vector_load_idx %arg12[%get3A_1951] : memref<10112xf32, #tpu.memory_space<vmem>>[vector<16xi32>], vector<16xf32>,
      %gather3A_1960 = tpu.vector_load_idx %arg12[%get3A_1954] : memref<10112xf32, #tpu.memory_space<vmem>>[vector<16xi32>], vector<16xf32>,
      %sub3A_1961 = arith.subf %gather3A_1959, %gather3A_1960 : vector<16xf32>
      %mul3A_1962 = arith.mulf %sub3A_1961, %get3A_1958 : vector<16xf32>
      %swap3A_1963 = arith.constant 16 : index
      %swap3A_1964 = tpu.vector_load %arg27[%swap3A_1963] {strides = array<i32>} : memref<128xf32, #tpu.memory_space<vmem>>, vector<16xf32>,
      tpu.vector_store %arg27[%swap3A_1963], %mul3A_1962 {strides = array<i32>} : memref<128xf32, #tpu.memory_space<vmem>>, vector<16xf32>,
      %gather3A_1965 = tpu.vector_load_idx %arg13[%get3A_1951] : memref<10112xf32, #tpu.memory_space<vmem>>[vector<16xi32>], vector<16xf32>,
      %gather3A_1966 = tpu.vector_load_idx %arg13[%get3A_1954] : memref<10112xf32, #tpu.memory_space<vmem>>[vector<16xi32>], vector<16xf32>,
      %sub3A_1967 = arith.subf %gather3A_1965, %gather3A_1966 : vector<16xf32>
      %mul3A_1968 = arith.mulf %sub3A_1967, %get3A_1958 : vector<16xf32>
      %swap3A_1969 = arith.constant 16 : index
      %swap3A_1970 = tpu.vector_load %arg28[%swap3A_1969] {strides = array<i32>} : memref<128xf32, #tpu.memory_space<vmem>>, vector<16xf32>,
      tpu.vector_store %arg28[%swap3A_1969], %mul3A_1968 {strides = array<i32>} : memref<128xf32, #tpu.memory_space<vmem>>, vector<16xf32>,
      %gather3A_1971 = tpu.vector_load_idx %arg14[%get3A_1951] : memref<10112xf32, #tpu.memory_space<vmem>>[vector<16xi32>], vector<16xf32>,
      %gather3A_1972 = tpu.vector_load_idx %arg14[%get3A_1954] : memref<10112xf32, #tpu.memory_space<vmem>>[vector<16xi32>], vector<16xf32>,
      %sub3A_1973 = arith.subf %gather3A_1971, %gather3A_1972 : vector<16xf32>
      %mul3A_1974 = arith.mulf %sub3A_1973, %get3A_1958 : vector<16xf32>
      %swap3A_1975 = arith.constant 16 : index
      %swap3A_1976 = tpu.vector_load %arg29[%swap3A_1975] {strides = array<i32>} : memref<128xf32, #tpu.memory_space<vmem>>, vector<16xf32>,
      tpu.vector_store %arg29[%swap3A_1975], %mul3A_1974 {strides = array<i32>} : memref<128xf32, #tpu.memory_space<vmem>>, vector<16xf32>,
      %add3A_1977 = arith.constant 32 : i32
      %add3A_1978 = arith.addi %multiple_of3A_1918, %add3A_1977 : i32
      %get3A_1979 = arith.index_cast %add3A_1978 : i32 to index
      %get3A_1980 = tpu.vector_load %arg15[%get3A_1979] {strides = array<i32>} : memref<10240xi32, #tpu.memory_space<vmem>>, vector<16xi32>,
      %get3A_1981 = arith.index_cast %add3A_1915 : i32 to index
      %get3A_1982 = arith.constant 32 : index
      %get3A_1983 = tpu.vector_load %arg16[%get3A_1981, %get3A_1982] {strides = array<i32>} : memref<80x128xi32, #tpu.memory_space<vmem>>, vector<16xi32>,
      %add3A_1984 = arith.constant 32 : i32
      %add3A_1985 = arith.addi %multiple_of3A_1918, %add3A_1984 : i32
      %get3A_1986 = arith.index_cast %add3A_1985 : i32 to index
      %get3A_1987 = tpu.vector_load %arg17[%get3A_1986] {strides = array<i32>} : memref<10240xf32, #tpu.memory_space<vmem>>, vector<16xf32>,
      %gather3A_1988 = tpu.vector_load_idx %arg12[%get3A_1980] : memref<10112xf32, #tpu.memory_space<vmem>>[vector<16xi32>], vector<16xf32>,
      %gather3A_1989 = tpu.vector_load_idx %arg12[%get3A_1983] : memref<10112xf32, #tpu.memory_space<vmem>>[vector<16xi32>], vector<16xf32>,
      %sub3A_1990 = arith.subf %gather3A_1988, %gather3A_1989 : vector<16xf32>
      %mul3A_1991 = arith.mulf %sub3A_1990, %get3A_1987 : vector<16xf32>
      %swap3A_1992 = arith.constant 32 : index
      %swap3A_1993 = tpu.vector_load %arg27[%swap3A_1992] {strides = array<i32>} : memref<128xf32, #tpu.memory_space<vmem>>, vector<16xf32>,
      tpu.vector_store %arg27[%swap3A_1992], %mul3A_1991 {strides = array<i32>} : memref<128xf32, #tpu.memory_space<vmem>>, vector<16xf32>,
      %gather3A_1994 = tpu.vector_load_idx %arg13[%get3A_1980] : memref<10112xf32, #tpu.memory_space<vmem>>[vector<16xi32>], vector<16xf32>,
      %gather3A_1995 = tpu.vector_load_idx %arg13[%get3A_1983] : memref<10112xf32, #tpu.memory_space<vmem>>[vector<16xi32>], vector<16xf32>,
      %sub3A_1996 = arith.subf %gather3A_1994, %gather3A_1995 : vector<16xf32>
      %mul3A_1997 = arith.mulf %sub3A_1996, %get3A_1987 : vector<16xf32>
      %swap3A_1998 = arith.constant 32 : index
      %swap3A_1999 = tpu.vector_load %arg28[%swap3A_1998] {strides = array<i32>} : memref<128xf32, #tpu.memory_space<vmem>>, vector<16xf32>,
      tpu.vector_store %arg28[%swap3A_1998], %mul3A_1997 {strides = array<i32>} : memref<128xf32, #tpu.memory_space<vmem>>, vector<16xf32>,
      %gather3A_2000 = tpu.vector_load_idx %arg14[%get3A_1980] : memref<10112xf32, #tpu.memory_space<vmem>>[vector<16xi32>], vector<16xf32>,
      %gather3A_2001 = tpu.vector_load_idx %arg14[%get3A_1983] : memref<10112xf32, #tpu.memory_space<vmem>>[vector<16xi32>], vector<16xf32>,
      %sub3A_2002 = arith.subf %gather3A_2000, %gather3A_2001 : vector<16xf32>
      %mul3A_2003 = arith.mulf %sub3A_2002, %get3A_1987 : vector<16xf32>
      %swap3A_2004 = arith.constant 32 : index
      %swap3A_2005 = tpu.vector_load %arg29[%swap3A_2004] {strides = array<i32>} : memref<128xf32, #tpu.memory_space<vmem>>, vector<16xf32>,
      tpu.vector_store %arg29[%swap3A_2004], %mul3A_2003 {strides = array<i32>} : memref<128xf32, #tpu.memory_space<vmem>>, vector<16xf32>,
      %add3A_2006 = arith.constant 48 : i32
      %add3A_2007 = arith.addi %multiple_of3A_1918, %add3A_2006 : i32
      %get3A_2008 = arith.index_cast %add3A_2007 : i32 to index
      %get3A_2009 = tpu.vector_load %arg15[%get3A_2008] {strides = array<i32>} : memref<10240xi32, #tpu.memory_space<vmem>>, vector<16xi32>,
      %get3A_2010 = arith.index_cast %add3A_1915 : i32 to index
      %get3A_2011 = arith.constant 48 : index
      %get3A_2012 = tpu.vector_load %arg16[%get3A_2010, %get3A_2011] {strides = array<i32>} : memref<80x128xi32, #tpu.memory_space<vmem>>, vector<16xi32>,
      %add3A_2013 = arith.constant 48 : i32
      %add3A_2014 = arith.addi %multiple_of3A_1918, %add3A_2013 : i32
      %get3A_2015 = arith.index_cast %add3A_2014 : i32 to index
      %get3A_2016 = tpu.vector_load %arg17[%get3A_2015] {strides = array<i32>} : memref<10240xf32, #tpu.memory_space<vmem>>, vector<16xf32>,
      %gather3A_2017 = tpu.vector_load_idx %arg12[%get3A_2009] : memref<10112xf32, #tpu.memory_space<vmem>>[vector<16xi32>], vector<16xf32>,
      %gather3A_2018 = tpu.vector_load_idx %arg12[%get3A_2012] : memref<10112xf32, #tpu.memory_space<vmem>>[vector<16xi32>], vector<16xf32>,
      %sub3A_2019 = arith.subf %gather3A_2017, %gather3A_2018 : vector<16xf32>
      %mul3A_2020 = arith.mulf %sub3A_2019, %get3A_2016 : vector<16xf32>
      %swap3A_2021 = arith.constant 48 : index
      %swap3A_2022 = tpu.vector_load %arg27[%swap3A_2021] {strides = array<i32>} : memref<128xf32, #tpu.memory_space<vmem>>, vector<16xf32>,
      tpu.vector_store %arg27[%swap3A_2021], %mul3A_2020 {strides = array<i32>} : memref<128xf32, #tpu.memory_space<vmem>>, vector<16xf32>,
      %gather3A_2023 = tpu.vector_load_idx %arg13[%get3A_2009] : memref<10112xf32, #tpu.memory_space<vmem>>[vector<16xi32>], vector<16xf32>,
      %gather3A_2024 = tpu.vector_load_idx %arg13[%get3A_2012] : memref<10112xf32, #tpu.memory_space<vmem>>[vector<16xi32>], vector<16xf32>,
      %sub3A_2025 = arith.subf %gather3A_2023, %gather3A_2024 : vector<16xf32>
      %mul3A_2026 = arith.mulf %sub3A_2025, %get3A_2016 : vector<16xf32>
      %swap3A_2027 = arith.constant 48 : index
      %swap3A_2028 = tpu.vector_load %arg28[%swap3A_2027] {strides = array<i32>} : memref<128xf32, #tpu.memory_space<vmem>>, vector<16xf32>,
      tpu.vector_store %arg28[%swap3A_2027], %mul3A_2026 {strides = array<i32>} : memref<128xf32, #tpu.memory_space<vmem>>, vector<16xf32>,
      %gather3A_2029 = tpu.vector_load_idx %arg14[%get3A_2009] : memref<10112xf32, #tpu.memory_space<vmem>>[vector<16xi32>], vector<16xf32>,
      %gather3A_2030 = tpu.vector_load_idx %arg14[%get3A_2012] : memref<10112xf32, #tpu.memory_space<vmem>>[vector<16xi32>], vector<16xf32>,
      %sub3A_2031 = arith.subf %gather3A_2029, %gather3A_2030 : vector<16xf32>
      %mul3A_2032 = arith.mulf %sub3A_2031, %get3A_2016 : vector<16xf32>
      %swap3A_2033 = arith.constant 48 : index
      %swap3A_2034 = tpu.vector_load %arg29[%swap3A_2033] {strides = array<i32>} : memref<128xf32, #tpu.memory_space<vmem>>, vector<16xf32>,
      tpu.vector_store %arg29[%swap3A_2033], %mul3A_2032 {strides = array<i32>} : memref<128xf32, #tpu.memory_space<vmem>>, vector<16xf32>,
      %add3A_2035 = arith.constant 64 : i32
      %add3A_2036 = arith.addi %multiple_of3A_1918, %add3A_2035 : i32
      %get3A_2037 = arith.index_cast %add3A_2036 : i32 to index
      %get3A_2038 = tpu.vector_load %arg15[%get3A_2037] {strides = array<i32>} : memref<10240xi32, #tpu.memory_space<vmem>>, vector<16xi32>,
      %get3A_2039 = arith.index_cast %add3A_1915 : i32 to index
      %get3A_2040 = arith.constant 64 : index
      %get3A_2041 = tpu.vector_load %arg16[%get3A_2039, %get3A_2040] {strides = array<i32>} : memref<80x128xi32, #tpu.memory_space<vmem>>, vector<16xi32>,
      %add3A_2042 = arith.constant 64 : i32
      %add3A_2043 = arith.addi %multiple_of3A_1918, %add3A_2042 : i32
      %get3A_2044 = arith.index_cast %add3A_2043 : i32 to index
      %get3A_2045 = tpu.vector_load %arg17[%get3A_2044] {strides = array<i32>} : memref<10240xf32, #tpu.memory_space<vmem>>, vector<16xf32>,
      %gather3A_2046 = tpu.vector_load_idx %arg12[%get3A_2038] : memref<10112xf32, #tpu.memory_space<vmem>>[vector<16xi32>], vector<16xf32>,
      %gather3A_2047 = tpu.vector_load_idx %arg12[%get3A_2041] : memref<10112xf32, #tpu.memory_space<vmem>>[vector<16xi32>], vector<16xf32>,
      %sub3A_2048 = arith.subf %gather3A_2046, %gather3A_2047 : vector<16xf32>
      %mul3A_2049 = arith.mulf %sub3A_2048, %get3A_2045 : vector<16xf32>
      %swap3A_2050 = arith.constant 64 : index
      %swap3A_2051 = tpu.vector_load %arg27[%swap3A_2050] {strides = array<i32>} : memref<128xf32, #tpu.memory_space<vmem>>, vector<16xf32>,
      tpu.vector_store %arg27[%swap3A_2050], %mul3A_2049 {strides = array<i32>} : memref<128xf32, #tpu.memory_space<vmem>>, vector<16xf32>,
      %gather3A_2052 = tpu.vector_load_idx %arg13[%get3A_2038] : memref<10112xf32, #tpu.memory_space<vmem>>[vector<16xi32>], vector<16xf32>,
      %gather3A_2053 = tpu.vector_load_idx %arg13[%get3A_2041] : memref<10112xf32, #tpu.memory_space<vmem>>[vector<16xi32>], vector<16xf32>,
      %sub3A_2054 = arith.subf %gather3A_2052, %gather3A_2053 : vector<16xf32>
      %mul3A_2055 = arith.mulf %sub3A_2054, %get3A_2045 : vector<16xf32>
      %swap3A_2056 = arith.constant 64 : index
      %swap3A_2057 = tpu.vector_load %arg28[%swap3A_2056] {strides = array<i32>} : memref<128xf32, #tpu.memory_space<vmem>>, vector<16xf32>,
      tpu.vector_store %arg28[%swap3A_2056], %mul3A_2055 {strides = array<i32>} : memref<128xf32, #tpu.memory_space<vmem>>, vector<16xf32>,
      %gather3A_2058 = tpu.vector_load_idx %arg14[%get3A_2038] : memref<10112xf32, #tpu.memory_space<vmem>>[vector<16xi32>], vector<16xf32>,
      %gather3A_2059 = tpu.vector_load_idx %arg14[%get3A_2041] : memref<10112xf32, #tpu.memory_space<vmem>>[vector<16xi32>], vector<16xf32>,
      %sub3A_2060 = arith.subf %gather3A_2058, %gather3A_2059 : vector<16xf32>
      %mul3A_2061 = arith.mulf %sub3A_2060, %get3A_2045 : vector<16xf32>
      %swap3A_2062 = arith.constant 64 : index
      %swap3A_2063 = tpu.vector_load %arg29[%swap3A_2062] {strides = array<i32>} : memref<128xf32, #tpu.memory_space<vmem>>, vector<16xf32>,
      tpu.vector_store %arg29[%swap3A_2062], %mul3A_2061 {strides = array<i32>} : memref<128xf32, #tpu.memory_space<vmem>>, vector<16xf32>,
      %add3A_2064 = arith.constant 80 : i32
      %add3A_2065 = arith.addi %multiple_of3A_1918, %add3A_2064 : i32
      %get3A_2066 = arith.index_cast %add3A_2065 : i32 to index
      %get3A_2067 = tpu.vector_load %arg15[%get3A_2066] {strides = array<i32>} : memref<10240xi32, #tpu.memory_space<vmem>>, vector<16xi32>,
      %get3A_2068 = arith.index_cast %add3A_1915 : i32 to index
      %get3A_2069 = arith.constant 80 : index
      %get3A_2070 = tpu.vector_load %arg16[%get3A_2068, %get3A_2069] {strides = array<i32>} : memref<80x128xi32, #tpu.memory_space<vmem>>, vector<16xi32>,
      %add3A_2071 = arith.constant 80 : i32
      %add3A_2072 = arith.addi %multiple_of3A_1918, %add3A_2071 : i32
      %get3A_2073 = arith.index_cast %add3A_2072 : i32 to index
      %get3A_2074 = tpu.vector_load %arg17[%get3A_2073] {strides = array<i32>} : memref<10240xf32, #tpu.memory_space<vmem>>, vector<16xf32>,
      %gather3A_2075 = tpu.vector_load_idx %arg12[%get3A_2067] : memref<10112xf32, #tpu.memory_space<vmem>>[vector<16xi32>], vector<16xf32>,
      %gather3A_2076 = tpu.vector_load_idx %arg12[%get3A_2070] : memref<10112xf32, #tpu.memory_space<vmem>>[vector<16xi32>], vector<16xf32>,
      %sub3A_2077 = arith.subf %gather3A_2075, %gather3A_2076 : vector<16xf32>
      %mul3A_2078 = arith.mulf %sub3A_2077, %get3A_2074 : vector<16xf32>
      %swap3A_2079 = arith.constant 80 : index
      %swap3A_2080 = tpu.vector_load %arg27[%swap3A_2079] {strides = array<i32>} : memref<128xf32, #tpu.memory_space<vmem>>, vector<16xf32>,
      tpu.vector_store %arg27[%swap3A_2079], %mul3A_2078 {strides = array<i32>} : memref<128xf32, #tpu.memory_space<vmem>>, vector<16xf32>,
      %gather3A_2081 = tpu.vector_load_idx %arg13[%get3A_2067] : memref<10112xf32, #tpu.memory_space<vmem>>[vector<16xi32>], vector<16xf32>,
      %gather3A_2082 = tpu.vector_load_idx %arg13[%get3A_2070] : memref<10112xf32, #tpu.memory_space<vmem>>[vector<16xi32>], vector<16xf32>,
      %sub3A_2083 = arith.subf %gather3A_2081, %gather3A_2082 : vector<16xf32>
      %mul3A_2084 = arith.mulf %sub3A_2083, %get3A_2074 : vector<16xf32>
      %swap3A_2085 = arith.constant 80 : index
      %swap3A_2086 = tpu.vector_load %arg28[%swap3A_2085] {strides = array<i32>} : memref<128xf32, #tpu.memory_space<vmem>>, vector<16xf32>,
      tpu.vector_store %arg28[%swap3A_2085], %mul3A_2084 {strides = array<i32>} : memref<128xf32, #tpu.memory_space<vmem>>, vector<16xf32>,
      %gather3A_2087 = tpu.vector_load_idx %arg14[%get3A_2067] : memref<10112xf32, #tpu.memory_space<vmem>>[vector<16xi32>], vector<16xf32>,
      %gather3A_2088 = tpu.vector_load_idx %arg14[%get3A_2070] : memref<10112xf32, #tpu.memory_space<vmem>>[vector<16xi32>], vector<16xf32>,
      %sub3A_2089 = arith.subf %gather3A_2087, %gather3A_2088 : vector<16xf32>
      %mul3A_2090 = arith.mulf %sub3A_2089, %get3A_2074 : vector<16xf32>
      %swap3A_2091 = arith.constant 80 : index
      %swap3A_2092 = tpu.vector_load %arg29[%swap3A_2091] {strides = array<i32>} : memref<128xf32, #tpu.memory_space<vmem>>, vector<16xf32>,
      tpu.vector_store %arg29[%swap3A_2091], %mul3A_2090 {strides = array<i32>} : memref<128xf32, #tpu.memory_space<vmem>>, vector<16xf32>,
      %add3A_2093 = arith.constant 96 : i32
      %add3A_2094 = arith.addi %multiple_of3A_1918, %add3A_2093 : i32
      %get3A_2095 = arith.index_cast %add3A_2094 : i32 to index
      %get3A_2096 = tpu.vector_load %arg15[%get3A_2095] {strides = array<i32>} : memref<10240xi32, #tpu.memory_space<vmem>>, vector<16xi32>,
      %get3A_2097 = arith.index_cast %add3A_1915 : i32 to index
      %get3A_2098 = arith.constant 96 : index
      %get3A_2099 = tpu.vector_load %arg16[%get3A_2097, %get3A_2098] {strides = array<i32>} : memref<80x128xi32, #tpu.memory_space<vmem>>, vector<16xi32>,
      %add3A_2100 = arith.constant 96 : i32
      %add3A_2101 = arith.addi %multiple_of3A_1918, %add3A_2100 : i32
      %get3A_2102 = arith.index_cast %add3A_2101 : i32 to index
      %get3A_2103 = tpu.vector_load %arg17[%get3A_2102] {strides = array<i32>} : memref<10240xf32, #tpu.memory_space<vmem>>, vector<16xf32>,
      %gather3A_2104 = tpu.vector_load_idx %arg12[%get3A_2096] : memref<10112xf32, #tpu.memory_space<vmem>>[vector<16xi32>], vector<16xf32>,
      %gather3A_2105 = tpu.vector_load_idx %arg12[%get3A_2099] : memref<10112xf32, #tpu.memory_space<vmem>>[vector<16xi32>], vector<16xf32>,
      %sub3A_2106 = arith.subf %gather3A_2104, %gather3A_2105 : vector<16xf32>
      %mul3A_2107 = arith.mulf %sub3A_2106, %get3A_2103 : vector<16xf32>
      %swap3A_2108 = arith.constant 96 : index
      %swap3A_2109 = tpu.vector_load %arg27[%swap3A_2108] {strides = array<i32>} : memref<128xf32, #tpu.memory_space<vmem>>, vector<16xf32>,
      tpu.vector_store %arg27[%swap3A_2108], %mul3A_2107 {strides = array<i32>} : memref<128xf32, #tpu.memory_space<vmem>>, vector<16xf32>,
      %gather3A_2110 = tpu.vector_load_idx %arg13[%get3A_2096] : memref<10112xf32, #tpu.memory_space<vmem>>[vector<16xi32>], vector<16xf32>,
      %gather3A_2111 = tpu.vector_load_idx %arg13[%get3A_2099] : memref<10112xf32, #tpu.memory_space<vmem>>[vector<16xi32>], vector<16xf32>,
      %sub3A_2112 = arith.subf %gather3A_2110, %gather3A_2111 : vector<16xf32>
      %mul3A_2113 = arith.mulf %sub3A_2112, %get3A_2103 : vector<16xf32>
      %swap3A_2114 = arith.constant 96 : index
      %swap3A_2115 = tpu.vector_load %arg28[%swap3A_2114] {strides = array<i32>} : memref<128xf32, #tpu.memory_space<vmem>>, vector<16xf32>,
      tpu.vector_store %arg28[%swap3A_2114], %mul3A_2113 {strides = array<i32>} : memref<128xf32, #tpu.memory_space<vmem>>, vector<16xf32>,
      %gather3A_2116 = tpu.vector_load_idx %arg14[%get3A_2096] : memref<10112xf32, #tpu.memory_space<vmem>>[vector<16xi32>], vector<16xf32>,
      %gather3A_2117 = tpu.vector_load_idx %arg14[%get3A_2099] : memref<10112xf32, #tpu.memory_space<vmem>>[vector<16xi32>], vector<16xf32>,
      %sub3A_2118 = arith.subf %gather3A_2116, %gather3A_2117 : vector<16xf32>
      %mul3A_2119 = arith.mulf %sub3A_2118, %get3A_2103 : vector<16xf32>
      %swap3A_2120 = arith.constant 96 : index
      %swap3A_2121 = tpu.vector_load %arg29[%swap3A_2120] {strides = array<i32>} : memref<128xf32, #tpu.memory_space<vmem>>, vector<16xf32>,
      tpu.vector_store %arg29[%swap3A_2120], %mul3A_2119 {strides = array<i32>} : memref<128xf32, #tpu.memory_space<vmem>>, vector<16xf32>,
      %add3A_2122 = arith.constant 112 : i32
      %add3A_2123 = arith.addi %multiple_of3A_1918, %add3A_2122 : i32
      %get3A_2124 = arith.index_cast %add3A_2123 : i32 to index
      %get3A_2125 = tpu.vector_load %arg15[%get3A_2124] {strides = array<i32>} : memref<10240xi32, #tpu.memory_space<vmem>>, vector<16xi32>,
      %get3A_2126 = arith.index_cast %add3A_1915 : i32 to index
      %get3A_2127 = arith.constant 112 : index
      %get3A_2128 = tpu.vector_load %arg16[%get3A_2126, %get3A_2127] {strides = array<i32>} : memref<80x128xi32, #tpu.memory_space<vmem>>, vector<16xi32>,
      %add3A_2129 = arith.constant 112 : i32
      %add3A_2130 = arith.addi %multiple_of3A_1918, %add3A_2129 : i32
      %get3A_2131 = arith.index_cast %add3A_2130 : i32 to index
      %get3A_2132 = tpu.vector_load %arg17[%get3A_2131] {strides = array<i32>} : memref<10240xf32, #tpu.memory_space<vmem>>, vector<16xf32>,
      %gather3A_2133 = tpu.vector_load_idx %arg12[%get3A_2125] : memref<10112xf32, #tpu.memory_space<vmem>>[vector<16xi32>], vector<16xf32>,
      %gather3A_2134 = tpu.vector_load_idx %arg12[%get3A_2128] : memref<10112xf32, #tpu.memory_space<vmem>>[vector<16xi32>], vector<16xf32>,
      %sub3A_2135 = arith.subf %gather3A_2133, %gather3A_2134 : vector<16xf32>
      %mul3A_2136 = arith.mulf %sub3A_2135, %get3A_2132 : vector<16xf32>
      %swap3A_2137 = arith.constant 112 : index
      %swap3A_2138 = tpu.vector_load %arg27[%swap3A_2137] {strides = array<i32>} : memref<128xf32, #tpu.memory_space<vmem>>, vector<16xf32>,
      tpu.vector_store %arg27[%swap3A_2137], %mul3A_2136 {strides = array<i32>} : memref<128xf32, #tpu.memory_space<vmem>>, vector<16xf32>,
      %gather3A_2139 = tpu.vector_load_idx %arg13[%get3A_2125] : memref<10112xf32, #tpu.memory_space<vmem>>[vector<16xi32>], vector<16xf32>,
      %gather3A_2140 = tpu.vector_load_idx %arg13[%get3A_2128] : memref<10112xf32, #tpu.memory_space<vmem>>[vector<16xi32>], vector<16xf32>,
      %sub3A_2141 = arith.subf %gather3A_2139, %gather3A_2140 : vector<16xf32>
      %mul3A_2142 = arith.mulf %sub3A_2141, %get3A_2132 : vector<16xf32>
      %swap3A_2143 = arith.constant 112 : index
      %swap3A_2144 = tpu.vector_load %arg28[%swap3A_2143] {strides = array<i32>} : memref<128xf32, #tpu.memory_space<vmem>>, vector<16xf32>,
      tpu.vector_store %arg28[%swap3A_2143], %mul3A_2142 {strides = array<i32>} : memref<128xf32, #tpu.memory_space<vmem>>, vector<16xf32>,
      %gather3A_2145 = tpu.vector_load_idx %arg14[%get3A_2125] : memref<10112xf32, #tpu.memory_space<vmem>>[vector<16xi32>], vector<16xf32>,
      %gather3A_2146 = tpu.vector_load_idx %arg14[%get3A_2128] : memref<10112xf32, #tpu.memory_space<vmem>>[vector<16xi32>], vector<16xf32>,
      %sub3A_2147 = arith.subf %gather3A_2145, %gather3A_2146 : vector<16xf32>
      %mul3A_2148 = arith.mulf %sub3A_2147, %get3A_2132 : vector<16xf32>
      %swap3A_2149 = arith.constant 112 : index
      %swap3A_2150 = tpu.vector_load %arg29[%swap3A_2149] {strides = array<i32>} : memref<128xf32, #tpu.memory_space<vmem>>, vector<16xf32>,
      tpu.vector_store %arg29[%swap3A_2149], %mul3A_2148 {strides = array<i32>} : memref<128xf32, #tpu.memory_space<vmem>>, vector<16xf32>,
      %add3A_2151 = arith.constant 3 : i32
      %add3A_2152 = arith.addi %add3A_1103, %add3A_2151 : i32
      %dma_start3A_2153 = arith.constant 0 : i32
      %dma_start3A_2154 = tpu.memref_slice %arg16[%add3A_2152, %dma_start3A_2153] : memref<80x128xi32, #tpu.memory_space<vmem>> -> memref<1x128xi32, #tpu.memory_space<vmem>>
      %dma_start3A_2155 = tpu.memref_squeeze %dma_start3A_2154 : memref<1x128xi32, #tpu.memory_space<vmem>> -> memref<128xi32, #tpu.memory_space<vmem>>
      %dma_start3A_2156 = arith.constant 0 : i32
      %dma_start3A_2157 = tpu.memref_slice %arg30[%dma_start3A_2156] : memref<10112xf32, #tpu.memory_space<vmem_shared>> -> memref<10112xf32, #tpu.memory_space<vmem_shared>>
      tpu.enqueue_indirect_dma source(%arg27 : memref<128xf32, #tpu.memory_space<vmem>>) target(%dma_start3A_2157 : memref<10112xf32, #tpu.memory_space<vmem_shared>>) offsets(%dma_start3A_2155 : memref<128xi32, #tpu.memory_space<vmem>>) semaphore(%arg36 : memref<!tpu.dma_semaphore, #tpu.memory_space<semaphore_mem>>) {add = true}
      %dma_start3A_2158 = arith.constant 0 : i32
      %dma_start3A_2159 = tpu.memref_slice %arg16[%add3A_2152, %dma_start3A_2158] : memref<80x128xi32, #tpu.memory_space<vmem>> -> memref<1x128xi32, #tpu.memory_space<vmem>>
      %dma_start3A_2160 = tpu.memref_squeeze %dma_start3A_2159 : memref<1x128xi32, #tpu.memory_space<vmem>> -> memref<128xi32, #tpu.memory_space<vmem>>
      %dma_start3A_2161 = arith.constant 0 : i32
      %dma_start3A_2162 = tpu.memref_slice %arg31[%dma_start3A_2161] : memref<10112xf32, #tpu.memory_space<vmem_shared>> -> memref<10112xf32, #tpu.memory_space<vmem_shared>>
      tpu.enqueue_indirect_dma source(%arg28 : memref<128xf32, #tpu.memory_space<vmem>>) target(%dma_start3A_2162 : memref<10112xf32, #tpu.memory_space<vmem_shared>>) offsets(%dma_start3A_2160 : memref<128xi32, #tpu.memory_space<vmem>>) semaphore(%arg36 : memref<!tpu.dma_semaphore, #tpu.memory_space<semaphore_mem>>) {add = true}
      %dma_start3A_2163 = arith.constant 0 : i32
      %dma_start3A_2164 = tpu.memref_slice %arg16[%add3A_2152, %dma_start3A_2163] : memref<80x128xi32, #tpu.memory_space<vmem>> -> memref<1x128xi32, #tpu.memory_space<vmem>>
      %dma_start3A_2165 = tpu.memref_squeeze %dma_start3A_2164 : memref<1x128xi32, #tpu.memory_space<vmem>> -> memref<128xi32, #tpu.memory_space<vmem>>
      %dma_start3A_2166 = arith.constant 0 : i32
      %dma_start3A_2167 = tpu.memref_slice %arg32[%dma_start3A_2166] : memref<10112xf32, #tpu.memory_space<vmem_shared>> -> memref<10112xf32, #tpu.memory_space<vmem_shared>>
      tpu.enqueue_indirect_dma source(%arg29 : memref<128xf32, #tpu.memory_space<vmem>>) target(%dma_start3A_2167 : memref<10112xf32, #tpu.memory_space<vmem_shared>>) offsets(%dma_start3A_2165 : memref<128xi32, #tpu.memory_space<vmem>>) semaphore(%arg36 : memref<!tpu.dma_semaphore, #tpu.memory_space<semaphore_mem>>) {add = true}
    }
    %scan3A_1045 = arith.constant 19 : i32
    %dma_wait3A = arith.constant 0 : i32
    %dma_wait3A_1046 = tpu.memref_slice %arg8[%dma_wait3A] : memref<10112xf32, #tpu.memory_space<hbm>> -> memref<128xf32, #tpu.memory_space<hbm>>
    %dma_wait3A_1047 = arith.constant 0 : i32
    %dma_wait3A_1048 = tpu.memref_slice %arg8[%dma_wait3A_1047] : memref<10112xf32, #tpu.memory_space<hbm>> -> memref<128xf32, #tpu.memory_space<hbm>>
    tpu.wait_dma2 semaphore(%arg33 : memref<!tpu.dma_semaphore, #tpu.memory_space<semaphore_mem>>) src(%dma_wait3A_1048 : memref<128xf32, #tpu.memory_space<hbm>>) dst(%arg18 : memref<128xf32, #tpu.memory_space<vmem>>)
    %dma_wait3A_1049 = arith.constant 0 : i32
    %dma_wait3A_1050 = tpu.memref_slice %arg8[%dma_wait3A_1049] : memref<10112xf32, #tpu.memory_space<hbm>> -> memref<128xf32, #tpu.memory_space<hbm>>
    %dma_wait3A_1051 = arith.constant 0 : i32
    %dma_wait3A_1052 = tpu.memref_slice %arg8[%dma_wait3A_1051] : memref<10112xf32, #tpu.memory_space<hbm>> -> memref<128xf32, #tpu.memory_space<hbm>>
    tpu.wait_dma2 semaphore(%arg33 : memref<!tpu.dma_semaphore, #tpu.memory_space<semaphore_mem>>) src(%dma_wait3A_1052 : memref<128xf32, #tpu.memory_space<hbm>>) dst(%arg19 : memref<128xf32, #tpu.memory_space<vmem>>)
    %dma_wait3A_1053 = arith.constant 0 : i32
    %dma_wait3A_1054 = tpu.memref_slice %arg8[%dma_wait3A_1053] : memref<10112xf32, #tpu.memory_space<hbm>> -> memref<128xf32, #tpu.memory_space<hbm>>
    %dma_wait3A_1055 = arith.constant 0 : i32
    %dma_wait3A_1056 = tpu.memref_slice %arg8[%dma_wait3A_1055] : memref<10112xf32, #tpu.memory_space<hbm>> -> memref<128xf32, #tpu.memory_space<hbm>>
    tpu.wait_dma2 semaphore(%arg33 : memref<!tpu.dma_semaphore, #tpu.memory_space<semaphore_mem>>) src(%dma_wait3A_1056 : memref<128xf32, #tpu.memory_space<hbm>>) dst(%arg20 : memref<128xf32, #tpu.memory_space<vmem>>)
    %dma_wait3A_1057 = arith.constant 0 : i32
    %dma_wait3A_1058 = tpu.memref_slice %arg8[%dma_wait3A_1057] : memref<10112xf32, #tpu.memory_space<hbm>> -> memref<128xf32, #tpu.memory_space<hbm>>
    %dma_wait3A_1059 = arith.constant 0 : i32
    %dma_wait3A_1060 = tpu.memref_slice %arg8[%dma_wait3A_1059] : memref<10112xf32, #tpu.memory_space<hbm>> -> memref<128xf32, #tpu.memory_space<hbm>>
    tpu.wait_dma2 semaphore(%arg34 : memref<!tpu.dma_semaphore, #tpu.memory_space<semaphore_mem>>) src(%dma_wait3A_1060 : memref<128xf32, #tpu.memory_space<hbm>>) dst(%arg21 : memref<128xf32, #tpu.memory_space<vmem>>)
    %dma_wait3A_1061 = arith.constant 0 : i32
    %dma_wait3A_1062 = tpu.memref_slice %arg8[%dma_wait3A_1061] : memref<10112xf32, #tpu.memory_space<hbm>> -> memref<128xf32, #tpu.memory_space<hbm>>
    %dma_wait3A_1063 = arith.constant 0 : i32
    %dma_wait3A_1064 = tpu.memref_slice %arg8[%dma_wait3A_1063] : memref<10112xf32, #tpu.memory_space<hbm>> -> memref<128xf32, #tpu.memory_space<hbm>>
    tpu.wait_dma2 semaphore(%arg34 : memref<!tpu.dma_semaphore, #tpu.memory_space<semaphore_mem>>) src(%dma_wait3A_1064 : memref<128xf32, #tpu.memory_space<hbm>>) dst(%arg22 : memref<128xf32, #tpu.memory_space<vmem>>)
    %dma_wait3A_1065 = arith.constant 0 : i32
    %dma_wait3A_1066 = tpu.memref_slice %arg8[%dma_wait3A_1065] : memref<10112xf32, #tpu.memory_space<hbm>> -> memref<128xf32, #tpu.memory_space<hbm>>
    %dma_wait3A_1067 = arith.constant 0 : i32
    %dma_wait3A_1068 = tpu.memref_slice %arg8[%dma_wait3A_1067] : memref<10112xf32, #tpu.memory_space<hbm>> -> memref<128xf32, #tpu.memory_space<hbm>>
    tpu.wait_dma2 semaphore(%arg34 : memref<!tpu.dma_semaphore, #tpu.memory_space<semaphore_mem>>) src(%dma_wait3A_1068 : memref<128xf32, #tpu.memory_space<hbm>>) dst(%arg23 : memref<128xf32, #tpu.memory_space<vmem>>)
    %dma_wait3A_1069 = arith.constant 0 : i32
    %dma_wait3A_1070 = tpu.memref_slice %arg8[%dma_wait3A_1069] : memref<10112xf32, #tpu.memory_space<hbm>> -> memref<128xf32, #tpu.memory_space<hbm>>
    %dma_wait3A_1071 = arith.constant 0 : i32
    %dma_wait3A_1072 = tpu.memref_slice %arg8[%dma_wait3A_1071] : memref<10112xf32, #tpu.memory_space<hbm>> -> memref<128xf32, #tpu.memory_space<hbm>>
    tpu.wait_dma2 semaphore(%arg35 : memref<!tpu.dma_semaphore, #tpu.memory_space<semaphore_mem>>) src(%dma_wait3A_1072 : memref<128xf32, #tpu.memory_space<hbm>>) dst(%arg24 : memref<128xf32, #tpu.memory_space<vmem>>)
    %dma_wait3A_1073 = arith.constant 0 : i32
    %dma_wait3A_1074 = tpu.memref_slice %arg8[%dma_wait3A_1073] : memref<10112xf32, #tpu.memory_space<hbm>> -> memref<128xf32, #tpu.memory_space<hbm>>
    %dma_wait3A_1075 = arith.constant 0 : i32
    %dma_wait3A_1076 = tpu.memref_slice %arg8[%dma_wait3A_1075] : memref<10112xf32, #tpu.memory_space<hbm>> -> memref<128xf32, #tpu.memory_space<hbm>>
    tpu.wait_dma2 semaphore(%arg35 : memref<!tpu.dma_semaphore, #tpu.memory_space<semaphore_mem>>) src(%dma_wait3A_1076 : memref<128xf32, #tpu.memory_space<hbm>>) dst(%arg25 : memref<128xf32, #tpu.memory_space<vmem>>)
    %dma_wait3A_1077 = arith.constant 0 : i32
    %dma_wait3A_1078 = tpu.memref_slice %arg8[%dma_wait3A_1077] : memref<10112xf32, #tpu.memory_space<hbm>> -> memref<128xf32, #tpu.memory_space<hbm>>
    %dma_wait3A_1079 = arith.constant 0 : i32
    %dma_wait3A_1080 = tpu.memref_slice %arg8[%dma_wait3A_1079] : memref<10112xf32, #tpu.memory_space<hbm>> -> memref<128xf32, #tpu.memory_space<hbm>>
    tpu.wait_dma2 semaphore(%arg35 : memref<!tpu.dma_semaphore, #tpu.memory_space<semaphore_mem>>) src(%dma_wait3A_1080 : memref<128xf32, #tpu.memory_space<hbm>>) dst(%arg26 : memref<128xf32, #tpu.memory_space<vmem>>)
    %dma_wait3A_1081 = arith.constant 0 : i32
    %dma_wait3A_1082 = tpu.memref_slice %arg8[%dma_wait3A_1081] : memref<10112xf32, #tpu.memory_space<hbm>> -> memref<128xf32, #tpu.memory_space<hbm>>
    %dma_wait3A_1083 = arith.constant 0 : i32
    %dma_wait3A_1084 = tpu.memref_slice %arg8[%dma_wait3A_1083] : memref<10112xf32, #tpu.memory_space<hbm>> -> memref<128xf32, #tpu.memory_space<hbm>>
    tpu.wait_dma2 semaphore(%arg36 : memref<!tpu.dma_semaphore, #tpu.memory_space<semaphore_mem>>) src(%dma_wait3A_1084 : memref<128xf32, #tpu.memory_space<hbm>>) dst(%arg27 : memref<128xf32, #tpu.memory_space<vmem>>)
    %dma_wait3A_1085 = arith.constant 0 : i32
    %dma_wait3A_1086 = tpu.memref_slice %arg8[%dma_wait3A_1085] : memref<10112xf32, #tpu.memory_space<hbm>> -> memref<128xf32, #tpu.memory_space<hbm>>
    %dma_wait3A_1087 = arith.constant 0 : i32
    %dma_wait3A_1088 = tpu.memref_slice %arg8[%dma_wait3A_1087] : memref<10112xf32, #tpu.memory_space<hbm>> -> memref<128xf32, #tpu.memory_space<hbm>>
    tpu.wait_dma2 semaphore(%arg36 : memref<!tpu.dma_semaphore, #tpu.memory_space<semaphore_mem>>) src(%dma_wait3A_1088 : memref<128xf32, #tpu.memory_space<hbm>>) dst(%arg28 : memref<128xf32, #tpu.memory_space<vmem>>)
    %dma_wait3A_1089 = arith.constant 0 : i32
    %dma_wait3A_1090 = tpu.memref_slice %arg8[%dma_wait3A_1089] : memref<10112xf32, #tpu.memory_space<hbm>> -> memref<128xf32, #tpu.memory_space<hbm>>
    %dma_wait3A_1091 = arith.constant 0 : i32
    %dma_wait3A_1092 = tpu.memref_slice %arg8[%dma_wait3A_1091] : memref<10112xf32, #tpu.memory_space<hbm>> -> memref<128xf32, #tpu.memory_space<hbm>>
    tpu.wait_dma2 semaphore(%arg36 : memref<!tpu.dma_semaphore, #tpu.memory_space<semaphore_mem>>) src(%dma_wait3A_1092 : memref<128xf32, #tpu.memory_space<hbm>>) dst(%arg29 : memref<128xf32, #tpu.memory_space<vmem>>)
    %barrier3A_1093 = arith.constant 0 : index
    tpu.barrier barrier_id(%barrier3A_1093)
    %eq3A_1094 = arith.constant 0 : i32
    %eq3A_1095 = arith.cmpi eq, %arg1, %eq3A_1094 : i32
    %convert_element_type3A_1096 = arith.extui %eq3A_1095 : i1 to i32
    %cond3A_1097 = arith.constant 0 : i32
    %cond3A_1098 = arith.cmpi ne, %convert_element_type3A_1096, %cond3A_1097 : i32
    scf.if %cond3A_1098 {
      %mul3A_1099 = arith.constant 10112 : i32
      %mul3A_1100 = arith.muli %arg0, %mul3A_1099 : i32
      "tpu.region"() ({
        %run_scoped3A = tpu.sem_alloc : memref<!tpu.dma_semaphore, #tpu.memory_space<semaphore_mem>>
        %dma_start3A_1101 = tpu.memref_slice %arg9[%mul3A_1100] : memref<20224xf32, #tpu.memory_space<hbm>> -> memref<10112xf32, #tpu.memory_space<hbm>>
        tpu.enqueue_dma source(%arg30 : memref<10112xf32, #tpu.memory_space<vmem_shared>>) target(%dma_start3A_1101 : memref<10112xf32, #tpu.memory_space<hbm>>) target_semaphore(%run_scoped3A : memref<!tpu.dma_semaphore, #tpu.memory_space<semaphore_mem>>)
        %dma_wait3A_1102 = tpu.memref_slice %arg9[%mul3A_1100] : memref<20224xf32, #tpu.memory_space<hbm>> -> memref<10112xf32, #tpu.memory_space<hbm>>
        tpu.wait_dma2 semaphore(%run_scoped3A : memref<!tpu.dma_semaphore, #tpu.memory_space<semaphore_mem>>) src(%arg30 : memref<10112xf32, #tpu.memory_space<vmem_shared>>) dst(%dma_wait3A_1102 : memref<10112xf32, #tpu.memory_space<hbm>>)
        tpu.yield
      }) : () -> ()
      "tpu.region"() ({
        %run_scoped3A = tpu.sem_alloc : memref<!tpu.dma_semaphore, #tpu.memory_space<semaphore_mem>>
        %dma_start3A_1101 = tpu.memref_slice %arg10[%mul3A_1100] : memref<20224xf32, #tpu.memory_space<hbm>> -> memref<10112xf32, #tpu.memory_space<hbm>>
        tpu.enqueue_dma source(%arg31 : memref<10112xf32, #tpu.memory_space<vmem_shared>>) target(%dma_start3A_1101 : memref<10112xf32, #tpu.memory_space<hbm>>) target_semaphore(%run_scoped3A : memref<!tpu.dma_semaphore, #tpu.memory_space<semaphore_mem>>)
        %dma_wait3A_1102 = tpu.memref_slice %arg10[%mul3A_1100] : memref<20224xf32, #tpu.memory_space<hbm>> -> memref<10112xf32, #tpu.memory_space<hbm>>
        tpu.wait_dma2 semaphore(%run_scoped3A : memref<!tpu.dma_semaphore, #tpu.memory_space<semaphore_mem>>) src(%arg31 : memref<10112xf32, #tpu.memory_space<vmem_shared>>) dst(%dma_wait3A_1102 : memref<10112xf32, #tpu.memory_space<hbm>>)
        tpu.yield
      }) : () -> ()
      "tpu.region"() ({
        %run_scoped3A = tpu.sem_alloc : memref<!tpu.dma_semaphore, #tpu.memory_space<semaphore_mem>>
        %dma_start3A_1101 = tpu.memref_slice %arg11[%mul3A_1100] : memref<20224xf32, #tpu.memory_space<hbm>> -> memref<10112xf32, #tpu.memory_space<hbm>>
        tpu.enqueue_dma source(%arg32 : memref<10112xf32, #tpu.memory_space<vmem_shared>>) target(%dma_start3A_1101 : memref<10112xf32, #tpu.memory_space<hbm>>) target_semaphore(%run_scoped3A : memref<!tpu.dma_semaphore, #tpu.memory_space<semaphore_mem>>)
        %dma_wait3A_1102 = tpu.memref_slice %arg11[%mul3A_1100] : memref<20224xf32, #tpu.memory_space<hbm>> -> memref<10112xf32, #tpu.memory_space<hbm>>
        tpu.wait_dma2 semaphore(%run_scoped3A : memref<!tpu.dma_semaphore, #tpu.memory_space<semaphore_mem>>) src(%arg32 : memref<10112xf32, #tpu.memory_space<vmem_shared>>) dst(%dma_wait3A_1102 : memref<10112xf32, #tpu.memory_space<hbm>>)
        tpu.yield
      }) : () -> ()
    } else {
    }
    return
  }
}

module attributes {stable_mosaic.version = 14 : i64} {
  func.func @_mlp_body(%arg0: i32, %arg1: memref<12800x128xf32, #tpu.memory_space<vmem>>, %arg2: memref<128x128xf32, #tpu.memory_space<vmem>>, %arg3: memref<1x128xf32, #tpu.memory_space<vmem>>, %arg4: memref<128x1xf32, #tpu.memory_space<vmem>>, %arg5: memref<1x1xf32, #tpu.memory_space<vmem>>, %arg6: memref<12800x1xf32, #tpu.memory_space<vmem>>) attributes {dimension_semantics = [#tpu.dimension_semantics<arbitrary>], iteration_bounds = array<i64: 25>, scalar_prefetch = 0 : i64, scratch_operands = 0 : i64, tpu.core_type = #tpu.core_type<tc>, window_params = [{transform_indices = @transform_0, window_bounds = array<i64: 12800, 128>}, {pipeline_mode = #tpu.pipeline_mode<synchronous>, transform_indices = @transform_1, window_bounds = array<i64: 128, 128>}, {pipeline_mode = #tpu.pipeline_mode<synchronous>, transform_indices = @transform_2, window_bounds = array<i64: 1, 128>}, {pipeline_mode = #tpu.pipeline_mode<synchronous>, transform_indices = @transform_3, window_bounds = array<i64: 128, 1>}, {pipeline_mode = #tpu.pipeline_mode<synchronous>, transform_indices = @transform_4, window_bounds = array<i64: 1, 1>}, {transform_indices = @transform_5, window_bounds = array<i64: 12800, 1>}]} {
    %get3A = arith.constant 0 : index
    %get3A_0 = arith.constant 0 : index
    %get3A_1 = vector.load %arg1[%get3A, %get3A_0] : memref<12800x128xf32, #tpu.memory_space<vmem>>, vector<12800x128xf32>
    %get3A_2 = arith.constant 0 : index
    %get3A_3 = arith.constant 0 : index
    %get3A_4 = vector.load %arg2[%get3A_2, %get3A_3] : memref<128x128xf32, #tpu.memory_space<vmem>>, vector<128x128xf32>
    %dot_general3A = arith.constant dense<0.000000e+00> : vector<12800x128xf32>
    %dot_general3A_5 = tpu.matmul %get3A_1, %get3A_4, %dot_general3A {dimension_numbers = #tpu.dot_dimension_numbers<[1], [0], [0], [1], [0, 0, 1, 1], [], []>, transpose_lhs_hint = false} : vector<12800x128xf32>, vector<128x128xf32>, vector<12800x128xf32> -> vector<12800x128xf32>
    %get3A_6 = arith.constant 0 : index
    %get3A_7 = arith.constant 0 : index
    %get3A_8 = vector.load %arg3[%get3A_6, %get3A_7] : memref<1x128xf32, #tpu.memory_space<vmem>>, vector<1x128xf32>
    %add3A = vector.broadcast %get3A_8 : vector<1x128xf32> to vector<12800x128xf32>
    %add3A_9 = arith.addf %dot_general3A_5, %add3A : vector<12800x128xf32>
    %logistic3A = arith.negf %add3A_9 : vector<12800x128xf32>
    %logistic3A_10 = math.exp %logistic3A : vector<12800x128xf32>
    %logistic3A_11 = arith.constant 1.000000e+00 : f32
    %logistic3A_12 = vector.broadcast %logistic3A_11 : f32 to vector<12800x128xf32>
    %logistic3A_13 = arith.addf %logistic3A_12, %logistic3A_10 : vector<12800x128xf32>
    %logistic3A_14 = arith.divf %logistic3A_12, %logistic3A_13 : vector<12800x128xf32>
    %mul3A = arith.mulf %add3A_9, %logistic3A_14 : vector<12800x128xf32>
    %get3A_15 = arith.constant 0 : index
    %get3A_16 = arith.constant 0 : index
    %get3A_17 = vector.load %arg4[%get3A_15, %get3A_16] : memref<128x1xf32, #tpu.memory_space<vmem>>, vector<128x1xf32>
    %dot_general3A_18 = arith.constant dense<0.000000e+00> : vector<12800x1xf32>
    %dot_general3A_19 = tpu.matmul %mul3A, %get3A_17, %dot_general3A_18 {dimension_numbers = #tpu.dot_dimension_numbers<[1], [0], [0], [1], [0, 0, 1, 1], [], []>, transpose_lhs_hint = false} : vector<12800x128xf32>, vector<128x1xf32>, vector<12800x1xf32> -> vector<12800x1xf32>
    %get3A_20 = arith.constant 0 : index
    %get3A_21 = arith.constant 0 : index
    %get3A_22 = vector.load %arg5[%get3A_20, %get3A_21] : memref<1x1xf32, #tpu.memory_space<vmem>>, vector<1x1xf32>
    %add3A_23 = vector.broadcast %get3A_22 : vector<1x1xf32> to vector<12800x1xf32>
    %add3A_24 = arith.addf %dot_general3A_19, %add3A_23 : vector<12800x1xf32>
    %swap3A = arith.constant 0 : index
    %swap3A_25 = arith.constant 0 : index
    %swap3A_26 = vector.load %arg6[%swap3A, %swap3A_25] : memref<12800x1xf32, #tpu.memory_space<vmem>>, vector<12800x1xf32>
    tpu.vector_store %arg6[%swap3A, %swap3A_25], %add3A_24 {strides = array<i32>} : memref<12800x1xf32, #tpu.memory_space<vmem>>, vector<12800x1xf32>,
    return
  }
  func.func @transform_0(%arg0: i32) -> (i32, i32) {
    %c0_i32 = arith.constant 0 : i32
    %c0_i32_0 = arith.constant 0 : i32
    return %arg0, %c0_i32 : i32, i32
  }
  func.func @transform_1(%arg0: i32) -> (i32, i32) {
    %c0_i32 = arith.constant 0 : i32
    %c0_i32_0 = arith.constant 0 : i32
    %c0_i32_1 = arith.constant 0 : i32
    return %c0_i32, %c0_i32_0 : i32, i32
  }
  func.func @transform_2(%arg0: i32) -> (i32, i32) {
    %c0_i32 = arith.constant 0 : i32
    %c0_i32_0 = arith.constant 0 : i32
    %c0_i32_1 = arith.constant 0 : i32
    return %c0_i32, %c0_i32_0 : i32, i32
  }
  func.func @transform_3(%arg0: i32) -> (i32, i32) {
    %c0_i32 = arith.constant 0 : i32
    %c0_i32_0 = arith.constant 0 : i32
    %c0_i32_1 = arith.constant 0 : i32
    return %c0_i32, %c0_i32_0 : i32, i32
  }
  func.func @transform_4(%arg0: i32) -> (i32, i32) {
    %c0_i32 = arith.constant 0 : i32
    %c0_i32_0 = arith.constant 0 : i32
    %c0_i32_1 = arith.constant 0 : i32
    return %c0_i32, %c0_i32_0 : i32, i32
  }
  func.func @transform_5(%arg0: i32) -> (i32, i32) {
    %c0_i32 = arith.constant 0 : i32
    %c0_i32_0 = arith.constant 0 : i32
    return %arg0, %c0_i32 : i32, i32
  }
}

module attributes {stable_mosaic.version = 14 : i64} {
  func.func @_mlp_body(%arg0: i32, %arg1: memref<2000x128xf32, #tpu.memory_space<vmem>>, %arg2: memref<128x128xf32, #tpu.memory_space<vmem>>, %arg3: memref<1x128xf32, #tpu.memory_space<vmem>>, %arg4: memref<128x1xf32, #tpu.memory_space<vmem>>, %arg5: memref<1x1xf32, #tpu.memory_space<vmem>>, %arg6: memref<2000x1xf32, #tpu.memory_space<vmem>>) attributes {dimension_semantics = [#tpu.dimension_semantics<arbitrary>], iteration_bounds = array<i64: 5>, scalar_prefetch = 0 : i64, scratch_operands = 0 : i64, tpu.core_type = #tpu.core_type<tc>, window_params = [{transform_indices = @transform_0, window_bounds = array<i64: 2000, 128>}, {pipeline_mode = #tpu.pipeline_mode<synchronous>, transform_indices = @transform_1, window_bounds = array<i64: 128, 128>}, {pipeline_mode = #tpu.pipeline_mode<synchronous>, transform_indices = @transform_2, window_bounds = array<i64: 1, 128>}, {pipeline_mode = #tpu.pipeline_mode<synchronous>, transform_indices = @transform_3, window_bounds = array<i64: 128, 1>}, {pipeline_mode = #tpu.pipeline_mode<synchronous>, transform_indices = @transform_4, window_bounds = array<i64: 1, 1>}, {transform_indices = @transform_5, window_bounds = array<i64: 2000, 1>}]} {
    %get3A = arith.constant 0 : index
    %get3A_0 = arith.constant 0 : index
    %get3A_1 = vector.load %arg1[%get3A, %get3A_0] : memref<2000x128xf32, #tpu.memory_space<vmem>>, vector<2000x128xf32>
    %get3A_2 = arith.constant 0 : index
    %get3A_3 = arith.constant 0 : index
    %get3A_4 = vector.load %arg2[%get3A_2, %get3A_3] : memref<128x128xf32, #tpu.memory_space<vmem>>, vector<128x128xf32>
    %dot_general3A = arith.constant dense<0.000000e+00> : vector<2000x128xf32>
    %dot_general3A_5 = tpu.matmul %get3A_1, %get3A_4, %dot_general3A {dimension_numbers = #tpu.dot_dimension_numbers<[1], [0], [0], [1], [0, 0, 1, 1], [], []>, transpose_lhs_hint = false} : vector<2000x128xf32>, vector<128x128xf32>, vector<2000x128xf32> -> vector<2000x128xf32>
    %get3A_6 = arith.constant 0 : index
    %get3A_7 = arith.constant 0 : index
    %get3A_8 = vector.load %arg3[%get3A_6, %get3A_7] : memref<1x128xf32, #tpu.memory_space<vmem>>, vector<1x128xf32>
    %add3A = vector.broadcast %get3A_8 : vector<1x128xf32> to vector<2000x128xf32>
    %add3A_9 = arith.addf %dot_general3A_5, %add3A : vector<2000x128xf32>
    %logistic3A = arith.negf %add3A_9 : vector<2000x128xf32>
    %logistic3A_10 = math.exp %logistic3A : vector<2000x128xf32>
    %logistic3A_11 = arith.constant 1.000000e+00 : f32
    %logistic3A_12 = vector.broadcast %logistic3A_11 : f32 to vector<2000x128xf32>
    %logistic3A_13 = arith.addf %logistic3A_12, %logistic3A_10 : vector<2000x128xf32>
    %logistic3A_14 = arith.divf %logistic3A_12, %logistic3A_13 : vector<2000x128xf32>
    %mul3A = arith.mulf %add3A_9, %logistic3A_14 : vector<2000x128xf32>
    %get3A_15 = arith.constant 0 : index
    %get3A_16 = arith.constant 0 : index
    %get3A_17 = vector.load %arg4[%get3A_15, %get3A_16] : memref<128x1xf32, #tpu.memory_space<vmem>>, vector<128x1xf32>
    %dot_general3A_18 = arith.constant dense<0.000000e+00> : vector<2000x1xf32>
    %dot_general3A_19 = tpu.matmul %mul3A, %get3A_17, %dot_general3A_18 {dimension_numbers = #tpu.dot_dimension_numbers<[1], [0], [0], [1], [0, 0, 1, 1], [], []>, transpose_lhs_hint = false} : vector<2000x128xf32>, vector<128x1xf32>, vector<2000x1xf32> -> vector<2000x1xf32>
    %get3A_20 = arith.constant 0 : index
    %get3A_21 = arith.constant 0 : index
    %get3A_22 = vector.load %arg5[%get3A_20, %get3A_21] : memref<1x1xf32, #tpu.memory_space<vmem>>, vector<1x1xf32>
    %add3A_23 = vector.broadcast %get3A_22 : vector<1x1xf32> to vector<2000x1xf32>
    %add3A_24 = arith.addf %dot_general3A_19, %add3A_23 : vector<2000x1xf32>
    %swap3A = arith.constant 0 : index
    %swap3A_25 = arith.constant 0 : index
    %swap3A_26 = vector.load %arg6[%swap3A, %swap3A_25] : memref<2000x1xf32, #tpu.memory_space<vmem>>, vector<2000x1xf32>
    tpu.vector_store %arg6[%swap3A, %swap3A_25], %add3A_24 {strides = array<i32>} : memref<2000x1xf32, #tpu.memory_space<vmem>>, vector<2000x1xf32>,
    return
  }
  func.func @transform_0(%arg0: i32) -> (i32, i32) {
    %c0_i32 = arith.constant 0 : i32
    %c0_i32_0 = arith.constant 0 : i32
    return %arg0, %c0_i32 : i32, i32
  }
  func.func @transform_1(%arg0: i32) -> (i32, i32) {
    %c0_i32 = arith.constant 0 : i32
    %c0_i32_0 = arith.constant 0 : i32
    %c0_i32_1 = arith.constant 0 : i32
    return %c0_i32, %c0_i32_0 : i32, i32
  }
  func.func @transform_2(%arg0: i32) -> (i32, i32) {
    %c0_i32 = arith.constant 0 : i32
    %c0_i32_0 = arith.constant 0 : i32
    %c0_i32_1 = arith.constant 0 : i32
    return %c0_i32, %c0_i32_0 : i32, i32
  }
  func.func @transform_3(%arg0: i32) -> (i32, i32) {
    %c0_i32 = arith.constant 0 : i32
    %c0_i32_0 = arith.constant 0 : i32
    %c0_i32_1 = arith.constant 0 : i32
    return %c0_i32, %c0_i32_0 : i32, i32
  }
  func.func @transform_4(%arg0: i32) -> (i32, i32) {
    %c0_i32 = arith.constant 0 : i32
    %c0_i32_0 = arith.constant 0 : i32
    %c0_i32_1 = arith.constant 0 : i32
    return %c0_i32, %c0_i32_0 : i32, i32
  }
  func.func @transform_5(%arg0: i32) -> (i32, i32) {
    %c0_i32 = arith.constant 0 : i32
    %c0_i32_0 = arith.constant 0 : i32
    return %arg0, %c0_i32 : i32, i32
  }
}

module attributes {stable_mosaic.version = 14 : i64} {
  func.func @_combine_body(%arg0: memref<3x10112xf32, #tpu.memory_space<vmem>>, %arg1: memref<3x10112xf32, #tpu.memory_space<vmem>>, %arg2: memref<1x10112xf32, #tpu.memory_space<vmem>>, %arg3: memref<2x10112xf32, #tpu.memory_space<vmem>>, %arg4: memref<2x10112xf32, #tpu.memory_space<vmem>>, %arg5: memref<2x10112xf32, #tpu.memory_space<vmem>>, %arg6: memref<3x10112xf32, #tpu.memory_space<vmem>>) attributes {dimension_semantics = [], scalar_prefetch = 0 : i64, scratch_operands = 0 : i64, tpu.core_type = #tpu.core_type<tc>} {
    %get3A = arith.constant 0 : index
    %get3A_0 = arith.constant 0 : index
    %get3A_1 = vector.load %arg2[%get3A, %get3A_0] : memref<1x10112xf32, #tpu.memory_space<vmem>>, vector<1x10112xf32>
    %get3A_2 = vector.shape_cast %get3A_1 : vector<1x10112xf32> to vector<10112xf32>
    %get3A_3 = arith.constant 0 : index
    %get3A_4 = arith.constant 0 : index
    %get3A_5 = vector.load %arg0[%get3A_3, %get3A_4] : memref<3x10112xf32, #tpu.memory_space<vmem>>, vector<1x10112xf32>
    %get3A_6 = vector.shape_cast %get3A_5 : vector<1x10112xf32> to vector<10112xf32>
    %get3A_7 = arith.constant 0 : index
    %get3A_8 = arith.constant 0 : index
    %get3A_9 = vector.load %arg3[%get3A_7, %get3A_8] : memref<2x10112xf32, #tpu.memory_space<vmem>>, vector<1x10112xf32>
    %get3A_10 = vector.shape_cast %get3A_9 : vector<1x10112xf32> to vector<10112xf32>
    %add3A = arith.addf %get3A_6, %get3A_10 : vector<10112xf32>
    %get3A_11 = arith.constant 1 : index
    %get3A_12 = arith.constant 0 : index
    %get3A_13 = vector.load %arg3[%get3A_11, %get3A_12] : memref<2x10112xf32, #tpu.memory_space<vmem>>, vector<1x10112xf32>
    %get3A_14 = vector.shape_cast %get3A_13 : vector<1x10112xf32> to vector<10112xf32>
    %add3A_15 = arith.addf %add3A, %get3A_14 : vector<10112xf32>
    %get3A_16 = arith.constant 0 : index
    %get3A_17 = arith.constant 0 : index
    %get3A_18 = vector.load %arg1[%get3A_16, %get3A_17] : memref<3x10112xf32, #tpu.memory_space<vmem>>, vector<1x10112xf32>
    %get3A_19 = vector.shape_cast %get3A_18 : vector<1x10112xf32> to vector<10112xf32>
    %mul3A = arith.mulf %get3A_2, %get3A_19 : vector<10112xf32>
    %add3A_20 = arith.addf %add3A_15, %mul3A : vector<10112xf32>
    %swap3A = arith.constant 0 : index
    %swap3A_21 = arith.constant 0 : index
    %swap3A_22 = vector.load %arg6[%swap3A, %swap3A_21] : memref<3x10112xf32, #tpu.memory_space<vmem>>, vector<1x10112xf32>
    %swap3A_23 = vector.shape_cast %swap3A_22 : vector<1x10112xf32> to vector<10112xf32>
    %swap3A_24 = vector.shape_cast %add3A_20 : vector<10112xf32> to vector<1x10112xf32>
    tpu.vector_store %arg6[%swap3A, %swap3A_21], %swap3A_24 {strides = array<i32>} : memref<3x10112xf32, #tpu.memory_space<vmem>>, vector<1x10112xf32>,
    %get3A_25 = arith.constant 1 : index
    %get3A_26 = arith.constant 0 : index
    %get3A_27 = vector.load %arg0[%get3A_25, %get3A_26] : memref<3x10112xf32, #tpu.memory_space<vmem>>, vector<1x10112xf32>
    %get3A_28 = vector.shape_cast %get3A_27 : vector<1x10112xf32> to vector<10112xf32>
    %get3A_29 = arith.constant 0 : index
    %get3A_30 = arith.constant 0 : index
    %get3A_31 = vector.load %arg4[%get3A_29, %get3A_30] : memref<2x10112xf32, #tpu.memory_space<vmem>>, vector<1x10112xf32>
    %get3A_32 = vector.shape_cast %get3A_31 : vector<1x10112xf32> to vector<10112xf32>
    %add3A_33 = arith.addf %get3A_28, %get3A_32 : vector<10112xf32>
    %get3A_34 = arith.constant 1 : index
    %get3A_35 = arith.constant 0 : index
    %get3A_36 = vector.load %arg4[%get3A_34, %get3A_35] : memref<2x10112xf32, #tpu.memory_space<vmem>>, vector<1x10112xf32>
    %get3A_37 = vector.shape_cast %get3A_36 : vector<1x10112xf32> to vector<10112xf32>
    %add3A_38 = arith.addf %add3A_33, %get3A_37 : vector<10112xf32>
    %get3A_39 = arith.constant 1 : index
    %get3A_40 = arith.constant 0 : index
    %get3A_41 = vector.load %arg1[%get3A_39, %get3A_40] : memref<3x10112xf32, #tpu.memory_space<vmem>>, vector<1x10112xf32>
    %get3A_42 = vector.shape_cast %get3A_41 : vector<1x10112xf32> to vector<10112xf32>
    %mul3A_43 = arith.mulf %get3A_2, %get3A_42 : vector<10112xf32>
    %add3A_44 = arith.addf %add3A_38, %mul3A_43 : vector<10112xf32>
    %swap3A_45 = arith.constant 1 : index
    %swap3A_46 = arith.constant 0 : index
    %swap3A_47 = vector.load %arg6[%swap3A_45, %swap3A_46] : memref<3x10112xf32, #tpu.memory_space<vmem>>, vector<1x10112xf32>
    %swap3A_48 = vector.shape_cast %swap3A_47 : vector<1x10112xf32> to vector<10112xf32>
    %swap3A_49 = vector.shape_cast %add3A_44 : vector<10112xf32> to vector<1x10112xf32>
    tpu.vector_store %arg6[%swap3A_45, %swap3A_46], %swap3A_49 {strides = array<i32>} : memref<3x10112xf32, #tpu.memory_space<vmem>>, vector<1x10112xf32>,
    %get3A_50 = arith.constant 2 : index
    %get3A_51 = arith.constant 0 : index
    %get3A_52 = vector.load %arg0[%get3A_50, %get3A_51] : memref<3x10112xf32, #tpu.memory_space<vmem>>, vector<1x10112xf32>
    %get3A_53 = vector.shape_cast %get3A_52 : vector<1x10112xf32> to vector<10112xf32>
    %get3A_54 = arith.constant 0 : index
    %get3A_55 = arith.constant 0 : index
    %get3A_56 = vector.load %arg5[%get3A_54, %get3A_55] : memref<2x10112xf32, #tpu.memory_space<vmem>>, vector<1x10112xf32>
    %get3A_57 = vector.shape_cast %get3A_56 : vector<1x10112xf32> to vector<10112xf32>
    %add3A_58 = arith.addf %get3A_53, %get3A_57 : vector<10112xf32>
    %get3A_59 = arith.constant 1 : index
    %get3A_60 = arith.constant 0 : index
    %get3A_61 = vector.load %arg5[%get3A_59, %get3A_60] : memref<2x10112xf32, #tpu.memory_space<vmem>>, vector<1x10112xf32>
    %get3A_62 = vector.shape_cast %get3A_61 : vector<1x10112xf32> to vector<10112xf32>
    %add3A_63 = arith.addf %add3A_58, %get3A_62 : vector<10112xf32>
    %get3A_64 = arith.constant 2 : index
    %get3A_65 = arith.constant 0 : index
    %get3A_66 = vector.load %arg1[%get3A_64, %get3A_65] : memref<3x10112xf32, #tpu.memory_space<vmem>>, vector<1x10112xf32>
    %get3A_67 = vector.shape_cast %get3A_66 : vector<1x10112xf32> to vector<10112xf32>
    %mul3A_68 = arith.mulf %get3A_2, %get3A_67 : vector<10112xf32>
    %add3A_69 = arith.addf %add3A_63, %mul3A_68 : vector<10112xf32>
    %swap3A_70 = arith.constant 2 : index
    %swap3A_71 = arith.constant 0 : index
    %swap3A_72 = vector.load %arg6[%swap3A_70, %swap3A_71] : memref<3x10112xf32, #tpu.memory_space<vmem>>, vector<1x10112xf32>
    %swap3A_73 = vector.shape_cast %swap3A_72 : vector<1x10112xf32> to vector<10112xf32>
    %swap3A_74 = vector.shape_cast %add3A_69 : vector<10112xf32> to vector<1x10112xf32>
    tpu.vector_store %arg6[%swap3A_70, %swap3A_71], %swap3A_74 {strides = array<i32>} : memref<3x10112xf32, #tpu.memory_space<vmem>>, vector<1x10112xf32>,
    return
  }
}

</mosaic_0001>

<sc_bundles>
// kernel: kernel.6.cloned.1.call-start
scs
__scs_entry_jumppad:
0x0: {  	(pc) =	sbr.rel $0x88, $3  }
0x1: {  	(tag) =	ssettag $0x0;
	lr =	simm.s32 $0x1  }
0x2: {  	[smem:$0x3F94] =	sst lr;
	_ =	strace $0xD0000000  }
0x3: {  	_ = 	snop  }
0x4: {  	_ = 	snop  }
0x5: {  	_ = 	snop  }
0x6: {  	_ = 	snop  }
0x7: {  	_ = 	snop  }
__scs_overlays_trampoline_lowered:
0x8: {  	[smem:$0x3FA3] =	sst s0  }
0x9: {  	[smem:$0x3FA4] =	sst s1  }
0xa: {  	[smem:$0x3FA5] =	sst s2  }
0xb: {  	[smem:$0x3FA6] =	sst s3  }
0xc: {  	[smem:$0x3FA7] =	sst s4  }
0xd: {  	[smem:$0x3FA8] =	sst s5  }
0xe: {  	[smem:$0x3FA9] =	sst s6  }
0xf: {  	[smem:$0x3FAA] =	sst s7  }
0x10: {  	[smem:$0x3FAB] =	sst s8  }
0x11: {  	[smem:$0x3FAC] =	sst s9;
	s0 =	simm.s32 @!p0 $0x0  }
0x12: {  	s1 =	sld [smem:$0x3F92];
	s0 =	simm.s32 @p0 $0x1  }
0x13: {  	[smem:$0x3FAD] =	sst s0;
	s0 =	simm.s32 @!p1 $0x0  }
0x14: {  	s2 =	sld [smem:$0x3F91];
	s0 =	simm.s32 @p1 $0x1  }
0x15: {  	[smem:$0x3FAE] =	sst s0;
	s0 =	simm.s32 @!p2 $0x0  }
0x16: {  	s3 =	sld [smem:$0x3FDB];
	s0 =	simm.s32 @p2 $0x1  }
0x17: {  	s4 =	simm.s32 $0x1BF5;
	[smem:$0x3FB0] =	sst s0  }
0x18: {  	s0 =	sld [smem:$0x3F93];
	_ =	swait.ge [sflag:s4], $0x0  }
0x19: {  	s7 =	sld [smem:$0x3F94]  }
0x1a: {  	s8 =	sadd.s32 $0xFFFFE003, lr  }
0x1b: {  	s9 =	sadd.s32 $0xFFFFFEF7, lr;
	s5 =	simm.s32 $0xFFFFFFFF;
	p2 =	slt.u32 s8, $0xFFFFF086  }
0x1c: {  	p1 =	slt.u32 s9, $0xF7A;
	s5 =	simm.s32 @!p2 $0x0  }
0x1d: {  	s5 =	simm.s32 @p1 $0x1;
	p0 =	seq.s32 s7, s2  }
0x1e: {  	s7 =	smul.u32 @!p0 $0xF7A, s2;
	p2 =	seq.s32 @!p0 s5, $0x0  }
0x1f: {  	s9 =	smul.u32 $0xF7A, s1;
	s8 =	simm.s32 @!p0 $0x1BF5;
	p2 =	por !p2, p0  }
0x20: {  	[sflag:s8] =	ssyncset.s32 @!p0 $0xFFFFF086;
	s6 =	sadd.s32 @!p0 s3, s7;
	s7 =	simm.s32 @!p0 $0x108  }
0x21: {  	s3 =	sadd.s32 s3, s9;
	s6 =	sadd.s32 @!p0 $0x88, s6;
	s7 =	simm.s32 @p2 $0x1082  }
0x22: {  	[simem:s7], [sflag:s8] =	dma.local @!p0 [hbm:s6], $0xF7A  }
0x23: {  	s9 =	sor.u32 $0xD0000000, s2;
	s6 =	simm.s32 $0x108;
	_ =	swait.ge @!p0 [sflag:s8], $0x0  }
0x24: {  	s3 =	sadd.s32 $0x88, s3;
	s6 =	simm.s32 @!p1 $0x1082;
	[sflag:s4] =	ssyncset.s32 $0xFFFFF086  }
0x25: {  	[simem:s6], [sflag:s4] =	dma.local [hbm:s3], $0xF7A  }
0x26: {  	[smem:$0x3F94] =	sst s1;
	(tag) =	ssettag s2;
	_ =	strace s9  }
0x27: {  	s1 =	sld [smem:$0x3FA4]  }
0x28: {  	s2 =	sld [smem:$0x3FA5]  }
0x29: {  	s4 =	sld [smem:$0x3FA7]  }
0x2a: {  	p0 =	seq.s32 s5, $0x0;
	s5 =	sld [smem:$0x3FA8]  }
0x2b: {  	s6 =	sld [smem:$0x3FA9]  }
0x2c: {  	s7 =	sld [smem:$0x3FAA]  }
0x2d: {  	s3 =	simm.s32 $0x108;
	s8 =	sld [smem:$0x3FAB]  }
0x2e: {  	s3 =	simm.s32 @!p0 $0x1082;
	s9 =	sld [smem:$0x3FAC]  }
0x2f: {  	lr =	sadd.s32 s0, s3;
	s0 =	sld [smem:$0x3FA3]  }
0x30: {  	s3 =	sld [smem:$0x3FA6]  }
0x31: {  	[smem:$0x3FAF] =	sst s10  }
0x32: {  	s10 =	sld [smem:$0x3FAD];
	_ =	sdelay $0x3  }
0x33: {  	p0 =	seq.s32 s10, $0x1;
	s10 =	sld [smem:$0x3FAF];
	_ =	sdelay $0x3  }
0x34: {  	[smem:$0x3FAF] =	sst s10  }
0x35: {  	s10 =	sld [smem:$0x3FAE];
	_ =	sdelay $0x3  }
0x36: {  	p1 =	seq.s32 s10, $0x1;
	s10 =	sld [smem:$0x3FAF];
	_ =	sdelay $0x3  }
0x37: {  	[smem:$0x3FAF] =	sst s10  }
0x38: {  	s10 =	sld [smem:$0x3FB0]  }
0x39: {  	_ = 	snop;
	(pc) =	sbr.ind lr, $3  }
0x3a: {  	_ = 	snop  }
0x3b: {  	_ = 	snop  }
0x3c: {  	p2 =	seq.s32 s10, $0x1;
	s10 =	sld [smem:$0x3FAF]  }
0x3d: {  	_ =	shalt  }
0x3e: {  	_ =	shalt  }
0x3f: {  	_ =	shalt  }
0x40: {  	_ =	shalt  }
0x41: {  	_ =	shalt  }
0x42: {  	_ =	shalt  }
0x43: {  	_ =	shalt  }
0x44: {  	_ =	shalt  }
0x45: {  	_ =	shalt  }
0x46: {  	_ =	shalt  }
0x47: {  	_ =	shalt  }
0x48: {  	_ =	shalt  }
0x49: {  	_ =	shalt  }
0x4a: {  	_ =	shalt  }
0x4b: {  	_ =	shalt  }
0x4c: {  	_ =	shalt  }
0x4d: {  	_ =	shalt  }
0x4e: {  	_ =	shalt  }
0x4f: {  	_ =	shalt  }
0x50: {  	_ =	shalt  }
0x51: {  	_ =	shalt  }
0x52: {  	_ =	shalt  }
0x53: {  	_ =	shalt  }
0x54: {  	_ =	shalt  }
0x55: {  	_ =	shalt  }
0x56: {  	_ =	shalt  }
0x57: {  	_ =	shalt  }
0x58: {  	_ =	shalt  }
0x59: {  	_ =	shalt  }
0x5a: {  	_ =	shalt  }
0x5b: {  	_ =	shalt  }
0x5c: {  	_ =	shalt  }
0x5d: {  	_ =	shalt  }
0x5e: {  	_ =	shalt  }
0x5f: {  	_ =	shalt  }
0x60: {  	_ =	shalt  }
0x61: {  	_ =	shalt  }
0x62: {  	_ =	shalt  }
0x63: {  	_ =	shalt  }
0x64: {  	_ =	shalt  }
0x65: {  	_ =	shalt  }
0x66: {  	_ =	shalt  }
0x67: {  	_ =	shalt  }
0x68: {  	_ =	shalt  }
0x69: {  	_ =	shalt  }
0x6a: {  	_ =	shalt  }
0x6b: {  	_ =	shalt  }
0x6c: {  	_ =	shalt  }
0x6d: {  	_ =	shalt  }
0x6e: {  	_ =	shalt  }
0x6f: {  	_ =	shalt  }
0x70: {  	_ =	shalt  }
0x71: {  	_ =	shalt  }
0x72: {  	_ =	shalt  }
0x73: {  	_ =	shalt  }
0x74: {  	_ =	shalt  }
0x75: {  	_ =	shalt  }
0x76: {  	_ =	shalt  }
0x77: {  	_ =	shalt  }
0x78: {  	_ =	shalt  }
0x79: {  	_ =	shalt  }
0x7a: {  	_ =	shalt  }
0x7b: {  	_ =	shalt  }
0x7c: {  	_ =	shalt  }
0x7d: {  	_ =	shalt  }
0x7e: {  	_ =	shalt  }
0x7f: {  	_ =	shalt  }
0x80: {  	_ =	shalt  }
0x81: {  	_ =	shalt  }
0x82: {  	_ =	shalt  }
0x83: {  	_ =	shalt  }
0x84: {  	_ =	shalt  }
0x85: {  	_ =	shalt  }
0x86: {  	_ =	shalt  }
0x87: {  	_ =	shalt  }
.Lfunc_end0:
.L_simem_size_0:
called_computation_lowered:
.L_overlay_start_0:
0x88: {  	s2 =	sld [smem:$0x3FD9]  }
0x89: {  	s3 =	sld [smem:$0x3FFE];
	_ =	sdelay $0x1  }
0x8a: {  	s1 =	srdreg.scid  }
0x8b: {  	s0 =	sand.u32 $0x1, s1  }
0x8c: {  	s17 =	sshll.u32 s0, $0xA;
	s2 =	sadd.s32 s3, s2  }
0x8d: {  	s2 =	sadd.s32 s2, s17  }
0x8e: {  	[smem:$0x3FBB] =	sst s2  }
0x8f: {  	_ = 	snop  }
0x90: {  	s2 =	sld [smem:$0x3FD0];
	(tm) =	ssettm $0x1  }
0x91: {  	s18 =	sld [smem:$0x3FFB];
	_ =	sdelay $0x3  }
0x92: {  	_ =	strace s18  }
0x93: {  	s3 =	sld [smem:$0x3FFC];
	_ =	sdelay $0x3  }
0x94: {  	_ =	strace s3  }
0x95: {  	s3 =	sld [smem:$0x3FFD];
	_ =	sdelay $0x3  }
0x96: {  	_ =	strace s3  }
0x97: {  	_ =	strace $0x8FFFFFFF  }
0x98: {  	s19 =	sld [smem:$0x3FDB];
	_ =	sdelay $0x1  }
0x99: {  	s4 =	simm.s32 $_scs_section_size  }
0x9a: {  	s5 =	simm.s32 $_size__tile_overlayer_lowered;
	s6 =	simm.s32 $_tile_overlayer_lowered  }
0x9b: {  	s22 =	simm.s32 $0x1BFF;
	s21 =	sshll.u32 s6, $0x1;
	s3 =	sadd.s32 s4, s19  }
0x9c: {  	s7 =	simm.s32 $0x0;
	s20 =	sshll.u32 s5, $0x1;
	s5 =	sadd.s32 s21, s3  }
0x9d: {  	[timem:s7], [sflag:s22] =	dma.local [hbm:s5], s20  }
0x9e: {  	_ =	swait.ge [sflag:s22], s20  }
0x9f: {  	s4 =	ssub.s32 $0x0, s20;
	[sflag:s22] =	ssyncset.done $0x0  }
0xa0: {  	[sflag:s22] =	ssyncadd.s32 s4;
	_ =	sdelay $0x1  }
0xa1: {  	s23 =	simm.s32 $0x1B8B  }
0xa2: {  	_ =	swait.ge [sflag:s23], $0x1  }
0xa3: {  	[sflag:s23] =	ssyncset.done $0x0  }
0xa4: {  	s25 =	simm.s32 $0x1B8E;
	s24 =	sld [smem:$0x3FFE];
	[sflag:s23] =	ssyncadd.s32 $0xFFFFFFFF  }
0xa5: {  	s26 =	simm.s32 $execute0_lowered;
	[smem:$0x3FD2] =	sst s25  }
0xa6: {  	s5 =	sshll.u32 s26, $0x1;
	_ =	strace $0x80000046;
	[dreg:$0x1] =	wrdreg $0xFFFFFFFF  }
0xa7: {  	s28 =	simm.s32 $_size_execute0_lowered;
	s3 =	sadd.s32 s3, s5;
	[dreg:$0x0] =	wrdreg $0x0  }
0xa8: {  	s5 =	sshll.u32 s28, $0x1;
	[dreg:$0x2] =	wrdreg s3  }
0xa9: {  	[dreg:$0x3] =	wrdreg s5  }
0xaa: {  	[dreg:$0x4] =	wrdreg $0xC0  }
0xab: {  	_ =	task [dreg:s7], $0x5FFFF  }
0xac: {  	[dreg:$0x1] =	wrdreg $0xFFFFFFFF  }
0xad: {  	[dreg:$0x0] =	wrdreg $0x60  }
0xae: {  	[dreg:$0x2] =	wrdreg s24  }
0xaf: {  	[dreg:$0x3] =	wrdreg s2  }
0xb0: {  	[dreg:$0x4] =	wrdreg $0xF4800  }
0xb1: {  	[dreg:$0x5] =	wrdreg $0xF6F80  }
0xb2: {  	[dreg:$0x6] =	wrdreg $0xF9700  }
0xb3: {  	[dreg:$0x7] =	wrdreg $0x9  }
0xb4: {  	_ =	task.clear_ibuf [dreg:s7], $0x8FFFF;
	_ =	strace $0x90000046  }
0xb5: {  	s29 =	simm.s32 $0x9;
	_ =	strace $0x80000048  }
0xb6: {  	_ =	swait.ge [sflag:s29], $0x1  }
0xb7: {  	[sflag:s29] =	ssyncadd.s32 $0xFFFFFFFF  }
0xb8: {  	_ =	strace $0x90000048  }
0xb9: {  	_ =	sfence  }
0xba: {  	s30 =	sld [smem:$0x0];
	_ =	sdelay $0x2  }
0xbb: {  	s31 =	sshll.u32 s1, $0xD;
	s1 =	sshrl.u32 s1, $0x2  }
0xbc: {  	s3 =	sand.u32 $0x4000, s31;
	s1 =	sadd.s32 s1, s30  }
0xbd: {  	s0 =	sor.u32 s3, s0;
	s1 =	sshll.u32 s1, $0x11  }
0xbe: {  	s0 =	sor.u32 s1, s0  }
0xbf: {  	s0 =	sadd.s32 $0x8F2B, s0  }
0xc0: {  	[sflag:s0] =	ssyncadd.remote.s32 $0x1  }
0xc1: {  	_ =	sfence.sel $0xFFFF  }
0xc2: {  	[dreg:$0x0] =	wrdreg $0xFFFFFFFF;
	(pc) =	sbr.abs _section_cstart, $3  }
0xc3: {  	[dreg:$0x1] =	wrdreg $0xFFFFFFFF  }
0xc4: {  	_ =	task.clear_ibuf [dreg:s7], $0x2FFFF;
	_ =	strace $0x9FFFFFFF  }
0xc5: {  	(tm) =	ssettm $0x7FFFFFFF  }
tec
execute0_lowered:
.L_overlay_start_1:
0x0: {  	(tag) =	ssettag $0x1  }
0x1: {  	s10 =	rddreg [dreg:$0x0]  }
0x2: {  	s0 =	rddreg [dreg:$0x1]  }
0x3: {  	s1 =	rddreg [dreg:$0x2]  }
0x4: {  	s2 =	rddreg [dreg:$0x3];
	s3 =	srdreg.scid  }
0x5: {  	s6 =	stileid.u32;
	s4 =	rddreg [dreg:$0x4];
	s5 =	simm.s32 $0x0  }
0x6: {  	s16 =	simm.s32 $0x5;
	s17 =	simm.s32 $0x2780;
	s18 =	simm.s32 $0x4F00  }
0x7: {  	s28 =	simm.s32 $0xEF00;
	s29 =	simm.s32 $0xEF80;
	s31 =	simm.s32 $0xF000  }
0x8: {  	s19 =	simm.s32 $0xF100;
	s12 =	simm.s32 $0xF400;
	s13 =	simm.s32 $0x1  }
0x9: {  	s14 =	simm.s32 $0x2;
	s15 =	simm.s32 $0x3;
	s30 =	simm.s32 $0x4  }
0xa: {  	s3 =	sand.u32 $0x1, s3;
	s7 =	sshll.u32 s6, $0x1;
	[smem:$0x7FF] =	sst s5  }
0xb: {  	s8 =	sadd.s32 $0x600, s10;
	s20 =	sadd.s32 $0xC00, s10;
	s21 =	sadd.s32 $0x1F200, s10  }
0xc: {  	p0 =	sne.s32 s6, $0x0;
	s7 =	sor.u32 s3, s7;
	_ =	strace $0x80000047  }
0xd: {  	[dreg:$0x6] =	wrdreg s8;
	s9 =	smul.u32 $0x4F0, s3;
	s3 =	ssub.s32 $0x2, s3  }
0xe: {  	[dreg:$0x7] =	wrdreg s20;
	s7 =	smul.u32 $0x500, s7;
	s11 =	sshrl.u32 s3, $0x1  }
0xf: {  	[dreg:$0x12] =	wrdreg s21;
	s3 =	ssub.s32 s3, s11;
	s0 =	sadd.s32 s0, s9  }
0x10: {  	s7 =	sadd.s32 s7, s10;
	[dreg:$0xb] =	wrdreg s0;
	s26 =	smax.u32 s3, $0x1  }
0x11: {  	s6 =	simm.s32 $0xF200;
	s22 =	sadd.s32 $0xB200, s7;
	[dreg:$0xe] =	wrdreg s26  }
0x12: {  	s8 =	simm.s32 $0x0;
	s23 =	sadd.s32 $0x1200, s7;
	[dreg:$0x8] =	wrdreg s22  }
0x13: {  	s10 =	sadd.s32 s9, s10;
	s7 =	sadd.s32 $0x15200, s7;
	[dreg:$0x9] =	wrdreg s23  }
0x14: {  	s11 =	simm.s32 $0xF380;
	s24 =	sadd.s32 $0x1F800, s10;
	[dreg:$0xa] =	wrdreg s7  }
0x15: {  	s3 =	simm.s32 $0xF080;
	s25 =	sadd.s32 $0x20200, s10;
	[dreg:$0xc] =	wrdreg s24  }
0x16: {  	s0 =	simm.s32 $0xF180;
	[dreg:$0xd] =	wrdreg s25;
	s24 =	sshrl.u32 @!p0 s2, $0x3  }
0x17: {  	s26 =	simm.s32 $0xEE80;
	s23 =	sshrl.u32 @!p0 s1, $0x3;
	[dreg:$0xf] =	wrdreg s24  }
0x18: {  	s10 =	simm.s32 $0xF300;
	s22 =	sshrl.u32 @!p0 s4, $0x3;
	[dreg:$0x10] =	wrdreg s23  }
0x19: {  	s25 =	simm.s32 $0x80;
	s7 =	simm.s32 $0xF280;
	[dreg:$0x11] =	wrdreg s22  }
.LBB2_1:
0x1a: {  	[dreg:$0x13] =	wrdreg s8  }
0x1b: {  	s9 =	rddreg [dreg:$0x6]  }
0x1c: {  	[tilespmem:s5], [sflag:$0x5] =	stream.linear.gather [hbm4b:s9+s5], $0x2780, $0x38;
	[tilespmem:$0xFBE8] =	vst v63  }
0x1d: {  	_ =	swait.ge [sflag:s16], $0x2780  }
0x1e: {  	[sflag:s16] =	ssyncset.done $0x0  }
0x1f: {  	s20 =	rddreg [dreg:$0x7];
	[sflag:s16] =	ssyncadd.s32 $0xFFFFD880  }
0x20: {  	[tilespmem:s17], [sflag:$0x5] =	stream.linear.gather [hbm4b:s20+s5], $0x2780, $0x38;
	[tilespmem:$0xFBE8] =	vst v63  }
0x21: {  	_ =	swait.ge [sflag:s16], $0x2780  }
0x22: {  	[sflag:s16] =	ssyncset.done $0x0  }
0x23: {  	[sflag:s16] =	ssyncadd.s32 $0xFFFFD880  }
0x24: {  	s21 =	rddreg [dreg:$0x0]  }
0x25: {  	[tilespmem:s18], [sflag:$0x5] =	stream.linear.gather [hbm4b:s21+s5], $0x2780, $0x38;
	[tilespmem:$0xFBE8] =	vst v63  }
0x26: {  	_ =	swait.ge [sflag:s16], $0x2780  }
0x27: {  	[sflag:s16] =	ssyncset.done $0x0  }
0x28: {  	s20 =	simm.s32 $0x7680;
	s8 =	rddreg [dreg:$0x8];
	[sflag:s16] =	ssyncadd.s32 $0xFFFFD880  }
0x29: {  	[tilespmem:s20], [sflag:$0x5] =	stream.linear.gather [hbm4b:s8+s5], $0x2800, $0x38;
	[tilespmem:$0xFBE8] =	vst v63  }
0x2a: {  	_ =	swait.ge [sflag:s16], $0x2800  }
0x2b: {  	[sflag:s16] =	ssyncset.done $0x0  }
0x2c: {  	s8 =	simm.s32 $0x9E80;
	s21 =	rddreg [dreg:$0x9];
	[sflag:s16] =	ssyncadd.s32 $0xFFFFD800  }
0x2d: {  	[tilespmem:s8], [sflag:$0x5] =	stream.linear.gather [hbm4b:s21+s5], $0x2800, $0x38;
	[tilespmem:$0xFBE8] =	vst v63  }
0x2e: {  	_ =	swait.ge [sflag:s16], $0x2800  }
0x2f: {  	[sflag:s16] =	ssyncset.done $0x0  }
0x30: {  	s21 =	simm.s32 $0xC680;
	s20 =	rddreg [dreg:$0xa];
	[sflag:s16] =	ssyncadd.s32 $0xFFFFD800  }
0x31: {  	[tilespmem:s21], [sflag:$0x5] =	stream.linear.gather [hbm4b:s20+s5], $0x2800, $0x38;
	[tilespmem:$0xFBE8] =	vst v63  }
0x32: {  	_ =	swait.ge [sflag:s16], $0x2800  }
0x33: {  	s9 =	simm.s32 @!p0 $0x1C05;
	[sflag:s16] =	ssyncset.done $0x0  }
0x34: {  	s20 =	simm.s32 @!p0 $0x5;
	s21 =	rddreg [dreg:$0x12];
	[sflag:s16] =	ssyncadd.s32 $0xFFFFD800  }
0x35: {  	[spmem:s23], [sflag:s9] =	dma.local @!p0 [hbm:s21], $0x4F0  }
0x36: {  	_ =	swait.ge @!p0 [sflag:s20], $0x4F0  }
0x37: {  	[sflag:s20] =	ssyncset.done @!p0 $0x0  }
0x38: {  	[sflag:s20] =	ssyncadd.s32 @!p0 $0xFFFFFB10  }
0x39: {  	[spmem:s24], [sflag:s9] =	dma.local @!p0 [hbm:s21], $0x4F0  }
0x3a: {  	_ =	swait.ge @!p0 [sflag:s20], $0x4F0  }
0x3b: {  	[sflag:s20] =	ssyncset.done @!p0 $0x0  }
0x3c: {  	[sflag:s20] =	ssyncadd.s32 @!p0 $0xFFFFFB10  }
0x3d: {  	[spmem:s22], [sflag:s9] =	dma.local @!p0 [hbm:s21], $0x4F0  }
0x3e: {  	_ =	swait.ge @!p0 [sflag:s20], $0x4F0  }
0x3f: {  	[sflag:s20] =	ssyncset.done @!p0 $0x0  }
0x40: {  	[sflag:s20] =	ssyncadd.s32 @!p0 $0xFFFFFB10  }
0x41: {  	[bflag:$0x0] =	sbarrier.arrive $0xFFFF  }
0x42: {  	v0 =	vld [tilespmem:$0x7680]  }
0x43: {  	v1 =	vld [tilespmem:$0x9E80];
	_ =	sdelay $0x6  }
0x44: {  	v2 =	vld.idx.msk [tilespmem:v0+s5+$0x0], $0xffff  }
0x45: {  	v3 =	vld.idx.msk [tilespmem:v1+s5+$0x0], $0xffff;
	_ =	sdelay $0x1  }
0x46: {  	v4 =	vld [tilespmem:$0xC680];
	_ =	sdelay $0x2  }
0x47: {  	v2 =	vsub.f32 v2, v3;
	_ =	sdelay $0x1  }
0x48: {  	v2 =	vmul.f32 v2, v4;
	_ =	sdelay $0x1  }
0x49: {  	[tilespmem:$0xEE80] =	vst v2  }
0x4a: {  	v2 =	vld.idx.msk [tilespmem:v0+s17+$0x0], $0xffff  }
0x4b: {  	v47 =	vld.idx.msk [tilespmem:v1+s17+$0x0], $0xffff;
	_ =	sdelay $0x4  }
0x4c: {  	v2 =	vsub.f32 v2, v47;
	_ =	sdelay $0x1  }
0x4d: {  	v2 =	vmul.f32 v2, v4;
	_ =	sdelay $0x1  }
0x4e: {  	[tilespmem:$0xEF00] =	vst v2  }
0x4f: {  	v0 =	vld.idx.msk [tilespmem:v0+s18+$0x0], $0xffff  }
0x50: {  	v1 =	vld.idx.msk [tilespmem:v1+s18+$0x0], $0xffff;
	_ =	sdelay $0x1  }
0x51: {  	v48 =	vld [tilespmem:$0x7690]  }
0x52: {  	v49 =	vld [tilespmem:$0x9E90];
	_ =	sdelay $0x1  }
0x53: {  	v0 =	vsub.f32 v0, v1;
	_ =	sdelay $0x1  }
0x54: {  	v0 =	vmul.f32 v0, v4;
	_ =	sdelay $0x1  }
0x55: {  	[tilespmem:$0xEF80] =	vst v0  }
0x56: {  	v0 =	vld.idx.msk [tilespmem:v48+s5+$0x0], $0xffff  }
0x57: {  	v50 =	vld.idx.msk [tilespmem:v49+s5+$0x0], $0xffff;
	_ =	sdelay $0x1  }
0x58: {  	v51 =	vld [tilespmem:$0xC690];
	_ =	sdelay $0x2  }
0x59: {  	v0 =	vsub.f32 v0, v50;
	_ =	sdelay $0x1  }
0x5a: {  	v0 =	vmul.f32 v0, v51;
	_ =	sdelay $0x1  }
0x5b: {  	[tilespmem:$0xEE90] =	vst v0  }
0x5c: {  	v0 =	vld.idx.msk [tilespmem:v48+s17+$0x0], $0xffff  }
0x5d: {  	v52 =	vld.idx.msk [tilespmem:v49+s17+$0x0], $0xffff;
	_ =	sdelay $0x4  }
0x5e: {  	v0 =	vsub.f32 v0, v52;
	_ =	sdelay $0x1  }
0x5f: {  	v0 =	vmul.f32 v0, v51;
	_ =	sdelay $0x1  }
0x60: {  	[tilespmem:$0xEF10] =	vst v0  }
0x61: {  	v0 =	vld.idx.msk [tilespmem:v48+s18+$0x0], $0xffff  }
0x62: {  	v53 =	vld.idx.msk [tilespmem:v49+s18+$0x0], $0xffff;
	_ =	sdelay $0x1  }
0x63: {  	v54 =	vld [tilespmem:$0x76A0]  }
0x64: {  	v55 =	vld [tilespmem:$0x9EA0];
	_ =	sdelay $0x1  }
0x65: {  	v0 =	vsub.f32 v0, v53;
	_ =	sdelay $0x1  }
0x66: {  	v0 =	vmul.f32 v0, v51;
	_ =	sdelay $0x1  }
0x67: {  	[tilespmem:$0xEF90] =	vst v0  }
0x68: {  	v0 =	vld.idx.msk [tilespmem:v54+s5+$0x0], $0xffff  }
0x69: {  	v56 =	vld.idx.msk [tilespmem:v55+s5+$0x0], $0xffff;
	_ =	sdelay $0x1  }
0x6a: {  	v57 =	vld [tilespmem:$0xC6A0];
	_ =	sdelay $0x2  }
0x6b: {  	v0 =	vsub.f32 v0, v56;
	_ =	sdelay $0x1  }
0x6c: {  	v0 =	vmul.f32 v0, v57;
	_ =	sdelay $0x1  }
0x6d: {  	[tilespmem:$0xEEA0] =	vst v0  }
0x6e: {  	v0 =	vld.idx.msk [tilespmem:v54+s17+$0x0], $0xffff  }
0x6f: {  	v58 =	vld.idx.msk [tilespmem:v55+s17+$0x0], $0xffff;
	_ =	sdelay $0x4  }
0x70: {  	v0 =	vsub.f32 v0, v58;
	_ =	sdelay $0x1  }
0x71: {  	v0 =	vmul.f32 v0, v57;
	_ =	sdelay $0x1  }
0x72: {  	[tilespmem:$0xEF20] =	vst v0  }
0x73: {  	v0 =	vld.idx.msk [tilespmem:v54+s18+$0x0], $0xffff  }
0x74: {  	v59 =	vld.idx.msk [tilespmem:v55+s18+$0x0], $0xffff;
	_ =	sdelay $0x1  }
0x75: {  	v60 =	vld [tilespmem:$0x76B0]  }
0x76: {  	v61 =	vld [tilespmem:$0x9EB0];
	_ =	sdelay $0x1  }
0x77: {  	v0 =	vsub.f32 v0, v59;
	_ =	sdelay $0x1  }
0x78: {  	v0 =	vmul.f32 v0, v57;
	_ =	sdelay $0x1  }
0x79: {  	[tilespmem:$0xEFA0] =	vst v0  }
0x7a: {  	v0 =	vld.idx.msk [tilespmem:v60+s5+$0x0], $0xffff  }
0x7b: {  	v62 =	vld.idx.msk [tilespmem:v61+s5+$0x0], $0xffff;
	_ =	sdelay $0x1  }
0x7c: {  	v63 =	vld [tilespmem:$0xC6B0];
	_ =	sdelay $0x2  }
0x7d: {  	v0 =	vsub.f32 v0, v62;
	_ =	sdelay $0x1  }
0x7e: {  	v0 =	vmul.f32 v0, v63;
	_ =	sdelay $0x1  }
0x7f: {  	[tilespmem:$0xEEB0] =	vst v0  }
0x80: {  	v0 =	vld.idx.msk [tilespmem:v60+s17+$0x0], $0xffff  }
0x81: {  	v6 =	vld.idx.msk [tilespmem:v61+s17+$0x0], $0xffff;
	_ =	sdelay $0x4  }
0x82: {  	v0 =	vsub.f32 v0, v6;
	_ =	sdelay $0x1  }
0x83: {  	v0 =	vmul.f32 v0, v63;
	_ =	sdelay $0x1  }
0x84: {  	[tilespmem:$0xEF30] =	vst v0  }
0x85: {  	v0 =	vld.idx.msk [tilespmem:v60+s18+$0x0], $0xffff  }
0x86: {  	v7 =	vld.idx.msk [tilespmem:v61+s18+$0x0], $0xffff;
	_ =	sdelay $0x1  }
0x87: {  	v8 =	vld [tilespmem:$0x76C0]  }
0x88: {  	v9 =	vld [tilespmem:$0x9EC0];
	_ =	sdelay $0x1  }
0x89: {  	v0 =	vsub.f32 v0, v7;
	_ =	sdelay $0x1  }
0x8a: {  	v0 =	vmul.f32 v0, v63;
	_ =	sdelay $0x1  }
0x8b: {  	[tilespmem:$0xEFB0] =	vst v0  }
0x8c: {  	v0 =	vld.idx.msk [tilespmem:v8+s5+$0x0], $0xffff  }
0x8d: {  	v10 =	vld.idx.msk [tilespmem:v9+s5+$0x0], $0xffff;
	_ =	sdelay $0x1  }
0x8e: {  	v11 =	vld [tilespmem:$0xC6C0];
	_ =	sdelay $0x2  }
0x8f: {  	v0 =	vsub.f32 v0, v10;
	_ =	sdelay $0x1  }
0x90: {  	v0 =	vmul.f32 v0, v11;
	_ =	sdelay $0x1  }
0x91: {  	[tilespmem:$0xEEC0] =	vst v0  }
0x92: {  	v0 =	vld.idx.msk [tilespmem:v8+s17+$0x0], $0xffff  }
0x93: {  	v12 =	vld.idx.msk [tilespmem:v9+s17+$0x0], $0xffff;
	_ =	sdelay $0x4  }
0x94: {  	v0 =	vsub.f32 v0, v12;
	_ =	sdelay $0x1  }
0x95: {  	v0 =	vmul.f32 v0, v11;
	_ =	sdelay $0x1  }
0x96: {  	[tilespmem:$0xEF40] =	vst v0  }
0x97: {  	v0 =	vld.idx.msk [tilespmem:v8+s18+$0x0], $0xffff  }
0x98: {  	v13 =	vld.idx.msk [tilespmem:v9+s18+$0x0], $0xffff;
	_ =	sdelay $0x1  }
0x99: {  	v14 =	vld [tilespmem:$0x76D0]  }
0x9a: {  	v15 =	vld [tilespmem:$0x9ED0];
	_ =	sdelay $0x1  }
0x9b: {  	v0 =	vsub.f32 v0, v13;
	_ =	sdelay $0x1  }
0x9c: {  	v0 =	vmul.f32 v0, v11;
	_ =	sdelay $0x1  }
0x9d: {  	[tilespmem:$0xEFC0] =	vst v0  }
0x9e: {  	v0 =	vld.idx.msk [tilespmem:v14+s5+$0x0], $0xffff  }
0x9f: {  	v16 =	vld.idx.msk [tilespmem:v15+s5+$0x0], $0xffff;
	_ =	sdelay $0x1  }
0xa0: {  	v17 =	vld [tilespmem:$0xC6D0];
	_ =	sdelay $0x2  }
0xa1: {  	v0 =	vsub.f32 v0, v16;
	_ =	sdelay $0x1  }
0xa2: {  	v0 =	vmul.f32 v0, v17;
	_ =	sdelay $0x1  }
0xa3: {  	[tilespmem:$0xEED0] =	vst v0  }
0xa4: {  	v0 =	vld.idx.msk [tilespmem:v14+s17+$0x0], $0xffff  }
0xa5: {  	v18 =	vld.idx.msk [tilespmem:v15+s17+$0x0], $0xffff;
	_ =	sdelay $0x4  }
0xa6: {  	v0 =	vsub.f32 v0, v18;
	_ =	sdelay $0x1  }
0xa7: {  	v0 =	vmul.f32 v0, v17;
	_ =	sdelay $0x1  }
0xa8: {  	[tilespmem:$0xEF50] =	vst v0  }
0xa9: {  	v0 =	vld.idx.msk [tilespmem:v14+s18+$0x0], $0xffff  }
0xaa: {  	v19 =	vld.idx.msk [tilespmem:v15+s18+$0x0], $0xffff;
	_ =	sdelay $0x1  }
0xab: {  	v20 =	vld [tilespmem:$0x76E0]  }
0xac: {  	v21 =	vld [tilespmem:$0x9EE0];
	_ =	sdelay $0x1  }
0xad: {  	v0 =	vsub.f32 v0, v19;
	_ =	sdelay $0x1  }
0xae: {  	v0 =	vmul.f32 v0, v17;
	_ =	sdelay $0x1  }
0xaf: {  	[tilespmem:$0xEFD0] =	vst v0  }
0xb0: {  	v0 =	vld.idx.msk [tilespmem:v20+s5+$0x0], $0xffff  }
0xb1: {  	v22 =	vld.idx.msk [tilespmem:v21+s5+$0x0], $0xffff;
	_ =	sdelay $0x1  }
0xb2: {  	v23 =	vld [tilespmem:$0xC6E0];
	_ =	sdelay $0x2  }
0xb3: {  	v0 =	vsub.f32 v0, v22;
	_ =	sdelay $0x1  }
0xb4: {  	v0 =	vmul.f32 v0, v23;
	_ =	sdelay $0x1  }
0xb5: {  	[tilespmem:$0xEEE0] =	vst v0  }
0xb6: {  	v0 =	vld.idx.msk [tilespmem:v20+s17+$0x0], $0xffff  }
0xb7: {  	v24 =	vld.idx.msk [tilespmem:v21+s17+$0x0], $0xffff;
	_ =	sdelay $0x4  }
0xb8: {  	v0 =	vsub.f32 v0, v24;
	_ =	sdelay $0x1  }
0xb9: {  	v0 =	vmul.f32 v0, v23;
	_ =	sdelay $0x1  }
0xba: {  	[tilespmem:$0xEF60] =	vst v0  }
0xbb: {  	v0 =	vld.idx.msk [tilespmem:v20+s18+$0x0], $0xffff  }
0xbc: {  	v25 =	vld.idx.msk [tilespmem:v21+s18+$0x0], $0xffff;
	_ =	sdelay $0x1  }
0xbd: {  	v26 =	vld [tilespmem:$0x76F0]  }
0xbe: {  	v27 =	vld [tilespmem:$0x9EF0];
	_ =	sdelay $0x1  }
0xbf: {  	v0 =	vsub.f32 v0, v25;
	_ =	sdelay $0x1  }
0xc0: {  	v0 =	vmul.f32 v0, v23;
	_ =	sdelay $0x1  }
0xc1: {  	[tilespmem:$0xEFE0] =	vst v0  }
0xc2: {  	v0 =	vld.idx.msk [tilespmem:v26+s5+$0x0], $0xffff  }
0xc3: {  	v28 =	vld.idx.msk [tilespmem:v27+s5+$0x0], $0xffff;
	_ =	sdelay $0x1  }
0xc4: {  	v29 =	vld [tilespmem:$0xC6F0];
	_ =	sdelay $0x2  }
0xc5: {  	v0 =	vsub.f32 v0, v28;
	_ =	sdelay $0x1  }
0xc6: {  	v0 =	vmul.f32 v0, v29;
	_ =	sdelay $0x1  }
0xc7: {  	[tilespmem:$0xEEF0] =	vst v0  }
0xc8: {  	v0 =	vld.idx.msk [tilespmem:v26+s17+$0x0], $0xffff  }
0xc9: {  	v30 =	vld.idx.msk [tilespmem:v27+s17+$0x0], $0xffff;
	_ =	sdelay $0x4  }
0xca: {  	v0 =	vsub.f32 v0, v30;
	_ =	sdelay $0x1  }
0xcb: {  	v0 =	vmul.f32 v0, v29;
	_ =	sdelay $0x1  }
0xcc: {  	[tilespmem:$0xEF70] =	vst v0  }
0xcd: {  	v0 =	vld.idx.msk [tilespmem:v26+s18+$0x0], $0xffff  }
0xce: {  	v31 =	vld.idx.msk [tilespmem:v27+s18+$0x0], $0xffff;
	_ =	sdelay $0x4  }
0xcf: {  	v0 =	vsub.f32 v0, v31;
	_ =	sdelay $0x1  }
0xd0: {  	v0 =	vmul.f32 v0, v29;
	_ =	sdelay $0x1  }
0xd1: {  	[tilespmem:$0xEFF0] =	vst v0  }
0xd2: {  	[spmem:s1] =	stream.indirect.scatter.add.f32 [tilespmem:s26], [sflag:$0x1], $0x1, s8, s25, $0xb8;
	[tilespmem:$0xFBE8] =	vst v63  }
0xd3: {  	_ = 	snop  }
0xd4: {  	[spmem:s2] =	stream.indirect.scatter.add.f32 [tilespmem:s28], [sflag:$0x1], $0x1, s8, s25, $0xb8;
	[tilespmem:$0xFBE8] =	vst v63  }
0xd5: {  	_ = 	snop  }
0xd6: {  	[spmem:s4] =	stream.indirect.scatter.add.f32 [tilespmem:s29], [sflag:$0x1], $0x1, s8, s25, $0xb8;
	[tilespmem:$0xFBE8] =	vst v63  }
0xd7: {  	v32 =	vld [tilespmem:$0x7700]  }
0xd8: {  	v33 =	vld [tilespmem:$0x9F00];
	_ =	sdelay $0x6  }
0xd9: {  	v34 =	vld.idx.msk [tilespmem:v32+s5+$0x0], $0xffff  }
0xda: {  	v35 =	vld.idx.msk [tilespmem:v33+s5+$0x0], $0xffff;
	_ =	sdelay $0x1  }
0xdb: {  	v36 =	vld [tilespmem:$0xC700];
	_ =	sdelay $0x2  }
0xdc: {  	v2 =	vsub.f32 v34, v35;
	_ =	sdelay $0x1  }
0xdd: {  	v2 =	vmul.f32 v2, v36;
	_ =	sdelay $0x1  }
0xde: {  	[tilespmem:$0xF000] =	vst v2  }
0xdf: {  	v2 =	vld.idx.msk [tilespmem:v32+s17+$0x0], $0xffff  }
0xe0: {  	v37 =	vld.idx.msk [tilespmem:v33+s17+$0x0], $0xffff;
	_ =	sdelay $0x4  }
0xe1: {  	v2 =	vsub.f32 v2, v37;
	_ =	sdelay $0x1  }
0xe2: {  	v2 =	vmul.f32 v2, v36;
	_ =	sdelay $0x1  }
0xe3: {  	[tilespmem:$0xF080] =	vst v2  }
0xe4: {  	v0 =	vld.idx.msk [tilespmem:v32+s18+$0x0], $0xffff  }
0xe5: {  	v1 =	vld.idx.msk [tilespmem:v33+s18+$0x0], $0xffff;
	_ =	sdelay $0x1  }
0xe6: {  	v38 =	vld [tilespmem:$0x7710]  }
0xe7: {  	v39 =	vld [tilespmem:$0x9F10];
	_ =	sdelay $0x1  }
0xe8: {  	v0 =	vsub.f32 v0, v1;
	_ =	sdelay $0x1  }
0xe9: {  	v0 =	vmul.f32 v0, v36;
	_ =	sdelay $0x1  }
0xea: {  	[tilespmem:$0xF100] =	vst v0  }
0xeb: {  	v0 =	vld.idx.msk [tilespmem:v38+s5+$0x0], $0xffff  }
0xec: {  	v40 =	vld.idx.msk [tilespmem:v39+s5+$0x0], $0xffff;
	_ =	sdelay $0x1  }
0xed: {  	v41 =	vld [tilespmem:$0xC710];
	_ =	sdelay $0x2  }
0xee: {  	v0 =	vsub.f32 v0, v40;
	_ =	sdelay $0x1  }
0xef: {  	v0 =	vmul.f32 v0, v41;
	_ =	sdelay $0x1  }
0xf0: {  	[tilespmem:$0xF010] =	vst v0  }
0xf1: {  	v0 =	vld.idx.msk [tilespmem:v38+s17+$0x0], $0xffff  }
0xf2: {  	v42 =	vld.idx.msk [tilespmem:v39+s17+$0x0], $0xffff;
	_ =	sdelay $0x4  }
0xf3: {  	v0 =	vsub.f32 v0, v42;
	_ =	sdelay $0x1  }
0xf4: {  	v0 =	vmul.f32 v0, v41;
	_ =	sdelay $0x1  }
0xf5: {  	[tilespmem:$0xF090] =	vst v0  }
0xf6: {  	v0 =	vld.idx.msk [tilespmem:v38+s18+$0x0], $0xffff  }
0xf7: {  	v43 =	vld.idx.msk [tilespmem:v39+s18+$0x0], $0xffff;
	_ =	sdelay $0x1  }
0xf8: {  	v44 =	vld [tilespmem:$0x7720]  }
0xf9: {  	v45 =	vld [tilespmem:$0x9F20];
	_ =	sdelay $0x1  }
0xfa: {  	v0 =	vsub.f32 v0, v43;
	_ =	sdelay $0x1  }
0xfb: {  	v0 =	vmul.f32 v0, v41;
	_ =	sdelay $0x1  }
0xfc: {  	[tilespmem:$0xF110] =	vst v0  }
0xfd: {  	v0 =	vld.idx.msk [tilespmem:v44+s5+$0x0], $0xffff  }
0xfe: {  	v46 =	vld.idx.msk [tilespmem:v45+s5+$0x0], $0xffff;
	_ =	sdelay $0x1  }
0xff: {  	v47 =	vld [tilespmem:$0xC720];
	_ =	sdelay $0x2  }
0x100: {  	v0 =	vsub.f32 v0, v46;
	_ =	sdelay $0x1  }
0x101: {  	v0 =	vmul.f32 v0, v47;
	_ =	sdelay $0x1  }
0x102: {  	[tilespmem:$0xF020] =	vst v0  }
0x103: {  	v0 =	vld.idx.msk [tilespmem:v44+s17+$0x0], $0xffff  }
0x104: {  	v48 =	vld.idx.msk [tilespmem:v45+s17+$0x0], $0xffff;
	_ =	sdelay $0x4  }
0x105: {  	v0 =	vsub.f32 v0, v48;
	_ =	sdelay $0x1  }
0x106: {  	v0 =	vmul.f32 v0, v47;
	_ =	sdelay $0x1  }
0x107: {  	[tilespmem:$0xF0A0] =	vst v0  }
0x108: {  	v0 =	vld.idx.msk [tilespmem:v44+s18+$0x0], $0xffff  }
0x109: {  	v49 =	vld.idx.msk [tilespmem:v45+s18+$0x0], $0xffff;
	_ =	sdelay $0x1  }
0x10a: {  	v50 =	vld [tilespmem:$0x7730]  }
0x10b: {  	v51 =	vld [tilespmem:$0x9F30];
	_ =	sdelay $0x1  }
0x10c: {  	v0 =	vsub.f32 v0, v49;
	_ =	sdelay $0x1  }
0x10d: {  	v0 =	vmul.f32 v0, v47;
	_ =	sdelay $0x1  }
0x10e: {  	[tilespmem:$0xF120] =	vst v0  }
0x10f: {  	v0 =	vld.idx.msk [tilespmem:v50+s5+$0x0], $0xffff  }
0x110: {  	v52 =	vld.idx.msk [tilespmem:v51+s5+$0x0], $0xffff;
	_ =	sdelay $0x1  }
0x111: {  	v53 =	vld [tilespmem:$0xC730];
	_ =	sdelay $0x2  }
0x112: {  	v0 =	vsub.f32 v0, v52;
	_ =	sdelay $0x1  }
0x113: {  	v0 =	vmul.f32 v0, v53;
	_ =	sdelay $0x1  }
0x114: {  	[tilespmem:$0xF030] =	vst v0  }
0x115: {  	v0 =	vld.idx.msk [tilespmem:v50+s17+$0x0], $0xffff  }
0x116: {  	v54 =	vld.idx.msk [tilespmem:v51+s17+$0x0], $0xffff;
	_ =	sdelay $0x4  }
0x117: {  	v0 =	vsub.f32 v0, v54;
	_ =	sdelay $0x1  }
0x118: {  	v0 =	vmul.f32 v0, v53;
	_ =	sdelay $0x1  }
0x119: {  	[tilespmem:$0xF0B0] =	vst v0  }
0x11a: {  	v0 =	vld.idx.msk [tilespmem:v50+s18+$0x0], $0xffff  }
0x11b: {  	v55 =	vld.idx.msk [tilespmem:v51+s18+$0x0], $0xffff;
	_ =	sdelay $0x1  }
0x11c: {  	v56 =	vld [tilespmem:$0x7740]  }
0x11d: {  	v57 =	vld [tilespmem:$0x9F40];
	_ =	sdelay $0x1  }
0x11e: {  	v0 =	vsub.f32 v0, v55;
	_ =	sdelay $0x1  }
0x11f: {  	v0 =	vmul.f32 v0, v53;
	_ =	sdelay $0x1  }
0x120: {  	[tilespmem:$0xF130] =	vst v0  }
0x121: {  	v0 =	vld.idx.msk [tilespmem:v56+s5+$0x0], $0xffff  }
0x122: {  	v58 =	vld.idx.msk [tilespmem:v57+s5+$0x0], $0xffff;
	_ =	sdelay $0x1  }
0x123: {  	v59 =	vld [tilespmem:$0xC740];
	_ =	sdelay $0x2  }
0x124: {  	v0 =	vsub.f32 v0, v58;
	_ =	sdelay $0x1  }
0x125: {  	v0 =	vmul.f32 v0, v59;
	_ =	sdelay $0x1  }
0x126: {  	[tilespmem:$0xF040] =	vst v0  }
0x127: {  	v0 =	vld.idx.msk [tilespmem:v56+s17+$0x0], $0xffff  }
0x128: {  	v60 =	vld.idx.msk [tilespmem:v57+s17+$0x0], $0xffff;
	_ =	sdelay $0x4  }
0x129: {  	v0 =	vsub.f32 v0, v60;
	_ =	sdelay $0x1  }
0x12a: {  	v0 =	vmul.f32 v0, v59;
	_ =	sdelay $0x1  }
0x12b: {  	[tilespmem:$0xF0C0] =	vst v0  }
0x12c: {  	v0 =	vld.idx.msk [tilespmem:v56+s18+$0x0], $0xffff  }
0x12d: {  	v61 =	vld.idx.msk [tilespmem:v57+s18+$0x0], $0xffff;
	_ =	sdelay $0x1  }
0x12e: {  	v62 =	vld [tilespmem:$0x7750]  }
0x12f: {  	v63 =	vld [tilespmem:$0x9F50];
	_ =	sdelay $0x1  }
0x130: {  	v0 =	vsub.f32 v0, v61;
	_ =	sdelay $0x1  }
0x131: {  	v0 =	vmul.f32 v0, v59;
	_ =	sdelay $0x1  }
0x132: {  	[tilespmem:$0xF140] =	vst v0  }
0x133: {  	v0 =	vld.idx.msk [tilespmem:v62+s5+$0x0], $0xffff  }
0x134: {  	v8 =	vld.idx.msk [tilespmem:v63+s5+$0x0], $0xffff;
	_ =	sdelay $0x1  }
0x135: {  	v9 =	vld [tilespmem:$0xC750];
	_ =	sdelay $0x2  }
0x136: {  	v0 =	vsub.f32 v0, v8;
	_ =	sdelay $0x1  }
0x137: {  	v0 =	vmul.f32 v0, v9;
	_ =	sdelay $0x1  }
0x138: {  	[tilespmem:$0xF050] =	vst v0  }
0x139: {  	v0 =	vld.idx.msk [tilespmem:v62+s17+$0x0], $0xffff  }
0x13a: {  	v10 =	vld.idx.msk [tilespmem:v63+s17+$0x0], $0xffff;
	_ =	sdelay $0x4  }
0x13b: {  	v0 =	vsub.f32 v0, v10;
	_ =	sdelay $0x1  }
0x13c: {  	v0 =	vmul.f32 v0, v9;
	_ =	sdelay $0x1  }
0x13d: {  	[tilespmem:$0xF0D0] =	vst v0  }
0x13e: {  	v0 =	vld.idx.msk [tilespmem:v62+s18+$0x0], $0xffff  }
0x13f: {  	v11 =	vld.idx.msk [tilespmem:v63+s18+$0x0], $0xffff;
	_ =	sdelay $0x1  }
0x140: {  	v12 =	vld [tilespmem:$0x7760]  }
0x141: {  	v13 =	vld [tilespmem:$0x9F60];
	_ =	sdelay $0x1  }
0x142: {  	v0 =	vsub.f32 v0, v11;
	_ =	sdelay $0x1  }
0x143: {  	v0 =	vmul.f32 v0, v9;
	_ =	sdelay $0x1  }
0x144: {  	[tilespmem:$0xF150] =	vst v0  }
0x145: {  	v0 =	vld.idx.msk [tilespmem:v12+s5+$0x0], $0xffff  }
0x146: {  	v14 =	vld.idx.msk [tilespmem:v13+s5+$0x0], $0xffff;
	_ =	sdelay $0x1  }
0x147: {  	v15 =	vld [tilespmem:$0xC760];
	_ =	sdelay $0x2  }
0x148: {  	v0 =	vsub.f32 v0, v14;
	_ =	sdelay $0x1  }
0x149: {  	v0 =	vmul.f32 v0, v15;
	_ =	sdelay $0x1  }
0x14a: {  	[tilespmem:$0xF060] =	vst v0  }
0x14b: {  	v0 =	vld.idx.msk [tilespmem:v12+s17+$0x0], $0xffff  }
0x14c: {  	v16 =	vld.idx.msk [tilespmem:v13+s17+$0x0], $0xffff;
	_ =	sdelay $0x4  }
0x14d: {  	v0 =	vsub.f32 v0, v16;
	_ =	sdelay $0x1  }
0x14e: {  	v0 =	vmul.f32 v0, v15;
	_ =	sdelay $0x1  }
0x14f: {  	[tilespmem:$0xF0E0] =	vst v0  }
0x150: {  	v0 =	vld.idx.msk [tilespmem:v12+s18+$0x0], $0xffff  }
0x151: {  	v17 =	vld.idx.msk [tilespmem:v13+s18+$0x0], $0xffff;
	_ =	sdelay $0x1  }
0x152: {  	v18 =	vld [tilespmem:$0x7770]  }
0x153: {  	v19 =	vld [tilespmem:$0x9F70];
	_ =	sdelay $0x1  }
0x154: {  	v0 =	vsub.f32 v0, v17;
	_ =	sdelay $0x1  }
0x155: {  	v0 =	vmul.f32 v0, v15;
	_ =	sdelay $0x1  }
0x156: {  	[tilespmem:$0xF160] =	vst v0  }
0x157: {  	v0 =	vld.idx.msk [tilespmem:v18+s5+$0x0], $0xffff  }
0x158: {  	v20 =	vld.idx.msk [tilespmem:v19+s5+$0x0], $0xffff;
	_ =	sdelay $0x1  }
0x159: {  	v21 =	vld [tilespmem:$0xC770];
	_ =	sdelay $0x2  }
0x15a: {  	v0 =	vsub.f32 v0, v20;
	_ =	sdelay $0x1  }
0x15b: {  	v0 =	vmul.f32 v0, v21;
	_ =	sdelay $0x1  }
0x15c: {  	[tilespmem:$0xF070] =	vst v0  }
0x15d: {  	v0 =	vld.idx.msk [tilespmem:v18+s17+$0x0], $0xffff  }
0x15e: {  	v22 =	vld.idx.msk [tilespmem:v19+s17+$0x0], $0xffff;
	_ =	sdelay $0x4  }
0x15f: {  	v0 =	vsub.f32 v0, v22;
	_ =	sdelay $0x1  }
0x160: {  	v0 =	vmul.f32 v0, v21;
	_ =	sdelay $0x1  }
0x161: {  	[tilespmem:$0xF0F0] =	vst v0  }
0x162: {  	v0 =	vld.idx.msk [tilespmem:v18+s18+$0x0], $0xffff  }
0x163: {  	v23 =	vld.idx.msk [tilespmem:v19+s18+$0x0], $0xffff;
	_ =	sdelay $0x4  }
0x164: {  	v0 =	vsub.f32 v0, v23;
	_ =	sdelay $0x1  }
0x165: {  	v0 =	vmul.f32 v0, v21;
	_ =	sdelay $0x1  }
0x166: {  	s22 =	simm.s32 $0x9F00;
	[tilespmem:$0xF170] =	vst v0  }
0x167: {  	[spmem:s1] =	stream.indirect.scatter.add.f32 [tilespmem:s31], [sflag:$0x2], $0x1, s22, s25, $0xb8;
	[tilespmem:$0xFBE8] =	vst v63  }
0x168: {  	_ = 	snop  }
0x169: {  	[spmem:s2] =	stream.indirect.scatter.add.f32 [tilespmem:s3], [sflag:$0x2], $0x1, s22, s25, $0xb8;
	[tilespmem:$0xFBE8] =	vst v63  }
0x16a: {  	_ = 	snop  }
0x16b: {  	[spmem:s4] =	stream.indirect.scatter.add.f32 [tilespmem:s19], [sflag:$0x2], $0x1, s22, s25, $0xb8;
	[tilespmem:$0xFBE8] =	vst v63  }
0x16c: {  	v24 =	vld [tilespmem:$0x7780]  }
0x16d: {  	v25 =	vld [tilespmem:$0x9F80];
	_ =	sdelay $0x6  }
0x16e: {  	v26 =	vld.idx.msk [tilespmem:v24+s5+$0x0], $0xffff  }
0x16f: {  	v27 =	vld.idx.msk [tilespmem:v25+s5+$0x0], $0xffff;
	_ =	sdelay $0x1  }
0x170: {  	v28 =	vld [tilespmem:$0xC780];
	_ =	sdelay $0x2  }
0x171: {  	v2 =	vsub.f32 v26, v27;
	_ =	sdelay $0x1  }
0x172: {  	v2 =	vmul.f32 v2, v28;
	_ =	sdelay $0x1  }
0x173: {  	[tilespmem:$0xF180] =	vst v2  }
0x174: {  	v2 =	vld.idx.msk [tilespmem:v24+s17+$0x0], $0xffff  }
0x175: {  	v29 =	vld.idx.msk [tilespmem:v25+s17+$0x0], $0xffff;
	_ =	sdelay $0x4  }
0x176: {  	v2 =	vsub.f32 v2, v29;
	_ =	sdelay $0x1  }
0x177: {  	v2 =	vmul.f32 v2, v28;
	_ =	sdelay $0x1  }
0x178: {  	[tilespmem:$0xF200] =	vst v2  }
0x179: {  	v0 =	vld.idx.msk [tilespmem:v24+s18+$0x0], $0xffff  }
0x17a: {  	v1 =	vld.idx.msk [tilespmem:v25+s18+$0x0], $0xffff;
	_ =	sdelay $0x1  }
0x17b: {  	v30 =	vld [tilespmem:$0x7790]  }
0x17c: {  	v31 =	vld [tilespmem:$0x9F90];
	_ =	sdelay $0x1  }
0x17d: {  	v0 =	vsub.f32 v0, v1;
	_ =	sdelay $0x1  }
0x17e: {  	v0 =	vmul.f32 v0, v28;
	_ =	sdelay $0x1  }
0x17f: {  	[tilespmem:$0xF280] =	vst v0  }
0x180: {  	v0 =	vld.idx.msk [tilespmem:v30+s5+$0x0], $0xffff  }
0x181: {  	v32 =	vld.idx.msk [tilespmem:v31+s5+$0x0], $0xffff;
	_ =	sdelay $0x1  }
0x182: {  	v33 =	vld [tilespmem:$0xC790];
	_ =	sdelay $0x2  }
0x183: {  	v0 =	vsub.f32 v0, v32;
	_ =	sdelay $0x1  }
0x184: {  	v0 =	vmul.f32 v0, v33;
	_ =	sdelay $0x1  }
0x185: {  	[tilespmem:$0xF190] =	vst v0  }
0x186: {  	v0 =	vld.idx.msk [tilespmem:v30+s17+$0x0], $0xffff  }
0x187: {  	v34 =	vld.idx.msk [tilespmem:v31+s17+$0x0], $0xffff;
	_ =	sdelay $0x4  }
0x188: {  	v0 =	vsub.f32 v0, v34;
	_ =	sdelay $0x1  }
0x189: {  	v0 =	vmul.f32 v0, v33;
	_ =	sdelay $0x1  }
0x18a: {  	[tilespmem:$0xF210] =	vst v0  }
0x18b: {  	v0 =	vld.idx.msk [tilespmem:v30+s18+$0x0], $0xffff  }
0x18c: {  	v35 =	vld.idx.msk [tilespmem:v31+s18+$0x0], $0xffff;
	_ =	sdelay $0x1  }
0x18d: {  	v36 =	vld [tilespmem:$0x77A0]  }
0x18e: {  	v37 =	vld [tilespmem:$0x9FA0];
	_ =	sdelay $0x1  }
0x18f: {  	v0 =	vsub.f32 v0, v35;
	_ =	sdelay $0x1  }
0x190: {  	v0 =	vmul.f32 v0, v33;
	_ =	sdelay $0x1  }
0x191: {  	[tilespmem:$0xF290] =	vst v0  }
0x192: {  	v0 =	vld.idx.msk [tilespmem:v36+s5+$0x0], $0xffff  }
0x193: {  	v38 =	vld.idx.msk [tilespmem:v37+s5+$0x0], $0xffff;
	_ =	sdelay $0x1  }
0x194: {  	v39 =	vld [tilespmem:$0xC7A0];
	_ =	sdelay $0x2  }
0x195: {  	v0 =	vsub.f32 v0, v38;
	_ =	sdelay $0x1  }
0x196: {  	v0 =	vmul.f32 v0, v39;
	_ =	sdelay $0x1  }
0x197: {  	[tilespmem:$0xF1A0] =	vst v0  }
0x198: {  	v0 =	vld.idx.msk [tilespmem:v36+s17+$0x0], $0xffff  }
0x199: {  	v40 =	vld.idx.msk [tilespmem:v37+s17+$0x0], $0xffff;
	_ =	sdelay $0x4  }
0x19a: {  	v0 =	vsub.f32 v0, v40;
	_ =	sdelay $0x1  }
0x19b: {  	v0 =	vmul.f32 v0, v39;
	_ =	sdelay $0x1  }
0x19c: {  	[tilespmem:$0xF220] =	vst v0  }
0x19d: {  	v0 =	vld.idx.msk [tilespmem:v36+s18+$0x0], $0xffff  }
0x19e: {  	v41 =	vld.idx.msk [tilespmem:v37+s18+$0x0], $0xffff;
	_ =	sdelay $0x1  }
0x19f: {  	v42 =	vld [tilespmem:$0x77B0]  }
0x1a0: {  	v43 =	vld [tilespmem:$0x9FB0];
	_ =	sdelay $0x1  }
0x1a1: {  	v0 =	vsub.f32 v0, v41;
	_ =	sdelay $0x1  }
0x1a2: {  	v0 =	vmul.f32 v0, v39;
	_ =	sdelay $0x1  }
0x1a3: {  	[tilespmem:$0xF2A0] =	vst v0  }
0x1a4: {  	v0 =	vld.idx.msk [tilespmem:v42+s5+$0x0], $0xffff  }
0x1a5: {  	v44 =	vld.idx.msk [tilespmem:v43+s5+$0x0], $0xffff;
	_ =	sdelay $0x1  }
0x1a6: {  	v45 =	vld [tilespmem:$0xC7B0];
	_ =	sdelay $0x2  }
0x1a7: {  	v0 =	vsub.f32 v0, v44;
	_ =	sdelay $0x1  }
0x1a8: {  	v0 =	vmul.f32 v0, v45;
	_ =	sdelay $0x1  }
0x1a9: {  	[tilespmem:$0xF1B0] =	vst v0  }
0x1aa: {  	v0 =	vld.idx.msk [tilespmem:v42+s17+$0x0], $0xffff  }
0x1ab: {  	v46 =	vld.idx.msk [tilespmem:v43+s17+$0x0], $0xffff;
	_ =	sdelay $0x4  }
0x1ac: {  	v0 =	vsub.f32 v0, v46;
	_ =	sdelay $0x1  }
0x1ad: {  	v0 =	vmul.f32 v0, v45;
	_ =	sdelay $0x1  }
0x1ae: {  	[tilespmem:$0xF230] =	vst v0  }
0x1af: {  	v0 =	vld.idx.msk [tilespmem:v42+s18+$0x0], $0xffff  }
0x1b0: {  	v47 =	vld.idx.msk [tilespmem:v43+s18+$0x0], $0xffff;
	_ =	sdelay $0x1  }
0x1b1: {  	v48 =	vld [tilespmem:$0x77C0]  }
0x1b2: {  	v49 =	vld [tilespmem:$0x9FC0];
	_ =	sdelay $0x1  }
0x1b3: {  	v0 =	vsub.f32 v0, v47;
	_ =	sdelay $0x1  }
0x1b4: {  	v0 =	vmul.f32 v0, v45;
	_ =	sdelay $0x1  }
0x1b5: {  	[tilespmem:$0xF2B0] =	vst v0  }
0x1b6: {  	v0 =	vld.idx.msk [tilespmem:v48+s5+$0x0], $0xffff  }
0x1b7: {  	v50 =	vld.idx.msk [tilespmem:v49+s5+$0x0], $0xffff;
	_ =	sdelay $0x1  }
0x1b8: {  	v51 =	vld [tilespmem:$0xC7C0];
	_ =	sdelay $0x2  }
0x1b9: {  	v0 =	vsub.f32 v0, v50;
	_ =	sdelay $0x1  }
0x1ba: {  	v0 =	vmul.f32 v0, v51;
	_ =	sdelay $0x1  }
0x1bb: {  	[tilespmem:$0xF1C0] =	vst v0  }
0x1bc: {  	v0 =	vld.idx.msk [tilespmem:v48+s17+$0x0], $0xffff  }
0x1bd: {  	v52 =	vld.idx.msk [tilespmem:v49+s17+$0x0], $0xffff;
	_ =	sdelay $0x4  }
0x1be: {  	v0 =	vsub.f32 v0, v52;
	_ =	sdelay $0x1  }
0x1bf: {  	v0 =	vmul.f32 v0, v51;
	_ =	sdelay $0x1  }
0x1c0: {  	[tilespmem:$0xF240] =	vst v0  }
0x1c1: {  	v0 =	vld.idx.msk [tilespmem:v48+s18+$0x0], $0xffff  }
0x1c2: {  	v53 =	vld.idx.msk [tilespmem:v49+s18+$0x0], $0xffff;
	_ =	sdelay $0x1  }
0x1c3: {  	v54 =	vld [tilespmem:$0x77D0]  }
0x1c4: {  	v55 =	vld [tilespmem:$0x9FD0];
	_ =	sdelay $0x1  }
0x1c5: {  	v0 =	vsub.f32 v0, v53;
	_ =	sdelay $0x1  }
0x1c6: {  	v0 =	vmul.f32 v0, v51;
	_ =	sdelay $0x1  }
0x1c7: {  	[tilespmem:$0xF2C0] =	vst v0  }
0x1c8: {  	v0 =	vld.idx.msk [tilespmem:v54+s5+$0x0], $0xffff  }
0x1c9: {  	v56 =	vld.idx.msk [tilespmem:v55+s5+$0x0], $0xffff;
	_ =	sdelay $0x1  }
0x1ca: {  	v57 =	vld [tilespmem:$0xC7D0];
	_ =	sdelay $0x2  }
0x1cb: {  	v0 =	vsub.f32 v0, v56;
	_ =	sdelay $0x1  }
0x1cc: {  	v0 =	vmul.f32 v0, v57;
	_ =	sdelay $0x1  }
0x1cd: {  	[tilespmem:$0xF1D0] =	vst v0  }
0x1ce: {  	v0 =	vld.idx.msk [tilespmem:v54+s17+$0x0], $0xffff  }
0x1cf: {  	v58 =	vld.idx.msk [tilespmem:v55+s17+$0x0], $0xffff;
	_ =	sdelay $0x4  }
0x1d0: {  	v0 =	vsub.f32 v0, v58;
	_ =	sdelay $0x1  }
0x1d1: {  	v0 =	vmul.f32 v0, v57;
	_ =	sdelay $0x1  }
0x1d2: {  	[tilespmem:$0xF250] =	vst v0  }
0x1d3: {  	v0 =	vld.idx.msk [tilespmem:v54+s18+$0x0], $0xffff  }
0x1d4: {  	v59 =	vld.idx.msk [tilespmem:v55+s18+$0x0], $0xffff;
	_ =	sdelay $0x1  }
0x1d5: {  	v60 =	vld [tilespmem:$0x77E0]  }
0x1d6: {  	v61 =	vld [tilespmem:$0x9FE0];
	_ =	sdelay $0x1  }
0x1d7: {  	v0 =	vsub.f32 v0, v59;
	_ =	sdelay $0x1  }
0x1d8: {  	v0 =	vmul.f32 v0, v57;
	_ =	sdelay $0x1  }
0x1d9: {  	[tilespmem:$0xF2D0] =	vst v0  }
0x1da: {  	v0 =	vld.idx.msk [tilespmem:v60+s5+$0x0], $0xffff  }
0x1db: {  	v62 =	vld.idx.msk [tilespmem:v61+s5+$0x0], $0xffff;
	_ =	sdelay $0x1  }
0x1dc: {  	v63 =	vld [tilespmem:$0xC7E0];
	_ =	sdelay $0x2  }
0x1dd: {  	v0 =	vsub.f32 v0, v62;
	_ =	sdelay $0x1  }
0x1de: {  	v0 =	vmul.f32 v0, v63;
	_ =	sdelay $0x1  }
0x1df: {  	[tilespmem:$0xF1E0] =	vst v0  }
0x1e0: {  	v0 =	vld.idx.msk [tilespmem:v60+s17+$0x0], $0xffff  }
0x1e1: {  	v8 =	vld.idx.msk [tilespmem:v61+s17+$0x0], $0xffff;
	_ =	sdelay $0x4  }
0x1e2: {  	v0 =	vsub.f32 v0, v8;
	_ =	sdelay $0x1  }
0x1e3: {  	v0 =	vmul.f32 v0, v63;
	_ =	sdelay $0x1  }
0x1e4: {  	[tilespmem:$0xF260] =	vst v0  }
0x1e5: {  	v0 =	vld.idx.msk [tilespmem:v60+s18+$0x0], $0xffff  }
0x1e6: {  	v9 =	vld.idx.msk [tilespmem:v61+s18+$0x0], $0xffff;
	_ =	sdelay $0x1  }
0x1e7: {  	v10 =	vld [tilespmem:$0x77F0]  }
0x1e8: {  	v11 =	vld [tilespmem:$0x9FF0];
	_ =	sdelay $0x1  }
0x1e9: {  	v0 =	vsub.f32 v0, v9;
	_ =	sdelay $0x1  }
0x1ea: {  	v0 =	vmul.f32 v0, v63;
	_ =	sdelay $0x1  }
0x1eb: {  	[tilespmem:$0xF2E0] =	vst v0  }
0x1ec: {  	v0 =	vld.idx.msk [tilespmem:v10+s5+$0x0], $0xffff  }
0x1ed: {  	v12 =	vld.idx.msk [tilespmem:v11+s5+$0x0], $0xffff;
	_ =	sdelay $0x1  }
0x1ee: {  	v13 =	vld [tilespmem:$0xC7F0];
	_ =	sdelay $0x2  }
0x1ef: {  	v0 =	vsub.f32 v0, v12;
	_ =	sdelay $0x1  }
0x1f0: {  	v0 =	vmul.f32 v0, v13;
	_ =	sdelay $0x1  }
0x1f1: {  	[tilespmem:$0xF1F0] =	vst v0  }
0x1f2: {  	v0 =	vld.idx.msk [tilespmem:v10+s17+$0x0], $0xffff  }
0x1f3: {  	v14 =	vld.idx.msk [tilespmem:v11+s17+$0x0], $0xffff;
	_ =	sdelay $0x4  }
0x1f4: {  	v0 =	vsub.f32 v0, v14;
	_ =	sdelay $0x1  }
0x1f5: {  	v0 =	vmul.f32 v0, v13;
	_ =	sdelay $0x1  }
0x1f6: {  	[tilespmem:$0xF270] =	vst v0  }
0x1f7: {  	v0 =	vld.idx.msk [tilespmem:v10+s18+$0x0], $0xffff  }
0x1f8: {  	v15 =	vld.idx.msk [tilespmem:v11+s18+$0x0], $0xffff;
	_ =	sdelay $0x4  }
0x1f9: {  	v0 =	vsub.f32 v0, v15;
	_ =	sdelay $0x1  }
0x1fa: {  	v0 =	vmul.f32 v0, v13;
	_ =	sdelay $0x1  }
0x1fb: {  	s23 =	simm.s32 $0x9F80;
	[tilespmem:$0xF2F0] =	vst v0  }
0x1fc: {  	[spmem:s1] =	stream.indirect.scatter.add.f32 [tilespmem:s0], [sflag:$0x3], $0x1, s23, s25, $0xb8;
	[tilespmem:$0xFBE8] =	vst v63  }
0x1fd: {  	_ = 	snop  }
0x1fe: {  	[spmem:s2] =	stream.indirect.scatter.add.f32 [tilespmem:s6], [sflag:$0x3], $0x1, s23, s25, $0xb8;
	[tilespmem:$0xFBE8] =	vst v63  }
0x1ff: {  	_ = 	snop  }
0x200: {  	[spmem:s4] =	stream.indirect.scatter.add.f32 [tilespmem:s7], [sflag:$0x3], $0x1, s23, s25, $0xb8;
	[tilespmem:$0xFBE8] =	vst v63  }
0x201: {  	v16 =	vld [tilespmem:$0x7800]  }
0x202: {  	v17 =	vld [tilespmem:$0xA000];
	_ =	sdelay $0x6  }
0x203: {  	v18 =	vld.idx.msk [tilespmem:v16+s5+$0x0], $0xffff  }
0x204: {  	v19 =	vld.idx.msk [tilespmem:v17+s5+$0x0], $0xffff;
	_ =	sdelay $0x1  }
0x205: {  	v20 =	vld [tilespmem:$0xC800];
	_ =	sdelay $0x2  }
0x206: {  	v2 =	vsub.f32 v18, v19;
	_ =	sdelay $0x1  }
0x207: {  	v2 =	vmul.f32 v2, v20;
	_ =	sdelay $0x1  }
0x208: {  	[tilespmem:$0xF300] =	vst v2  }
0x209: {  	v2 =	vld.idx.msk [tilespmem:v16+s17+$0x0], $0xffff  }
0x20a: {  	v21 =	vld.idx.msk [tilespmem:v17+s17+$0x0], $0xffff;
	_ =	sdelay $0x4  }
0x20b: {  	v2 =	vsub.f32 v2, v21;
	_ =	sdelay $0x1  }
0x20c: {  	v2 =	vmul.f32 v2, v20;
	_ =	sdelay $0x1  }
0x20d: {  	[tilespmem:$0xF380] =	vst v2  }
0x20e: {  	v0 =	vld.idx.msk [tilespmem:v16+s18+$0x0], $0xffff  }
0x20f: {  	v1 =	vld.idx.msk [tilespmem:v17+s18+$0x0], $0xffff;
	_ =	sdelay $0x1  }
0x210: {  	v22 =	vld [tilespmem:$0x7810]  }
0x211: {  	v23 =	vld [tilespmem:$0xA010];
	_ =	sdelay $0x1  }
0x212: {  	v0 =	vsub.f32 v0, v1;
	_ =	sdelay $0x1  }
0x213: {  	v0 =	vmul.f32 v0, v20;
	_ =	sdelay $0x1  }
0x214: {  	[tilespmem:$0xF400] =	vst v0  }
0x215: {  	v0 =	vld.idx.msk [tilespmem:v22+s5+$0x0], $0xffff  }
0x216: {  	v24 =	vld.idx.msk [tilespmem:v23+s5+$0x0], $0xffff;
	_ =	sdelay $0x1  }
0x217: {  	v25 =	vld [tilespmem:$0xC810];
	_ =	sdelay $0x2  }
0x218: {  	v0 =	vsub.f32 v0, v24;
	_ =	sdelay $0x1  }
0x219: {  	v0 =	vmul.f32 v0, v25;
	_ =	sdelay $0x1  }
0x21a: {  	[tilespmem:$0xF310] =	vst v0  }
0x21b: {  	v0 =	vld.idx.msk [tilespmem:v22+s17+$0x0], $0xffff  }
0x21c: {  	v26 =	vld.idx.msk [tilespmem:v23+s17+$0x0], $0xffff;
	_ =	sdelay $0x4  }
0x21d: {  	v0 =	vsub.f32 v0, v26;
	_ =	sdelay $0x1  }
0x21e: {  	v0 =	vmul.f32 v0, v25;
	_ =	sdelay $0x1  }
0x21f: {  	[tilespmem:$0xF390] =	vst v0  }
0x220: {  	v0 =	vld.idx.msk [tilespmem:v22+s18+$0x0], $0xffff  }
0x221: {  	v27 =	vld.idx.msk [tilespmem:v23+s18+$0x0], $0xffff;
	_ =	sdelay $0x1  }
0x222: {  	v28 =	vld [tilespmem:$0x7820]  }
0x223: {  	v29 =	vld [tilespmem:$0xA020];
	_ =	sdelay $0x1  }
0x224: {  	v0 =	vsub.f32 v0, v27;
	_ =	sdelay $0x1  }
0x225: {  	v0 =	vmul.f32 v0, v25;
	_ =	sdelay $0x1  }
0x226: {  	[tilespmem:$0xF410] =	vst v0  }
0x227: {  	v0 =	vld.idx.msk [tilespmem:v28+s5+$0x0], $0xffff  }
0x228: {  	v30 =	vld.idx.msk [tilespmem:v29+s5+$0x0], $0xffff;
	_ =	sdelay $0x1  }
0x229: {  	v31 =	vld [tilespmem:$0xC820];
	_ =	sdelay $0x2  }
0x22a: {  	v0 =	vsub.f32 v0, v30;
	_ =	sdelay $0x1  }
0x22b: {  	v0 =	vmul.f32 v0, v31;
	_ =	sdelay $0x1  }
0x22c: {  	[tilespmem:$0xF320] =	vst v0  }
0x22d: {  	v0 =	vld.idx.msk [tilespmem:v28+s17+$0x0], $0xffff  }
0x22e: {  	v32 =	vld.idx.msk [tilespmem:v29+s17+$0x0], $0xffff;
	_ =	sdelay $0x4  }
0x22f: {  	v0 =	vsub.f32 v0, v32;
	_ =	sdelay $0x1  }
0x230: {  	v0 =	vmul.f32 v0, v31;
	_ =	sdelay $0x1  }
0x231: {  	[tilespmem:$0xF3A0] =	vst v0  }
0x232: {  	v0 =	vld.idx.msk [tilespmem:v28+s18+$0x0], $0xffff  }
0x233: {  	v33 =	vld.idx.msk [tilespmem:v29+s18+$0x0], $0xffff;
	_ =	sdelay $0x1  }
0x234: {  	v34 =	vld [tilespmem:$0x7830]  }
0x235: {  	v35 =	vld [tilespmem:$0xA030];
	_ =	sdelay $0x1  }
0x236: {  	v0 =	vsub.f32 v0, v33;
	_ =	sdelay $0x1  }
0x237: {  	v0 =	vmul.f32 v0, v31;
	_ =	sdelay $0x1  }
0x238: {  	[tilespmem:$0xF420] =	vst v0  }
0x239: {  	v0 =	vld.idx.msk [tilespmem:v34+s5+$0x0], $0xffff  }
0x23a: {  	v36 =	vld.idx.msk [tilespmem:v35+s5+$0x0], $0xffff;
	_ =	sdelay $0x1  }
0x23b: {  	v37 =	vld [tilespmem:$0xC830];
	_ =	sdelay $0x2  }
0x23c: {  	v0 =	vsub.f32 v0, v36;
	_ =	sdelay $0x1  }
0x23d: {  	v0 =	vmul.f32 v0, v37;
	_ =	sdelay $0x1  }
0x23e: {  	[tilespmem:$0xF330] =	vst v0  }
0x23f: {  	v0 =	vld.idx.msk [tilespmem:v34+s17+$0x0], $0xffff  }
0x240: {  	v38 =	vld.idx.msk [tilespmem:v35+s17+$0x0], $0xffff;
	_ =	sdelay $0x4  }
0x241: {  	v0 =	vsub.f32 v0, v38;
	_ =	sdelay $0x1  }
0x242: {  	v0 =	vmul.f32 v0, v37;
	_ =	sdelay $0x1  }
0x243: {  	[tilespmem:$0xF3B0] =	vst v0  }
0x244: {  	v0 =	vld.idx.msk [tilespmem:v34+s18+$0x0], $0xffff  }
0x245: {  	v39 =	vld.idx.msk [tilespmem:v35+s18+$0x0], $0xffff;
	_ =	sdelay $0x1  }
0x246: {  	v40 =	vld [tilespmem:$0x7840]  }
0x247: {  	v41 =	vld [tilespmem:$0xA040];
	_ =	sdelay $0x1  }
0x248: {  	v0 =	vsub.f32 v0, v39;
	_ =	sdelay $0x1  }
0x249: {  	v0 =	vmul.f32 v0, v37;
	_ =	sdelay $0x1  }
0x24a: {  	[tilespmem:$0xF430] =	vst v0  }
0x24b: {  	v0 =	vld.idx.msk [tilespmem:v40+s5+$0x0], $0xffff  }
0x24c: {  	v42 =	vld.idx.msk [tilespmem:v41+s5+$0x0], $0xffff;
	_ =	sdelay $0x1  }
0x24d: {  	v43 =	vld [tilespmem:$0xC840];
	_ =	sdelay $0x2  }
0x24e: {  	v0 =	vsub.f32 v0, v42;
	_ =	sdelay $0x1  }
0x24f: {  	v0 =	vmul.f32 v0, v43;
	_ =	sdelay $0x1  }
0x250: {  	[tilespmem:$0xF340] =	vst v0  }
0x251: {  	v0 =	vld.idx.msk [tilespmem:v40+s17+$0x0], $0xffff  }
0x252: {  	v44 =	vld.idx.msk [tilespmem:v41+s17+$0x0], $0xffff;
	_ =	sdelay $0x4  }
0x253: {  	v0 =	vsub.f32 v0, v44;
	_ =	sdelay $0x1  }
0x254: {  	v0 =	vmul.f32 v0, v43;
	_ =	sdelay $0x1  }
0x255: {  	[tilespmem:$0xF3C0] =	vst v0  }
0x256: {  	v0 =	vld.idx.msk [tilespmem:v40+s18+$0x0], $0xffff  }
0x257: {  	v45 =	vld.idx.msk [tilespmem:v41+s18+$0x0], $0xffff;
	_ =	sdelay $0x1  }
0x258: {  	v46 =	vld [tilespmem:$0x7850]  }
0x259: {  	v47 =	vld [tilespmem:$0xA050];
	_ =	sdelay $0x1  }
0x25a: {  	v0 =	vsub.f32 v0, v45;
	_ =	sdelay $0x1  }
0x25b: {  	v0 =	vmul.f32 v0, v43;
	_ =	sdelay $0x1  }
0x25c: {  	[tilespmem:$0xF440] =	vst v0  }
0x25d: {  	v0 =	vld.idx.msk [tilespmem:v46+s5+$0x0], $0xffff  }
0x25e: {  	v48 =	vld.idx.msk [tilespmem:v47+s5+$0x0], $0xffff;
	_ =	sdelay $0x1  }
0x25f: {  	v49 =	vld [tilespmem:$0xC850];
	_ =	sdelay $0x2  }
0x260: {  	v0 =	vsub.f32 v0, v48;
	_ =	sdelay $0x1  }
0x261: {  	v0 =	vmul.f32 v0, v49;
	_ =	sdelay $0x1  }
0x262: {  	[tilespmem:$0xF350] =	vst v0  }
0x263: {  	v0 =	vld.idx.msk [tilespmem:v46+s17+$0x0], $0xffff  }
0x264: {  	v50 =	vld.idx.msk [tilespmem:v47+s17+$0x0], $0xffff;
	_ =	sdelay $0x4  }
0x265: {  	v0 =	vsub.f32 v0, v50;
	_ =	sdelay $0x1  }
0x266: {  	v0 =	vmul.f32 v0, v49;
	_ =	sdelay $0x1  }
0x267: {  	[tilespmem:$0xF3D0] =	vst v0  }
0x268: {  	v0 =	vld.idx.msk [tilespmem:v46+s18+$0x0], $0xffff  }
0x269: {  	v51 =	vld.idx.msk [tilespmem:v47+s18+$0x0], $0xffff;
	_ =	sdelay $0x1  }
0x26a: {  	v52 =	vld [tilespmem:$0x7860]  }
0x26b: {  	v53 =	vld [tilespmem:$0xA060];
	_ =	sdelay $0x1  }
0x26c: {  	v0 =	vsub.f32 v0, v51;
	_ =	sdelay $0x1  }
0x26d: {  	v0 =	vmul.f32 v0, v49;
	_ =	sdelay $0x1  }
0x26e: {  	[tilespmem:$0xF450] =	vst v0  }
0x26f: {  	v0 =	vld.idx.msk [tilespmem:v52+s5+$0x0], $0xffff  }
0x270: {  	v54 =	vld.idx.msk [tilespmem:v53+s5+$0x0], $0xffff;
	_ =	sdelay $0x1  }
0x271: {  	v55 =	vld [tilespmem:$0xC860];
	_ =	sdelay $0x2  }
0x272: {  	v0 =	vsub.f32 v0, v54;
	_ =	sdelay $0x1  }
0x273: {  	v0 =	vmul.f32 v0, v55;
	_ =	sdelay $0x1  }
0x274: {  	[tilespmem:$0xF360] =	vst v0  }
0x275: {  	v0 =	vld.idx.msk [tilespmem:v52+s17+$0x0], $0xffff  }
0x276: {  	v56 =	vld.idx.msk [tilespmem:v53+s17+$0x0], $0xffff;
	_ =	sdelay $0x4  }
0x277: {  	v0 =	vsub.f32 v0, v56;
	_ =	sdelay $0x1  }
0x278: {  	v0 =	vmul.f32 v0, v55;
	_ =	sdelay $0x1  }
0x279: {  	[tilespmem:$0xF3E0] =	vst v0  }
0x27a: {  	v0 =	vld.idx.msk [tilespmem:v52+s18+$0x0], $0xffff  }
0x27b: {  	v57 =	vld.idx.msk [tilespmem:v53+s18+$0x0], $0xffff;
	_ =	sdelay $0x1  }
0x27c: {  	v58 =	vld [tilespmem:$0x7870]  }
0x27d: {  	v59 =	vld [tilespmem:$0xA070];
	_ =	sdelay $0x1  }
0x27e: {  	v0 =	vsub.f32 v0, v57;
	_ =	sdelay $0x1  }
0x27f: {  	v0 =	vmul.f32 v0, v55;
	_ =	sdelay $0x1  }
0x280: {  	[tilespmem:$0xF460] =	vst v0  }
0x281: {  	v0 =	vld.idx.msk [tilespmem:v58+s5+$0x0], $0xffff  }
0x282: {  	v60 =	vld.idx.msk [tilespmem:v59+s5+$0x0], $0xffff;
	_ =	sdelay $0x1  }
0x283: {  	v61 =	vld [tilespmem:$0xC870];
	_ =	sdelay $0x2  }
0x284: {  	v0 =	vsub.f32 v0, v60;
	_ =	sdelay $0x1  }
0x285: {  	v0 =	vmul.f32 v0, v61;
	_ =	sdelay $0x1  }
0x286: {  	[tilespmem:$0xF370] =	vst v0  }
0x287: {  	v0 =	vld.idx.msk [tilespmem:v58+s17+$0x0], $0xffff  }
0x288: {  	v62 =	vld.idx.msk [tilespmem:v59+s17+$0x0], $0xffff;
	_ =	sdelay $0x4  }
0x289: {  	v0 =	vsub.f32 v0, v62;
	_ =	sdelay $0x1  }
0x28a: {  	v0 =	vmul.f32 v0, v61;
	_ =	sdelay $0x1  }
0x28b: {  	[tilespmem:$0xF3F0] =	vst v0  }
0x28c: {  	v0 =	vld.idx.msk [tilespmem:v58+s18+$0x0], $0xffff  }
0x28d: {  	v63 =	vld.idx.msk [tilespmem:v59+s18+$0x0], $0xffff;
	_ =	sdelay $0x4  }
0x28e: {  	v0 =	vsub.f32 v0, v63;
	_ =	sdelay $0x1  }
0x28f: {  	v0 =	vmul.f32 v0, v61;
	_ =	sdelay $0x1  }
0x290: {  	s24 =	simm.s32 $0xA000;
	[tilespmem:$0xF470] =	vst v0  }
0x291: {  	[spmem:s1] =	stream.indirect.scatter.add.f32 [tilespmem:s10], [sflag:$0x4], $0x1, s24, s25, $0xb8;
	[tilespmem:$0xFBE8] =	vst v63  }
0x292: {  	_ = 	snop  }
0x293: {  	[spmem:s2] =	stream.indirect.scatter.add.f32 [tilespmem:s11], [sflag:$0x4], $0x1, s24, s25, $0xb8;
	[tilespmem:$0xFBE8] =	vst v63  }
0x294: {  	s9 =	simm.s32 $0x0  }
0x295: {  	[spmem:s4] =	stream.indirect.scatter.add.f32 [tilespmem:s12], [sflag:$0x4], $0x1, s24, s25, $0xb8;
	[tilespmem:$0xFBE8] =	vst v63  }
.LBB2_2:
0x296: {  	_ =	swait.ge [sflag:s13], $0x80  }
0x297: {  	[sflag:s13] =	ssyncset.done $0x0  }
0x298: {  	[sflag:s13] =	ssyncadd.s32 $0xFFFFFF80  }
0x299: {  	_ =	swait.ge [sflag:s13], $0x80  }
0x29a: {  	[sflag:s13] =	ssyncset.done $0x0  }
0x29b: {  	[sflag:s13] =	ssyncadd.s32 $0xFFFFFF80  }
0x29c: {  	_ =	swait.ge [sflag:s13], $0x80  }
0x29d: {  	[sflag:s13] =	ssyncset.done $0x0  }
0x29e: {  	s20 =	sshra.s32 s9, $0x2;
	[sflag:s13] =	ssyncadd.s32 $0xFFFFFF80  }
0x29f: {  	v0 =	vld [tilespmem:s20+$0x7880]  }
0x2a0: {  	v1 =	vld [tilespmem:s20+$0xA080];
	_ =	sdelay $0x6  }
0x2a1: {  	v2 =	vld.idx.msk [tilespmem:v0+s5+$0x0], $0xffff  }
0x2a2: {  	v3 =	vld.idx.msk [tilespmem:v1+s5+$0x0], $0xffff;
	_ =	sdelay $0x1  }
0x2a3: {  	v4 =	vld [tilespmem:s20+$0xC880];
	_ =	sdelay $0x2  }
0x2a4: {  	v2 =	vsub.f32 v2, v3;
	_ =	sdelay $0x1  }
0x2a5: {  	v2 =	vmul.f32 v2, v4;
	_ =	sdelay $0x1  }
0x2a6: {  	[tilespmem:$0xEE80] =	vst v2  }
0x2a7: {  	v2 =	vld.idx.msk [tilespmem:v0+s17+$0x0], $0xffff  }
0x2a8: {  	v45 =	vld.idx.msk [tilespmem:v1+s17+$0x0], $0xffff;
	_ =	sdelay $0x4  }
0x2a9: {  	v2 =	vsub.f32 v2, v45;
	_ =	sdelay $0x1  }
0x2aa: {  	v2 =	vmul.f32 v2, v4;
	_ =	sdelay $0x1  }
0x2ab: {  	[tilespmem:$0xEF00] =	vst v2  }
0x2ac: {  	v0 =	vld.idx.msk [tilespmem:v0+s18+$0x0], $0xffff  }
0x2ad: {  	v1 =	vld.idx.msk [tilespmem:v1+s18+$0x0], $0xffff;
	_ =	sdelay $0x4  }
0x2ae: {  	v0 =	vsub.f32 v0, v1;
	_ =	sdelay $0x1  }
0x2af: {  	v0 =	vmul.f32 v0, v4;
	_ =	sdelay $0x1  }
0x2b0: {  	[tilespmem:$0xEF80] =	vst v0  }
0x2b1: {  	v0 =	vld [tilespmem:s20+$0x7890]  }
0x2b2: {  	v46 =	vld [tilespmem:s20+$0xA090];
	_ =	sdelay $0x6  }
0x2b3: {  	v2 =	vld.idx.msk [tilespmem:v0+s5+$0x0], $0xffff  }
0x2b4: {  	v47 =	vld.idx.msk [tilespmem:v46+s5+$0x0], $0xffff;
	_ =	sdelay $0x1  }
0x2b5: {  	v48 =	vld [tilespmem:s20+$0xC890];
	_ =	sdelay $0x2  }
0x2b6: {  	v2 =	vsub.f32 v2, v47;
	_ =	sdelay $0x1  }
0x2b7: {  	v2 =	vmul.f32 v2, v48;
	_ =	sdelay $0x1  }
0x2b8: {  	[tilespmem:$0xEE90] =	vst v2  }
0x2b9: {  	v2 =	vld.idx.msk [tilespmem:v0+s17+$0x0], $0xffff  }
0x2ba: {  	v49 =	vld.idx.msk [tilespmem:v46+s17+$0x0], $0xffff;
	_ =	sdelay $0x4  }
0x2bb: {  	v2 =	vsub.f32 v2, v49;
	_ =	sdelay $0x1  }
0x2bc: {  	v2 =	vmul.f32 v2, v48;
	_ =	sdelay $0x1  }
0x2bd: {  	[tilespmem:$0xEF10] =	vst v2  }
0x2be: {  	v0 =	vld.idx.msk [tilespmem:v0+s18+$0x0], $0xffff  }
0x2bf: {  	v1 =	vld.idx.msk [tilespmem:v46+s18+$0x0], $0xffff;
	_ =	sdelay $0x4  }
0x2c0: {  	v0 =	vsub.f32 v0, v1;
	_ =	sdelay $0x1  }
0x2c1: {  	v0 =	vmul.f32 v0, v48;
	_ =	sdelay $0x1  }
0x2c2: {  	[tilespmem:$0xEF90] =	vst v0  }
0x2c3: {  	v0 =	vld [tilespmem:s20+$0x78A0]  }
0x2c4: {  	v50 =	vld [tilespmem:s20+$0xA0A0];
	_ =	sdelay $0x6  }
0x2c5: {  	v2 =	vld.idx.msk [tilespmem:v0+s5+$0x0], $0xffff  }
0x2c6: {  	v51 =	vld.idx.msk [tilespmem:v50+s5+$0x0], $0xffff;
	_ =	sdelay $0x1  }
0x2c7: {  	v52 =	vld [tilespmem:s20+$0xC8A0];
	_ =	sdelay $0x2  }
0x2c8: {  	v2 =	vsub.f32 v2, v51;
	_ =	sdelay $0x1  }
0x2c9: {  	v2 =	vmul.f32 v2, v52;
	_ =	sdelay $0x1  }
0x2ca: {  	[tilespmem:$0xEEA0] =	vst v2  }
0x2cb: {  	v2 =	vld.idx.msk [tilespmem:v0+s17+$0x0], $0xffff  }
0x2cc: {  	v53 =	vld.idx.msk [tilespmem:v50+s17+$0x0], $0xffff;
	_ =	sdelay $0x4  }
0x2cd: {  	v2 =	vsub.f32 v2, v53;
	_ =	sdelay $0x1  }
0x2ce: {  	v2 =	vmul.f32 v2, v52;
	_ =	sdelay $0x1  }
0x2cf: {  	[tilespmem:$0xEF20] =	vst v2  }
0x2d0: {  	v0 =	vld.idx.msk [tilespmem:v0+s18+$0x0], $0xffff  }
0x2d1: {  	v1 =	vld.idx.msk [tilespmem:v50+s18+$0x0], $0xffff;
	_ =	sdelay $0x4  }
0x2d2: {  	v0 =	vsub.f32 v0, v1;
	_ =	sdelay $0x1  }
0x2d3: {  	v0 =	vmul.f32 v0, v52;
	_ =	sdelay $0x1  }
0x2d4: {  	[tilespmem:$0xEFA0] =	vst v0  }
0x2d5: {  	v0 =	vld [tilespmem:s20+$0x78B0]  }
0x2d6: {  	v54 =	vld [tilespmem:s20+$0xA0B0];
	_ =	sdelay $0x6  }
0x2d7: {  	v2 =	vld.idx.msk [tilespmem:v0+s5+$0x0], $0xffff  }
0x2d8: {  	v55 =	vld.idx.msk [tilespmem:v54+s5+$0x0], $0xffff;
	_ =	sdelay $0x1  }
0x2d9: {  	v56 =	vld [tilespmem:s20+$0xC8B0];
	_ =	sdelay $0x2  }
0x2da: {  	v2 =	vsub.f32 v2, v55;
	_ =	sdelay $0x1  }
0x2db: {  	v2 =	vmul.f32 v2, v56;
	_ =	sdelay $0x1  }
0x2dc: {  	[tilespmem:$0xEEB0] =	vst v2  }
0x2dd: {  	v2 =	vld.idx.msk [tilespmem:v0+s17+$0x0], $0xffff  }
0x2de: {  	v57 =	vld.idx.msk [tilespmem:v54+s17+$0x0], $0xffff;
	_ =	sdelay $0x4  }
0x2df: {  	v2 =	vsub.f32 v2, v57;
	_ =	sdelay $0x1  }
0x2e0: {  	v2 =	vmul.f32 v2, v56;
	_ =	sdelay $0x1  }
0x2e1: {  	[tilespmem:$0xEF30] =	vst v2  }
0x2e2: {  	v0 =	vld.idx.msk [tilespmem:v0+s18+$0x0], $0xffff  }
0x2e3: {  	v1 =	vld.idx.msk [tilespmem:v54+s18+$0x0], $0xffff;
	_ =	sdelay $0x4  }
0x2e4: {  	v0 =	vsub.f32 v0, v1;
	_ =	sdelay $0x1  }
0x2e5: {  	v0 =	vmul.f32 v0, v56;
	_ =	sdelay $0x1  }
0x2e6: {  	[tilespmem:$0xEFB0] =	vst v0  }
0x2e7: {  	v0 =	vld [tilespmem:s20+$0x78C0]  }
0x2e8: {  	v58 =	vld [tilespmem:s20+$0xA0C0];
	_ =	sdelay $0x6  }
0x2e9: {  	v2 =	vld.idx.msk [tilespmem:v0+s5+$0x0], $0xffff  }
0x2ea: {  	v59 =	vld.idx.msk [tilespmem:v58+s5+$0x0], $0xffff;
	_ =	sdelay $0x1  }
0x2eb: {  	v60 =	vld [tilespmem:s20+$0xC8C0];
	_ =	sdelay $0x2  }
0x2ec: {  	v2 =	vsub.f32 v2, v59;
	_ =	sdelay $0x1  }
0x2ed: {  	v2 =	vmul.f32 v2, v60;
	_ =	sdelay $0x1  }
0x2ee: {  	[tilespmem:$0xEEC0] =	vst v2  }
0x2ef: {  	v2 =	vld.idx.msk [tilespmem:v0+s17+$0x0], $0xffff  }
0x2f0: {  	v61 =	vld.idx.msk [tilespmem:v58+s17+$0x0], $0xffff;
	_ =	sdelay $0x4  }
0x2f1: {  	v2 =	vsub.f32 v2, v61;
	_ =	sdelay $0x1  }
0x2f2: {  	v2 =	vmul.f32 v2, v60;
	_ =	sdelay $0x1  }
0x2f3: {  	[tilespmem:$0xEF40] =	vst v2  }
0x2f4: {  	v0 =	vld.idx.msk [tilespmem:v0+s18+$0x0], $0xffff  }
0x2f5: {  	v1 =	vld.idx.msk [tilespmem:v58+s18+$0x0], $0xffff;
	_ =	sdelay $0x4  }
0x2f6: {  	v0 =	vsub.f32 v0, v1;
	_ =	sdelay $0x1  }
0x2f7: {  	v0 =	vmul.f32 v0, v60;
	_ =	sdelay $0x1  }
0x2f8: {  	[tilespmem:$0xEFC0] =	vst v0  }
0x2f9: {  	v0 =	vld [tilespmem:s20+$0x78D0]  }
0x2fa: {  	v62 =	vld [tilespmem:s20+$0xA0D0];
	_ =	sdelay $0x6  }
0x2fb: {  	v2 =	vld.idx.msk [tilespmem:v0+s5+$0x0], $0xffff  }
0x2fc: {  	v63 =	vld.idx.msk [tilespmem:v62+s5+$0x0], $0xffff;
	_ =	sdelay $0x1  }
0x2fd: {  	v8 =	vld [tilespmem:s20+$0xC8D0];
	_ =	sdelay $0x2  }
0x2fe: {  	v2 =	vsub.f32 v2, v63;
	_ =	sdelay $0x1  }
0x2ff: {  	v2 =	vmul.f32 v2, v8;
	_ =	sdelay $0x1  }
0x300: {  	[tilespmem:$0xEED0] =	vst v2  }
0x301: {  	v2 =	vld.idx.msk [tilespmem:v0+s17+$0x0], $0xffff  }
0x302: {  	v9 =	vld.idx.msk [tilespmem:v62+s17+$0x0], $0xffff;
	_ =	sdelay $0x4  }
0x303: {  	v2 =	vsub.f32 v2, v9;
	_ =	sdelay $0x1  }
0x304: {  	v2 =	vmul.f32 v2, v8;
	_ =	sdelay $0x1  }
0x305: {  	[tilespmem:$0xEF50] =	vst v2  }
0x306: {  	v0 =	vld.idx.msk [tilespmem:v0+s18+$0x0], $0xffff  }
0x307: {  	v1 =	vld.idx.msk [tilespmem:v62+s18+$0x0], $0xffff;
	_ =	sdelay $0x4  }
0x308: {  	v0 =	vsub.f32 v0, v1;
	_ =	sdelay $0x1  }
0x309: {  	v0 =	vmul.f32 v0, v8;
	_ =	sdelay $0x1  }
0x30a: {  	[tilespmem:$0xEFD0] =	vst v0  }
0x30b: {  	v0 =	vld [tilespmem:s20+$0x78E0]  }
0x30c: {  	v10 =	vld [tilespmem:s20+$0xA0E0];
	_ =	sdelay $0x6  }
0x30d: {  	v2 =	vld.idx.msk [tilespmem:v0+s5+$0x0], $0xffff  }
0x30e: {  	v11 =	vld.idx.msk [tilespmem:v10+s5+$0x0], $0xffff;
	_ =	sdelay $0x1  }
0x30f: {  	v12 =	vld [tilespmem:s20+$0xC8E0];
	_ =	sdelay $0x2  }
0x310: {  	v2 =	vsub.f32 v2, v11;
	_ =	sdelay $0x1  }
0x311: {  	v2 =	vmul.f32 v2, v12;
	_ =	sdelay $0x1  }
0x312: {  	[tilespmem:$0xEEE0] =	vst v2  }
0x313: {  	v2 =	vld.idx.msk [tilespmem:v0+s17+$0x0], $0xffff  }
0x314: {  	v13 =	vld.idx.msk [tilespmem:v10+s17+$0x0], $0xffff;
	_ =	sdelay $0x4  }
0x315: {  	v2 =	vsub.f32 v2, v13;
	_ =	sdelay $0x1  }
0x316: {  	v2 =	vmul.f32 v2, v12;
	_ =	sdelay $0x1  }
0x317: {  	[tilespmem:$0xEF60] =	vst v2  }
0x318: {  	v0 =	vld.idx.msk [tilespmem:v0+s18+$0x0], $0xffff  }
0x319: {  	v1 =	vld.idx.msk [tilespmem:v10+s18+$0x0], $0xffff;
	_ =	sdelay $0x4  }
0x31a: {  	v0 =	vsub.f32 v0, v1;
	_ =	sdelay $0x1  }
0x31b: {  	v0 =	vmul.f32 v0, v12;
	_ =	sdelay $0x1  }
0x31c: {  	[tilespmem:$0xEFE0] =	vst v0  }
0x31d: {  	v0 =	vld [tilespmem:s20+$0x78F0]  }
0x31e: {  	v14 =	vld [tilespmem:s20+$0xA0F0];
	_ =	sdelay $0x6  }
0x31f: {  	v2 =	vld.idx.msk [tilespmem:v0+s5+$0x0], $0xffff  }
0x320: {  	v15 =	vld.idx.msk [tilespmem:v14+s5+$0x0], $0xffff;
	_ =	sdelay $0x1  }
0x321: {  	v16 =	vld [tilespmem:s20+$0xC8F0];
	_ =	sdelay $0x2  }
0x322: {  	v2 =	vsub.f32 v2, v15;
	_ =	sdelay $0x1  }
0x323: {  	v2 =	vmul.f32 v2, v16;
	_ =	sdelay $0x1  }
0x324: {  	[tilespmem:$0xEEF0] =	vst v2  }
0x325: {  	v2 =	vld.idx.msk [tilespmem:v0+s17+$0x0], $0xffff  }
0x326: {  	v17 =	vld.idx.msk [tilespmem:v14+s17+$0x0], $0xffff;
	_ =	sdelay $0x4  }
0x327: {  	v2 =	vsub.f32 v2, v17;
	_ =	sdelay $0x1  }
0x328: {  	v2 =	vmul.f32 v2, v16;
	_ =	sdelay $0x1  }
0x329: {  	[tilespmem:$0xEF70] =	vst v2  }
0x32a: {  	v0 =	vld.idx.msk [tilespmem:v0+s18+$0x0], $0xffff  }
0x32b: {  	v1 =	vld.idx.msk [tilespmem:v14+s18+$0x0], $0xffff;
	_ =	sdelay $0x4  }
0x32c: {  	v0 =	vsub.f32 v0, v1;
	_ =	sdelay $0x1  }
0x32d: {  	v0 =	vmul.f32 v0, v16;
	_ =	sdelay $0x1  }
0x32e: {  	s22 =	sadd.s32 $0xA080, s20;
	[tilespmem:$0xEFF0] =	vst v0  }
0x32f: {  	[spmem:s1] =	stream.indirect.scatter.add.f32 [tilespmem:s26], [sflag:$0x1], $0x1, s22, s25, $0xb8;
	[tilespmem:$0xFBE8] =	vst v63  }
0x330: {  	_ = 	snop  }
0x331: {  	[spmem:s2] =	stream.indirect.scatter.add.f32 [tilespmem:s28], [sflag:$0x1], $0x1, s22, s25, $0xb8;
	[tilespmem:$0xFBE8] =	vst v63  }
0x332: {  	_ = 	snop  }
0x333: {  	[spmem:s4] =	stream.indirect.scatter.add.f32 [tilespmem:s29], [sflag:$0x1], $0x1, s22, s25, $0xb8;
	[tilespmem:$0xFBE8] =	vst v63  }
0x334: {  	_ =	swait.ge [sflag:s14], $0x80  }
0x335: {  	[sflag:s14] =	ssyncset.done $0x0  }
0x336: {  	[sflag:s14] =	ssyncadd.s32 $0xFFFFFF80  }
0x337: {  	_ =	swait.ge [sflag:s14], $0x80  }
0x338: {  	[sflag:s14] =	ssyncset.done $0x0  }
0x339: {  	[sflag:s14] =	ssyncadd.s32 $0xFFFFFF80  }
0x33a: {  	_ =	swait.ge [sflag:s14], $0x80  }
0x33b: {  	[sflag:s14] =	ssyncset.done $0x0  }
0x33c: {  	[sflag:s14] =	ssyncadd.s32 $0xFFFFFF80  }
0x33d: {  	v18 =	vld [tilespmem:s20+$0x7900]  }
0x33e: {  	v19 =	vld [tilespmem:s20+$0xA100];
	_ =	sdelay $0x6  }
0x33f: {  	v20 =	vld.idx.msk [tilespmem:v18+s5+$0x0], $0xffff  }
0x340: {  	v21 =	vld.idx.msk [tilespmem:v19+s5+$0x0], $0xffff;
	_ =	sdelay $0x1  }
0x341: {  	v22 =	vld [tilespmem:s20+$0xC900];
	_ =	sdelay $0x2  }
0x342: {  	v2 =	vsub.f32 v20, v21;
	_ =	sdelay $0x1  }
0x343: {  	v2 =	vmul.f32 v2, v22;
	_ =	sdelay $0x1  }
0x344: {  	[tilespmem:$0xF000] =	vst v2  }
0x345: {  	v2 =	vld.idx.msk [tilespmem:v18+s17+$0x0], $0xffff  }
0x346: {  	v23 =	vld.idx.msk [tilespmem:v19+s17+$0x0], $0xffff;
	_ =	sdelay $0x4  }
0x347: {  	v2 =	vsub.f32 v2, v23;
	_ =	sdelay $0x1  }
0x348: {  	v2 =	vmul.f32 v2, v22;
	_ =	sdelay $0x1  }
0x349: {  	[tilespmem:$0xF080] =	vst v2  }
0x34a: {  	v0 =	vld.idx.msk [tilespmem:v18+s18+$0x0], $0xffff  }
0x34b: {  	v1 =	vld.idx.msk [tilespmem:v19+s18+$0x0], $0xffff;
	_ =	sdelay $0x4  }
0x34c: {  	v0 =	vsub.f32 v0, v1;
	_ =	sdelay $0x1  }
0x34d: {  	v0 =	vmul.f32 v0, v22;
	_ =	sdelay $0x1  }
0x34e: {  	[tilespmem:$0xF100] =	vst v0  }
0x34f: {  	v0 =	vld [tilespmem:s20+$0x7910]  }
0x350: {  	v24 =	vld [tilespmem:s20+$0xA110];
	_ =	sdelay $0x6  }
0x351: {  	v2 =	vld.idx.msk [tilespmem:v0+s5+$0x0], $0xffff  }
0x352: {  	v25 =	vld.idx.msk [tilespmem:v24+s5+$0x0], $0xffff;
	_ =	sdelay $0x1  }
0x353: {  	v26 =	vld [tilespmem:s20+$0xC910];
	_ =	sdelay $0x2  }
0x354: {  	v2 =	vsub.f32 v2, v25;
	_ =	sdelay $0x1  }
0x355: {  	v2 =	vmul.f32 v2, v26;
	_ =	sdelay $0x1  }
0x356: {  	[tilespmem:$0xF010] =	vst v2  }
0x357: {  	v2 =	vld.idx.msk [tilespmem:v0+s17+$0x0], $0xffff  }
0x358: {  	v27 =	vld.idx.msk [tilespmem:v24+s17+$0x0], $0xffff;
	_ =	sdelay $0x4  }
0x359: {  	v2 =	vsub.f32 v2, v27;
	_ =	sdelay $0x1  }
0x35a: {  	v2 =	vmul.f32 v2, v26;
	_ =	sdelay $0x1  }
0x35b: {  	[tilespmem:$0xF090] =	vst v2  }
0x35c: {  	v0 =	vld.idx.msk [tilespmem:v0+s18+$0x0], $0xffff  }
0x35d: {  	v1 =	vld.idx.msk [tilespmem:v24+s18+$0x0], $0xffff;
	_ =	sdelay $0x4  }
0x35e: {  	v0 =	vsub.f32 v0, v1;
	_ =	sdelay $0x1  }
0x35f: {  	v0 =	vmul.f32 v0, v26;
	_ =	sdelay $0x1  }
0x360: {  	[tilespmem:$0xF110] =	vst v0  }
0x361: {  	v0 =	vld [tilespmem:s20+$0x7920]  }
0x362: {  	v28 =	vld [tilespmem:s20+$0xA120];
	_ =	sdelay $0x6  }
0x363: {  	v2 =	vld.idx.msk [tilespmem:v0+s5+$0x0], $0xffff  }
0x364: {  	v29 =	vld.idx.msk [tilespmem:v28+s5+$0x0], $0xffff;
	_ =	sdelay $0x1  }
0x365: {  	v30 =	vld [tilespmem:s20+$0xC920];
	_ =	sdelay $0x2  }
0x366: {  	v2 =	vsub.f32 v2, v29;
	_ =	sdelay $0x1  }
0x367: {  	v2 =	vmul.f32 v2, v30;
	_ =	sdelay $0x1  }
0x368: {  	[tilespmem:$0xF020] =	vst v2  }
0x369: {  	v2 =	vld.idx.msk [tilespmem:v0+s17+$0x0], $0xffff  }
0x36a: {  	v31 =	vld.idx.msk [tilespmem:v28+s17+$0x0], $0xffff;
	_ =	sdelay $0x4  }
0x36b: {  	v2 =	vsub.f32 v2, v31;
	_ =	sdelay $0x1  }
0x36c: {  	v2 =	vmul.f32 v2, v30;
	_ =	sdelay $0x1  }
0x36d: {  	[tilespmem:$0xF0A0] =	vst v2  }
0x36e: {  	v0 =	vld.idx.msk [tilespmem:v0+s18+$0x0], $0xffff  }
0x36f: {  	v1 =	vld.idx.msk [tilespmem:v28+s18+$0x0], $0xffff;
	_ =	sdelay $0x4  }
0x370: {  	v0 =	vsub.f32 v0, v1;
	_ =	sdelay $0x1  }
0x371: {  	v0 =	vmul.f32 v0, v30;
	_ =	sdelay $0x1  }
0x372: {  	[tilespmem:$0xF120] =	vst v0  }
0x373: {  	v0 =	vld [tilespmem:s20+$0x7930]  }
0x374: {  	v32 =	vld [tilespmem:s20+$0xA130];
	_ =	sdelay $0x6  }
0x375: {  	v2 =	vld.idx.msk [tilespmem:v0+s5+$0x0], $0xffff  }
0x376: {  	v33 =	vld.idx.msk [tilespmem:v32+s5+$0x0], $0xffff;
	_ =	sdelay $0x1  }
0x377: {  	v34 =	vld [tilespmem:s20+$0xC930];
	_ =	sdelay $0x2  }
0x378: {  	v2 =	vsub.f32 v2, v33;
	_ =	sdelay $0x1  }
0x379: {  	v2 =	vmul.f32 v2, v34;
	_ =	sdelay $0x1  }
0x37a: {  	[tilespmem:$0xF030] =	vst v2  }
0x37b: {  	v2 =	vld.idx.msk [tilespmem:v0+s17+$0x0], $0xffff  }
0x37c: {  	v35 =	vld.idx.msk [tilespmem:v32+s17+$0x0], $0xffff;
	_ =	sdelay $0x4  }
0x37d: {  	v2 =	vsub.f32 v2, v35;
	_ =	sdelay $0x1  }
0x37e: {  	v2 =	vmul.f32 v2, v34;
	_ =	sdelay $0x1  }
0x37f: {  	[tilespmem:$0xF0B0] =	vst v2  }
0x380: {  	v0 =	vld.idx.msk [tilespmem:v0+s18+$0x0], $0xffff  }
0x381: {  	v1 =	vld.idx.msk [tilespmem:v32+s18+$0x0], $0xffff;
	_ =	sdelay $0x4  }
0x382: {  	v0 =	vsub.f32 v0, v1;
	_ =	sdelay $0x1  }
0x383: {  	v0 =	vmul.f32 v0, v34;
	_ =	sdelay $0x1  }
0x384: {  	[tilespmem:$0xF130] =	vst v0  }
0x385: {  	v0 =	vld [tilespmem:s20+$0x7940]  }
0x386: {  	v36 =	vld [tilespmem:s20+$0xA140];
	_ =	sdelay $0x6  }
0x387: {  	v2 =	vld.idx.msk [tilespmem:v0+s5+$0x0], $0xffff  }
0x388: {  	v37 =	vld.idx.msk [tilespmem:v36+s5+$0x0], $0xffff;
	_ =	sdelay $0x1  }
0x389: {  	v38 =	vld [tilespmem:s20+$0xC940];
	_ =	sdelay $0x2  }
0x38a: {  	v2 =	vsub.f32 v2, v37;
	_ =	sdelay $0x1  }
0x38b: {  	v2 =	vmul.f32 v2, v38;
	_ =	sdelay $0x1  }
0x38c: {  	[tilespmem:$0xF040] =	vst v2  }
0x38d: {  	v2 =	vld.idx.msk [tilespmem:v0+s17+$0x0], $0xffff  }
0x38e: {  	v39 =	vld.idx.msk [tilespmem:v36+s17+$0x0], $0xffff;
	_ =	sdelay $0x4  }
0x38f: {  	v2 =	vsub.f32 v2, v39;
	_ =	sdelay $0x1  }
0x390: {  	v2 =	vmul.f32 v2, v38;
	_ =	sdelay $0x1  }
0x391: {  	[tilespmem:$0xF0C0] =	vst v2  }
0x392: {  	v0 =	vld.idx.msk [tilespmem:v0+s18+$0x0], $0xffff  }
0x393: {  	v1 =	vld.idx.msk [tilespmem:v36+s18+$0x0], $0xffff;
	_ =	sdelay $0x4  }
0x394: {  	v0 =	vsub.f32 v0, v1;
	_ =	sdelay $0x1  }
0x395: {  	v0 =	vmul.f32 v0, v38;
	_ =	sdelay $0x1  }
0x396: {  	[tilespmem:$0xF140] =	vst v0  }
0x397: {  	v0 =	vld [tilespmem:s20+$0x7950]  }
0x398: {  	v40 =	vld [tilespmem:s20+$0xA150];
	_ =	sdelay $0x6  }
0x399: {  	v2 =	vld.idx.msk [tilespmem:v0+s5+$0x0], $0xffff  }
0x39a: {  	v41 =	vld.idx.msk [tilespmem:v40+s5+$0x0], $0xffff;
	_ =	sdelay $0x1  }
0x39b: {  	v42 =	vld [tilespmem:s20+$0xC950];
	_ =	sdelay $0x2  }
0x39c: {  	v2 =	vsub.f32 v2, v41;
	_ =	sdelay $0x1  }
0x39d: {  	v2 =	vmul.f32 v2, v42;
	_ =	sdelay $0x1  }
0x39e: {  	[tilespmem:$0xF050] =	vst v2  }
0x39f: {  	v2 =	vld.idx.msk [tilespmem:v0+s17+$0x0], $0xffff  }
0x3a0: {  	v43 =	vld.idx.msk [tilespmem:v40+s17+$0x0], $0xffff;
	_ =	sdelay $0x4  }
0x3a1: {  	v2 =	vsub.f32 v2, v43;
	_ =	sdelay $0x1  }
0x3a2: {  	v2 =	vmul.f32 v2, v42;
	_ =	sdelay $0x1  }
0x3a3: {  	[tilespmem:$0xF0D0] =	vst v2  }
0x3a4: {  	v0 =	vld.idx.msk [tilespmem:v0+s18+$0x0], $0xffff  }
0x3a5: {  	v1 =	vld.idx.msk [tilespmem:v40+s18+$0x0], $0xffff;
	_ =	sdelay $0x4  }
0x3a6: {  	v0 =	vsub.f32 v0, v1;
	_ =	sdelay $0x1  }
0x3a7: {  	v0 =	vmul.f32 v0, v42;
	_ =	sdelay $0x1  }
0x3a8: {  	[tilespmem:$0xF150] =	vst v0  }
0x3a9: {  	v0 =	vld [tilespmem:s20+$0x7960]  }
0x3aa: {  	v44 =	vld [tilespmem:s20+$0xA160];
	_ =	sdelay $0x6  }
0x3ab: {  	v2 =	vld.idx.msk [tilespmem:v0+s5+$0x0], $0xffff  }
0x3ac: {  	v45 =	vld.idx.msk [tilespmem:v44+s5+$0x0], $0xffff;
	_ =	sdelay $0x1  }
0x3ad: {  	v46 =	vld [tilespmem:s20+$0xC960];
	_ =	sdelay $0x2  }
0x3ae: {  	v2 =	vsub.f32 v2, v45;
	_ =	sdelay $0x1  }
0x3af: {  	v2 =	vmul.f32 v2, v46;
	_ =	sdelay $0x1  }
0x3b0: {  	[tilespmem:$0xF060] =	vst v2  }
0x3b1: {  	v2 =	vld.idx.msk [tilespmem:v0+s17+$0x0], $0xffff  }
0x3b2: {  	v47 =	vld.idx.msk [tilespmem:v44+s17+$0x0], $0xffff;
	_ =	sdelay $0x4  }
0x3b3: {  	v2 =	vsub.f32 v2, v47;
	_ =	sdelay $0x1  }
0x3b4: {  	v2 =	vmul.f32 v2, v46;
	_ =	sdelay $0x1  }
0x3b5: {  	[tilespmem:$0xF0E0] =	vst v2  }
0x3b6: {  	v0 =	vld.idx.msk [tilespmem:v0+s18+$0x0], $0xffff  }
0x3b7: {  	v1 =	vld.idx.msk [tilespmem:v44+s18+$0x0], $0xffff;
	_ =	sdelay $0x4  }
0x3b8: {  	v0 =	vsub.f32 v0, v1;
	_ =	sdelay $0x1  }
0x3b9: {  	v0 =	vmul.f32 v0, v46;
	_ =	sdelay $0x1  }
0x3ba: {  	[tilespmem:$0xF160] =	vst v0  }
0x3bb: {  	v0 =	vld [tilespmem:s20+$0x7970]  }
0x3bc: {  	v48 =	vld [tilespmem:s20+$0xA170];
	_ =	sdelay $0x6  }
0x3bd: {  	v2 =	vld.idx.msk [tilespmem:v0+s5+$0x0], $0xffff  }
0x3be: {  	v49 =	vld.idx.msk [tilespmem:v48+s5+$0x0], $0xffff;
	_ =	sdelay $0x1  }
0x3bf: {  	v50 =	vld [tilespmem:s20+$0xC970];
	_ =	sdelay $0x2  }
0x3c0: {  	v2 =	vsub.f32 v2, v49;
	_ =	sdelay $0x1  }
0x3c1: {  	v2 =	vmul.f32 v2, v50;
	_ =	sdelay $0x1  }
0x3c2: {  	[tilespmem:$0xF070] =	vst v2  }
0x3c3: {  	v2 =	vld.idx.msk [tilespmem:v0+s17+$0x0], $0xffff  }
0x3c4: {  	v51 =	vld.idx.msk [tilespmem:v48+s17+$0x0], $0xffff;
	_ =	sdelay $0x4  }
0x3c5: {  	v2 =	vsub.f32 v2, v51;
	_ =	sdelay $0x1  }
0x3c6: {  	v2 =	vmul.f32 v2, v50;
	_ =	sdelay $0x1  }
0x3c7: {  	[tilespmem:$0xF0F0] =	vst v2  }
0x3c8: {  	v0 =	vld.idx.msk [tilespmem:v0+s18+$0x0], $0xffff  }
0x3c9: {  	v1 =	vld.idx.msk [tilespmem:v48+s18+$0x0], $0xffff;
	_ =	sdelay $0x4  }
0x3ca: {  	v0 =	vsub.f32 v0, v1;
	_ =	sdelay $0x1  }
0x3cb: {  	v0 =	vmul.f32 v0, v50;
	_ =	sdelay $0x1  }
0x3cc: {  	s23 =	sadd.s32 $0xA100, s20;
	[tilespmem:$0xF170] =	vst v0  }
0x3cd: {  	[spmem:s1] =	stream.indirect.scatter.add.f32 [tilespmem:s31], [sflag:$0x2], $0x1, s23, s25, $0xb8;
	[tilespmem:$0xFBE8] =	vst v63  }
0x3ce: {  	_ = 	snop  }
0x3cf: {  	[spmem:s2] =	stream.indirect.scatter.add.f32 [tilespmem:s3], [sflag:$0x2], $0x1, s23, s25, $0xb8;
	[tilespmem:$0xFBE8] =	vst v63  }
0x3d0: {  	_ = 	snop  }
0x3d1: {  	[spmem:s4] =	stream.indirect.scatter.add.f32 [tilespmem:s19], [sflag:$0x2], $0x1, s23, s25, $0xb8;
	[tilespmem:$0xFBE8] =	vst v63  }
0x3d2: {  	_ =	swait.ge [sflag:s15], $0x80  }
0x3d3: {  	[sflag:s15] =	ssyncset.done $0x0  }
0x3d4: {  	[sflag:s15] =	ssyncadd.s32 $0xFFFFFF80  }
0x3d5: {  	_ =	swait.ge [sflag:s15], $0x80  }
0x3d6: {  	[sflag:s15] =	ssyncset.done $0x0  }
0x3d7: {  	[sflag:s15] =	ssyncadd.s32 $0xFFFFFF80  }
0x3d8: {  	_ =	swait.ge [sflag:s15], $0x80  }
0x3d9: {  	[sflag:s15] =	ssyncset.done $0x0  }
0x3da: {  	[sflag:s15] =	ssyncadd.s32 $0xFFFFFF80  }
0x3db: {  	v52 =	vld [tilespmem:s20+$0x7980]  }
0x3dc: {  	v53 =	vld [tilespmem:s20+$0xA180];
	_ =	sdelay $0x6  }
0x3dd: {  	v54 =	vld.idx.msk [tilespmem:v52+s5+$0x0], $0xffff  }
0x3de: {  	v55 =	vld.idx.msk [tilespmem:v53+s5+$0x0], $0xffff;
	_ =	sdelay $0x1  }
0x3df: {  	v56 =	vld [tilespmem:s20+$0xC980];
	_ =	sdelay $0x2  }
0x3e0: {  	v2 =	vsub.f32 v54, v55;
	_ =	sdelay $0x1  }
0x3e1: {  	v2 =	vmul.f32 v2, v56;
	_ =	sdelay $0x1  }
0x3e2: {  	[tilespmem:$0xF180] =	vst v2  }
0x3e3: {  	v2 =	vld.idx.msk [tilespmem:v52+s17+$0x0], $0xffff  }
0x3e4: {  	v57 =	vld.idx.msk [tilespmem:v53+s17+$0x0], $0xffff;
	_ =	sdelay $0x4  }
0x3e5: {  	v2 =	vsub.f32 v2, v57;
	_ =	sdelay $0x1  }
0x3e6: {  	v2 =	vmul.f32 v2, v56;
	_ =	sdelay $0x1  }
0x3e7: {  	[tilespmem:$0xF200] =	vst v2  }
0x3e8: {  	v0 =	vld.idx.msk [tilespmem:v52+s18+$0x0], $0xffff  }
0x3e9: {  	v1 =	vld.idx.msk [tilespmem:v53+s18+$0x0], $0xffff;
	_ =	sdelay $0x4  }
0x3ea: {  	v0 =	vsub.f32 v0, v1;
	_ =	sdelay $0x1  }
0x3eb: {  	v0 =	vmul.f32 v0, v56;
	_ =	sdelay $0x1  }
0x3ec: {  	[tilespmem:$0xF280] =	vst v0  }
0x3ed: {  	v0 =	vld [tilespmem:s20+$0x7990]  }
0x3ee: {  	v58 =	vld [tilespmem:s20+$0xA190];
	_ =	sdelay $0x6  }
0x3ef: {  	v2 =	vld.idx.msk [tilespmem:v0+s5+$0x0], $0xffff  }
0x3f0: {  	v59 =	vld.idx.msk [tilespmem:v58+s5+$0x0], $0xffff;
	_ =	sdelay $0x1  }
0x3f1: {  	v60 =	vld [tilespmem:s20+$0xC990];
	_ =	sdelay $0x2  }
0x3f2: {  	v2 =	vsub.f32 v2, v59;
	_ =	sdelay $0x1  }
0x3f3: {  	v2 =	vmul.f32 v2, v60;
	_ =	sdelay $0x1  }
0x3f4: {  	[tilespmem:$0xF190] =	vst v2  }
0x3f5: {  	v2 =	vld.idx.msk [tilespmem:v0+s17+$0x0], $0xffff  }
0x3f6: {  	v61 =	vld.idx.msk [tilespmem:v58+s17+$0x0], $0xffff;
	_ =	sdelay $0x4  }
0x3f7: {  	v2 =	vsub.f32 v2, v61;
	_ =	sdelay $0x1  }
0x3f8: {  	v2 =	vmul.f32 v2, v60;
	_ =	sdelay $0x1  }
0x3f9: {  	[tilespmem:$0xF210] =	vst v2  }
0x3fa: {  	v0 =	vld.idx.msk [tilespmem:v0+s18+$0x0], $0xffff  }
0x3fb: {  	v1 =	vld.idx.msk [tilespmem:v58+s18+$0x0], $0xffff;
	_ =	sdelay $0x4  }
0x3fc: {  	v0 =	vsub.f32 v0, v1;
	_ =	sdelay $0x1  }
0x3fd: {  	v0 =	vmul.f32 v0, v60;
	_ =	sdelay $0x1  }
0x3fe: {  	[tilespmem:$0xF290] =	vst v0  }
0x3ff: {  	v0 =	vld [tilespmem:s20+$0x79A0]  }
0x400: {  	v62 =	vld [tilespmem:s20+$0xA1A0];
	_ =	sdelay $0x6  }
0x401: {  	v2 =	vld.idx.msk [tilespmem:v0+s5+$0x0], $0xffff  }
0x402: {  	v63 =	vld.idx.msk [tilespmem:v62+s5+$0x0], $0xffff;
	_ =	sdelay $0x1  }
0x403: {  	v8 =	vld [tilespmem:s20+$0xC9A0];
	_ =	sdelay $0x2  }
0x404: {  	v2 =	vsub.f32 v2, v63;
	_ =	sdelay $0x1  }
0x405: {  	v2 =	vmul.f32 v2, v8;
	_ =	sdelay $0x1  }
0x406: {  	[tilespmem:$0xF1A0] =	vst v2  }
0x407: {  	v2 =	vld.idx.msk [tilespmem:v0+s17+$0x0], $0xffff  }
0x408: {  	v9 =	vld.idx.msk [tilespmem:v62+s17+$0x0], $0xffff;
	_ =	sdelay $0x4  }
0x409: {  	v2 =	vsub.f32 v2, v9;
	_ =	sdelay $0x1  }
0x40a: {  	v2 =	vmul.f32 v2, v8;
	_ =	sdelay $0x1  }
0x40b: {  	[tilespmem:$0xF220] =	vst v2  }
0x40c: {  	v0 =	vld.idx.msk [tilespmem:v0+s18+$0x0], $0xffff  }
0x40d: {  	v1 =	vld.idx.msk [tilespmem:v62+s18+$0x0], $0xffff;
	_ =	sdelay $0x4  }
0x40e: {  	v0 =	vsub.f32 v0, v1;
	_ =	sdelay $0x1  }
0x40f: {  	v0 =	vmul.f32 v0, v8;
	_ =	sdelay $0x1  }
0x410: {  	[tilespmem:$0xF2A0] =	vst v0  }
0x411: {  	v0 =	vld [tilespmem:s20+$0x79B0]  }
0x412: {  	v10 =	vld [tilespmem:s20+$0xA1B0];
	_ =	sdelay $0x6  }
0x413: {  	v2 =	vld.idx.msk [tilespmem:v0+s5+$0x0], $0xffff  }
0x414: {  	v11 =	vld.idx.msk [tilespmem:v10+s5+$0x0], $0xffff;
	_ =	sdelay $0x1  }
0x415: {  	v12 =	vld [tilespmem:s20+$0xC9B0];
	_ =	sdelay $0x2  }
0x416: {  	v2 =	vsub.f32 v2, v11;
	_ =	sdelay $0x1  }
0x417: {  	v2 =	vmul.f32 v2, v12;
	_ =	sdelay $0x1  }
0x418: {  	[tilespmem:$0xF1B0] =	vst v2  }
0x419: {  	v2 =	vld.idx.msk [tilespmem:v0+s17+$0x0], $0xffff  }
0x41a: {  	v13 =	vld.idx.msk [tilespmem:v10+s17+$0x0], $0xffff;
	_ =	sdelay $0x4  }
0x41b: {  	v2 =	vsub.f32 v2, v13;
	_ =	sdelay $0x1  }
0x41c: {  	v2 =	vmul.f32 v2, v12;
	_ =	sdelay $0x1  }
0x41d: {  	[tilespmem:$0xF230] =	vst v2  }
0x41e: {  	v0 =	vld.idx.msk [tilespmem:v0+s18+$0x0], $0xffff  }
0x41f: {  	v1 =	vld.idx.msk [tilespmem:v10+s18+$0x0], $0xffff;
	_ =	sdelay $0x4  }
0x420: {  	v0 =	vsub.f32 v0, v1;
	_ =	sdelay $0x1  }
0x421: {  	v0 =	vmul.f32 v0, v12;
	_ =	sdelay $0x1  }
0x422: {  	[tilespmem:$0xF2B0] =	vst v0  }
0x423: {  	v0 =	vld [tilespmem:s20+$0x79C0]  }
0x424: {  	v14 =	vld [tilespmem:s20+$0xA1C0];
	_ =	sdelay $0x6  }
0x425: {  	v2 =	vld.idx.msk [tilespmem:v0+s5+$0x0], $0xffff  }
0x426: {  	v15 =	vld.idx.msk [tilespmem:v14+s5+$0x0], $0xffff;
	_ =	sdelay $0x1  }
0x427: {  	v16 =	vld [tilespmem:s20+$0xC9C0];
	_ =	sdelay $0x2  }
0x428: {  	v2 =	vsub.f32 v2, v15;
	_ =	sdelay $0x1  }
0x429: {  	v2 =	vmul.f32 v2, v16;
	_ =	sdelay $0x1  }
0x42a: {  	[tilespmem:$0xF1C0] =	vst v2  }
0x42b: {  	v2 =	vld.idx.msk [tilespmem:v0+s17+$0x0], $0xffff  }
0x42c: {  	v17 =	vld.idx.msk [tilespmem:v14+s17+$0x0], $0xffff;
	_ =	sdelay $0x4  }
0x42d: {  	v2 =	vsub.f32 v2, v17;
	_ =	sdelay $0x1  }
0x42e: {  	v2 =	vmul.f32 v2, v16;
	_ =	sdelay $0x1  }
0x42f: {  	[tilespmem:$0xF240] =	vst v2  }
0x430: {  	v0 =	vld.idx.msk [tilespmem:v0+s18+$0x0], $0xffff  }
0x431: {  	v1 =	vld.idx.msk [tilespmem:v14+s18+$0x0], $0xffff;
	_ =	sdelay $0x4  }
0x432: {  	v0 =	vsub.f32 v0, v1;
	_ =	sdelay $0x1  }
0x433: {  	v0 =	vmul.f32 v0, v16;
	_ =	sdelay $0x1  }
0x434: {  	[tilespmem:$0xF2C0] =	vst v0  }
0x435: {  	v0 =	vld [tilespmem:s20+$0x79D0]  }
0x436: {  	v18 =	vld [tilespmem:s20+$0xA1D0];
	_ =	sdelay $0x6  }
0x437: {  	v2 =	vld.idx.msk [tilespmem:v0+s5+$0x0], $0xffff  }
0x438: {  	v19 =	vld.idx.msk [tilespmem:v18+s5+$0x0], $0xffff;
	_ =	sdelay $0x1  }
0x439: {  	v20 =	vld [tilespmem:s20+$0xC9D0];
	_ =	sdelay $0x2  }
0x43a: {  	v2 =	vsub.f32 v2, v19;
	_ =	sdelay $0x1  }
0x43b: {  	v2 =	vmul.f32 v2, v20;
	_ =	sdelay $0x1  }
0x43c: {  	[tilespmem:$0xF1D0] =	vst v2  }
0x43d: {  	v2 =	vld.idx.msk [tilespmem:v0+s17+$0x0], $0xffff  }
0x43e: {  	v21 =	vld.idx.msk [tilespmem:v18+s17+$0x0], $0xffff;
	_ =	sdelay $0x4  }
0x43f: {  	v2 =	vsub.f32 v2, v21;
	_ =	sdelay $0x1  }
0x440: {  	v2 =	vmul.f32 v2, v20;
	_ =	sdelay $0x1  }
0x441: {  	[tilespmem:$0xF250] =	vst v2  }
0x442: {  	v0 =	vld.idx.msk [tilespmem:v0+s18+$0x0], $0xffff  }
0x443: {  	v1 =	vld.idx.msk [tilespmem:v18+s18+$0x0], $0xffff;
	_ =	sdelay $0x4  }
0x444: {  	v0 =	vsub.f32 v0, v1;
	_ =	sdelay $0x1  }
0x445: {  	v0 =	vmul.f32 v0, v20;
	_ =	sdelay $0x1  }
0x446: {  	[tilespmem:$0xF2D0] =	vst v0  }
0x447: {  	v0 =	vld [tilespmem:s20+$0x79E0]  }
0x448: {  	v22 =	vld [tilespmem:s20+$0xA1E0];
	_ =	sdelay $0x6  }
0x449: {  	v2 =	vld.idx.msk [tilespmem:v0+s5+$0x0], $0xffff  }
0x44a: {  	v23 =	vld.idx.msk [tilespmem:v22+s5+$0x0], $0xffff;
	_ =	sdelay $0x1  }
0x44b: {  	v24 =	vld [tilespmem:s20+$0xC9E0];
	_ =	sdelay $0x2  }
0x44c: {  	v2 =	vsub.f32 v2, v23;
	_ =	sdelay $0x1  }
0x44d: {  	v2 =	vmul.f32 v2, v24;
	_ =	sdelay $0x1  }
0x44e: {  	[tilespmem:$0xF1E0] =	vst v2  }
0x44f: {  	v2 =	vld.idx.msk [tilespmem:v0+s17+$0x0], $0xffff  }
0x450: {  	v25 =	vld.idx.msk [tilespmem:v22+s17+$0x0], $0xffff;
	_ =	sdelay $0x4  }
0x451: {  	v2 =	vsub.f32 v2, v25;
	_ =	sdelay $0x1  }
0x452: {  	v2 =	vmul.f32 v2, v24;
	_ =	sdelay $0x1  }
0x453: {  	[tilespmem:$0xF260] =	vst v2  }
0x454: {  	v0 =	vld.idx.msk [tilespmem:v0+s18+$0x0], $0xffff  }
0x455: {  	v1 =	vld.idx.msk [tilespmem:v22+s18+$0x0], $0xffff;
	_ =	sdelay $0x4  }
0x456: {  	v0 =	vsub.f32 v0, v1;
	_ =	sdelay $0x1  }
0x457: {  	v0 =	vmul.f32 v0, v24;
	_ =	sdelay $0x1  }
0x458: {  	[tilespmem:$0xF2E0] =	vst v0  }
0x459: {  	v0 =	vld [tilespmem:s20+$0x79F0]  }
0x45a: {  	v26 =	vld [tilespmem:s20+$0xA1F0];
	_ =	sdelay $0x6  }
0x45b: {  	v2 =	vld.idx.msk [tilespmem:v0+s5+$0x0], $0xffff  }
0x45c: {  	v27 =	vld.idx.msk [tilespmem:v26+s5+$0x0], $0xffff;
	_ =	sdelay $0x1  }
0x45d: {  	v28 =	vld [tilespmem:s20+$0xC9F0];
	_ =	sdelay $0x2  }
0x45e: {  	v2 =	vsub.f32 v2, v27;
	_ =	sdelay $0x1  }
0x45f: {  	v2 =	vmul.f32 v2, v28;
	_ =	sdelay $0x1  }
0x460: {  	[tilespmem:$0xF1F0] =	vst v2  }
0x461: {  	v2 =	vld.idx.msk [tilespmem:v0+s17+$0x0], $0xffff  }
0x462: {  	v29 =	vld.idx.msk [tilespmem:v26+s17+$0x0], $0xffff;
	_ =	sdelay $0x4  }
0x463: {  	v2 =	vsub.f32 v2, v29;
	_ =	sdelay $0x1  }
0x464: {  	v2 =	vmul.f32 v2, v28;
	_ =	sdelay $0x1  }
0x465: {  	[tilespmem:$0xF270] =	vst v2  }
0x466: {  	v0 =	vld.idx.msk [tilespmem:v0+s18+$0x0], $0xffff  }
0x467: {  	v1 =	vld.idx.msk [tilespmem:v26+s18+$0x0], $0xffff;
	_ =	sdelay $0x4  }
0x468: {  	v0 =	vsub.f32 v0, v1;
	_ =	sdelay $0x1  }
0x469: {  	v0 =	vmul.f32 v0, v28;
	_ =	sdelay $0x1  }
0x46a: {  	s24 =	sadd.s32 $0xA180, s20;
	[tilespmem:$0xF2F0] =	vst v0  }
0x46b: {  	[spmem:s1] =	stream.indirect.scatter.add.f32 [tilespmem:s0], [sflag:$0x3], $0x1, s24, s25, $0xb8;
	[tilespmem:$0xFBE8] =	vst v63  }
0x46c: {  	_ = 	snop  }
0x46d: {  	[spmem:s2] =	stream.indirect.scatter.add.f32 [tilespmem:s6], [sflag:$0x3], $0x1, s24, s25, $0xb8;
	[tilespmem:$0xFBE8] =	vst v63  }
0x46e: {  	_ = 	snop  }
0x46f: {  	[spmem:s4] =	stream.indirect.scatter.add.f32 [tilespmem:s7], [sflag:$0x3], $0x1, s24, s25, $0xb8;
	[tilespmem:$0xFBE8] =	vst v63  }
0x470: {  	_ =	swait.ge [sflag:s30], $0x80  }
0x471: {  	[sflag:s30] =	ssyncset.done $0x0  }
0x472: {  	[sflag:s30] =	ssyncadd.s32 $0xFFFFFF80  }
0x473: {  	_ =	swait.ge [sflag:s30], $0x80  }
0x474: {  	[sflag:s30] =	ssyncset.done $0x0  }
0x475: {  	[sflag:s30] =	ssyncadd.s32 $0xFFFFFF80  }
0x476: {  	_ =	swait.ge [sflag:s30], $0x80  }
0x477: {  	[sflag:s30] =	ssyncset.done $0x0  }
0x478: {  	[sflag:s30] =	ssyncadd.s32 $0xFFFFFF80  }
0x479: {  	v30 =	vld [tilespmem:s20+$0x7A00]  }
0x47a: {  	v31 =	vld [tilespmem:s20+$0xA200];
	_ =	sdelay $0x6  }
0x47b: {  	v32 =	vld.idx.msk [tilespmem:v30+s5+$0x0], $0xffff  }
0x47c: {  	v33 =	vld.idx.msk [tilespmem:v31+s5+$0x0], $0xffff;
	_ =	sdelay $0x1  }
0x47d: {  	v34 =	vld [tilespmem:s20+$0xCA00];
	_ =	sdelay $0x2  }
0x47e: {  	v2 =	vsub.f32 v32, v33;
	_ =	sdelay $0x1  }
0x47f: {  	v2 =	vmul.f32 v2, v34;
	_ =	sdelay $0x1  }
0x480: {  	[tilespmem:$0xF300] =	vst v2  }
0x481: {  	v2 =	vld.idx.msk [tilespmem:v30+s17+$0x0], $0xffff  }
0x482: {  	v35 =	vld.idx.msk [tilespmem:v31+s17+$0x0], $0xffff;
	_ =	sdelay $0x4  }
0x483: {  	v2 =	vsub.f32 v2, v35;
	_ =	sdelay $0x1  }
0x484: {  	v2 =	vmul.f32 v2, v34;
	_ =	sdelay $0x1  }
0x485: {  	[tilespmem:$0xF380] =	vst v2  }
0x486: {  	v0 =	vld.idx.msk [tilespmem:v30+s18+$0x0], $0xffff  }
0x487: {  	v1 =	vld.idx.msk [tilespmem:v31+s18+$0x0], $0xffff;
	_ =	sdelay $0x4  }
0x488: {  	v0 =	vsub.f32 v0, v1;
	_ =	sdelay $0x1  }
0x489: {  	v0 =	vmul.f32 v0, v34;
	_ =	sdelay $0x1  }
0x48a: {  	[tilespmem:$0xF400] =	vst v0  }
0x48b: {  	v0 =	vld [tilespmem:s20+$0x7A10]  }
0x48c: {  	v36 =	vld [tilespmem:s20+$0xA210];
	_ =	sdelay $0x6  }
0x48d: {  	v2 =	vld.idx.msk [tilespmem:v0+s5+$0x0], $0xffff  }
0x48e: {  	v37 =	vld.idx.msk [tilespmem:v36+s5+$0x0], $0xffff;
	_ =	sdelay $0x1  }
0x48f: {  	v38 =	vld [tilespmem:s20+$0xCA10];
	_ =	sdelay $0x2  }
0x490: {  	v2 =	vsub.f32 v2, v37;
	_ =	sdelay $0x1  }
0x491: {  	v2 =	vmul.f32 v2, v38;
	_ =	sdelay $0x1  }
0x492: {  	[tilespmem:$0xF310] =	vst v2  }
0x493: {  	v2 =	vld.idx.msk [tilespmem:v0+s17+$0x0], $0xffff  }
0x494: {  	v39 =	vld.idx.msk [tilespmem:v36+s17+$0x0], $0xffff;
	_ =	sdelay $0x4  }
0x495: {  	v2 =	vsub.f32 v2, v39;
	_ =	sdelay $0x1  }
0x496: {  	v2 =	vmul.f32 v2, v38;
	_ =	sdelay $0x1  }
0x497: {  	[tilespmem:$0xF390] =	vst v2  }
0x498: {  	v0 =	vld.idx.msk [tilespmem:v0+s18+$0x0], $0xffff  }
0x499: {  	v1 =	vld.idx.msk [tilespmem:v36+s18+$0x0], $0xffff;
	_ =	sdelay $0x4  }
0x49a: {  	v0 =	vsub.f32 v0, v1;
	_ =	sdelay $0x1  }
0x49b: {  	v0 =	vmul.f32 v0, v38;
	_ =	sdelay $0x1  }
0x49c: {  	[tilespmem:$0xF410] =	vst v0  }
0x49d: {  	v0 =	vld [tilespmem:s20+$0x7A20]  }
0x49e: {  	v40 =	vld [tilespmem:s20+$0xA220];
	_ =	sdelay $0x6  }
0x49f: {  	v2 =	vld.idx.msk [tilespmem:v0+s5+$0x0], $0xffff  }
0x4a0: {  	v41 =	vld.idx.msk [tilespmem:v40+s5+$0x0], $0xffff;
	_ =	sdelay $0x1  }
0x4a1: {  	v42 =	vld [tilespmem:s20+$0xCA20];
	_ =	sdelay $0x2  }
0x4a2: {  	v2 =	vsub.f32 v2, v41;
	_ =	sdelay $0x1  }
0x4a3: {  	v2 =	vmul.f32 v2, v42;
	_ =	sdelay $0x1  }
0x4a4: {  	[tilespmem:$0xF320] =	vst v2  }
0x4a5: {  	v2 =	vld.idx.msk [tilespmem:v0+s17+$0x0], $0xffff  }
0x4a6: {  	v43 =	vld.idx.msk [tilespmem:v40+s17+$0x0], $0xffff;
	_ =	sdelay $0x4  }
0x4a7: {  	v2 =	vsub.f32 v2, v43;
	_ =	sdelay $0x1  }
0x4a8: {  	v2 =	vmul.f32 v2, v42;
	_ =	sdelay $0x1  }
0x4a9: {  	[tilespmem:$0xF3A0] =	vst v2  }
0x4aa: {  	v0 =	vld.idx.msk [tilespmem:v0+s18+$0x0], $0xffff  }
0x4ab: {  	v1 =	vld.idx.msk [tilespmem:v40+s18+$0x0], $0xffff;
	_ =	sdelay $0x4  }
0x4ac: {  	v0 =	vsub.f32 v0, v1;
	_ =	sdelay $0x1  }
0x4ad: {  	v0 =	vmul.f32 v0, v42;
	_ =	sdelay $0x1  }
0x4ae: {  	[tilespmem:$0xF420] =	vst v0  }
0x4af: {  	v0 =	vld [tilespmem:s20+$0x7A30]  }
0x4b0: {  	v44 =	vld [tilespmem:s20+$0xA230];
	_ =	sdelay $0x6  }
0x4b1: {  	v2 =	vld.idx.msk [tilespmem:v0+s5+$0x0], $0xffff  }
0x4b2: {  	v45 =	vld.idx.msk [tilespmem:v44+s5+$0x0], $0xffff;
	_ =	sdelay $0x1  }
0x4b3: {  	v46 =	vld [tilespmem:s20+$0xCA30];
	_ =	sdelay $0x2  }
0x4b4: {  	v2 =	vsub.f32 v2, v45;
	_ =	sdelay $0x1  }
0x4b5: {  	v2 =	vmul.f32 v2, v46;
	_ =	sdelay $0x1  }
0x4b6: {  	[tilespmem:$0xF330] =	vst v2  }
0x4b7: {  	v2 =	vld.idx.msk [tilespmem:v0+s17+$0x0], $0xffff  }
0x4b8: {  	v47 =	vld.idx.msk [tilespmem:v44+s17+$0x0], $0xffff;
	_ =	sdelay $0x4  }
0x4b9: {  	v2 =	vsub.f32 v2, v47;
	_ =	sdelay $0x1  }
0x4ba: {  	v2 =	vmul.f32 v2, v46;
	_ =	sdelay $0x1  }
0x4bb: {  	[tilespmem:$0xF3B0] =	vst v2  }
0x4bc: {  	v0 =	vld.idx.msk [tilespmem:v0+s18+$0x0], $0xffff  }
0x4bd: {  	v1 =	vld.idx.msk [tilespmem:v44+s18+$0x0], $0xffff;
	_ =	sdelay $0x4  }
0x4be: {  	v0 =	vsub.f32 v0, v1;
	_ =	sdelay $0x1  }
0x4bf: {  	v0 =	vmul.f32 v0, v46;
	_ =	sdelay $0x1  }
0x4c0: {  	[tilespmem:$0xF430] =	vst v0  }
0x4c1: {  	v0 =	vld [tilespmem:s20+$0x7A40]  }
0x4c2: {  	v48 =	vld [tilespmem:s20+$0xA240];
	_ =	sdelay $0x6  }
0x4c3: {  	v2 =	vld.idx.msk [tilespmem:v0+s5+$0x0], $0xffff  }
0x4c4: {  	v49 =	vld.idx.msk [tilespmem:v48+s5+$0x0], $0xffff;
	_ =	sdelay $0x1  }
0x4c5: {  	v50 =	vld [tilespmem:s20+$0xCA40];
	_ =	sdelay $0x2  }
0x4c6: {  	v2 =	vsub.f32 v2, v49;
	_ =	sdelay $0x1  }
0x4c7: {  	v2 =	vmul.f32 v2, v50;
	_ =	sdelay $0x1  }
0x4c8: {  	[tilespmem:$0xF340] =	vst v2  }
0x4c9: {  	v2 =	vld.idx.msk [tilespmem:v0+s17+$0x0], $0xffff  }
0x4ca: {  	v51 =	vld.idx.msk [tilespmem:v48+s17+$0x0], $0xffff;
	_ =	sdelay $0x4  }
0x4cb: {  	v2 =	vsub.f32 v2, v51;
	_ =	sdelay $0x1  }
0x4cc: {  	v2 =	vmul.f32 v2, v50;
	_ =	sdelay $0x1  }
0x4cd: {  	[tilespmem:$0xF3C0] =	vst v2  }
0x4ce: {  	v0 =	vld.idx.msk [tilespmem:v0+s18+$0x0], $0xffff  }
0x4cf: {  	v1 =	vld.idx.msk [tilespmem:v48+s18+$0x0], $0xffff;
	_ =	sdelay $0x4  }
0x4d0: {  	v0 =	vsub.f32 v0, v1;
	_ =	sdelay $0x1  }
0x4d1: {  	v0 =	vmul.f32 v0, v50;
	_ =	sdelay $0x1  }
0x4d2: {  	[tilespmem:$0xF440] =	vst v0  }
0x4d3: {  	v0 =	vld [tilespmem:s20+$0x7A50]  }
0x4d4: {  	v52 =	vld [tilespmem:s20+$0xA250];
	_ =	sdelay $0x6  }
0x4d5: {  	v2 =	vld.idx.msk [tilespmem:v0+s5+$0x0], $0xffff  }
0x4d6: {  	v53 =	vld.idx.msk [tilespmem:v52+s5+$0x0], $0xffff;
	_ =	sdelay $0x1  }
0x4d7: {  	v54 =	vld [tilespmem:s20+$0xCA50];
	_ =	sdelay $0x2  }
0x4d8: {  	v2 =	vsub.f32 v2, v53;
	_ =	sdelay $0x1  }
0x4d9: {  	v2 =	vmul.f32 v2, v54;
	_ =	sdelay $0x1  }
0x4da: {  	[tilespmem:$0xF350] =	vst v2  }
0x4db: {  	v2 =	vld.idx.msk [tilespmem:v0+s17+$0x0], $0xffff  }
0x4dc: {  	v55 =	vld.idx.msk [tilespmem:v52+s17+$0x0], $0xffff;
	_ =	sdelay $0x4  }
0x4dd: {  	v2 =	vsub.f32 v2, v55;
	_ =	sdelay $0x1  }
0x4de: {  	v2 =	vmul.f32 v2, v54;
	_ =	sdelay $0x1  }
0x4df: {  	[tilespmem:$0xF3D0] =	vst v2  }
0x4e0: {  	v0 =	vld.idx.msk [tilespmem:v0+s18+$0x0], $0xffff  }
0x4e1: {  	v1 =	vld.idx.msk [tilespmem:v52+s18+$0x0], $0xffff;
	_ =	sdelay $0x4  }
0x4e2: {  	v0 =	vsub.f32 v0, v1;
	_ =	sdelay $0x1  }
0x4e3: {  	v0 =	vmul.f32 v0, v54;
	_ =	sdelay $0x1  }
0x4e4: {  	[tilespmem:$0xF450] =	vst v0  }
0x4e5: {  	v0 =	vld [tilespmem:s20+$0x7A60]  }
0x4e6: {  	v56 =	vld [tilespmem:s20+$0xA260];
	_ =	sdelay $0x6  }
0x4e7: {  	v2 =	vld.idx.msk [tilespmem:v0+s5+$0x0], $0xffff  }
0x4e8: {  	v57 =	vld.idx.msk [tilespmem:v56+s5+$0x0], $0xffff;
	_ =	sdelay $0x1  }
0x4e9: {  	v58 =	vld [tilespmem:s20+$0xCA60];
	_ =	sdelay $0x2  }
0x4ea: {  	v2 =	vsub.f32 v2, v57;
	_ =	sdelay $0x1  }
0x4eb: {  	v2 =	vmul.f32 v2, v58;
	_ =	sdelay $0x1  }
0x4ec: {  	[tilespmem:$0xF360] =	vst v2  }
0x4ed: {  	v2 =	vld.idx.msk [tilespmem:v0+s17+$0x0], $0xffff  }
0x4ee: {  	v59 =	vld.idx.msk [tilespmem:v56+s17+$0x0], $0xffff;
	_ =	sdelay $0x4  }
0x4ef: {  	v2 =	vsub.f32 v2, v59;
	_ =	sdelay $0x1  }
0x4f0: {  	v2 =	vmul.f32 v2, v58;
	_ =	sdelay $0x1  }
0x4f1: {  	[tilespmem:$0xF3E0] =	vst v2  }
0x4f2: {  	v0 =	vld.idx.msk [tilespmem:v0+s18+$0x0], $0xffff  }
0x4f3: {  	v1 =	vld.idx.msk [tilespmem:v56+s18+$0x0], $0xffff;
	_ =	sdelay $0x4  }
0x4f4: {  	v0 =	vsub.f32 v0, v1;
	_ =	sdelay $0x1  }
0x4f5: {  	v0 =	vmul.f32 v0, v58;
	_ =	sdelay $0x1  }
0x4f6: {  	[tilespmem:$0xF460] =	vst v0  }
0x4f7: {  	v0 =	vld [tilespmem:s20+$0x7A70]  }
0x4f8: {  	v60 =	vld [tilespmem:s20+$0xA270];
	_ =	sdelay $0x6  }
0x4f9: {  	v2 =	vld.idx.msk [tilespmem:v0+s5+$0x0], $0xffff  }
0x4fa: {  	v61 =	vld.idx.msk [tilespmem:v60+s5+$0x0], $0xffff;
	_ =	sdelay $0x1  }
0x4fb: {  	v62 =	vld [tilespmem:s20+$0xCA70];
	_ =	sdelay $0x2  }
0x4fc: {  	v2 =	vsub.f32 v2, v61;
	_ =	sdelay $0x1  }
0x4fd: {  	v2 =	vmul.f32 v2, v62;
	_ =	sdelay $0x1  }
0x4fe: {  	[tilespmem:$0xF370] =	vst v2  }
0x4ff: {  	v2 =	vld.idx.msk [tilespmem:v0+s17+$0x0], $0xffff  }
0x500: {  	v63 =	vld.idx.msk [tilespmem:v60+s17+$0x0], $0xffff;
	_ =	sdelay $0x4  }
0x501: {  	v2 =	vsub.f32 v2, v63;
	_ =	sdelay $0x1  }
0x502: {  	v2 =	vmul.f32 v2, v62;
	_ =	sdelay $0x1  }
0x503: {  	[tilespmem:$0xF3F0] =	vst v2  }
0x504: {  	v0 =	vld.idx.msk [tilespmem:v0+s18+$0x0], $0xffff  }
0x505: {  	v1 =	vld.idx.msk [tilespmem:v60+s18+$0x0], $0xffff;
	_ =	sdelay $0x4  }
0x506: {  	v0 =	vsub.f32 v0, v1;
	_ =	sdelay $0x1  }
0x507: {  	v0 =	vmul.f32 v0, v62;
	_ =	sdelay $0x1  }
0x508: {  	p1 =	sne.s32 s9, $0x9000;
	s20 =	sadd.s32 $0xA200, s20;
	[tilespmem:$0xF470] =	vst v0  }
0x509: {  	[spmem:s1] =	stream.indirect.scatter.add.f32 [tilespmem:s10], [sflag:$0x4], $0x1, s20, s25, $0xb8;
	[tilespmem:$0xFBE8] =	vst v63  }
.Ltmp0:
0x50a: {  	_ = 	snop;
	(pc) =	sbr.rel @p1 .LBB2_2-.Ltmp0, $4  }
0x50b: {  	_ = 	snop  }
0x50c: {  	[spmem:s2] =	stream.indirect.scatter.add.f32 [tilespmem:s11], [sflag:$0x4], $0x1, s20, s25, $0xb8;
	[tilespmem:$0xFBE8] =	vst v63  }
0x50d: {  	s9 =	sadd.s32 $0x800, s9  }
0x50e: {  	[spmem:s4] =	stream.indirect.scatter.add.f32 [tilespmem:s12], [sflag:$0x4], $0x1, s20, s25, $0xb8;
	[tilespmem:$0xFBE8] =	vst v63  }
0x50f: {  	_ =	swait.ge [sflag:s13], $0x80  }
0x510: {  	[sflag:s13] =	ssyncset.done $0x0  }
0x511: {  	[sflag:s13] =	ssyncadd.s32 $0xFFFFFF80  }
0x512: {  	_ =	swait.ge [sflag:s13], $0x80  }
0x513: {  	[sflag:s13] =	ssyncset.done $0x0  }
0x514: {  	[sflag:s13] =	ssyncadd.s32 $0xFFFFFF80  }
0x515: {  	_ =	swait.ge [sflag:s13], $0x80  }
0x516: {  	[sflag:s13] =	ssyncset.done $0x0  }
0x517: {  	[sflag:s13] =	ssyncadd.s32 $0xFFFFFF80  }
0x518: {  	_ =	swait.ge [sflag:s14], $0x80  }
0x519: {  	[sflag:s14] =	ssyncset.done $0x0  }
0x51a: {  	[sflag:s14] =	ssyncadd.s32 $0xFFFFFF80  }
0x51b: {  	_ =	swait.ge [sflag:s14], $0x80  }
0x51c: {  	[sflag:s14] =	ssyncset.done $0x0  }
0x51d: {  	[sflag:s14] =	ssyncadd.s32 $0xFFFFFF80  }
0x51e: {  	_ =	swait.ge [sflag:s14], $0x80  }
0x51f: {  	[sflag:s14] =	ssyncset.done $0x0  }
0x520: {  	[sflag:s14] =	ssyncadd.s32 $0xFFFFFF80  }
0x521: {  	_ =	swait.ge [sflag:s15], $0x80  }
0x522: {  	[sflag:s15] =	ssyncset.done $0x0  }
0x523: {  	[sflag:s15] =	ssyncadd.s32 $0xFFFFFF80  }
0x524: {  	_ =	swait.ge [sflag:s15], $0x80  }
0x525: {  	[sflag:s15] =	ssyncset.done $0x0  }
0x526: {  	[sflag:s15] =	ssyncadd.s32 $0xFFFFFF80  }
0x527: {  	_ =	swait.ge [sflag:s15], $0x80  }
0x528: {  	[sflag:s15] =	ssyncset.done $0x0  }
0x529: {  	[sflag:s15] =	ssyncadd.s32 $0xFFFFFF80  }
0x52a: {  	_ =	swait.ge [sflag:s30], $0x80  }
0x52b: {  	[sflag:s30] =	ssyncset.done $0x0  }
0x52c: {  	[sflag:s30] =	ssyncadd.s32 $0xFFFFFF80  }
0x52d: {  	_ =	swait.ge [sflag:s30], $0x80  }
0x52e: {  	[sflag:s30] =	ssyncset.done $0x0  }
0x52f: {  	[sflag:s30] =	ssyncadd.s32 $0xFFFFFF80  }
0x530: {  	_ =	swait.ge [sflag:s30], $0x80  }
0x531: {  	[sflag:s30] =	ssyncset.done $0x0  }
0x532: {  	[sflag:s30] =	ssyncadd.s32 $0xFFFFFF80  }
0x533: {  	[bflag:$0x0] =	sbarrier.arrive $0xFFFF  }
0x534: {  	s20 =	rddreg [dreg:$0xb]  }
0x535: {  	s9 =	simm.s32 @!p0 $0x1C05;
	s23 =	rddreg [dreg:$0x10]  }
0x536: {  	[hbm:s20], [sflag:s9] =	dma.local @!p0 [spmem:s23], $0x4F0  }
0x537: {  	s20 =	simm.s32 @!p0 $0x5  }
0x538: {  	_ =	swait.ge @!p0 [sflag:s20], $0x4F0  }
0x539: {  	[sflag:s20] =	ssyncset.done @!p0 $0x0;
	s22 =	rddreg [dreg:$0xc]  }
0x53a: {  	s24 =	rddreg [dreg:$0xf];
	[sflag:s20] =	ssyncadd.s32 @!p0 $0xFFFFFB10  }
0x53b: {  	[hbm:s22], [sflag:s9] =	dma.local @!p0 [spmem:s24], $0x4F0  }
0x53c: {  	_ =	swait.ge @!p0 [sflag:s20], $0x4F0  }
0x53d: {  	[sflag:s20] =	ssyncset.done @!p0 $0x0;
	s22 =	rddreg [dreg:$0xd]  }
0x53e: {  	s8 =	rddreg [dreg:$0x11];
	[sflag:s20] =	ssyncadd.s32 @!p0 $0xFFFFFB10  }
0x53f: {  	[hbm:s22], [sflag:s9] =	dma.local @!p0 [spmem:s8], $0x4F0  }
0x540: {  	_ =	swait.ge @!p0 [sflag:s20], $0x4F0  }
0x541: {  	s9 =	rddreg [dreg:$0x13]  }
0x542: {  	s22 =	smov.u32 s8;
	s21 =	rddreg [dreg:$0xe];
	s8 =	sadd.s32 $0x1, s9  }
0x543: {  	p1 =	sne.s32 s8, s21  }
.Ltmp1:
0x544: {  	_ = 	snop;
	(pc) =	sbr.rel @p1 .LBB2_1-.Ltmp1, $3  }
0x545: {  	_ =	sdelay $0x1  }
0x546: {  	[sflag:s20] =	ssyncset.done @!p0 $0x0  }
0x547: {  	[sflag:s20] =	ssyncadd.s32 @!p0 $0xFFFFFB10  }
0x548: {  	_ =	sfence.sel $0x180000  }
0x549: {  	[bflag:$0x0] =	sbarrier.arrive $0xFFFF  }
0x54a: {  	_ =	strace $0x90000047  }
0x54b: {  	[bflag:$0x2] =	sbarrier.arrive $0xFFFF  }
0x54c: {  	s0 =	rddreg [dreg:$0x5]  }
0x54d: {  	s0 =	sadd.s32 @!p0 $0x100000, s0  }
0x54e: {  	[sflag:s0] =	ssyncadd.tile.s32 @!p0 $0x1;
	_ =	shalt  }
.Lfunc_end2:
_tile_overlayer_lowered:
.L_overlay_start_2:
0x54f: {  	(tag) =	ssettag $0x2  }
0x550: {  	s0 =	rddreg [dreg:$0x0];
	s2 =	stileid.u32  }
0x551: {  	s1 =	rddreg [dreg:$0x1];
	p0 =	sne.s32 s2, $0x0  }
0x552: {  	s3 =	rddreg [dreg:$0x2];
	[bflag:$0x3] =	sbarrier.arrive $0xFFFF;
	s2 =	simm.s32 @!p0 $0x1C05  }
0x553: {  	[timem:s3], [sflag:s2] =	dma.local @!p0 [hbm:s0], s1  }
0x554: {  	s0 =	simm.s32 @!p0 $0x5  }
0x555: {  	_ =	swait.ge @!p0 [sflag:s0], s1  }
0x556: {  	s1 =	ssub.s32 @!p0 $0x0, s1;
	[sflag:s0] =	ssyncset.done @!p0 $0x0  }
0x557: {  	[sflag:s0] =	ssyncadd.s32 @!p0 s1  }
0x558: {  	[bflag:$0x3] =	sbarrier.arrive $0xFFFF  }
0x559: {  	_ =	shalt  }

</sc_bundles>
